<compile_context>
chip_gen: v7x
topology: tpu7x:2x2x1
jax: 0.10.2.dev20260603
libtpu: 0.0.44.dev20260713+nightly
codegen_flags: <defaults>
</compile_context>

<pallas_src>
import functools

import jax
import jax.numpy as jnp
from jax import lax
from jax.experimental import pallas as pl
from jax.experimental.pallas import tpu as pltpu
from jax.experimental.pallas import tpu_sc as plsc

B = 16
N = 32
K = 4
H = 256
W = 256
HB = H // 2
SR = 32
Q = HB // SR
NC = 2
NS = 16


def _sc_kernel(scores, table):
    mesh = plsc.VectorSubcoreMesh(core_axis_name="c", subcore_axis_name="s")

    @functools.partial(
        pl.kernel,
        mesh=mesh,
        compiler_params=pltpu.CompilerParams(needs_layout_passes=False),
        out_type=jax.ShapeDtypeStruct((B * H, W), jnp.float32),
        scratch_types=[
            pltpu.VMEM((N,), jnp.float32),
            pltpu.VMEM((Q * K, SR), jnp.int32),
            pltpu.VMEM((3, K, SR, W), jnp.float32),
            pltpu.VMEM((2, SR, W), jnp.float32),
            pltpu.SemaphoreType.DMA,
            pltpu.SemaphoreType.DMA,
            pltpu.SemaphoreType.DMA,
            pltpu.SemaphoreType.DMA,
            pltpu.SemaphoreType.DMA,
        ],
    )
    def kern(sc_hbm, table_hbm, out_hbm, sv, idx_v, stg, obuf, g0, g1, g2, w0, w1):
        wid = lax.axis_index("s") * NC + lax.axis_index("c")
        b = wid // 2
        h = wid % 2
        gsem = (g0, g1, g2)
        wsem = (w0, w1)

        pltpu.sync_copy(sc_hbm.at[pl.ds(b * N, N)], sv)
        s0 = sv[pl.ds(0, 16)]
        s1 = sv[pl.ds(16, 16)]
        lanes = lax.iota(jnp.int32, 16)
        neg = jnp.full((16,), -jnp.inf, jnp.float32)

        def maxsplat(x):
            return plsc.cummax(lax.rev(plsc.cummax(x), (0,)))

        picks = []
        for _ in range(K):
            m = jnp.maximum(maxsplat(s0), maxsplat(s1))
            eq0 = s0 == m
            eq1 = s1 == m
            in0 = plsc.all_reduce_population_count(eq0) > 0
            f0 = plsc.all_reduce_ffs(eq0)
            f1 = plsc.all_reduce_ffs(eq1) + 16
            n = jnp.where(in0, f0, f1)
            picks.append(n)
            s0 = jnp.where(jnp.logical_and(in0, lanes == n), neg, s0)
            s1 = jnp.where(lanes == (n - 16), neg, s1)

        base = (b * N) * H + h * HB
        for q in range(Q):
            for k in range(K):
                v = base + picks[k] * H + (q * SR + lanes)
                idx_v[q * K + k, pl.ds(0, 16)] = v
                idx_v[q * K + k, pl.ds(16, 16)] = v + 16

        def gather(q, s):
            return [
                pltpu.async_copy(
                    table_hbm.at[idx_v.at[q * K + k]], stg.at[s, k], gsem[s])
                for k in range(K)
            ]

        gd = {0: gather(0, 0), 1: gather(1, 1), 2: gather(2, 2)}
        wb = {}
        for q in range(Q):
            s = q % 3
            so = q % 2
            for c in gd.pop(q):
                c.wait()
            if q - 2 in wb:
                wb.pop(q - 2).wait()

            def body(i, _):
                for cc in range(W // 16):
                    sl = pl.ds(cc * 16, 16)
                    obuf[so, i, sl] = (
                        (stg[s, 0, i, sl] + stg[s, 1, i, sl])
                        + (stg[s, 2, i, sl] + stg[s, 3, i, sl])) * 0.25
                return 0

            lax.fori_loop(0, SR, body, 0)
            if q + 3 < Q:
                gd[q + 3] = gather(q + 3, s)
            dst = out_hbm.at[pl.ds(b * H + h * HB + q * SR, SR)]
            wb[q] = pltpu.async_copy(obuf.at[so], dst, wsem[so])
        for q in (Q - 2, Q - 1):
            wb.pop(q).wait()

    return kern(scores, table)


def kernel(iou_scores, mask_preds):
    table = mask_preds.reshape(B * N * H, W)
    out = _sc_kernel(iou_scores.reshape(B * N), table)
    return out.reshape(B, 1, H, W)

# --- scband reference (transcript-rebuilt; emitter-appended) ---
"""Pipeline reference for scband-io-uselector-45578192945632 (READ-ONLY COPY).

The authoritative reference and input builder live on the scoring server;
editing this copy changes nothing except your own understanding.
"""

import jax, jax.numpy as jnp
import numpy as np

TOP_K = 4

def setup_inputs(seed: int = 0) -> dict:
    key = jax.random.key(seed)
    k1, k2 = jax.random.split(key)
    iou_scores = jax.random.normal(k1, (16, 32), dtype=jnp.float32)
    mask_preds = jax.random.normal(k2, (16, 32, 256, 256), dtype=jnp.float32)
    return {"iou_scores": iou_scores, "mask_preds": mask_preds}

def reference(iou_scores, mask_preds):
    B, N, H, W = mask_preds.shape
    _, topk_indices = jax.lax.top_k(iou_scores, TOP_K)  # [B, K]
    idx = topk_indices[:, :, None, None]  # [B, K, 1, 1]; broadcasts over H, W
    selected_masks = jnp.take_along_axis(mask_preds, idx, axis=1)  # [B, K, H, W]
    return selected_masks.mean(axis=1, keepdims=True)  # [B, 1, H, W]

if __name__ == "__main__":
    import jax
    _d = setup_inputs()
    print(jax.jit(kernel)(*tuple(_d.values())))

</pallas_src>

<mosaic_0001>
#map = affine_map<(d0, d1) -> (0)>
#map1 = affine_map<(d0, d1) -> (0, 0)>
module attributes {stable_mosaic.version = 14 : i64} {
  func.func @kern(%arg0: i32, %arg1: i32, %arg2: memref<512xf32, #tpu.memory_space<hbm>>, %arg3: memref<131072x256xf32, #tpu.memory_space<hbm>>, %arg4: memref<4096x256xf32, #tpu.memory_space<hbm>>, %arg5: memref<32xf32, #tpu.memory_space<vmem>>, %arg6: memref<16x32xi32, #tpu.memory_space<vmem>>, %arg7: memref<3x4x32x256xf32, #tpu.memory_space<vmem>>, %arg8: memref<2x32x256xf32, #tpu.memory_space<vmem>>, %arg9: memref<!tpu.dma_semaphore, #tpu.memory_space<semaphore_mem>>, %arg10: memref<!tpu.dma_semaphore, #tpu.memory_space<semaphore_mem>>, %arg11: memref<!tpu.dma_semaphore, #tpu.memory_space<semaphore_mem>>, %arg12: memref<!tpu.dma_semaphore, #tpu.memory_space<semaphore_mem>>, %arg13: memref<!tpu.dma_semaphore, #tpu.memory_space<semaphore_mem>>) attributes {dimension_semantics = [#tpu.dimension_semantics<core_parallel>, #tpu.dimension_semantics<subcore_parallel>], iteration_bounds = array<i64: 2, 16>, scalar_prefetch = 0 : i64, scratch_operands = 9 : i64, tpu.core_type = #tpu.core_type<sc_vector_subcore>, window_params = [{transform_indices = #map}, {transform_indices = #map1}, {transform_indices = #map1}]} {
    %mul3A = arith.constant 2 : i32
    %mul3A_0 = arith.muli %arg1, %mul3A : i32
    %add3A = arith.addi %mul3A_0, %arg0 : i32
    %jit3A = arith.constant 2 : i32
    %div3A = arith.divsi %add3A, %jit3A : i32
    %sign3A = arith.constant 0 : i32
    %sign3A_1 = arith.cmpi sgt, %add3A, %sign3A : i32
    %sign3A_2 = arith.extui %sign3A_1 : i1 to i32
    %sign3A_3 = arith.constant 0 : i32
    %sign3A_4 = arith.cmpi slt, %add3A, %sign3A_3 : i32
    %sign3A_5 = arith.extui %sign3A_4 : i1 to i32
    %sign3A_6 = arith.subi %sign3A_2, %sign3A_5 : i32
    %sign3A_7 = arith.constant 0 : i32
    %sign3A_8 = arith.cmpi sgt, %jit3A, %sign3A_7 : i32
    %sign3A_9 = arith.extui %sign3A_8 : i1 to i32
    %sign3A_10 = arith.constant 0 : i32
    %sign3A_11 = arith.cmpi slt, %jit3A, %sign3A_10 : i32
    %sign3A_12 = arith.extui %sign3A_11 : i1 to i32
    %sign3A_13 = arith.subi %sign3A_9, %sign3A_12 : i32
    %ne3A = arith.cmpi ne, %sign3A_6, %sign3A_13 : i32
    %rem3A = arith.remsi %add3A, %jit3A : i32
    %ne3A_14 = arith.constant 0 : i32
    %ne3A_15 = arith.cmpi ne, %rem3A, %ne3A_14 : i32
    %and3A = arith.andi %ne3A, %ne3A_15 : i1
    %sub3A = arith.constant 1 : i32
    %sub3A_16 = arith.subi %div3A, %sub3A : i32
    %select_n3A = arith.select %and3A, %sub3A_16, %div3A : i32
    %jit3A_17 = arith.constant 2 : i32
    %eq3A = arith.constant 0 : i32
    %eq3A_18 = arith.cmpi eq, %jit3A_17, %eq3A : i32
    %jit3A_19 = arith.constant 1 : i32
    %select_n3A_20 = arith.select %eq3A_18, %jit3A_19, %jit3A_17 : i32
    %rem3A_21 = arith.remsi %add3A, %select_n3A_20 : i32
    %ne3A_22 = arith.constant 0 : i32
    %ne3A_23 = arith.cmpi ne, %rem3A_21, %ne3A_22 : i32
    %lt3A = arith.constant 0 : i32
    %lt3A_24 = arith.cmpi slt, %rem3A_21, %lt3A : i32
    %lt3A_25 = arith.constant 0 : i32
    %lt3A_26 = arith.cmpi slt, %select_n3A_20, %lt3A_25 : i32
    %ne3A_27 = arith.xori %lt3A_24, %lt3A_26 : i1
    %and3A_28 = arith.andi %ne3A_27, %ne3A_23 : i1
    %add3A_29 = arith.addi %rem3A_21, %select_n3A_20 : i32
    %select_n3A_30 = arith.select %and3A_28, %add3A_29, %rem3A_21 : i32
    %mul3A_31 = arith.constant 32 : i32
    %mul3A_32 = arith.muli %select_n3A, %mul3A_31 : i32
    "tpu.region"() ({
      %run_scoped3A = tpu.sem_alloc : memref<!tpu.dma_semaphore, #tpu.memory_space<semaphore_mem>>
      %dma_start3A_1102 = tpu.memref_slice %arg2[%mul3A_32] : memref<512xf32, #tpu.memory_space<hbm>> -> memref<32xf32, #tpu.memory_space<hbm>>
      %dma_start3A_1103 = tpu.memref_slice %arg2[%mul3A_32] : memref<512xf32, #tpu.memory_space<hbm>> -> memref<32xf32, #tpu.memory_space<hbm>>
      tpu.enqueue_dma source(%dma_start3A_1103 : memref<32xf32, #tpu.memory_space<hbm>>) target(%arg5 : memref<32xf32, #tpu.memory_space<vmem>>) target_semaphore(%run_scoped3A : memref<!tpu.dma_semaphore, #tpu.memory_space<semaphore_mem>>)
      %dma_wait3A_1104 = tpu.memref_slice %arg2[%mul3A_32] : memref<512xf32, #tpu.memory_space<hbm>> -> memref<32xf32, #tpu.memory_space<hbm>>
      %dma_wait3A_1105 = tpu.memref_slice %arg2[%mul3A_32] : memref<512xf32, #tpu.memory_space<hbm>> -> memref<32xf32, #tpu.memory_space<hbm>>
      tpu.wait_dma2 semaphore(%run_scoped3A : memref<!tpu.dma_semaphore, #tpu.memory_space<semaphore_mem>>) src(%dma_wait3A_1105 : memref<32xf32, #tpu.memory_space<hbm>>) dst(%arg5 : memref<32xf32, #tpu.memory_space<vmem>>)
      tpu.yield
    }) : () -> ()
    %get3A = arith.constant 0 : index
    %get3A_33 = tpu.vector_load %arg5[%get3A] {strides = array<i32>} : memref<32xf32, #tpu.memory_space<vmem>>, vector<16xf32>,
    %get3A_34 = arith.constant 16 : index
    %get3A_35 = tpu.vector_load %arg5[%get3A_34] {strides = array<i32>} : memref<32xf32, #tpu.memory_space<vmem>>, vector<16xf32>,
    %iota3A = tpu.iota {dimensions = array<i32: 0>} : vector<16xi32>
    %broadcast_in_dim3A = arith.constant 0xFF800000 : f32
    %broadcast_in_dim3A_36 = vector.broadcast %broadcast_in_dim3A : f32 to vector<16xf32>
    %broadcast_in_dim3A_37 = arith.constant true
    %broadcast_in_dim3A_38 = vector.broadcast %broadcast_in_dim3A_37 : i1 to vector<16xi1>
    %masked_cummax3A = tpu.scan <max>, %get3A_33 masked %broadcast_in_dim3A_38 : vector<16xf32>, vector<16xi1> -> vector<16xf32>
    %rev3A = arith.constant 15 : i32
    %rev3A_39 = vector.broadcast %rev3A : i32 to vector<16xi32>
    %rev3A_40 = tpu.iota {dimensions = array<i32: 0>} : vector<16xi32>
    %rev3A_41 = arith.subi %rev3A_39, %rev3A_40 : vector<16xi32>
    %rev3A_42 = tpu.dynamic_gather %masked_cummax3A[%rev3A_41] in [0] : vector<16xf32>, vector<16xi32> -> vector<16xf32>
    %broadcast_in_dim3A_43 = arith.constant true
    %broadcast_in_dim3A_44 = vector.broadcast %broadcast_in_dim3A_43 : i1 to vector<16xi1>
    %masked_cummax3A_45 = tpu.scan <max>, %rev3A_42 masked %broadcast_in_dim3A_44 : vector<16xf32>, vector<16xi1> -> vector<16xf32>
    %broadcast_in_dim3A_46 = arith.constant true
    %broadcast_in_dim3A_47 = vector.broadcast %broadcast_in_dim3A_46 : i1 to vector<16xi1>
    %masked_cummax3A_48 = tpu.scan <max>, %get3A_35 masked %broadcast_in_dim3A_47 : vector<16xf32>, vector<16xi1> -> vector<16xf32>
    %rev3A_49 = arith.constant 15 : i32
    %rev3A_50 = vector.broadcast %rev3A_49 : i32 to vector<16xi32>
    %rev3A_51 = tpu.iota {dimensions = array<i32: 0>} : vector<16xi32>
    %rev3A_52 = arith.subi %rev3A_50, %rev3A_51 : vector<16xi32>
    %rev3A_53 = tpu.dynamic_gather %masked_cummax3A_48[%rev3A_52] in [0] : vector<16xf32>, vector<16xi32> -> vector<16xf32>
    %broadcast_in_dim3A_54 = arith.constant true
    %broadcast_in_dim3A_55 = vector.broadcast %broadcast_in_dim3A_54 : i1 to vector<16xi1>
    %masked_cummax3A_56 = tpu.scan <max>, %rev3A_53 masked %broadcast_in_dim3A_55 : vector<16xf32>, vector<16xi1> -> vector<16xf32>
    %max3A = arith.maximumf %masked_cummax3A_45, %masked_cummax3A_56 : vector<16xf32>
    %eq3A_57 = arith.cmpf oeq, %get3A_33, %max3A : vector<16xf32>
    %eq3A_58 = arith.cmpf oeq, %get3A_35, %max3A : vector<16xf32>
    %all_reduce_population_count3A = tpu.all_reduce %eq3A_57 {dim = 0 : i64, kind = #tpu.reduction_kind<sum>} : vector<16xi1> -> vector<16xi32>
    %gt3A = arith.constant 0 : i32
    %gt3A_59 = vector.broadcast %gt3A : i32 to vector<16xi32>
    %gt3A_60 = arith.cmpi sgt, %all_reduce_population_count3A, %gt3A_59 : vector<16xi32>
    %all_reduce_ffs3A = tpu.all_reduce %eq3A_57 {dim = 0 : i64, kind = #tpu.reduction_kind<find_first_set>} : vector<16xi1> -> vector<16xi32>
    %all_reduce_ffs3A_61 = tpu.all_reduce %eq3A_58 {dim = 0 : i64, kind = #tpu.reduction_kind<find_first_set>} : vector<16xi1> -> vector<16xi32>
    %add3A_62 = arith.constant 16 : i32
    %add3A_63 = vector.broadcast %add3A_62 : i32 to vector<16xi32>
    %add3A_64 = arith.addi %all_reduce_ffs3A_61, %add3A_63 : vector<16xi32>
    %select_n3A_65 = arith.select %gt3A_60, %all_reduce_ffs3A, %add3A_64 : vector<16xi1>, vector<16xi32>
    %eq3A_66 = arith.cmpi eq, %iota3A, %select_n3A_65 : vector<16xi32>
    %and3A_67 = arith.andi %gt3A_60, %eq3A_66 : vector<16xi1>
    %select_n3A_68 = arith.select %and3A_67, %broadcast_in_dim3A_36, %get3A_33 : vector<16xi1>, vector<16xf32>
    %sub3A_69 = arith.constant 16 : i32
    %sub3A_70 = vector.broadcast %sub3A_69 : i32 to vector<16xi32>
    %sub3A_71 = arith.subi %select_n3A_65, %sub3A_70 : vector<16xi32>
    %eq3A_72 = arith.cmpi eq, %iota3A, %sub3A_71 : vector<16xi32>
    %select_n3A_73 = arith.select %eq3A_72, %broadcast_in_dim3A_36, %get3A_35 : vector<16xi1>, vector<16xf32>
    %broadcast_in_dim3A_74 = arith.constant true
    %broadcast_in_dim3A_75 = vector.broadcast %broadcast_in_dim3A_74 : i1 to vector<16xi1>
    %masked_cummax3A_76 = tpu.scan <max>, %select_n3A_68 masked %broadcast_in_dim3A_75 : vector<16xf32>, vector<16xi1> -> vector<16xf32>
    %rev3A_77 = arith.constant 15 : i32
    %rev3A_78 = vector.broadcast %rev3A_77 : i32 to vector<16xi32>
    %rev3A_79 = tpu.iota {dimensions = array<i32: 0>} : vector<16xi32>
    %rev3A_80 = arith.subi %rev3A_78, %rev3A_79 : vector<16xi32>
    %rev3A_81 = tpu.dynamic_gather %masked_cummax3A_76[%rev3A_80] in [0] : vector<16xf32>, vector<16xi32> -> vector<16xf32>
    %broadcast_in_dim3A_82 = arith.constant true
    %broadcast_in_dim3A_83 = vector.broadcast %broadcast_in_dim3A_82 : i1 to vector<16xi1>
    %masked_cummax3A_84 = tpu.scan <max>, %rev3A_81 masked %broadcast_in_dim3A_83 : vector<16xf32>, vector<16xi1> -> vector<16xf32>
    %broadcast_in_dim3A_85 = arith.constant true
    %broadcast_in_dim3A_86 = vector.broadcast %broadcast_in_dim3A_85 : i1 to vector<16xi1>
    %masked_cummax3A_87 = tpu.scan <max>, %select_n3A_73 masked %broadcast_in_dim3A_86 : vector<16xf32>, vector<16xi1> -> vector<16xf32>
    %rev3A_88 = arith.constant 15 : i32
    %rev3A_89 = vector.broadcast %rev3A_88 : i32 to vector<16xi32>
    %rev3A_90 = tpu.iota {dimensions = array<i32: 0>} : vector<16xi32>
    %rev3A_91 = arith.subi %rev3A_89, %rev3A_90 : vector<16xi32>
    %rev3A_92 = tpu.dynamic_gather %masked_cummax3A_87[%rev3A_91] in [0] : vector<16xf32>, vector<16xi32> -> vector<16xf32>
    %broadcast_in_dim3A_93 = arith.constant true
    %broadcast_in_dim3A_94 = vector.broadcast %broadcast_in_dim3A_93 : i1 to vector<16xi1>
    %masked_cummax3A_95 = tpu.scan <max>, %rev3A_92 masked %broadcast_in_dim3A_94 : vector<16xf32>, vector<16xi1> -> vector<16xf32>
    %max3A_96 = arith.maximumf %masked_cummax3A_84, %masked_cummax3A_95 : vector<16xf32>
    %eq3A_97 = arith.cmpf oeq, %select_n3A_68, %max3A_96 : vector<16xf32>
    %eq3A_98 = arith.cmpf oeq, %select_n3A_73, %max3A_96 : vector<16xf32>
    %all_reduce_population_count3A_99 = tpu.all_reduce %eq3A_97 {dim = 0 : i64, kind = #tpu.reduction_kind<sum>} : vector<16xi1> -> vector<16xi32>
    %gt3A_100 = arith.constant 0 : i32
    %gt3A_101 = vector.broadcast %gt3A_100 : i32 to vector<16xi32>
    %gt3A_102 = arith.cmpi sgt, %all_reduce_population_count3A_99, %gt3A_101 : vector<16xi32>
    %all_reduce_ffs3A_103 = tpu.all_reduce %eq3A_97 {dim = 0 : i64, kind = #tpu.reduction_kind<find_first_set>} : vector<16xi1> -> vector<16xi32>
    %all_reduce_ffs3A_104 = tpu.all_reduce %eq3A_98 {dim = 0 : i64, kind = #tpu.reduction_kind<find_first_set>} : vector<16xi1> -> vector<16xi32>
    %add3A_105 = arith.constant 16 : i32
    %add3A_106 = vector.broadcast %add3A_105 : i32 to vector<16xi32>
    %add3A_107 = arith.addi %all_reduce_ffs3A_104, %add3A_106 : vector<16xi32>
    %select_n3A_108 = arith.select %gt3A_102, %all_reduce_ffs3A_103, %add3A_107 : vector<16xi1>, vector<16xi32>
    %eq3A_109 = arith.cmpi eq, %iota3A, %select_n3A_108 : vector<16xi32>
    %and3A_110 = arith.andi %gt3A_102, %eq3A_109 : vector<16xi1>
    %select_n3A_111 = arith.select %and3A_110, %broadcast_in_dim3A_36, %select_n3A_68 : vector<16xi1>, vector<16xf32>
    %sub3A_112 = arith.constant 16 : i32
    %sub3A_113 = vector.broadcast %sub3A_112 : i32 to vector<16xi32>
    %sub3A_114 = arith.subi %select_n3A_108, %sub3A_113 : vector<16xi32>
    %eq3A_115 = arith.cmpi eq, %iota3A, %sub3A_114 : vector<16xi32>
    %select_n3A_116 = arith.select %eq3A_115, %broadcast_in_dim3A_36, %select_n3A_73 : vector<16xi1>, vector<16xf32>
    %broadcast_in_dim3A_117 = arith.constant true
    %broadcast_in_dim3A_118 = vector.broadcast %broadcast_in_dim3A_117 : i1 to vector<16xi1>
    %masked_cummax3A_119 = tpu.scan <max>, %select_n3A_111 masked %broadcast_in_dim3A_118 : vector<16xf32>, vector<16xi1> -> vector<16xf32>
    %rev3A_120 = arith.constant 15 : i32
    %rev3A_121 = vector.broadcast %rev3A_120 : i32 to vector<16xi32>
    %rev3A_122 = tpu.iota {dimensions = array<i32: 0>} : vector<16xi32>
    %rev3A_123 = arith.subi %rev3A_121, %rev3A_122 : vector<16xi32>
    %rev3A_124 = tpu.dynamic_gather %masked_cummax3A_119[%rev3A_123] in [0] : vector<16xf32>, vector<16xi32> -> vector<16xf32>
    %broadcast_in_dim3A_125 = arith.constant true
    %broadcast_in_dim3A_126 = vector.broadcast %broadcast_in_dim3A_125 : i1 to vector<16xi1>
    %masked_cummax3A_127 = tpu.scan <max>, %rev3A_124 masked %broadcast_in_dim3A_126 : vector<16xf32>, vector<16xi1> -> vector<16xf32>
    %broadcast_in_dim3A_128 = arith.constant true
    %broadcast_in_dim3A_129 = vector.broadcast %broadcast_in_dim3A_128 : i1 to vector<16xi1>
    %masked_cummax3A_130 = tpu.scan <max>, %select_n3A_116 masked %broadcast_in_dim3A_129 : vector<16xf32>, vector<16xi1> -> vector<16xf32>
    %rev3A_131 = arith.constant 15 : i32
    %rev3A_132 = vector.broadcast %rev3A_131 : i32 to vector<16xi32>
    %rev3A_133 = tpu.iota {dimensions = array<i32: 0>} : vector<16xi32>
    %rev3A_134 = arith.subi %rev3A_132, %rev3A_133 : vector<16xi32>
    %rev3A_135 = tpu.dynamic_gather %masked_cummax3A_130[%rev3A_134] in [0] : vector<16xf32>, vector<16xi32> -> vector<16xf32>
    %broadcast_in_dim3A_136 = arith.constant true
    %broadcast_in_dim3A_137 = vector.broadcast %broadcast_in_dim3A_136 : i1 to vector<16xi1>
    %masked_cummax3A_138 = tpu.scan <max>, %rev3A_135 masked %broadcast_in_dim3A_137 : vector<16xf32>, vector<16xi1> -> vector<16xf32>
    %max3A_139 = arith.maximumf %masked_cummax3A_127, %masked_cummax3A_138 : vector<16xf32>
    %eq3A_140 = arith.cmpf oeq, %select_n3A_111, %max3A_139 : vector<16xf32>
    %eq3A_141 = arith.cmpf oeq, %select_n3A_116, %max3A_139 : vector<16xf32>
    %all_reduce_population_count3A_142 = tpu.all_reduce %eq3A_140 {dim = 0 : i64, kind = #tpu.reduction_kind<sum>} : vector<16xi1> -> vector<16xi32>
    %gt3A_143 = arith.constant 0 : i32
    %gt3A_144 = vector.broadcast %gt3A_143 : i32 to vector<16xi32>
    %gt3A_145 = arith.cmpi sgt, %all_reduce_population_count3A_142, %gt3A_144 : vector<16xi32>
    %all_reduce_ffs3A_146 = tpu.all_reduce %eq3A_140 {dim = 0 : i64, kind = #tpu.reduction_kind<find_first_set>} : vector<16xi1> -> vector<16xi32>
    %all_reduce_ffs3A_147 = tpu.all_reduce %eq3A_141 {dim = 0 : i64, kind = #tpu.reduction_kind<find_first_set>} : vector<16xi1> -> vector<16xi32>
    %add3A_148 = arith.constant 16 : i32
    %add3A_149 = vector.broadcast %add3A_148 : i32 to vector<16xi32>
    %add3A_150 = arith.addi %all_reduce_ffs3A_147, %add3A_149 : vector<16xi32>
    %select_n3A_151 = arith.select %gt3A_145, %all_reduce_ffs3A_146, %add3A_150 : vector<16xi1>, vector<16xi32>
    %eq3A_152 = arith.cmpi eq, %iota3A, %select_n3A_151 : vector<16xi32>
    %and3A_153 = arith.andi %gt3A_145, %eq3A_152 : vector<16xi1>
    %select_n3A_154 = arith.select %and3A_153, %broadcast_in_dim3A_36, %select_n3A_111 : vector<16xi1>, vector<16xf32>
    %sub3A_155 = arith.constant 16 : i32
    %sub3A_156 = vector.broadcast %sub3A_155 : i32 to vector<16xi32>
    %sub3A_157 = arith.subi %select_n3A_151, %sub3A_156 : vector<16xi32>
    %eq3A_158 = arith.cmpi eq, %iota3A, %sub3A_157 : vector<16xi32>
    %select_n3A_159 = arith.select %eq3A_158, %broadcast_in_dim3A_36, %select_n3A_116 : vector<16xi1>, vector<16xf32>
    %broadcast_in_dim3A_160 = arith.constant true
    %broadcast_in_dim3A_161 = vector.broadcast %broadcast_in_dim3A_160 : i1 to vector<16xi1>
    %masked_cummax3A_162 = tpu.scan <max>, %select_n3A_154 masked %broadcast_in_dim3A_161 : vector<16xf32>, vector<16xi1> -> vector<16xf32>
    %rev3A_163 = arith.constant 15 : i32
    %rev3A_164 = vector.broadcast %rev3A_163 : i32 to vector<16xi32>
    %rev3A_165 = tpu.iota {dimensions = array<i32: 0>} : vector<16xi32>
    %rev3A_166 = arith.subi %rev3A_164, %rev3A_165 : vector<16xi32>
    %rev3A_167 = tpu.dynamic_gather %masked_cummax3A_162[%rev3A_166] in [0] : vector<16xf32>, vector<16xi32> -> vector<16xf32>
    %broadcast_in_dim3A_168 = arith.constant true
    %broadcast_in_dim3A_169 = vector.broadcast %broadcast_in_dim3A_168 : i1 to vector<16xi1>
    %masked_cummax3A_170 = tpu.scan <max>, %rev3A_167 masked %broadcast_in_dim3A_169 : vector<16xf32>, vector<16xi1> -> vector<16xf32>
    %broadcast_in_dim3A_171 = arith.constant true
    %broadcast_in_dim3A_172 = vector.broadcast %broadcast_in_dim3A_171 : i1 to vector<16xi1>
    %masked_cummax3A_173 = tpu.scan <max>, %select_n3A_159 masked %broadcast_in_dim3A_172 : vector<16xf32>, vector<16xi1> -> vector<16xf32>
    %rev3A_174 = arith.constant 15 : i32
    %rev3A_175 = vector.broadcast %rev3A_174 : i32 to vector<16xi32>
    %rev3A_176 = tpu.iota {dimensions = array<i32: 0>} : vector<16xi32>
    %rev3A_177 = arith.subi %rev3A_175, %rev3A_176 : vector<16xi32>
    %rev3A_178 = tpu.dynamic_gather %masked_cummax3A_173[%rev3A_177] in [0] : vector<16xf32>, vector<16xi32> -> vector<16xf32>
    %broadcast_in_dim3A_179 = arith.constant true
    %broadcast_in_dim3A_180 = vector.broadcast %broadcast_in_dim3A_179 : i1 to vector<16xi1>
    %masked_cummax3A_181 = tpu.scan <max>, %rev3A_178 masked %broadcast_in_dim3A_180 : vector<16xf32>, vector<16xi1> -> vector<16xf32>
    %max3A_182 = arith.maximumf %masked_cummax3A_170, %masked_cummax3A_181 : vector<16xf32>
    %eq3A_183 = arith.cmpf oeq, %select_n3A_154, %max3A_182 : vector<16xf32>
    %eq3A_184 = arith.cmpf oeq, %select_n3A_159, %max3A_182 : vector<16xf32>
    %all_reduce_population_count3A_185 = tpu.all_reduce %eq3A_183 {dim = 0 : i64, kind = #tpu.reduction_kind<sum>} : vector<16xi1> -> vector<16xi32>
    %gt3A_186 = arith.constant 0 : i32
    %gt3A_187 = vector.broadcast %gt3A_186 : i32 to vector<16xi32>
    %gt3A_188 = arith.cmpi sgt, %all_reduce_population_count3A_185, %gt3A_187 : vector<16xi32>
    %all_reduce_ffs3A_189 = tpu.all_reduce %eq3A_183 {dim = 0 : i64, kind = #tpu.reduction_kind<find_first_set>} : vector<16xi1> -> vector<16xi32>
    %all_reduce_ffs3A_190 = tpu.all_reduce %eq3A_184 {dim = 0 : i64, kind = #tpu.reduction_kind<find_first_set>} : vector<16xi1> -> vector<16xi32>
    %add3A_191 = arith.constant 16 : i32
    %add3A_192 = vector.broadcast %add3A_191 : i32 to vector<16xi32>
    %add3A_193 = arith.addi %all_reduce_ffs3A_190, %add3A_192 : vector<16xi32>
    %select_n3A_194 = arith.select %gt3A_188, %all_reduce_ffs3A_189, %add3A_193 : vector<16xi1>, vector<16xi32>
    %eq3A_195 = arith.cmpi eq, %iota3A, %select_n3A_194 : vector<16xi32>
    %and3A_196 = arith.andi %gt3A_188, %eq3A_195 : vector<16xi1>
    %select_n3A_197 = arith.select %and3A_196, %broadcast_in_dim3A_36, %select_n3A_154 : vector<16xi1>, vector<16xf32>
    %sub3A_198 = arith.constant 16 : i32
    %sub3A_199 = vector.broadcast %sub3A_198 : i32 to vector<16xi32>
    %sub3A_200 = arith.subi %select_n3A_194, %sub3A_199 : vector<16xi32>
    %eq3A_201 = arith.cmpi eq, %iota3A, %sub3A_200 : vector<16xi32>
    %select_n3A_202 = arith.select %eq3A_201, %broadcast_in_dim3A_36, %select_n3A_159 : vector<16xi1>, vector<16xf32>
    %mul3A_203 = arith.constant 32 : i32
    %mul3A_204 = arith.muli %select_n3A, %mul3A_203 : i32
    %mul3A_205 = arith.constant 256 : i32
    %mul3A_206 = arith.muli %mul3A_204, %mul3A_205 : i32
    %mul3A_207 = arith.constant 128 : i32
    %mul3A_208 = arith.muli %select_n3A_30, %mul3A_207 : i32
    %add3A_209 = arith.addi %mul3A_206, %mul3A_208 : i32
    %mul3A_210 = arith.constant 256 : i32
    %mul3A_211 = vector.broadcast %mul3A_210 : i32 to vector<16xi32>
    %mul3A_212 = arith.muli %select_n3A_65, %mul3A_211 : vector<16xi32>
    %add3A_213 = vector.broadcast %add3A_209 : i32 to vector<16xi32>
    %add3A_214 = arith.addi %add3A_213, %mul3A_212 : vector<16xi32>
    %add3A_215 = arith.constant 0 : i32
    %add3A_216 = vector.broadcast %add3A_215 : i32 to vector<16xi32>
    %add3A_217 = arith.addi %add3A_216, %iota3A : vector<16xi32>
    %add3A_218 = arith.addi %add3A_214, %add3A_217 : vector<16xi32>
    %swap3A = arith.constant 0 : i32
    %swap3A_219 = arith.index_cast %swap3A : i32 to index
    %swap3A_220 = arith.constant 0 : index
    %swap3A_221 = tpu.vector_load %arg6[%swap3A_219, %swap3A_220] {strides = array<i32>} : memref<16x32xi32, #tpu.memory_space<vmem>>, vector<16xi32>,
    tpu.vector_store %arg6[%swap3A_219, %swap3A_220], %add3A_218 {strides = array<i32>} : memref<16x32xi32, #tpu.memory_space<vmem>>, vector<16xi32>,
    %add3A_222 = arith.constant 16 : i32
    %add3A_223 = vector.broadcast %add3A_222 : i32 to vector<16xi32>
    %add3A_224 = arith.addi %add3A_218, %add3A_223 : vector<16xi32>
    %swap3A_225 = arith.constant 0 : i32
    %swap3A_226 = arith.index_cast %swap3A_225 : i32 to index
    %swap3A_227 = arith.constant 16 : index
    %swap3A_228 = tpu.vector_load %arg6[%swap3A_226, %swap3A_227] {strides = array<i32>} : memref<16x32xi32, #tpu.memory_space<vmem>>, vector<16xi32>,
    tpu.vector_store %arg6[%swap3A_226, %swap3A_227], %add3A_224 {strides = array<i32>} : memref<16x32xi32, #tpu.memory_space<vmem>>, vector<16xi32>,
    %mul3A_229 = arith.constant 256 : i32
    %mul3A_230 = vector.broadcast %mul3A_229 : i32 to vector<16xi32>
    %mul3A_231 = arith.muli %select_n3A_108, %mul3A_230 : vector<16xi32>
    %add3A_232 = vector.broadcast %add3A_209 : i32 to vector<16xi32>
    %add3A_233 = arith.addi %add3A_232, %mul3A_231 : vector<16xi32>
    %add3A_234 = arith.constant 0 : i32
    %add3A_235 = vector.broadcast %add3A_234 : i32 to vector<16xi32>
    %add3A_236 = arith.addi %add3A_235, %iota3A : vector<16xi32>
    %add3A_237 = arith.addi %add3A_233, %add3A_236 : vector<16xi32>
    %swap3A_238 = arith.constant 1 : i32
    %swap3A_239 = arith.index_cast %swap3A_238 : i32 to index
    %swap3A_240 = arith.constant 0 : index
    %swap3A_241 = tpu.vector_load %arg6[%swap3A_239, %swap3A_240] {strides = array<i32>} : memref<16x32xi32, #tpu.memory_space<vmem>>, vector<16xi32>,
    tpu.vector_store %arg6[%swap3A_239, %swap3A_240], %add3A_237 {strides = array<i32>} : memref<16x32xi32, #tpu.memory_space<vmem>>, vector<16xi32>,
    %add3A_242 = arith.constant 16 : i32
    %add3A_243 = vector.broadcast %add3A_242 : i32 to vector<16xi32>
    %add3A_244 = arith.addi %add3A_237, %add3A_243 : vector<16xi32>
    %swap3A_245 = arith.constant 1 : i32
    %swap3A_246 = arith.index_cast %swap3A_245 : i32 to index
    %swap3A_247 = arith.constant 16 : index
    %swap3A_248 = tpu.vector_load %arg6[%swap3A_246, %swap3A_247] {strides = array<i32>} : memref<16x32xi32, #tpu.memory_space<vmem>>, vector<16xi32>,
    tpu.vector_store %arg6[%swap3A_246, %swap3A_247], %add3A_244 {strides = array<i32>} : memref<16x32xi32, #tpu.memory_space<vmem>>, vector<16xi32>,
    %mul3A_249 = arith.constant 256 : i32
    %mul3A_250 = vector.broadcast %mul3A_249 : i32 to vector<16xi32>
    %mul3A_251 = arith.muli %select_n3A_151, %mul3A_250 : vector<16xi32>
    %add3A_252 = vector.broadcast %add3A_209 : i32 to vector<16xi32>
    %add3A_253 = arith.addi %add3A_252, %mul3A_251 : vector<16xi32>
    %add3A_254 = arith.constant 0 : i32
    %add3A_255 = vector.broadcast %add3A_254 : i32 to vector<16xi32>
    %add3A_256 = arith.addi %add3A_255, %iota3A : vector<16xi32>
    %add3A_257 = arith.addi %add3A_253, %add3A_256 : vector<16xi32>
    %swap3A_258 = arith.constant 2 : i32
    %swap3A_259 = arith.index_cast %swap3A_258 : i32 to index
    %swap3A_260 = arith.constant 0 : index
    %swap3A_261 = tpu.vector_load %arg6[%swap3A_259, %swap3A_260] {strides = array<i32>} : memref<16x32xi32, #tpu.memory_space<vmem>>, vector<16xi32>,
    tpu.vector_store %arg6[%swap3A_259, %swap3A_260], %add3A_257 {strides = array<i32>} : memref<16x32xi32, #tpu.memory_space<vmem>>, vector<16xi32>,
    %add3A_262 = arith.constant 16 : i32
    %add3A_263 = vector.broadcast %add3A_262 : i32 to vector<16xi32>
    %add3A_264 = arith.addi %add3A_257, %add3A_263 : vector<16xi32>
    %swap3A_265 = arith.constant 2 : i32
    %swap3A_266 = arith.index_cast %swap3A_265 : i32 to index
    %swap3A_267 = arith.constant 16 : index
    %swap3A_268 = tpu.vector_load %arg6[%swap3A_266, %swap3A_267] {strides = array<i32>} : memref<16x32xi32, #tpu.memory_space<vmem>>, vector<16xi32>,
    tpu.vector_store %arg6[%swap3A_266, %swap3A_267], %add3A_264 {strides = array<i32>} : memref<16x32xi32, #tpu.memory_space<vmem>>, vector<16xi32>,
    %mul3A_269 = arith.constant 256 : i32
    %mul3A_270 = vector.broadcast %mul3A_269 : i32 to vector<16xi32>
    %mul3A_271 = arith.muli %select_n3A_194, %mul3A_270 : vector<16xi32>
    %add3A_272 = vector.broadcast %add3A_209 : i32 to vector<16xi32>
    %add3A_273 = arith.addi %add3A_272, %mul3A_271 : vector<16xi32>
    %add3A_274 = arith.constant 0 : i32
    %add3A_275 = vector.broadcast %add3A_274 : i32 to vector<16xi32>
    %add3A_276 = arith.addi %add3A_275, %iota3A : vector<16xi32>
    %add3A_277 = arith.addi %add3A_273, %add3A_276 : vector<16xi32>
    %swap3A_278 = arith.constant 3 : i32
    %swap3A_279 = arith.index_cast %swap3A_278 : i32 to index
    %swap3A_280 = arith.constant 0 : index
    %swap3A_281 = tpu.vector_load %arg6[%swap3A_279, %swap3A_280] {strides = array<i32>} : memref<16x32xi32, #tpu.memory_space<vmem>>, vector<16xi32>,
    tpu.vector_store %arg6[%swap3A_279, %swap3A_280], %add3A_277 {strides = array<i32>} : memref<16x32xi32, #tpu.memory_space<vmem>>, vector<16xi32>,
    %add3A_282 = arith.constant 16 : i32
    %add3A_283 = vector.broadcast %add3A_282 : i32 to vector<16xi32>
    %add3A_284 = arith.addi %add3A_277, %add3A_283 : vector<16xi32>
    %swap3A_285 = arith.constant 3 : i32
    %swap3A_286 = arith.index_cast %swap3A_285 : i32 to index
    %swap3A_287 = arith.constant 16 : index
    %swap3A_288 = tpu.vector_load %arg6[%swap3A_286, %swap3A_287] {strides = array<i32>} : memref<16x32xi32, #tpu.memory_space<vmem>>, vector<16xi32>,
    tpu.vector_store %arg6[%swap3A_286, %swap3A_287], %add3A_284 {strides = array<i32>} : memref<16x32xi32, #tpu.memory_space<vmem>>, vector<16xi32>,
    %mul3A_289 = arith.constant 256 : i32
    %mul3A_290 = vector.broadcast %mul3A_289 : i32 to vector<16xi32>
    %mul3A_291 = arith.muli %select_n3A_65, %mul3A_290 : vector<16xi32>
    %add3A_292 = vector.broadcast %add3A_209 : i32 to vector<16xi32>
    %add3A_293 = arith.addi %add3A_292, %mul3A_291 : vector<16xi32>
    %add3A_294 = arith.constant 32 : i32
    %add3A_295 = vector.broadcast %add3A_294 : i32 to vector<16xi32>
    %add3A_296 = arith.addi %add3A_295, %iota3A : vector<16xi32>
    %add3A_297 = arith.addi %add3A_293, %add3A_296 : vector<16xi32>
    %swap3A_298 = arith.constant 4 : i32
    %swap3A_299 = arith.index_cast %swap3A_298 : i32 to index
    %swap3A_300 = arith.constant 0 : index
    %swap3A_301 = tpu.vector_load %arg6[%swap3A_299, %swap3A_300] {strides = array<i32>} : memref<16x32xi32, #tpu.memory_space<vmem>>, vector<16xi32>,
    tpu.vector_store %arg6[%swap3A_299, %swap3A_300], %add3A_297 {strides = array<i32>} : memref<16x32xi32, #tpu.memory_space<vmem>>, vector<16xi32>,
    %add3A_302 = arith.constant 16 : i32
    %add3A_303 = vector.broadcast %add3A_302 : i32 to vector<16xi32>
    %add3A_304 = arith.addi %add3A_297, %add3A_303 : vector<16xi32>
    %swap3A_305 = arith.constant 4 : i32
    %swap3A_306 = arith.index_cast %swap3A_305 : i32 to index
    %swap3A_307 = arith.constant 16 : index
    %swap3A_308 = tpu.vector_load %arg6[%swap3A_306, %swap3A_307] {strides = array<i32>} : memref<16x32xi32, #tpu.memory_space<vmem>>, vector<16xi32>,
    tpu.vector_store %arg6[%swap3A_306, %swap3A_307], %add3A_304 {strides = array<i32>} : memref<16x32xi32, #tpu.memory_space<vmem>>, vector<16xi32>,
    %mul3A_309 = arith.constant 256 : i32
    %mul3A_310 = vector.broadcast %mul3A_309 : i32 to vector<16xi32>
    %mul3A_311 = arith.muli %select_n3A_108, %mul3A_310 : vector<16xi32>
    %add3A_312 = vector.broadcast %add3A_209 : i32 to vector<16xi32>
    %add3A_313 = arith.addi %add3A_312, %mul3A_311 : vector<16xi32>
    %add3A_314 = arith.constant 32 : i32
    %add3A_315 = vector.broadcast %add3A_314 : i32 to vector<16xi32>
    %add3A_316 = arith.addi %add3A_315, %iota3A : vector<16xi32>
    %add3A_317 = arith.addi %add3A_313, %add3A_316 : vector<16xi32>
    %swap3A_318 = arith.constant 5 : i32
    %swap3A_319 = arith.index_cast %swap3A_318 : i32 to index
    %swap3A_320 = arith.constant 0 : index
    %swap3A_321 = tpu.vector_load %arg6[%swap3A_319, %swap3A_320] {strides = array<i32>} : memref<16x32xi32, #tpu.memory_space<vmem>>, vector<16xi32>,
    tpu.vector_store %arg6[%swap3A_319, %swap3A_320], %add3A_317 {strides = array<i32>} : memref<16x32xi32, #tpu.memory_space<vmem>>, vector<16xi32>,
    %add3A_322 = arith.constant 16 : i32
    %add3A_323 = vector.broadcast %add3A_322 : i32 to vector<16xi32>
    %add3A_324 = arith.addi %add3A_317, %add3A_323 : vector<16xi32>
    %swap3A_325 = arith.constant 5 : i32
    %swap3A_326 = arith.index_cast %swap3A_325 : i32 to index
    %swap3A_327 = arith.constant 16 : index
    %swap3A_328 = tpu.vector_load %arg6[%swap3A_326, %swap3A_327] {strides = array<i32>} : memref<16x32xi32, #tpu.memory_space<vmem>>, vector<16xi32>,
    tpu.vector_store %arg6[%swap3A_326, %swap3A_327], %add3A_324 {strides = array<i32>} : memref<16x32xi32, #tpu.memory_space<vmem>>, vector<16xi32>,
    %mul3A_329 = arith.constant 256 : i32
    %mul3A_330 = vector.broadcast %mul3A_329 : i32 to vector<16xi32>
    %mul3A_331 = arith.muli %select_n3A_151, %mul3A_330 : vector<16xi32>
    %add3A_332 = vector.broadcast %add3A_209 : i32 to vector<16xi32>
    %add3A_333 = arith.addi %add3A_332, %mul3A_331 : vector<16xi32>
    %add3A_334 = arith.constant 32 : i32
    %add3A_335 = vector.broadcast %add3A_334 : i32 to vector<16xi32>
    %add3A_336 = arith.addi %add3A_335, %iota3A : vector<16xi32>
    %add3A_337 = arith.addi %add3A_333, %add3A_336 : vector<16xi32>
    %swap3A_338 = arith.constant 6 : i32
    %swap3A_339 = arith.index_cast %swap3A_338 : i32 to index
    %swap3A_340 = arith.constant 0 : index
    %swap3A_341 = tpu.vector_load %arg6[%swap3A_339, %swap3A_340] {strides = array<i32>} : memref<16x32xi32, #tpu.memory_space<vmem>>, vector<16xi32>,
    tpu.vector_store %arg6[%swap3A_339, %swap3A_340], %add3A_337 {strides = array<i32>} : memref<16x32xi32, #tpu.memory_space<vmem>>, vector<16xi32>,
    %add3A_342 = arith.constant 16 : i32
    %add3A_343 = vector.broadcast %add3A_342 : i32 to vector<16xi32>
    %add3A_344 = arith.addi %add3A_337, %add3A_343 : vector<16xi32>
    %swap3A_345 = arith.constant 6 : i32
    %swap3A_346 = arith.index_cast %swap3A_345 : i32 to index
    %swap3A_347 = arith.constant 16 : index
    %swap3A_348 = tpu.vector_load %arg6[%swap3A_346, %swap3A_347] {strides = array<i32>} : memref<16x32xi32, #tpu.memory_space<vmem>>, vector<16xi32>,
    tpu.vector_store %arg6[%swap3A_346, %swap3A_347], %add3A_344 {strides = array<i32>} : memref<16x32xi32, #tpu.memory_space<vmem>>, vector<16xi32>,
    %mul3A_349 = arith.constant 256 : i32
    %mul3A_350 = vector.broadcast %mul3A_349 : i32 to vector<16xi32>
    %mul3A_351 = arith.muli %select_n3A_194, %mul3A_350 : vector<16xi32>
    %add3A_352 = vector.broadcast %add3A_209 : i32 to vector<16xi32>
    %add3A_353 = arith.addi %add3A_352, %mul3A_351 : vector<16xi32>
    %add3A_354 = arith.constant 32 : i32
    %add3A_355 = vector.broadcast %add3A_354 : i32 to vector<16xi32>
    %add3A_356 = arith.addi %add3A_355, %iota3A : vector<16xi32>
    %add3A_357 = arith.addi %add3A_353, %add3A_356 : vector<16xi32>
    %swap3A_358 = arith.constant 7 : i32
    %swap3A_359 = arith.index_cast %swap3A_358 : i32 to index
    %swap3A_360 = arith.constant 0 : index
    %swap3A_361 = tpu.vector_load %arg6[%swap3A_359, %swap3A_360] {strides = array<i32>} : memref<16x32xi32, #tpu.memory_space<vmem>>, vector<16xi32>,
    tpu.vector_store %arg6[%swap3A_359, %swap3A_360], %add3A_357 {strides = array<i32>} : memref<16x32xi32, #tpu.memory_space<vmem>>, vector<16xi32>,
    %add3A_362 = arith.constant 16 : i32
    %add3A_363 = vector.broadcast %add3A_362 : i32 to vector<16xi32>
    %add3A_364 = arith.addi %add3A_357, %add3A_363 : vector<16xi32>
    %swap3A_365 = arith.constant 7 : i32
    %swap3A_366 = arith.index_cast %swap3A_365 : i32 to index
    %swap3A_367 = arith.constant 16 : index
    %swap3A_368 = tpu.vector_load %arg6[%swap3A_366, %swap3A_367] {strides = array<i32>} : memref<16x32xi32, #tpu.memory_space<vmem>>, vector<16xi32>,
    tpu.vector_store %arg6[%swap3A_366, %swap3A_367], %add3A_364 {strides = array<i32>} : memref<16x32xi32, #tpu.memory_space<vmem>>, vector<16xi32>,
    %mul3A_369 = arith.constant 256 : i32
    %mul3A_370 = vector.broadcast %mul3A_369 : i32 to vector<16xi32>
    %mul3A_371 = arith.muli %select_n3A_65, %mul3A_370 : vector<16xi32>
    %add3A_372 = vector.broadcast %add3A_209 : i32 to vector<16xi32>
    %add3A_373 = arith.addi %add3A_372, %mul3A_371 : vector<16xi32>
    %add3A_374 = arith.constant 64 : i32
    %add3A_375 = vector.broadcast %add3A_374 : i32 to vector<16xi32>
    %add3A_376 = arith.addi %add3A_375, %iota3A : vector<16xi32>
    %add3A_377 = arith.addi %add3A_373, %add3A_376 : vector<16xi32>
    %swap3A_378 = arith.constant 8 : i32
    %swap3A_379 = arith.index_cast %swap3A_378 : i32 to index
    %swap3A_380 = arith.constant 0 : index
    %swap3A_381 = tpu.vector_load %arg6[%swap3A_379, %swap3A_380] {strides = array<i32>} : memref<16x32xi32, #tpu.memory_space<vmem>>, vector<16xi32>,
    tpu.vector_store %arg6[%swap3A_379, %swap3A_380], %add3A_377 {strides = array<i32>} : memref<16x32xi32, #tpu.memory_space<vmem>>, vector<16xi32>,
    %add3A_382 = arith.constant 16 : i32
    %add3A_383 = vector.broadcast %add3A_382 : i32 to vector<16xi32>
    %add3A_384 = arith.addi %add3A_377, %add3A_383 : vector<16xi32>
    %swap3A_385 = arith.constant 8 : i32
    %swap3A_386 = arith.index_cast %swap3A_385 : i32 to index
    %swap3A_387 = arith.constant 16 : index
    %swap3A_388 = tpu.vector_load %arg6[%swap3A_386, %swap3A_387] {strides = array<i32>} : memref<16x32xi32, #tpu.memory_space<vmem>>, vector<16xi32>,
    tpu.vector_store %arg6[%swap3A_386, %swap3A_387], %add3A_384 {strides = array<i32>} : memref<16x32xi32, #tpu.memory_space<vmem>>, vector<16xi32>,
    %mul3A_389 = arith.constant 256 : i32
    %mul3A_390 = vector.broadcast %mul3A_389 : i32 to vector<16xi32>
    %mul3A_391 = arith.muli %select_n3A_108, %mul3A_390 : vector<16xi32>
    %add3A_392 = vector.broadcast %add3A_209 : i32 to vector<16xi32>
    %add3A_393 = arith.addi %add3A_392, %mul3A_391 : vector<16xi32>
    %add3A_394 = arith.constant 64 : i32
    %add3A_395 = vector.broadcast %add3A_394 : i32 to vector<16xi32>
    %add3A_396 = arith.addi %add3A_395, %iota3A : vector<16xi32>
    %add3A_397 = arith.addi %add3A_393, %add3A_396 : vector<16xi32>
    %swap3A_398 = arith.constant 9 : i32
    %swap3A_399 = arith.index_cast %swap3A_398 : i32 to index
    %swap3A_400 = arith.constant 0 : index
    %swap3A_401 = tpu.vector_load %arg6[%swap3A_399, %swap3A_400] {strides = array<i32>} : memref<16x32xi32, #tpu.memory_space<vmem>>, vector<16xi32>,
    tpu.vector_store %arg6[%swap3A_399, %swap3A_400], %add3A_397 {strides = array<i32>} : memref<16x32xi32, #tpu.memory_space<vmem>>, vector<16xi32>,
    %add3A_402 = arith.constant 16 : i32
    %add3A_403 = vector.broadcast %add3A_402 : i32 to vector<16xi32>
    %add3A_404 = arith.addi %add3A_397, %add3A_403 : vector<16xi32>
    %swap3A_405 = arith.constant 9 : i32
    %swap3A_406 = arith.index_cast %swap3A_405 : i32 to index
    %swap3A_407 = arith.constant 16 : index
    %swap3A_408 = tpu.vector_load %arg6[%swap3A_406, %swap3A_407] {strides = array<i32>} : memref<16x32xi32, #tpu.memory_space<vmem>>, vector<16xi32>,
    tpu.vector_store %arg6[%swap3A_406, %swap3A_407], %add3A_404 {strides = array<i32>} : memref<16x32xi32, #tpu.memory_space<vmem>>, vector<16xi32>,
    %mul3A_409 = arith.constant 256 : i32
    %mul3A_410 = vector.broadcast %mul3A_409 : i32 to vector<16xi32>
    %mul3A_411 = arith.muli %select_n3A_151, %mul3A_410 : vector<16xi32>
    %add3A_412 = vector.broadcast %add3A_209 : i32 to vector<16xi32>
    %add3A_413 = arith.addi %add3A_412, %mul3A_411 : vector<16xi32>
    %add3A_414 = arith.constant 64 : i32
    %add3A_415 = vector.broadcast %add3A_414 : i32 to vector<16xi32>
    %add3A_416 = arith.addi %add3A_415, %iota3A : vector<16xi32>
    %add3A_417 = arith.addi %add3A_413, %add3A_416 : vector<16xi32>
    %swap3A_418 = arith.constant 10 : i32
    %swap3A_419 = arith.index_cast %swap3A_418 : i32 to index
    %swap3A_420 = arith.constant 0 : index
    %swap3A_421 = tpu.vector_load %arg6[%swap3A_419, %swap3A_420] {strides = array<i32>} : memref<16x32xi32, #tpu.memory_space<vmem>>, vector<16xi32>,
    tpu.vector_store %arg6[%swap3A_419, %swap3A_420], %add3A_417 {strides = array<i32>} : memref<16x32xi32, #tpu.memory_space<vmem>>, vector<16xi32>,
    %add3A_422 = arith.constant 16 : i32
    %add3A_423 = vector.broadcast %add3A_422 : i32 to vector<16xi32>
    %add3A_424 = arith.addi %add3A_417, %add3A_423 : vector<16xi32>
    %swap3A_425 = arith.constant 10 : i32
    %swap3A_426 = arith.index_cast %swap3A_425 : i32 to index
    %swap3A_427 = arith.constant 16 : index
    %swap3A_428 = tpu.vector_load %arg6[%swap3A_426, %swap3A_427] {strides = array<i32>} : memref<16x32xi32, #tpu.memory_space<vmem>>, vector<16xi32>,
    tpu.vector_store %arg6[%swap3A_426, %swap3A_427], %add3A_424 {strides = array<i32>} : memref<16x32xi32, #tpu.memory_space<vmem>>, vector<16xi32>,
    %mul3A_429 = arith.constant 256 : i32
    %mul3A_430 = vector.broadcast %mul3A_429 : i32 to vector<16xi32>
    %mul3A_431 = arith.muli %select_n3A_194, %mul3A_430 : vector<16xi32>
    %add3A_432 = vector.broadcast %add3A_209 : i32 to vector<16xi32>
    %add3A_433 = arith.addi %add3A_432, %mul3A_431 : vector<16xi32>
    %add3A_434 = arith.constant 64 : i32
    %add3A_435 = vector.broadcast %add3A_434 : i32 to vector<16xi32>
    %add3A_436 = arith.addi %add3A_435, %iota3A : vector<16xi32>
    %add3A_437 = arith.addi %add3A_433, %add3A_436 : vector<16xi32>
    %swap3A_438 = arith.constant 11 : i32
    %swap3A_439 = arith.index_cast %swap3A_438 : i32 to index
    %swap3A_440 = arith.constant 0 : index
    %swap3A_441 = tpu.vector_load %arg6[%swap3A_439, %swap3A_440] {strides = array<i32>} : memref<16x32xi32, #tpu.memory_space<vmem>>, vector<16xi32>,
    tpu.vector_store %arg6[%swap3A_439, %swap3A_440], %add3A_437 {strides = array<i32>} : memref<16x32xi32, #tpu.memory_space<vmem>>, vector<16xi32>,
    %add3A_442 = arith.constant 16 : i32
    %add3A_443 = vector.broadcast %add3A_442 : i32 to vector<16xi32>
    %add3A_444 = arith.addi %add3A_437, %add3A_443 : vector<16xi32>
    %swap3A_445 = arith.constant 11 : i32
    %swap3A_446 = arith.index_cast %swap3A_445 : i32 to index
    %swap3A_447 = arith.constant 16 : index
    %swap3A_448 = tpu.vector_load %arg6[%swap3A_446, %swap3A_447] {strides = array<i32>} : memref<16x32xi32, #tpu.memory_space<vmem>>, vector<16xi32>,
    tpu.vector_store %arg6[%swap3A_446, %swap3A_447], %add3A_444 {strides = array<i32>} : memref<16x32xi32, #tpu.memory_space<vmem>>, vector<16xi32>,
    %mul3A_449 = arith.constant 256 : i32
    %mul3A_450 = vector.broadcast %mul3A_449 : i32 to vector<16xi32>
    %mul3A_451 = arith.muli %select_n3A_65, %mul3A_450 : vector<16xi32>
    %add3A_452 = vector.broadcast %add3A_209 : i32 to vector<16xi32>
    %add3A_453 = arith.addi %add3A_452, %mul3A_451 : vector<16xi32>
    %add3A_454 = arith.constant 96 : i32
    %add3A_455 = vector.broadcast %add3A_454 : i32 to vector<16xi32>
    %add3A_456 = arith.addi %add3A_455, %iota3A : vector<16xi32>
    %add3A_457 = arith.addi %add3A_453, %add3A_456 : vector<16xi32>
    %swap3A_458 = arith.constant 12 : i32
    %swap3A_459 = arith.index_cast %swap3A_458 : i32 to index
    %swap3A_460 = arith.constant 0 : index
    %swap3A_461 = tpu.vector_load %arg6[%swap3A_459, %swap3A_460] {strides = array<i32>} : memref<16x32xi32, #tpu.memory_space<vmem>>, vector<16xi32>,
    tpu.vector_store %arg6[%swap3A_459, %swap3A_460], %add3A_457 {strides = array<i32>} : memref<16x32xi32, #tpu.memory_space<vmem>>, vector<16xi32>,
    %add3A_462 = arith.constant 16 : i32
    %add3A_463 = vector.broadcast %add3A_462 : i32 to vector<16xi32>
    %add3A_464 = arith.addi %add3A_457, %add3A_463 : vector<16xi32>
    %swap3A_465 = arith.constant 12 : i32
    %swap3A_466 = arith.index_cast %swap3A_465 : i32 to index
    %swap3A_467 = arith.constant 16 : index
    %swap3A_468 = tpu.vector_load %arg6[%swap3A_466, %swap3A_467] {strides = array<i32>} : memref<16x32xi32, #tpu.memory_space<vmem>>, vector<16xi32>,
    tpu.vector_store %arg6[%swap3A_466, %swap3A_467], %add3A_464 {strides = array<i32>} : memref<16x32xi32, #tpu.memory_space<vmem>>, vector<16xi32>,
    %mul3A_469 = arith.constant 256 : i32
    %mul3A_470 = vector.broadcast %mul3A_469 : i32 to vector<16xi32>
    %mul3A_471 = arith.muli %select_n3A_108, %mul3A_470 : vector<16xi32>
    %add3A_472 = vector.broadcast %add3A_209 : i32 to vector<16xi32>
    %add3A_473 = arith.addi %add3A_472, %mul3A_471 : vector<16xi32>
    %add3A_474 = arith.constant 96 : i32
    %add3A_475 = vector.broadcast %add3A_474 : i32 to vector<16xi32>
    %add3A_476 = arith.addi %add3A_475, %iota3A : vector<16xi32>
    %add3A_477 = arith.addi %add3A_473, %add3A_476 : vector<16xi32>
    %swap3A_478 = arith.constant 13 : i32
    %swap3A_479 = arith.index_cast %swap3A_478 : i32 to index
    %swap3A_480 = arith.constant 0 : index
    %swap3A_481 = tpu.vector_load %arg6[%swap3A_479, %swap3A_480] {strides = array<i32>} : memref<16x32xi32, #tpu.memory_space<vmem>>, vector<16xi32>,
    tpu.vector_store %arg6[%swap3A_479, %swap3A_480], %add3A_477 {strides = array<i32>} : memref<16x32xi32, #tpu.memory_space<vmem>>, vector<16xi32>,
    %add3A_482 = arith.constant 16 : i32
    %add3A_483 = vector.broadcast %add3A_482 : i32 to vector<16xi32>
    %add3A_484 = arith.addi %add3A_477, %add3A_483 : vector<16xi32>
    %swap3A_485 = arith.constant 13 : i32
    %swap3A_486 = arith.index_cast %swap3A_485 : i32 to index
    %swap3A_487 = arith.constant 16 : index
    %swap3A_488 = tpu.vector_load %arg6[%swap3A_486, %swap3A_487] {strides = array<i32>} : memref<16x32xi32, #tpu.memory_space<vmem>>, vector<16xi32>,
    tpu.vector_store %arg6[%swap3A_486, %swap3A_487], %add3A_484 {strides = array<i32>} : memref<16x32xi32, #tpu.memory_space<vmem>>, vector<16xi32>,
    %mul3A_489 = arith.constant 256 : i32
    %mul3A_490 = vector.broadcast %mul3A_489 : i32 to vector<16xi32>
    %mul3A_491 = arith.muli %select_n3A_151, %mul3A_490 : vector<16xi32>
    %add3A_492 = vector.broadcast %add3A_209 : i32 to vector<16xi32>
    %add3A_493 = arith.addi %add3A_492, %mul3A_491 : vector<16xi32>
    %add3A_494 = arith.constant 96 : i32
    %add3A_495 = vector.broadcast %add3A_494 : i32 to vector<16xi32>
    %add3A_496 = arith.addi %add3A_495, %iota3A : vector<16xi32>
    %add3A_497 = arith.addi %add3A_493, %add3A_496 : vector<16xi32>
    %swap3A_498 = arith.constant 14 : i32
    %swap3A_499 = arith.index_cast %swap3A_498 : i32 to index
    %swap3A_500 = arith.constant 0 : index
    %swap3A_501 = tpu.vector_load %arg6[%swap3A_499, %swap3A_500] {strides = array<i32>} : memref<16x32xi32, #tpu.memory_space<vmem>>, vector<16xi32>,
    tpu.vector_store %arg6[%swap3A_499, %swap3A_500], %add3A_497 {strides = array<i32>} : memref<16x32xi32, #tpu.memory_space<vmem>>, vector<16xi32>,
    %add3A_502 = arith.constant 16 : i32
    %add3A_503 = vector.broadcast %add3A_502 : i32 to vector<16xi32>
    %add3A_504 = arith.addi %add3A_497, %add3A_503 : vector<16xi32>
    %swap3A_505 = arith.constant 14 : i32
    %swap3A_506 = arith.index_cast %swap3A_505 : i32 to index
    %swap3A_507 = arith.constant 16 : index
    %swap3A_508 = tpu.vector_load %arg6[%swap3A_506, %swap3A_507] {strides = array<i32>} : memref<16x32xi32, #tpu.memory_space<vmem>>, vector<16xi32>,
    tpu.vector_store %arg6[%swap3A_506, %swap3A_507], %add3A_504 {strides = array<i32>} : memref<16x32xi32, #tpu.memory_space<vmem>>, vector<16xi32>,
    %mul3A_509 = arith.constant 256 : i32
    %mul3A_510 = vector.broadcast %mul3A_509 : i32 to vector<16xi32>
    %mul3A_511 = arith.muli %select_n3A_194, %mul3A_510 : vector<16xi32>
    %add3A_512 = vector.broadcast %add3A_209 : i32 to vector<16xi32>
    %add3A_513 = arith.addi %add3A_512, %mul3A_511 : vector<16xi32>
    %add3A_514 = arith.constant 96 : i32
    %add3A_515 = vector.broadcast %add3A_514 : i32 to vector<16xi32>
    %add3A_516 = arith.addi %add3A_515, %iota3A : vector<16xi32>
    %add3A_517 = arith.addi %add3A_513, %add3A_516 : vector<16xi32>
    %swap3A_518 = arith.constant 15 : i32
    %swap3A_519 = arith.index_cast %swap3A_518 : i32 to index
    %swap3A_520 = arith.constant 0 : index
    %swap3A_521 = tpu.vector_load %arg6[%swap3A_519, %swap3A_520] {strides = array<i32>} : memref<16x32xi32, #tpu.memory_space<vmem>>, vector<16xi32>,
    tpu.vector_store %arg6[%swap3A_519, %swap3A_520], %add3A_517 {strides = array<i32>} : memref<16x32xi32, #tpu.memory_space<vmem>>, vector<16xi32>,
    %add3A_522 = arith.constant 16 : i32
    %add3A_523 = vector.broadcast %add3A_522 : i32 to vector<16xi32>
    %add3A_524 = arith.addi %add3A_517, %add3A_523 : vector<16xi32>
    %swap3A_525 = arith.constant 15 : i32
    %swap3A_526 = arith.index_cast %swap3A_525 : i32 to index
    %swap3A_527 = arith.constant 16 : index
    %swap3A_528 = tpu.vector_load %arg6[%swap3A_526, %swap3A_527] {strides = array<i32>} : memref<16x32xi32, #tpu.memory_space<vmem>>, vector<16xi32>,
    tpu.vector_store %arg6[%swap3A_526, %swap3A_527], %add3A_524 {strides = array<i32>} : memref<16x32xi32, #tpu.memory_space<vmem>>, vector<16xi32>,
    %dma_start3A = arith.constant 0 : i32
    %dma_start3A_529 = arith.constant 0 : i32
    %dma_start3A_530 = arith.constant 0 : i32
    %dma_start3A_531 = arith.constant 0 : i32
    %dma_start3A_532 = arith.constant 0 : i32
    %dma_start3A_533 = tpu.memref_slice %arg7[%dma_start3A_529, %dma_start3A_530, %dma_start3A_531, %dma_start3A_532] : memref<3x4x32x256xf32, #tpu.memory_space<vmem>> -> memref<1x1x32x256xf32, #tpu.memory_space<vmem>>
    %dma_start3A_534 = tpu.memref_squeeze %dma_start3A_533 : memref<1x1x32x256xf32, #tpu.memory_space<vmem>> -> memref<32x256xf32, #tpu.memory_space<vmem>>
    %dma_start3A_535 = arith.constant 0 : i32
    %dma_start3A_536 = tpu.memref_slice %arg6[%dma_start3A, %dma_start3A_535] : memref<16x32xi32, #tpu.memory_space<vmem>> -> memref<1x32xi32, #tpu.memory_space<vmem>>
    %dma_start3A_537 = tpu.memref_squeeze %dma_start3A_536 : memref<1x32xi32, #tpu.memory_space<vmem>> -> memref<32xi32, #tpu.memory_space<vmem>>
    %dma_start3A_538 = arith.constant 0 : i32
    %dma_start3A_539 = arith.constant 0 : i32
    %dma_start3A_540 = tpu.memref_slice %arg3[%dma_start3A_538, %dma_start3A_539] : memref<131072x256xf32, #tpu.memory_space<hbm>> -> memref<131072x256xf32, #tpu.memory_space<hbm>>
    tpu.enqueue_indirect_dma source(%dma_start3A_540 : memref<131072x256xf32, #tpu.memory_space<hbm>>) target(%dma_start3A_534 : memref<32x256xf32, #tpu.memory_space<vmem>>) offsets(%dma_start3A_537 : memref<32xi32, #tpu.memory_space<vmem>>) semaphore(%arg9 : memref<!tpu.dma_semaphore, #tpu.memory_space<semaphore_mem>>)
    %dma_start3A_541 = arith.constant 1 : i32
    %dma_start3A_542 = arith.constant 0 : i32
    %dma_start3A_543 = arith.constant 1 : i32
    %dma_start3A_544 = arith.constant 0 : i32
    %dma_start3A_545 = arith.constant 0 : i32
    %dma_start3A_546 = tpu.memref_slice %arg7[%dma_start3A_542, %dma_start3A_543, %dma_start3A_544, %dma_start3A_545] : memref<3x4x32x256xf32, #tpu.memory_space<vmem>> -> memref<1x1x32x256xf32, #tpu.memory_space<vmem>>
    %dma_start3A_547 = tpu.memref_squeeze %dma_start3A_546 : memref<1x1x32x256xf32, #tpu.memory_space<vmem>> -> memref<32x256xf32, #tpu.memory_space<vmem>>
    %dma_start3A_548 = arith.constant 0 : i32
    %dma_start3A_549 = tpu.memref_slice %arg6[%dma_start3A_541, %dma_start3A_548] : memref<16x32xi32, #tpu.memory_space<vmem>> -> memref<1x32xi32, #tpu.memory_space<vmem>>
    %dma_start3A_550 = tpu.memref_squeeze %dma_start3A_549 : memref<1x32xi32, #tpu.memory_space<vmem>> -> memref<32xi32, #tpu.memory_space<vmem>>
    %dma_start3A_551 = arith.constant 0 : i32
    %dma_start3A_552 = arith.constant 0 : i32
    %dma_start3A_553 = tpu.memref_slice %arg3[%dma_start3A_551, %dma_start3A_552] : memref<131072x256xf32, #tpu.memory_space<hbm>> -> memref<131072x256xf32, #tpu.memory_space<hbm>>
    tpu.enqueue_indirect_dma source(%dma_start3A_553 : memref<131072x256xf32, #tpu.memory_space<hbm>>) target(%dma_start3A_547 : memref<32x256xf32, #tpu.memory_space<vmem>>) offsets(%dma_start3A_550 : memref<32xi32, #tpu.memory_space<vmem>>) semaphore(%arg9 : memref<!tpu.dma_semaphore, #tpu.memory_space<semaphore_mem>>)
    %dma_start3A_554 = arith.constant 2 : i32
    %dma_start3A_555 = arith.constant 0 : i32
    %dma_start3A_556 = arith.constant 2 : i32
    %dma_start3A_557 = arith.constant 0 : i32
    %dma_start3A_558 = arith.constant 0 : i32
    %dma_start3A_559 = tpu.memref_slice %arg7[%dma_start3A_555, %dma_start3A_556, %dma_start3A_557, %dma_start3A_558] : memref<3x4x32x256xf32, #tpu.memory_space<vmem>> -> memref<1x1x32x256xf32, #tpu.memory_space<vmem>>
    %dma_start3A_560 = tpu.memref_squeeze %dma_start3A_559 : memref<1x1x32x256xf32, #tpu.memory_space<vmem>> -> memref<32x256xf32, #tpu.memory_space<vmem>>
    %dma_start3A_561 = arith.constant 0 : i32
    %dma_start3A_562 = tpu.memref_slice %arg6[%dma_start3A_554, %dma_start3A_561] : memref<16x32xi32, #tpu.memory_space<vmem>> -> memref<1x32xi32, #tpu.memory_space<vmem>>
    %dma_start3A_563 = tpu.memref_squeeze %dma_start3A_562 : memref<1x32xi32, #tpu.memory_space<vmem>> -> memref<32xi32, #tpu.memory_space<vmem>>
    %dma_start3A_564 = arith.constant 0 : i32
    %dma_start3A_565 = arith.constant 0 : i32
    %dma_start3A_566 = tpu.memref_slice %arg3[%dma_start3A_564, %dma_start3A_565] : memref<131072x256xf32, #tpu.memory_space<hbm>> -> memref<131072x256xf32, #tpu.memory_space<hbm>>
    tpu.enqueue_indirect_dma source(%dma_start3A_566 : memref<131072x256xf32, #tpu.memory_space<hbm>>) target(%dma_start3A_560 : memref<32x256xf32, #tpu.memory_space<vmem>>) offsets(%dma_start3A_563 : memref<32xi32, #tpu.memory_space<vmem>>) semaphore(%arg9 : memref<!tpu.dma_semaphore, #tpu.memory_space<semaphore_mem>>)
    %dma_start3A_567 = arith.constant 3 : i32
    %dma_start3A_568 = arith.constant 0 : i32
    %dma_start3A_569 = arith.constant 3 : i32
    %dma_start3A_570 = arith.constant 0 : i32
    %dma_start3A_571 = arith.constant 0 : i32
    %dma_start3A_572 = tpu.memref_slice %arg7[%dma_start3A_568, %dma_start3A_569, %dma_start3A_570, %dma_start3A_571] : memref<3x4x32x256xf32, #tpu.memory_space<vmem>> -> memref<1x1x32x256xf32, #tpu.memory_space<vmem>>
    %dma_start3A_573 = tpu.memref_squeeze %dma_start3A_572 : memref<1x1x32x256xf32, #tpu.memory_space<vmem>> -> memref<32x256xf32, #tpu.memory_space<vmem>>
    %dma_start3A_574 = arith.constant 0 : i32
    %dma_start3A_575 = tpu.memref_slice %arg6[%dma_start3A_567, %dma_start3A_574] : memref<16x32xi32, #tpu.memory_space<vmem>> -> memref<1x32xi32, #tpu.memory_space<vmem>>
    %dma_start3A_576 = tpu.memref_squeeze %dma_start3A_575 : memref<1x32xi32, #tpu.memory_space<vmem>> -> memref<32xi32, #tpu.memory_space<vmem>>
    %dma_start3A_577 = arith.constant 0 : i32
    %dma_start3A_578 = arith.constant 0 : i32
    %dma_start3A_579 = tpu.memref_slice %arg3[%dma_start3A_577, %dma_start3A_578] : memref<131072x256xf32, #tpu.memory_space<hbm>> -> memref<131072x256xf32, #tpu.memory_space<hbm>>
    tpu.enqueue_indirect_dma source(%dma_start3A_579 : memref<131072x256xf32, #tpu.memory_space<hbm>>) target(%dma_start3A_573 : memref<32x256xf32, #tpu.memory_space<vmem>>) offsets(%dma_start3A_576 : memref<32xi32, #tpu.memory_space<vmem>>) semaphore(%arg9 : memref<!tpu.dma_semaphore, #tpu.memory_space<semaphore_mem>>)
    %dma_start3A_580 = arith.constant 4 : i32
    %dma_start3A_581 = arith.constant 1 : i32
    %dma_start3A_582 = arith.constant 0 : i32
    %dma_start3A_583 = arith.constant 0 : i32
    %dma_start3A_584 = arith.constant 0 : i32
    %dma_start3A_585 = tpu.memref_slice %arg7[%dma_start3A_581, %dma_start3A_582, %dma_start3A_583, %dma_start3A_584] : memref<3x4x32x256xf32, #tpu.memory_space<vmem>> -> memref<1x1x32x256xf32, #tpu.memory_space<vmem>>
    %dma_start3A_586 = tpu.memref_squeeze %dma_start3A_585 : memref<1x1x32x256xf32, #tpu.memory_space<vmem>> -> memref<32x256xf32, #tpu.memory_space<vmem>>
    %dma_start3A_587 = arith.constant 0 : i32
    %dma_start3A_588 = tpu.memref_slice %arg6[%dma_start3A_580, %dma_start3A_587] : memref<16x32xi32, #tpu.memory_space<vmem>> -> memref<1x32xi32, #tpu.memory_space<vmem>>
    %dma_start3A_589 = tpu.memref_squeeze %dma_start3A_588 : memref<1x32xi32, #tpu.memory_space<vmem>> -> memref<32xi32, #tpu.memory_space<vmem>>
    %dma_start3A_590 = arith.constant 0 : i32
    %dma_start3A_591 = arith.constant 0 : i32
    %dma_start3A_592 = tpu.memref_slice %arg3[%dma_start3A_590, %dma_start3A_591] : memref<131072x256xf32, #tpu.memory_space<hbm>> -> memref<131072x256xf32, #tpu.memory_space<hbm>>
    tpu.enqueue_indirect_dma source(%dma_start3A_592 : memref<131072x256xf32, #tpu.memory_space<hbm>>) target(%dma_start3A_586 : memref<32x256xf32, #tpu.memory_space<vmem>>) offsets(%dma_start3A_589 : memref<32xi32, #tpu.memory_space<vmem>>) semaphore(%arg10 : memref<!tpu.dma_semaphore, #tpu.memory_space<semaphore_mem>>)
    %dma_start3A_593 = arith.constant 5 : i32
    %dma_start3A_594 = arith.constant 1 : i32
    %dma_start3A_595 = arith.constant 1 : i32
    %dma_start3A_596 = arith.constant 0 : i32
    %dma_start3A_597 = arith.constant 0 : i32
    %dma_start3A_598 = tpu.memref_slice %arg7[%dma_start3A_594, %dma_start3A_595, %dma_start3A_596, %dma_start3A_597] : memref<3x4x32x256xf32, #tpu.memory_space<vmem>> -> memref<1x1x32x256xf32, #tpu.memory_space<vmem>>
    %dma_start3A_599 = tpu.memref_squeeze %dma_start3A_598 : memref<1x1x32x256xf32, #tpu.memory_space<vmem>> -> memref<32x256xf32, #tpu.memory_space<vmem>>
    %dma_start3A_600 = arith.constant 0 : i32
    %dma_start3A_601 = tpu.memref_slice %arg6[%dma_start3A_593, %dma_start3A_600] : memref<16x32xi32, #tpu.memory_space<vmem>> -> memref<1x32xi32, #tpu.memory_space<vmem>>
    %dma_start3A_602 = tpu.memref_squeeze %dma_start3A_601 : memref<1x32xi32, #tpu.memory_space<vmem>> -> memref<32xi32, #tpu.memory_space<vmem>>
    %dma_start3A_603 = arith.constant 0 : i32
    %dma_start3A_604 = arith.constant 0 : i32
    %dma_start3A_605 = tpu.memref_slice %arg3[%dma_start3A_603, %dma_start3A_604] : memref<131072x256xf32, #tpu.memory_space<hbm>> -> memref<131072x256xf32, #tpu.memory_space<hbm>>
    tpu.enqueue_indirect_dma source(%dma_start3A_605 : memref<131072x256xf32, #tpu.memory_space<hbm>>) target(%dma_start3A_599 : memref<32x256xf32, #tpu.memory_space<vmem>>) offsets(%dma_start3A_602 : memref<32xi32, #tpu.memory_space<vmem>>) semaphore(%arg10 : memref<!tpu.dma_semaphore, #tpu.memory_space<semaphore_mem>>)
    %dma_start3A_606 = arith.constant 6 : i32
    %dma_start3A_607 = arith.constant 1 : i32
    %dma_start3A_608 = arith.constant 2 : i32
    %dma_start3A_609 = arith.constant 0 : i32
    %dma_start3A_610 = arith.constant 0 : i32
    %dma_start3A_611 = tpu.memref_slice %arg7[%dma_start3A_607, %dma_start3A_608, %dma_start3A_609, %dma_start3A_610] : memref<3x4x32x256xf32, #tpu.memory_space<vmem>> -> memref<1x1x32x256xf32, #tpu.memory_space<vmem>>
    %dma_start3A_612 = tpu.memref_squeeze %dma_start3A_611 : memref<1x1x32x256xf32, #tpu.memory_space<vmem>> -> memref<32x256xf32, #tpu.memory_space<vmem>>
    %dma_start3A_613 = arith.constant 0 : i32
    %dma_start3A_614 = tpu.memref_slice %arg6[%dma_start3A_606, %dma_start3A_613] : memref<16x32xi32, #tpu.memory_space<vmem>> -> memref<1x32xi32, #tpu.memory_space<vmem>>
    %dma_start3A_615 = tpu.memref_squeeze %dma_start3A_614 : memref<1x32xi32, #tpu.memory_space<vmem>> -> memref<32xi32, #tpu.memory_space<vmem>>
    %dma_start3A_616 = arith.constant 0 : i32
    %dma_start3A_617 = arith.constant 0 : i32
    %dma_start3A_618 = tpu.memref_slice %arg3[%dma_start3A_616, %dma_start3A_617] : memref<131072x256xf32, #tpu.memory_space<hbm>> -> memref<131072x256xf32, #tpu.memory_space<hbm>>
    tpu.enqueue_indirect_dma source(%dma_start3A_618 : memref<131072x256xf32, #tpu.memory_space<hbm>>) target(%dma_start3A_612 : memref<32x256xf32, #tpu.memory_space<vmem>>) offsets(%dma_start3A_615 : memref<32xi32, #tpu.memory_space<vmem>>) semaphore(%arg10 : memref<!tpu.dma_semaphore, #tpu.memory_space<semaphore_mem>>)
    %dma_start3A_619 = arith.constant 7 : i32
    %dma_start3A_620 = arith.constant 1 : i32
    %dma_start3A_621 = arith.constant 3 : i32
    %dma_start3A_622 = arith.constant 0 : i32
    %dma_start3A_623 = arith.constant 0 : i32
    %dma_start3A_624 = tpu.memref_slice %arg7[%dma_start3A_620, %dma_start3A_621, %dma_start3A_622, %dma_start3A_623] : memref<3x4x32x256xf32, #tpu.memory_space<vmem>> -> memref<1x1x32x256xf32, #tpu.memory_space<vmem>>
    %dma_start3A_625 = tpu.memref_squeeze %dma_start3A_624 : memref<1x1x32x256xf32, #tpu.memory_space<vmem>> -> memref<32x256xf32, #tpu.memory_space<vmem>>
    %dma_start3A_626 = arith.constant 0 : i32
    %dma_start3A_627 = tpu.memref_slice %arg6[%dma_start3A_619, %dma_start3A_626] : memref<16x32xi32, #tpu.memory_space<vmem>> -> memref<1x32xi32, #tpu.memory_space<vmem>>
    %dma_start3A_628 = tpu.memref_squeeze %dma_start3A_627 : memref<1x32xi32, #tpu.memory_space<vmem>> -> memref<32xi32, #tpu.memory_space<vmem>>
    %dma_start3A_629 = arith.constant 0 : i32
    %dma_start3A_630 = arith.constant 0 : i32
    %dma_start3A_631 = tpu.memref_slice %arg3[%dma_start3A_629, %dma_start3A_630] : memref<131072x256xf32, #tpu.memory_space<hbm>> -> memref<131072x256xf32, #tpu.memory_space<hbm>>
    tpu.enqueue_indirect_dma source(%dma_start3A_631 : memref<131072x256xf32, #tpu.memory_space<hbm>>) target(%dma_start3A_625 : memref<32x256xf32, #tpu.memory_space<vmem>>) offsets(%dma_start3A_628 : memref<32xi32, #tpu.memory_space<vmem>>) semaphore(%arg10 : memref<!tpu.dma_semaphore, #tpu.memory_space<semaphore_mem>>)
    %dma_start3A_632 = arith.constant 8 : i32
    %dma_start3A_633 = arith.constant 2 : i32
    %dma_start3A_634 = arith.constant 0 : i32
    %dma_start3A_635 = arith.constant 0 : i32
    %dma_start3A_636 = arith.constant 0 : i32
    %dma_start3A_637 = tpu.memref_slice %arg7[%dma_start3A_633, %dma_start3A_634, %dma_start3A_635, %dma_start3A_636] : memref<3x4x32x256xf32, #tpu.memory_space<vmem>> -> memref<1x1x32x256xf32, #tpu.memory_space<vmem>>
    %dma_start3A_638 = tpu.memref_squeeze %dma_start3A_637 : memref<1x1x32x256xf32, #tpu.memory_space<vmem>> -> memref<32x256xf32, #tpu.memory_space<vmem>>
    %dma_start3A_639 = arith.constant 0 : i32
    %dma_start3A_640 = tpu.memref_slice %arg6[%dma_start3A_632, %dma_start3A_639] : memref<16x32xi32, #tpu.memory_space<vmem>> -> memref<1x32xi32, #tpu.memory_space<vmem>>
    %dma_start3A_641 = tpu.memref_squeeze %dma_start3A_640 : memref<1x32xi32, #tpu.memory_space<vmem>> -> memref<32xi32, #tpu.memory_space<vmem>>
    %dma_start3A_642 = arith.constant 0 : i32
    %dma_start3A_643 = arith.constant 0 : i32
    %dma_start3A_644 = tpu.memref_slice %arg3[%dma_start3A_642, %dma_start3A_643] : memref<131072x256xf32, #tpu.memory_space<hbm>> -> memref<131072x256xf32, #tpu.memory_space<hbm>>
    tpu.enqueue_indirect_dma source(%dma_start3A_644 : memref<131072x256xf32, #tpu.memory_space<hbm>>) target(%dma_start3A_638 : memref<32x256xf32, #tpu.memory_space<vmem>>) offsets(%dma_start3A_641 : memref<32xi32, #tpu.memory_space<vmem>>) semaphore(%arg11 : memref<!tpu.dma_semaphore, #tpu.memory_space<semaphore_mem>>)
    %dma_start3A_645 = arith.constant 9 : i32
    %dma_start3A_646 = arith.constant 2 : i32
    %dma_start3A_647 = arith.constant 1 : i32
    %dma_start3A_648 = arith.constant 0 : i32
    %dma_start3A_649 = arith.constant 0 : i32
    %dma_start3A_650 = tpu.memref_slice %arg7[%dma_start3A_646, %dma_start3A_647, %dma_start3A_648, %dma_start3A_649] : memref<3x4x32x256xf32, #tpu.memory_space<vmem>> -> memref<1x1x32x256xf32, #tpu.memory_space<vmem>>
    %dma_start3A_651 = tpu.memref_squeeze %dma_start3A_650 : memref<1x1x32x256xf32, #tpu.memory_space<vmem>> -> memref<32x256xf32, #tpu.memory_space<vmem>>
    %dma_start3A_652 = arith.constant 0 : i32
    %dma_start3A_653 = tpu.memref_slice %arg6[%dma_start3A_645, %dma_start3A_652] : memref<16x32xi32, #tpu.memory_space<vmem>> -> memref<1x32xi32, #tpu.memory_space<vmem>>
    %dma_start3A_654 = tpu.memref_squeeze %dma_start3A_653 : memref<1x32xi32, #tpu.memory_space<vmem>> -> memref<32xi32, #tpu.memory_space<vmem>>
    %dma_start3A_655 = arith.constant 0 : i32
    %dma_start3A_656 = arith.constant 0 : i32
    %dma_start3A_657 = tpu.memref_slice %arg3[%dma_start3A_655, %dma_start3A_656] : memref<131072x256xf32, #tpu.memory_space<hbm>> -> memref<131072x256xf32, #tpu.memory_space<hbm>>
    tpu.enqueue_indirect_dma source(%dma_start3A_657 : memref<131072x256xf32, #tpu.memory_space<hbm>>) target(%dma_start3A_651 : memref<32x256xf32, #tpu.memory_space<vmem>>) offsets(%dma_start3A_654 : memref<32xi32, #tpu.memory_space<vmem>>) semaphore(%arg11 : memref<!tpu.dma_semaphore, #tpu.memory_space<semaphore_mem>>)
    %dma_start3A_658 = arith.constant 10 : i32
    %dma_start3A_659 = arith.constant 2 : i32
    %dma_start3A_660 = arith.constant 2 : i32
    %dma_start3A_661 = arith.constant 0 : i32
    %dma_start3A_662 = arith.constant 0 : i32
    %dma_start3A_663 = tpu.memref_slice %arg7[%dma_start3A_659, %dma_start3A_660, %dma_start3A_661, %dma_start3A_662] : memref<3x4x32x256xf32, #tpu.memory_space<vmem>> -> memref<1x1x32x256xf32, #tpu.memory_space<vmem>>
    %dma_start3A_664 = tpu.memref_squeeze %dma_start3A_663 : memref<1x1x32x256xf32, #tpu.memory_space<vmem>> -> memref<32x256xf32, #tpu.memory_space<vmem>>
    %dma_start3A_665 = arith.constant 0 : i32
    %dma_start3A_666 = tpu.memref_slice %arg6[%dma_start3A_658, %dma_start3A_665] : memref<16x32xi32, #tpu.memory_space<vmem>> -> memref<1x32xi32, #tpu.memory_space<vmem>>
    %dma_start3A_667 = tpu.memref_squeeze %dma_start3A_666 : memref<1x32xi32, #tpu.memory_space<vmem>> -> memref<32xi32, #tpu.memory_space<vmem>>
    %dma_start3A_668 = arith.constant 0 : i32
    %dma_start3A_669 = arith.constant 0 : i32
    %dma_start3A_670 = tpu.memref_slice %arg3[%dma_start3A_668, %dma_start3A_669] : memref<131072x256xf32, #tpu.memory_space<hbm>> -> memref<131072x256xf32, #tpu.memory_space<hbm>>
    tpu.enqueue_indirect_dma source(%dma_start3A_670 : memref<131072x256xf32, #tpu.memory_space<hbm>>) target(%dma_start3A_664 : memref<32x256xf32, #tpu.memory_space<vmem>>) offsets(%dma_start3A_667 : memref<32xi32, #tpu.memory_space<vmem>>) semaphore(%arg11 : memref<!tpu.dma_semaphore, #tpu.memory_space<semaphore_mem>>)
    %dma_start3A_671 = arith.constant 11 : i32
    %dma_start3A_672 = arith.constant 2 : i32
    %dma_start3A_673 = arith.constant 3 : i32
    %dma_start3A_674 = arith.constant 0 : i32
    %dma_start3A_675 = arith.constant 0 : i32
    %dma_start3A_676 = tpu.memref_slice %arg7[%dma_start3A_672, %dma_start3A_673, %dma_start3A_674, %dma_start3A_675] : memref<3x4x32x256xf32, #tpu.memory_space<vmem>> -> memref<1x1x32x256xf32, #tpu.memory_space<vmem>>
    %dma_start3A_677 = tpu.memref_squeeze %dma_start3A_676 : memref<1x1x32x256xf32, #tpu.memory_space<vmem>> -> memref<32x256xf32, #tpu.memory_space<vmem>>
    %dma_start3A_678 = arith.constant 0 : i32
    %dma_start3A_679 = tpu.memref_slice %arg6[%dma_start3A_671, %dma_start3A_678] : memref<16x32xi32, #tpu.memory_space<vmem>> -> memref<1x32xi32, #tpu.memory_space<vmem>>
    %dma_start3A_680 = tpu.memref_squeeze %dma_start3A_679 : memref<1x32xi32, #tpu.memory_space<vmem>> -> memref<32xi32, #tpu.memory_space<vmem>>
    %dma_start3A_681 = arith.constant 0 : i32
    %dma_start3A_682 = arith.constant 0 : i32
    %dma_start3A_683 = tpu.memref_slice %arg3[%dma_start3A_681, %dma_start3A_682] : memref<131072x256xf32, #tpu.memory_space<hbm>> -> memref<131072x256xf32, #tpu.memory_space<hbm>>
    tpu.enqueue_indirect_dma source(%dma_start3A_683 : memref<131072x256xf32, #tpu.memory_space<hbm>>) target(%dma_start3A_677 : memref<32x256xf32, #tpu.memory_space<vmem>>) offsets(%dma_start3A_680 : memref<32xi32, #tpu.memory_space<vmem>>) semaphore(%arg11 : memref<!tpu.dma_semaphore, #tpu.memory_space<semaphore_mem>>)
    %dma_wait3A = arith.constant 0 : i32
    %dma_wait3A_684 = arith.constant 0 : i32
    %dma_wait3A_685 = arith.constant 0 : i32
    %dma_wait3A_686 = arith.constant 0 : i32
    %dma_wait3A_687 = arith.constant 0 : i32
    %dma_wait3A_688 = tpu.memref_slice %arg7[%dma_wait3A_684, %dma_wait3A_685, %dma_wait3A_686, %dma_wait3A_687] : memref<3x4x32x256xf32, #tpu.memory_space<vmem>> -> memref<1x1x32x256xf32, #tpu.memory_space<vmem>>
    %dma_wait3A_689 = tpu.memref_squeeze %dma_wait3A_688 : memref<1x1x32x256xf32, #tpu.memory_space<vmem>> -> memref<32x256xf32, #tpu.memory_space<vmem>>
    %dma_wait3A_690 = arith.constant 0 : i32
    %dma_wait3A_691 = tpu.memref_slice %arg6[%dma_wait3A, %dma_wait3A_690] : memref<16x32xi32, #tpu.memory_space<vmem>> -> memref<1x32xi32, #tpu.memory_space<vmem>>
    %dma_wait3A_692 = tpu.memref_squeeze %dma_wait3A_691 : memref<1x32xi32, #tpu.memory_space<vmem>> -> memref<32xi32, #tpu.memory_space<vmem>>
    %dma_wait3A_693 = arith.constant 0 : i32
    %dma_wait3A_694 = arith.constant 0 : i32
    %dma_wait3A_695 = tpu.memref_slice %arg3[%dma_wait3A_693, %dma_wait3A_694] : memref<131072x256xf32, #tpu.memory_space<hbm>> -> memref<131072x256xf32, #tpu.memory_space<hbm>>
    tpu.wait_indirect_dma semaphore(%arg9 : memref<!tpu.dma_semaphore, #tpu.memory_space<semaphore_mem>>) src(%dma_wait3A_695 : memref<131072x256xf32, #tpu.memory_space<hbm>>) dst(%dma_wait3A_689 : memref<32x256xf32, #tpu.memory_space<vmem>>)
    %dma_wait3A_696 = arith.constant 1 : i32
    %dma_wait3A_697 = arith.constant 0 : i32
    %dma_wait3A_698 = arith.constant 1 : i32
    %dma_wait3A_699 = arith.constant 0 : i32
    %dma_wait3A_700 = arith.constant 0 : i32
    %dma_wait3A_701 = tpu.memref_slice %arg7[%dma_wait3A_697, %dma_wait3A_698, %dma_wait3A_699, %dma_wait3A_700] : memref<3x4x32x256xf32, #tpu.memory_space<vmem>> -> memref<1x1x32x256xf32, #tpu.memory_space<vmem>>
    %dma_wait3A_702 = tpu.memref_squeeze %dma_wait3A_701 : memref<1x1x32x256xf32, #tpu.memory_space<vmem>> -> memref<32x256xf32, #tpu.memory_space<vmem>>
    %dma_wait3A_703 = arith.constant 0 : i32
    %dma_wait3A_704 = tpu.memref_slice %arg6[%dma_wait3A_696, %dma_wait3A_703] : memref<16x32xi32, #tpu.memory_space<vmem>> -> memref<1x32xi32, #tpu.memory_space<vmem>>
    %dma_wait3A_705 = tpu.memref_squeeze %dma_wait3A_704 : memref<1x32xi32, #tpu.memory_space<vmem>> -> memref<32xi32, #tpu.memory_space<vmem>>
    %dma_wait3A_706 = arith.constant 0 : i32
    %dma_wait3A_707 = arith.constant 0 : i32
    %dma_wait3A_708 = tpu.memref_slice %arg3[%dma_wait3A_706, %dma_wait3A_707] : memref<131072x256xf32, #tpu.memory_space<hbm>> -> memref<131072x256xf32, #tpu.memory_space<hbm>>
    tpu.wait_indirect_dma semaphore(%arg9 : memref<!tpu.dma_semaphore, #tpu.memory_space<semaphore_mem>>) src(%dma_wait3A_708 : memref<131072x256xf32, #tpu.memory_space<hbm>>) dst(%dma_wait3A_702 : memref<32x256xf32, #tpu.memory_space<vmem>>)
    %dma_wait3A_709 = arith.constant 2 : i32
    %dma_wait3A_710 = arith.constant 0 : i32
    %dma_wait3A_711 = arith.constant 2 : i32
    %dma_wait3A_712 = arith.constant 0 : i32
    %dma_wait3A_713 = arith.constant 0 : i32
    %dma_wait3A_714 = tpu.memref_slice %arg7[%dma_wait3A_710, %dma_wait3A_711, %dma_wait3A_712, %dma_wait3A_713] : memref<3x4x32x256xf32, #tpu.memory_space<vmem>> -> memref<1x1x32x256xf32, #tpu.memory_space<vmem>>
    %dma_wait3A_715 = tpu.memref_squeeze %dma_wait3A_714 : memref<1x1x32x256xf32, #tpu.memory_space<vmem>> -> memref<32x256xf32, #tpu.memory_space<vmem>>
    %dma_wait3A_716 = arith.constant 0 : i32
    %dma_wait3A_717 = tpu.memref_slice %arg6[%dma_wait3A_709, %dma_wait3A_716] : memref<16x32xi32, #tpu.memory_space<vmem>> -> memref<1x32xi32, #tpu.memory_space<vmem>>
    %dma_wait3A_718 = tpu.memref_squeeze %dma_wait3A_717 : memref<1x32xi32, #tpu.memory_space<vmem>> -> memref<32xi32, #tpu.memory_space<vmem>>
    %dma_wait3A_719 = arith.constant 0 : i32
    %dma_wait3A_720 = arith.constant 0 : i32
    %dma_wait3A_721 = tpu.memref_slice %arg3[%dma_wait3A_719, %dma_wait3A_720] : memref<131072x256xf32, #tpu.memory_space<hbm>> -> memref<131072x256xf32, #tpu.memory_space<hbm>>
    tpu.wait_indirect_dma semaphore(%arg9 : memref<!tpu.dma_semaphore, #tpu.memory_space<semaphore_mem>>) src(%dma_wait3A_721 : memref<131072x256xf32, #tpu.memory_space<hbm>>) dst(%dma_wait3A_715 : memref<32x256xf32, #tpu.memory_space<vmem>>)
    %dma_wait3A_722 = arith.constant 3 : i32
    %dma_wait3A_723 = arith.constant 0 : i32
    %dma_wait3A_724 = arith.constant 3 : i32
    %dma_wait3A_725 = arith.constant 0 : i32
    %dma_wait3A_726 = arith.constant 0 : i32
    %dma_wait3A_727 = tpu.memref_slice %arg7[%dma_wait3A_723, %dma_wait3A_724, %dma_wait3A_725, %dma_wait3A_726] : memref<3x4x32x256xf32, #tpu.memory_space<vmem>> -> memref<1x1x32x256xf32, #tpu.memory_space<vmem>>
    %dma_wait3A_728 = tpu.memref_squeeze %dma_wait3A_727 : memref<1x1x32x256xf32, #tpu.memory_space<vmem>> -> memref<32x256xf32, #tpu.memory_space<vmem>>
    %dma_wait3A_729 = arith.constant 0 : i32
    %dma_wait3A_730 = tpu.memref_slice %arg6[%dma_wait3A_722, %dma_wait3A_729] : memref<16x32xi32, #tpu.memory_space<vmem>> -> memref<1x32xi32, #tpu.memory_space<vmem>>
    %dma_wait3A_731 = tpu.memref_squeeze %dma_wait3A_730 : memref<1x32xi32, #tpu.memory_space<vmem>> -> memref<32xi32, #tpu.memory_space<vmem>>
    %dma_wait3A_732 = arith.constant 0 : i32
    %dma_wait3A_733 = arith.constant 0 : i32
    %dma_wait3A_734 = tpu.memref_slice %arg3[%dma_wait3A_732, %dma_wait3A_733] : memref<131072x256xf32, #tpu.memory_space<hbm>> -> memref<131072x256xf32, #tpu.memory_space<hbm>>
    tpu.wait_indirect_dma semaphore(%arg9 : memref<!tpu.dma_semaphore, #tpu.memory_space<semaphore_mem>>) src(%dma_wait3A_734 : memref<131072x256xf32, #tpu.memory_space<hbm>>) dst(%dma_wait3A_728 : memref<32x256xf32, #tpu.memory_space<vmem>>)
    %scan3A = arith.constant 0 : i32
    %scan3A_735 = arith.constant 0 : i32
    %scan3A_736 = arith.constant 32 : i32
    %scan3A_737 = arith.addi %scan3A_735, %scan3A_736 : i32
    %scan3A_738 = arith.constant 1 : i32
    %scan3A_739 = scf.for %scan3A_1102 = %scan3A_735 to %scan3A_737 step %scan3A_738 iter_args(%scan3A_1103 = %scan3A) -> (i32)  : i32 {
      %get3A_1104 = arith.constant 0 : i32
      %get3A_1105 = arith.constant 0 : i32
      %get3A_1106 = arith.index_cast %get3A_1104 : i32 to index
      %get3A_1107 = arith.index_cast %get3A_1105 : i32 to index
      %get3A_1108 = arith.index_cast %scan3A_1102 : i32 to index
      %get3A_1109 = arith.constant 0 : index
      %get3A_1110 = tpu.vector_load %arg7[%get3A_1106, %get3A_1107, %get3A_1108, %get3A_1109] {strides = array<i32>} : memref<3x4x32x256xf32, #tpu.memory_space<vmem>>, vector<16xf32>,
      %get3A_1111 = arith.constant 0 : i32
      %get3A_1112 = arith.constant 1 : i32
      %get3A_1113 = arith.index_cast %get3A_1111 : i32 to index
      %get3A_1114 = arith.index_cast %get3A_1112 : i32 to index
      %get3A_1115 = arith.index_cast %scan3A_1102 : i32 to index
      %get3A_1116 = arith.constant 0 : index
      %get3A_1117 = tpu.vector_load %arg7[%get3A_1113, %get3A_1114, %get3A_1115, %get3A_1116] {strides = array<i32>} : memref<3x4x32x256xf32, #tpu.memory_space<vmem>>, vector<16xf32>,
      %add3A_1118 = arith.addf %get3A_1110, %get3A_1117 : vector<16xf32>
      %get3A_1119 = arith.constant 0 : i32
      %get3A_1120 = arith.constant 2 : i32
      %get3A_1121 = arith.index_cast %get3A_1119 : i32 to index
      %get3A_1122 = arith.index_cast %get3A_1120 : i32 to index
      %get3A_1123 = arith.index_cast %scan3A_1102 : i32 to index
      %get3A_1124 = arith.constant 0 : index
      %get3A_1125 = tpu.vector_load %arg7[%get3A_1121, %get3A_1122, %get3A_1123, %get3A_1124] {strides = array<i32>} : memref<3x4x32x256xf32, #tpu.memory_space<vmem>>, vector<16xf32>,
      %get3A_1126 = arith.constant 0 : i32
      %get3A_1127 = arith.constant 3 : i32
      %get3A_1128 = arith.index_cast %get3A_1126 : i32 to index
      %get3A_1129 = arith.index_cast %get3A_1127 : i32 to index
      %get3A_1130 = arith.index_cast %scan3A_1102 : i32 to index
      %get3A_1131 = arith.constant 0 : index
      %get3A_1132 = tpu.vector_load %arg7[%get3A_1128, %get3A_1129, %get3A_1130, %get3A_1131] {strides = array<i32>} : memref<3x4x32x256xf32, #tpu.memory_space<vmem>>, vector<16xf32>,
      %add3A_1133 = arith.addf %get3A_1125, %get3A_1132 : vector<16xf32>
      %add3A_1134 = arith.addf %add3A_1118, %add3A_1133 : vector<16xf32>
      %mul3A_1135 = arith.constant 2.500000e-01 : f32
      %mul3A_1136 = vector.broadcast %mul3A_1135 : f32 to vector<16xf32>
      %mul3A_1137 = arith.mulf %add3A_1134, %mul3A_1136 : vector<16xf32>
      %swap3A_1138 = arith.constant 0 : i32
      %swap3A_1139 = arith.index_cast %swap3A_1138 : i32 to index
      %swap3A_1140 = arith.index_cast %scan3A_1102 : i32 to index
      %swap3A_1141 = arith.constant 0 : index
      %swap3A_1142 = tpu.vector_load %arg8[%swap3A_1139, %swap3A_1140, %swap3A_1141] {strides = array<i32>} : memref<2x32x256xf32, #tpu.memory_space<vmem>>, vector<16xf32>,
      tpu.vector_store %arg8[%swap3A_1139, %swap3A_1140, %swap3A_1141], %mul3A_1137 {strides = array<i32>} : memref<2x32x256xf32, #tpu.memory_space<vmem>>, vector<16xf32>,
      %get3A_1143 = arith.constant 0 : i32
      %get3A_1144 = arith.constant 0 : i32
      %get3A_1145 = arith.index_cast %get3A_1143 : i32 to index
      %get3A_1146 = arith.index_cast %get3A_1144 : i32 to index
      %get3A_1147 = arith.index_cast %scan3A_1102 : i32 to index
      %get3A_1148 = arith.constant 16 : index
      %get3A_1149 = tpu.vector_load %arg7[%get3A_1145, %get3A_1146, %get3A_1147, %get3A_1148] {strides = array<i32>} : memref<3x4x32x256xf32, #tpu.memory_space<vmem>>, vector<16xf32>,
      %get3A_1150 = arith.constant 0 : i32
      %get3A_1151 = arith.constant 1 : i32
      %get3A_1152 = arith.index_cast %get3A_1150 : i32 to index
      %get3A_1153 = arith.index_cast %get3A_1151 : i32 to index
      %get3A_1154 = arith.index_cast %scan3A_1102 : i32 to index
      %get3A_1155 = arith.constant 16 : index
      %get3A_1156 = tpu.vector_load %arg7[%get3A_1152, %get3A_1153, %get3A_1154, %get3A_1155] {strides = array<i32>} : memref<3x4x32x256xf32, #tpu.memory_space<vmem>>, vector<16xf32>,
      %add3A_1157 = arith.addf %get3A_1149, %get3A_1156 : vector<16xf32>
      %get3A_1158 = arith.constant 0 : i32
      %get3A_1159 = arith.constant 2 : i32
      %get3A_1160 = arith.index_cast %get3A_1158 : i32 to index
      %get3A_1161 = arith.index_cast %get3A_1159 : i32 to index
      %get3A_1162 = arith.index_cast %scan3A_1102 : i32 to index
      %get3A_1163 = arith.constant 16 : index
      %get3A_1164 = tpu.vector_load %arg7[%get3A_1160, %get3A_1161, %get3A_1162, %get3A_1163] {strides = array<i32>} : memref<3x4x32x256xf32, #tpu.memory_space<vmem>>, vector<16xf32>,
      %get3A_1165 = arith.constant 0 : i32
      %get3A_1166 = arith.constant 3 : i32
      %get3A_1167 = arith.index_cast %get3A_1165 : i32 to index
      %get3A_1168 = arith.index_cast %get3A_1166 : i32 to index
      %get3A_1169 = arith.index_cast %scan3A_1102 : i32 to index
      %get3A_1170 = arith.constant 16 : index
      %get3A_1171 = tpu.vector_load %arg7[%get3A_1167, %get3A_1168, %get3A_1169, %get3A_1170] {strides = array<i32>} : memref<3x4x32x256xf32, #tpu.memory_space<vmem>>, vector<16xf32>,
      %add3A_1172 = arith.addf %get3A_1164, %get3A_1171 : vector<16xf32>
      %add3A_1173 = arith.addf %add3A_1157, %add3A_1172 : vector<16xf32>
      %mul3A_1174 = arith.constant 2.500000e-01 : f32
      %mul3A_1175 = vector.broadcast %mul3A_1174 : f32 to vector<16xf32>
      %mul3A_1176 = arith.mulf %add3A_1173, %mul3A_1175 : vector<16xf32>
      %swap3A_1177 = arith.constant 0 : i32
      %swap3A_1178 = arith.index_cast %swap3A_1177 : i32 to index
      %swap3A_1179 = arith.index_cast %scan3A_1102 : i32 to index
      %swap3A_1180 = arith.constant 16 : index
      %swap3A_1181 = tpu.vector_load %arg8[%swap3A_1178, %swap3A_1179, %swap3A_1180] {strides = array<i32>} : memref<2x32x256xf32, #tpu.memory_space<vmem>>, vector<16xf32>,
      tpu.vector_store %arg8[%swap3A_1178, %swap3A_1179, %swap3A_1180], %mul3A_1176 {strides = array<i32>} : memref<2x32x256xf32, #tpu.memory_space<vmem>>, vector<16xf32>,
      %get3A_1182 = arith.constant 0 : i32
      %get3A_1183 = arith.constant 0 : i32
      %get3A_1184 = arith.index_cast %get3A_1182 : i32 to index
      %get3A_1185 = arith.index_cast %get3A_1183 : i32 to index
      %get3A_1186 = arith.index_cast %scan3A_1102 : i32 to index
      %get3A_1187 = arith.constant 32 : index
      %get3A_1188 = tpu.vector_load %arg7[%get3A_1184, %get3A_1185, %get3A_1186, %get3A_1187] {strides = array<i32>} : memref<3x4x32x256xf32, #tpu.memory_space<vmem>>, vector<16xf32>,
      %get3A_1189 = arith.constant 0 : i32
      %get3A_1190 = arith.constant 1 : i32
      %get3A_1191 = arith.index_cast %get3A_1189 : i32 to index
      %get3A_1192 = arith.index_cast %get3A_1190 : i32 to index
      %get3A_1193 = arith.index_cast %scan3A_1102 : i32 to index
      %get3A_1194 = arith.constant 32 : index
      %get3A_1195 = tpu.vector_load %arg7[%get3A_1191, %get3A_1192, %get3A_1193, %get3A_1194] {strides = array<i32>} : memref<3x4x32x256xf32, #tpu.memory_space<vmem>>, vector<16xf32>,
      %add3A_1196 = arith.addf %get3A_1188, %get3A_1195 : vector<16xf32>
      %get3A_1197 = arith.constant 0 : i32
      %get3A_1198 = arith.constant 2 : i32
      %get3A_1199 = arith.index_cast %get3A_1197 : i32 to index
      %get3A_1200 = arith.index_cast %get3A_1198 : i32 to index
      %get3A_1201 = arith.index_cast %scan3A_1102 : i32 to index
      %get3A_1202 = arith.constant 32 : index
      %get3A_1203 = tpu.vector_load %arg7[%get3A_1199, %get3A_1200, %get3A_1201, %get3A_1202] {strides = array<i32>} : memref<3x4x32x256xf32, #tpu.memory_space<vmem>>, vector<16xf32>,
      %get3A_1204 = arith.constant 0 : i32
      %get3A_1205 = arith.constant 3 : i32
      %get3A_1206 = arith.index_cast %get3A_1204 : i32 to index
      %get3A_1207 = arith.index_cast %get3A_1205 : i32 to index
      %get3A_1208 = arith.index_cast %scan3A_1102 : i32 to index
      %get3A_1209 = arith.constant 32 : index
      %get3A_1210 = tpu.vector_load %arg7[%get3A_1206, %get3A_1207, %get3A_1208, %get3A_1209] {strides = array<i32>} : memref<3x4x32x256xf32, #tpu.memory_space<vmem>>, vector<16xf32>,
      %add3A_1211 = arith.addf %get3A_1203, %get3A_1210 : vector<16xf32>
      %add3A_1212 = arith.addf %add3A_1196, %add3A_1211 : vector<16xf32>
      %mul3A_1213 = arith.constant 2.500000e-01 : f32
      %mul3A_1214 = vector.broadcast %mul3A_1213 : f32 to vector<16xf32>
      %mul3A_1215 = arith.mulf %add3A_1212, %mul3A_1214 : vector<16xf32>
      %swap3A_1216 = arith.constant 0 : i32
      %swap3A_1217 = arith.index_cast %swap3A_1216 : i32 to index
      %swap3A_1218 = arith.index_cast %scan3A_1102 : i32 to index
      %swap3A_1219 = arith.constant 32 : index
      %swap3A_1220 = tpu.vector_load %arg8[%swap3A_1217, %swap3A_1218, %swap3A_1219] {strides = array<i32>} : memref<2x32x256xf32, #tpu.memory_space<vmem>>, vector<16xf32>,
      tpu.vector_store %arg8[%swap3A_1217, %swap3A_1218, %swap3A_1219], %mul3A_1215 {strides = array<i32>} : memref<2x32x256xf32, #tpu.memory_space<vmem>>, vector<16xf32>,
      %get3A_1221 = arith.constant 0 : i32
      %get3A_1222 = arith.constant 0 : i32
      %get3A_1223 = arith.index_cast %get3A_1221 : i32 to index
      %get3A_1224 = arith.index_cast %get3A_1222 : i32 to index
      %get3A_1225 = arith.index_cast %scan3A_1102 : i32 to index
      %get3A_1226 = arith.constant 48 : index
      %get3A_1227 = tpu.vector_load %arg7[%get3A_1223, %get3A_1224, %get3A_1225, %get3A_1226] {strides = array<i32>} : memref<3x4x32x256xf32, #tpu.memory_space<vmem>>, vector<16xf32>,
      %get3A_1228 = arith.constant 0 : i32
      %get3A_1229 = arith.constant 1 : i32
      %get3A_1230 = arith.index_cast %get3A_1228 : i32 to index
      %get3A_1231 = arith.index_cast %get3A_1229 : i32 to index
      %get3A_1232 = arith.index_cast %scan3A_1102 : i32 to index
      %get3A_1233 = arith.constant 48 : index
      %get3A_1234 = tpu.vector_load %arg7[%get3A_1230, %get3A_1231, %get3A_1232, %get3A_1233] {strides = array<i32>} : memref<3x4x32x256xf32, #tpu.memory_space<vmem>>, vector<16xf32>,
      %add3A_1235 = arith.addf %get3A_1227, %get3A_1234 : vector<16xf32>
      %get3A_1236 = arith.constant 0 : i32
      %get3A_1237 = arith.constant 2 : i32
      %get3A_1238 = arith.index_cast %get3A_1236 : i32 to index
      %get3A_1239 = arith.index_cast %get3A_1237 : i32 to index
      %get3A_1240 = arith.index_cast %scan3A_1102 : i32 to index
      %get3A_1241 = arith.constant 48 : index
      %get3A_1242 = tpu.vector_load %arg7[%get3A_1238, %get3A_1239, %get3A_1240, %get3A_1241] {strides = array<i32>} : memref<3x4x32x256xf32, #tpu.memory_space<vmem>>, vector<16xf32>,
      %get3A_1243 = arith.constant 0 : i32
      %get3A_1244 = arith.constant 3 : i32
      %get3A_1245 = arith.index_cast %get3A_1243 : i32 to index
      %get3A_1246 = arith.index_cast %get3A_1244 : i32 to index
      %get3A_1247 = arith.index_cast %scan3A_1102 : i32 to index
      %get3A_1248 = arith.constant 48 : index
      %get3A_1249 = tpu.vector_load %arg7[%get3A_1245, %get3A_1246, %get3A_1247, %get3A_1248] {strides = array<i32>} : memref<3x4x32x256xf32, #tpu.memory_space<vmem>>, vector<16xf32>,
      %add3A_1250 = arith.addf %get3A_1242, %get3A_1249 : vector<16xf32>
      %add3A_1251 = arith.addf %add3A_1235, %add3A_1250 : vector<16xf32>
      %mul3A_1252 = arith.constant 2.500000e-01 : f32
      %mul3A_1253 = vector.broadcast %mul3A_1252 : f32 to vector<16xf32>
      %mul3A_1254 = arith.mulf %add3A_1251, %mul3A_1253 : vector<16xf32>
      %swap3A_1255 = arith.constant 0 : i32
      %swap3A_1256 = arith.index_cast %swap3A_1255 : i32 to index
      %swap3A_1257 = arith.index_cast %scan3A_1102 : i32 to index
      %swap3A_1258 = arith.constant 48 : index
      %swap3A_1259 = tpu.vector_load %arg8[%swap3A_1256, %swap3A_1257, %swap3A_1258] {strides = array<i32>} : memref<2x32x256xf32, #tpu.memory_space<vmem>>, vector<16xf32>,
      tpu.vector_store %arg8[%swap3A_1256, %swap3A_1257, %swap3A_1258], %mul3A_1254 {strides = array<i32>} : memref<2x32x256xf32, #tpu.memory_space<vmem>>, vector<16xf32>,
      %get3A_1260 = arith.constant 0 : i32
      %get3A_1261 = arith.constant 0 : i32
      %get3A_1262 = arith.index_cast %get3A_1260 : i32 to index
      %get3A_1263 = arith.index_cast %get3A_1261 : i32 to index
      %get3A_1264 = arith.index_cast %scan3A_1102 : i32 to index
      %get3A_1265 = arith.constant 64 : index
      %get3A_1266 = tpu.vector_load %arg7[%get3A_1262, %get3A_1263, %get3A_1264, %get3A_1265] {strides = array<i32>} : memref<3x4x32x256xf32, #tpu.memory_space<vmem>>, vector<16xf32>,
      %get3A_1267 = arith.constant 0 : i32
      %get3A_1268 = arith.constant 1 : i32
      %get3A_1269 = arith.index_cast %get3A_1267 : i32 to index
      %get3A_1270 = arith.index_cast %get3A_1268 : i32 to index
      %get3A_1271 = arith.index_cast %scan3A_1102 : i32 to index
      %get3A_1272 = arith.constant 64 : index
      %get3A_1273 = tpu.vector_load %arg7[%get3A_1269, %get3A_1270, %get3A_1271, %get3A_1272] {strides = array<i32>} : memref<3x4x32x256xf32, #tpu.memory_space<vmem>>, vector<16xf32>,
      %add3A_1274 = arith.addf %get3A_1266, %get3A_1273 : vector<16xf32>
      %get3A_1275 = arith.constant 0 : i32
      %get3A_1276 = arith.constant 2 : i32
      %get3A_1277 = arith.index_cast %get3A_1275 : i32 to index
      %get3A_1278 = arith.index_cast %get3A_1276 : i32 to index
      %get3A_1279 = arith.index_cast %scan3A_1102 : i32 to index
      %get3A_1280 = arith.constant 64 : index
      %get3A_1281 = tpu.vector_load %arg7[%get3A_1277, %get3A_1278, %get3A_1279, %get3A_1280] {strides = array<i32>} : memref<3x4x32x256xf32, #tpu.memory_space<vmem>>, vector<16xf32>,
      %get3A_1282 = arith.constant 0 : i32
      %get3A_1283 = arith.constant 3 : i32
      %get3A_1284 = arith.index_cast %get3A_1282 : i32 to index
      %get3A_1285 = arith.index_cast %get3A_1283 : i32 to index
      %get3A_1286 = arith.index_cast %scan3A_1102 : i32 to index
      %get3A_1287 = arith.constant 64 : index
      %get3A_1288 = tpu.vector_load %arg7[%get3A_1284, %get3A_1285, %get3A_1286, %get3A_1287] {strides = array<i32>} : memref<3x4x32x256xf32, #tpu.memory_space<vmem>>, vector<16xf32>,
      %add3A_1289 = arith.addf %get3A_1281, %get3A_1288 : vector<16xf32>
      %add3A_1290 = arith.addf %add3A_1274, %add3A_1289 : vector<16xf32>
      %mul3A_1291 = arith.constant 2.500000e-01 : f32
      %mul3A_1292 = vector.broadcast %mul3A_1291 : f32 to vector<16xf32>
      %mul3A_1293 = arith.mulf %add3A_1290, %mul3A_1292 : vector<16xf32>
      %swap3A_1294 = arith.constant 0 : i32
      %swap3A_1295 = arith.index_cast %swap3A_1294 : i32 to index
      %swap3A_1296 = arith.index_cast %scan3A_1102 : i32 to index
      %swap3A_1297 = arith.constant 64 : index
      %swap3A_1298 = tpu.vector_load %arg8[%swap3A_1295, %swap3A_1296, %swap3A_1297] {strides = array<i32>} : memref<2x32x256xf32, #tpu.memory_space<vmem>>, vector<16xf32>,
      tpu.vector_store %arg8[%swap3A_1295, %swap3A_1296, %swap3A_1297], %mul3A_1293 {strides = array<i32>} : memref<2x32x256xf32, #tpu.memory_space<vmem>>, vector<16xf32>,
      %get3A_1299 = arith.constant 0 : i32
      %get3A_1300 = arith.constant 0 : i32
      %get3A_1301 = arith.index_cast %get3A_1299 : i32 to index
      %get3A_1302 = arith.index_cast %get3A_1300 : i32 to index
      %get3A_1303 = arith.index_cast %scan3A_1102 : i32 to index
      %get3A_1304 = arith.constant 80 : index
      %get3A_1305 = tpu.vector_load %arg7[%get3A_1301, %get3A_1302, %get3A_1303, %get3A_1304] {strides = array<i32>} : memref<3x4x32x256xf32, #tpu.memory_space<vmem>>, vector<16xf32>,
      %get3A_1306 = arith.constant 0 : i32
      %get3A_1307 = arith.constant 1 : i32
      %get3A_1308 = arith.index_cast %get3A_1306 : i32 to index
      %get3A_1309 = arith.index_cast %get3A_1307 : i32 to index
      %get3A_1310 = arith.index_cast %scan3A_1102 : i32 to index
      %get3A_1311 = arith.constant 80 : index
      %get3A_1312 = tpu.vector_load %arg7[%get3A_1308, %get3A_1309, %get3A_1310, %get3A_1311] {strides = array<i32>} : memref<3x4x32x256xf32, #tpu.memory_space<vmem>>, vector<16xf32>,
      %add3A_1313 = arith.addf %get3A_1305, %get3A_1312 : vector<16xf32>
      %get3A_1314 = arith.constant 0 : i32
      %get3A_1315 = arith.constant 2 : i32
      %get3A_1316 = arith.index_cast %get3A_1314 : i32 to index
      %get3A_1317 = arith.index_cast %get3A_1315 : i32 to index
      %get3A_1318 = arith.index_cast %scan3A_1102 : i32 to index
      %get3A_1319 = arith.constant 80 : index
      %get3A_1320 = tpu.vector_load %arg7[%get3A_1316, %get3A_1317, %get3A_1318, %get3A_1319] {strides = array<i32>} : memref<3x4x32x256xf32, #tpu.memory_space<vmem>>, vector<16xf32>,
      %get3A_1321 = arith.constant 0 : i32
      %get3A_1322 = arith.constant 3 : i32
      %get3A_1323 = arith.index_cast %get3A_1321 : i32 to index
      %get3A_1324 = arith.index_cast %get3A_1322 : i32 to index
      %get3A_1325 = arith.index_cast %scan3A_1102 : i32 to index
      %get3A_1326 = arith.constant 80 : index
      %get3A_1327 = tpu.vector_load %arg7[%get3A_1323, %get3A_1324, %get3A_1325, %get3A_1326] {strides = array<i32>} : memref<3x4x32x256xf32, #tpu.memory_space<vmem>>, vector<16xf32>,
      %add3A_1328 = arith.addf %get3A_1320, %get3A_1327 : vector<16xf32>
      %add3A_1329 = arith.addf %add3A_1313, %add3A_1328 : vector<16xf32>
      %mul3A_1330 = arith.constant 2.500000e-01 : f32
      %mul3A_1331 = vector.broadcast %mul3A_1330 : f32 to vector<16xf32>
      %mul3A_1332 = arith.mulf %add3A_1329, %mul3A_1331 : vector<16xf32>
      %swap3A_1333 = arith.constant 0 : i32
      %swap3A_1334 = arith.index_cast %swap3A_1333 : i32 to index
      %swap3A_1335 = arith.index_cast %scan3A_1102 : i32 to index
      %swap3A_1336 = arith.constant 80 : index
      %swap3A_1337 = tpu.vector_load %arg8[%swap3A_1334, %swap3A_1335, %swap3A_1336] {strides = array<i32>} : memref<2x32x256xf32, #tpu.memory_space<vmem>>, vector<16xf32>,
      tpu.vector_store %arg8[%swap3A_1334, %swap3A_1335, %swap3A_1336], %mul3A_1332 {strides = array<i32>} : memref<2x32x256xf32, #tpu.memory_space<vmem>>, vector<16xf32>,
      %get3A_1338 = arith.constant 0 : i32
      %get3A_1339 = arith.constant 0 : i32
      %get3A_1340 = arith.index_cast %get3A_1338 : i32 to index
      %get3A_1341 = arith.index_cast %get3A_1339 : i32 to index
      %get3A_1342 = arith.index_cast %scan3A_1102 : i32 to index
      %get3A_1343 = arith.constant 96 : index
      %get3A_1344 = tpu.vector_load %arg7[%get3A_1340, %get3A_1341, %get3A_1342, %get3A_1343] {strides = array<i32>} : memref<3x4x32x256xf32, #tpu.memory_space<vmem>>, vector<16xf32>,
      %get3A_1345 = arith.constant 0 : i32
      %get3A_1346 = arith.constant 1 : i32
      %get3A_1347 = arith.index_cast %get3A_1345 : i32 to index
      %get3A_1348 = arith.index_cast %get3A_1346 : i32 to index
      %get3A_1349 = arith.index_cast %scan3A_1102 : i32 to index
      %get3A_1350 = arith.constant 96 : index
      %get3A_1351 = tpu.vector_load %arg7[%get3A_1347, %get3A_1348, %get3A_1349, %get3A_1350] {strides = array<i32>} : memref<3x4x32x256xf32, #tpu.memory_space<vmem>>, vector<16xf32>,
      %add3A_1352 = arith.addf %get3A_1344, %get3A_1351 : vector<16xf32>
      %get3A_1353 = arith.constant 0 : i32
      %get3A_1354 = arith.constant 2 : i32
      %get3A_1355 = arith.index_cast %get3A_1353 : i32 to index
      %get3A_1356 = arith.index_cast %get3A_1354 : i32 to index
      %get3A_1357 = arith.index_cast %scan3A_1102 : i32 to index
      %get3A_1358 = arith.constant 96 : index
      %get3A_1359 = tpu.vector_load %arg7[%get3A_1355, %get3A_1356, %get3A_1357, %get3A_1358] {strides = array<i32>} : memref<3x4x32x256xf32, #tpu.memory_space<vmem>>, vector<16xf32>,
      %get3A_1360 = arith.constant 0 : i32
      %get3A_1361 = arith.constant 3 : i32
      %get3A_1362 = arith.index_cast %get3A_1360 : i32 to index
      %get3A_1363 = arith.index_cast %get3A_1361 : i32 to index
      %get3A_1364 = arith.index_cast %scan3A_1102 : i32 to index
      %get3A_1365 = arith.constant 96 : index
      %get3A_1366 = tpu.vector_load %arg7[%get3A_1362, %get3A_1363, %get3A_1364, %get3A_1365] {strides = array<i32>} : memref<3x4x32x256xf32, #tpu.memory_space<vmem>>, vector<16xf32>,
      %add3A_1367 = arith.addf %get3A_1359, %get3A_1366 : vector<16xf32>
      %add3A_1368 = arith.addf %add3A_1352, %add3A_1367 : vector<16xf32>
      %mul3A_1369 = arith.constant 2.500000e-01 : f32
      %mul3A_1370 = vector.broadcast %mul3A_1369 : f32 to vector<16xf32>
      %mul3A_1371 = arith.mulf %add3A_1368, %mul3A_1370 : vector<16xf32>
      %swap3A_1372 = arith.constant 0 : i32
      %swap3A_1373 = arith.index_cast %swap3A_1372 : i32 to index
      %swap3A_1374 = arith.index_cast %scan3A_1102 : i32 to index
      %swap3A_1375 = arith.constant 96 : index
      %swap3A_1376 = tpu.vector_load %arg8[%swap3A_1373, %swap3A_1374, %swap3A_1375] {strides = array<i32>} : memref<2x32x256xf32, #tpu.memory_space<vmem>>, vector<16xf32>,
      tpu.vector_store %arg8[%swap3A_1373, %swap3A_1374, %swap3A_1375], %mul3A_1371 {strides = array<i32>} : memref<2x32x256xf32, #tpu.memory_space<vmem>>, vector<16xf32>,
      %get3A_1377 = arith.constant 0 : i32
      %get3A_1378 = arith.constant 0 : i32
      %get3A_1379 = arith.index_cast %get3A_1377 : i32 to index
      %get3A_1380 = arith.index_cast %get3A_1378 : i32 to index
      %get3A_1381 = arith.index_cast %scan3A_1102 : i32 to index
      %get3A_1382 = arith.constant 112 : index
      %get3A_1383 = tpu.vector_load %arg7[%get3A_1379, %get3A_1380, %get3A_1381, %get3A_1382] {strides = array<i32>} : memref<3x4x32x256xf32, #tpu.memory_space<vmem>>, vector<16xf32>,
      %get3A_1384 = arith.constant 0 : i32
      %get3A_1385 = arith.constant 1 : i32
      %get3A_1386 = arith.index_cast %get3A_1384 : i32 to index
      %get3A_1387 = arith.index_cast %get3A_1385 : i32 to index
      %get3A_1388 = arith.index_cast %scan3A_1102 : i32 to index
      %get3A_1389 = arith.constant 112 : index
      %get3A_1390 = tpu.vector_load %arg7[%get3A_1386, %get3A_1387, %get3A_1388, %get3A_1389] {strides = array<i32>} : memref<3x4x32x256xf32, #tpu.memory_space<vmem>>, vector<16xf32>,
      %add3A_1391 = arith.addf %get3A_1383, %get3A_1390 : vector<16xf32>
      %get3A_1392 = arith.constant 0 : i32
      %get3A_1393 = arith.constant 2 : i32
      %get3A_1394 = arith.index_cast %get3A_1392 : i32 to index
      %get3A_1395 = arith.index_cast %get3A_1393 : i32 to index
      %get3A_1396 = arith.index_cast %scan3A_1102 : i32 to index
      %get3A_1397 = arith.constant 112 : index
      %get3A_1398 = tpu.vector_load %arg7[%get3A_1394, %get3A_1395, %get3A_1396, %get3A_1397] {strides = array<i32>} : memref<3x4x32x256xf32, #tpu.memory_space<vmem>>, vector<16xf32>,
      %get3A_1399 = arith.constant 0 : i32
      %get3A_1400 = arith.constant 3 : i32
      %get3A_1401 = arith.index_cast %get3A_1399 : i32 to index
      %get3A_1402 = arith.index_cast %get3A_1400 : i32 to index
      %get3A_1403 = arith.index_cast %scan3A_1102 : i32 to index
      %get3A_1404 = arith.constant 112 : index
      %get3A_1405 = tpu.vector_load %arg7[%get3A_1401, %get3A_1402, %get3A_1403, %get3A_1404] {strides = array<i32>} : memref<3x4x32x256xf32, #tpu.memory_space<vmem>>, vector<16xf32>,
      %add3A_1406 = arith.addf %get3A_1398, %get3A_1405 : vector<16xf32>
      %add3A_1407 = arith.addf %add3A_1391, %add3A_1406 : vector<16xf32>
      %mul3A_1408 = arith.constant 2.500000e-01 : f32
      %mul3A_1409 = vector.broadcast %mul3A_1408 : f32 to vector<16xf32>
      %mul3A_1410 = arith.mulf %add3A_1407, %mul3A_1409 : vector<16xf32>
      %swap3A_1411 = arith.constant 0 : i32
      %swap3A_1412 = arith.index_cast %swap3A_1411 : i32 to index
      %swap3A_1413 = arith.index_cast %scan3A_1102 : i32 to index
      %swap3A_1414 = arith.constant 112 : index
      %swap3A_1415 = tpu.vector_load %arg8[%swap3A_1412, %swap3A_1413, %swap3A_1414] {strides = array<i32>} : memref<2x32x256xf32, #tpu.memory_space<vmem>>, vector<16xf32>,
      tpu.vector_store %arg8[%swap3A_1412, %swap3A_1413, %swap3A_1414], %mul3A_1410 {strides = array<i32>} : memref<2x32x256xf32, #tpu.memory_space<vmem>>, vector<16xf32>,
      %get3A_1416 = arith.constant 0 : i32
      %get3A_1417 = arith.constant 0 : i32
      %get3A_1418 = arith.index_cast %get3A_1416 : i32 to index
      %get3A_1419 = arith.index_cast %get3A_1417 : i32 to index
      %get3A_1420 = arith.index_cast %scan3A_1102 : i32 to index
      %get3A_1421 = arith.constant 128 : index
      %get3A_1422 = tpu.vector_load %arg7[%get3A_1418, %get3A_1419, %get3A_1420, %get3A_1421] {strides = array<i32>} : memref<3x4x32x256xf32, #tpu.memory_space<vmem>>, vector<16xf32>,
      %get3A_1423 = arith.constant 0 : i32
      %get3A_1424 = arith.constant 1 : i32
      %get3A_1425 = arith.index_cast %get3A_1423 : i32 to index
      %get3A_1426 = arith.index_cast %get3A_1424 : i32 to index
      %get3A_1427 = arith.index_cast %scan3A_1102 : i32 to index
      %get3A_1428 = arith.constant 128 : index
      %get3A_1429 = tpu.vector_load %arg7[%get3A_1425, %get3A_1426, %get3A_1427, %get3A_1428] {strides = array<i32>} : memref<3x4x32x256xf32, #tpu.memory_space<vmem>>, vector<16xf32>,
      %add3A_1430 = arith.addf %get3A_1422, %get3A_1429 : vector<16xf32>
      %get3A_1431 = arith.constant 0 : i32
      %get3A_1432 = arith.constant 2 : i32
      %get3A_1433 = arith.index_cast %get3A_1431 : i32 to index
      %get3A_1434 = arith.index_cast %get3A_1432 : i32 to index
      %get3A_1435 = arith.index_cast %scan3A_1102 : i32 to index
      %get3A_1436 = arith.constant 128 : index
      %get3A_1437 = tpu.vector_load %arg7[%get3A_1433, %get3A_1434, %get3A_1435, %get3A_1436] {strides = array<i32>} : memref<3x4x32x256xf32, #tpu.memory_space<vmem>>, vector<16xf32>,
      %get3A_1438 = arith.constant 0 : i32
      %get3A_1439 = arith.constant 3 : i32
      %get3A_1440 = arith.index_cast %get3A_1438 : i32 to index
      %get3A_1441 = arith.index_cast %get3A_1439 : i32 to index
      %get3A_1442 = arith.index_cast %scan3A_1102 : i32 to index
      %get3A_1443 = arith.constant 128 : index
      %get3A_1444 = tpu.vector_load %arg7[%get3A_1440, %get3A_1441, %get3A_1442, %get3A_1443] {strides = array<i32>} : memref<3x4x32x256xf32, #tpu.memory_space<vmem>>, vector<16xf32>,
      %add3A_1445 = arith.addf %get3A_1437, %get3A_1444 : vector<16xf32>
      %add3A_1446 = arith.addf %add3A_1430, %add3A_1445 : vector<16xf32>
      %mul3A_1447 = arith.constant 2.500000e-01 : f32
      %mul3A_1448 = vector.broadcast %mul3A_1447 : f32 to vector<16xf32>
      %mul3A_1449 = arith.mulf %add3A_1446, %mul3A_1448 : vector<16xf32>
      %swap3A_1450 = arith.constant 0 : i32
      %swap3A_1451 = arith.index_cast %swap3A_1450 : i32 to index
      %swap3A_1452 = arith.index_cast %scan3A_1102 : i32 to index
      %swap3A_1453 = arith.constant 128 : index
      %swap3A_1454 = tpu.vector_load %arg8[%swap3A_1451, %swap3A_1452, %swap3A_1453] {strides = array<i32>} : memref<2x32x256xf32, #tpu.memory_space<vmem>>, vector<16xf32>,
      tpu.vector_store %arg8[%swap3A_1451, %swap3A_1452, %swap3A_1453], %mul3A_1449 {strides = array<i32>} : memref<2x32x256xf32, #tpu.memory_space<vmem>>, vector<16xf32>,
      %get3A_1455 = arith.constant 0 : i32
      %get3A_1456 = arith.constant 0 : i32
      %get3A_1457 = arith.index_cast %get3A_1455 : i32 to index
      %get3A_1458 = arith.index_cast %get3A_1456 : i32 to index
      %get3A_1459 = arith.index_cast %scan3A_1102 : i32 to index
      %get3A_1460 = arith.constant 144 : index
      %get3A_1461 = tpu.vector_load %arg7[%get3A_1457, %get3A_1458, %get3A_1459, %get3A_1460] {strides = array<i32>} : memref<3x4x32x256xf32, #tpu.memory_space<vmem>>, vector<16xf32>,
      %get3A_1462 = arith.constant 0 : i32
      %get3A_1463 = arith.constant 1 : i32
      %get3A_1464 = arith.index_cast %get3A_1462 : i32 to index
      %get3A_1465 = arith.index_cast %get3A_1463 : i32 to index
      %get3A_1466 = arith.index_cast %scan3A_1102 : i32 to index
      %get3A_1467 = arith.constant 144 : index
      %get3A_1468 = tpu.vector_load %arg7[%get3A_1464, %get3A_1465, %get3A_1466, %get3A_1467] {strides = array<i32>} : memref<3x4x32x256xf32, #tpu.memory_space<vmem>>, vector<16xf32>,
      %add3A_1469 = arith.addf %get3A_1461, %get3A_1468 : vector<16xf32>
      %get3A_1470 = arith.constant 0 : i32
      %get3A_1471 = arith.constant 2 : i32
      %get3A_1472 = arith.index_cast %get3A_1470 : i32 to index
      %get3A_1473 = arith.index_cast %get3A_1471 : i32 to index
      %get3A_1474 = arith.index_cast %scan3A_1102 : i32 to index
      %get3A_1475 = arith.constant 144 : index
      %get3A_1476 = tpu.vector_load %arg7[%get3A_1472, %get3A_1473, %get3A_1474, %get3A_1475] {strides = array<i32>} : memref<3x4x32x256xf32, #tpu.memory_space<vmem>>, vector<16xf32>,
      %get3A_1477 = arith.constant 0 : i32
      %get3A_1478 = arith.constant 3 : i32
      %get3A_1479 = arith.index_cast %get3A_1477 : i32 to index
      %get3A_1480 = arith.index_cast %get3A_1478 : i32 to index
      %get3A_1481 = arith.index_cast %scan3A_1102 : i32 to index
      %get3A_1482 = arith.constant 144 : index
      %get3A_1483 = tpu.vector_load %arg7[%get3A_1479, %get3A_1480, %get3A_1481, %get3A_1482] {strides = array<i32>} : memref<3x4x32x256xf32, #tpu.memory_space<vmem>>, vector<16xf32>,
      %add3A_1484 = arith.addf %get3A_1476, %get3A_1483 : vector<16xf32>
      %add3A_1485 = arith.addf %add3A_1469, %add3A_1484 : vector<16xf32>
      %mul3A_1486 = arith.constant 2.500000e-01 : f32
      %mul3A_1487 = vector.broadcast %mul3A_1486 : f32 to vector<16xf32>
      %mul3A_1488 = arith.mulf %add3A_1485, %mul3A_1487 : vector<16xf32>
      %swap3A_1489 = arith.constant 0 : i32
      %swap3A_1490 = arith.index_cast %swap3A_1489 : i32 to index
      %swap3A_1491 = arith.index_cast %scan3A_1102 : i32 to index
      %swap3A_1492 = arith.constant 144 : index
      %swap3A_1493 = tpu.vector_load %arg8[%swap3A_1490, %swap3A_1491, %swap3A_1492] {strides = array<i32>} : memref<2x32x256xf32, #tpu.memory_space<vmem>>, vector<16xf32>,
      tpu.vector_store %arg8[%swap3A_1490, %swap3A_1491, %swap3A_1492], %mul3A_1488 {strides = array<i32>} : memref<2x32x256xf32, #tpu.memory_space<vmem>>, vector<16xf32>,
      %get3A_1494 = arith.constant 0 : i32
      %get3A_1495 = arith.constant 0 : i32
      %get3A_1496 = arith.index_cast %get3A_1494 : i32 to index
      %get3A_1497 = arith.index_cast %get3A_1495 : i32 to index
      %get3A_1498 = arith.index_cast %scan3A_1102 : i32 to index
      %get3A_1499 = arith.constant 160 : index
      %get3A_1500 = tpu.vector_load %arg7[%get3A_1496, %get3A_1497, %get3A_1498, %get3A_1499] {strides = array<i32>} : memref<3x4x32x256xf32, #tpu.memory_space<vmem>>, vector<16xf32>,
      %get3A_1501 = arith.constant 0 : i32
      %get3A_1502 = arith.constant 1 : i32
      %get3A_1503 = arith.index_cast %get3A_1501 : i32 to index
      %get3A_1504 = arith.index_cast %get3A_1502 : i32 to index
      %get3A_1505 = arith.index_cast %scan3A_1102 : i32 to index
      %get3A_1506 = arith.constant 160 : index
      %get3A_1507 = tpu.vector_load %arg7[%get3A_1503, %get3A_1504, %get3A_1505, %get3A_1506] {strides = array<i32>} : memref<3x4x32x256xf32, #tpu.memory_space<vmem>>, vector<16xf32>,
      %add3A_1508 = arith.addf %get3A_1500, %get3A_1507 : vector<16xf32>
      %get3A_1509 = arith.constant 0 : i32
      %get3A_1510 = arith.constant 2 : i32
      %get3A_1511 = arith.index_cast %get3A_1509 : i32 to index
      %get3A_1512 = arith.index_cast %get3A_1510 : i32 to index
      %get3A_1513 = arith.index_cast %scan3A_1102 : i32 to index
      %get3A_1514 = arith.constant 160 : index
      %get3A_1515 = tpu.vector_load %arg7[%get3A_1511, %get3A_1512, %get3A_1513, %get3A_1514] {strides = array<i32>} : memref<3x4x32x256xf32, #tpu.memory_space<vmem>>, vector<16xf32>,
      %get3A_1516 = arith.constant 0 : i32
      %get3A_1517 = arith.constant 3 : i32
      %get3A_1518 = arith.index_cast %get3A_1516 : i32 to index
      %get3A_1519 = arith.index_cast %get3A_1517 : i32 to index
      %get3A_1520 = arith.index_cast %scan3A_1102 : i32 to index
      %get3A_1521 = arith.constant 160 : index
      %get3A_1522 = tpu.vector_load %arg7[%get3A_1518, %get3A_1519, %get3A_1520, %get3A_1521] {strides = array<i32>} : memref<3x4x32x256xf32, #tpu.memory_space<vmem>>, vector<16xf32>,
      %add3A_1523 = arith.addf %get3A_1515, %get3A_1522 : vector<16xf32>
      %add3A_1524 = arith.addf %add3A_1508, %add3A_1523 : vector<16xf32>
      %mul3A_1525 = arith.constant 2.500000e-01 : f32
      %mul3A_1526 = vector.broadcast %mul3A_1525 : f32 to vector<16xf32>
      %mul3A_1527 = arith.mulf %add3A_1524, %mul3A_1526 : vector<16xf32>
      %swap3A_1528 = arith.constant 0 : i32
      %swap3A_1529 = arith.index_cast %swap3A_1528 : i32 to index
      %swap3A_1530 = arith.index_cast %scan3A_1102 : i32 to index
      %swap3A_1531 = arith.constant 160 : index
      %swap3A_1532 = tpu.vector_load %arg8[%swap3A_1529, %swap3A_1530, %swap3A_1531] {strides = array<i32>} : memref<2x32x256xf32, #tpu.memory_space<vmem>>, vector<16xf32>,
      tpu.vector_store %arg8[%swap3A_1529, %swap3A_1530, %swap3A_1531], %mul3A_1527 {strides = array<i32>} : memref<2x32x256xf32, #tpu.memory_space<vmem>>, vector<16xf32>,
      %get3A_1533 = arith.constant 0 : i32
      %get3A_1534 = arith.constant 0 : i32
      %get3A_1535 = arith.index_cast %get3A_1533 : i32 to index
      %get3A_1536 = arith.index_cast %get3A_1534 : i32 to index
      %get3A_1537 = arith.index_cast %scan3A_1102 : i32 to index
      %get3A_1538 = arith.constant 176 : index
      %get3A_1539 = tpu.vector_load %arg7[%get3A_1535, %get3A_1536, %get3A_1537, %get3A_1538] {strides = array<i32>} : memref<3x4x32x256xf32, #tpu.memory_space<vmem>>, vector<16xf32>,
      %get3A_1540 = arith.constant 0 : i32
      %get3A_1541 = arith.constant 1 : i32
      %get3A_1542 = arith.index_cast %get3A_1540 : i32 to index
      %get3A_1543 = arith.index_cast %get3A_1541 : i32 to index
      %get3A_1544 = arith.index_cast %scan3A_1102 : i32 to index
      %get3A_1545 = arith.constant 176 : index
      %get3A_1546 = tpu.vector_load %arg7[%get3A_1542, %get3A_1543, %get3A_1544, %get3A_1545] {strides = array<i32>} : memref<3x4x32x256xf32, #tpu.memory_space<vmem>>, vector<16xf32>,
      %add3A_1547 = arith.addf %get3A_1539, %get3A_1546 : vector<16xf32>
      %get3A_1548 = arith.constant 0 : i32
      %get3A_1549 = arith.constant 2 : i32
      %get3A_1550 = arith.index_cast %get3A_1548 : i32 to index
      %get3A_1551 = arith.index_cast %get3A_1549 : i32 to index
      %get3A_1552 = arith.index_cast %scan3A_1102 : i32 to index
      %get3A_1553 = arith.constant 176 : index
      %get3A_1554 = tpu.vector_load %arg7[%get3A_1550, %get3A_1551, %get3A_1552, %get3A_1553] {strides = array<i32>} : memref<3x4x32x256xf32, #tpu.memory_space<vmem>>, vector<16xf32>,
      %get3A_1555 = arith.constant 0 : i32
      %get3A_1556 = arith.constant 3 : i32
      %get3A_1557 = arith.index_cast %get3A_1555 : i32 to index
      %get3A_1558 = arith.index_cast %get3A_1556 : i32 to index
      %get3A_1559 = arith.index_cast %scan3A_1102 : i32 to index
      %get3A_1560 = arith.constant 176 : index
      %get3A_1561 = tpu.vector_load %arg7[%get3A_1557, %get3A_1558, %get3A_1559, %get3A_1560] {strides = array<i32>} : memref<3x4x32x256xf32, #tpu.memory_space<vmem>>, vector<16xf32>,
      %add3A_1562 = arith.addf %get3A_1554, %get3A_1561 : vector<16xf32>
      %add3A_1563 = arith.addf %add3A_1547, %add3A_1562 : vector<16xf32>
      %mul3A_1564 = arith.constant 2.500000e-01 : f32
      %mul3A_1565 = vector.broadcast %mul3A_1564 : f32 to vector<16xf32>
      %mul3A_1566 = arith.mulf %add3A_1563, %mul3A_1565 : vector<16xf32>
      %swap3A_1567 = arith.constant 0 : i32
      %swap3A_1568 = arith.index_cast %swap3A_1567 : i32 to index
      %swap3A_1569 = arith.index_cast %scan3A_1102 : i32 to index
      %swap3A_1570 = arith.constant 176 : index
      %swap3A_1571 = tpu.vector_load %arg8[%swap3A_1568, %swap3A_1569, %swap3A_1570] {strides = array<i32>} : memref<2x32x256xf32, #tpu.memory_space<vmem>>, vector<16xf32>,
      tpu.vector_store %arg8[%swap3A_1568, %swap3A_1569, %swap3A_1570], %mul3A_1566 {strides = array<i32>} : memref<2x32x256xf32, #tpu.memory_space<vmem>>, vector<16xf32>,
      %get3A_1572 = arith.constant 0 : i32
      %get3A_1573 = arith.constant 0 : i32
      %get3A_1574 = arith.index_cast %get3A_1572 : i32 to index
      %get3A_1575 = arith.index_cast %get3A_1573 : i32 to index
      %get3A_1576 = arith.index_cast %scan3A_1102 : i32 to index
      %get3A_1577 = arith.constant 192 : index
      %get3A_1578 = tpu.vector_load %arg7[%get3A_1574, %get3A_1575, %get3A_1576, %get3A_1577] {strides = array<i32>} : memref<3x4x32x256xf32, #tpu.memory_space<vmem>>, vector<16xf32>,
      %get3A_1579 = arith.constant 0 : i32
      %get3A_1580 = arith.constant 1 : i32
      %get3A_1581 = arith.index_cast %get3A_1579 : i32 to index
      %get3A_1582 = arith.index_cast %get3A_1580 : i32 to index
      %get3A_1583 = arith.index_cast %scan3A_1102 : i32 to index
      %get3A_1584 = arith.constant 192 : index
      %get3A_1585 = tpu.vector_load %arg7[%get3A_1581, %get3A_1582, %get3A_1583, %get3A_1584] {strides = array<i32>} : memref<3x4x32x256xf32, #tpu.memory_space<vmem>>, vector<16xf32>,
      %add3A_1586 = arith.addf %get3A_1578, %get3A_1585 : vector<16xf32>
      %get3A_1587 = arith.constant 0 : i32
      %get3A_1588 = arith.constant 2 : i32
      %get3A_1589 = arith.index_cast %get3A_1587 : i32 to index
      %get3A_1590 = arith.index_cast %get3A_1588 : i32 to index
      %get3A_1591 = arith.index_cast %scan3A_1102 : i32 to index
      %get3A_1592 = arith.constant 192 : index
      %get3A_1593 = tpu.vector_load %arg7[%get3A_1589, %get3A_1590, %get3A_1591, %get3A_1592] {strides = array<i32>} : memref<3x4x32x256xf32, #tpu.memory_space<vmem>>, vector<16xf32>,
      %get3A_1594 = arith.constant 0 : i32
      %get3A_1595 = arith.constant 3 : i32
      %get3A_1596 = arith.index_cast %get3A_1594 : i32 to index
      %get3A_1597 = arith.index_cast %get3A_1595 : i32 to index
      %get3A_1598 = arith.index_cast %scan3A_1102 : i32 to index
      %get3A_1599 = arith.constant 192 : index
      %get3A_1600 = tpu.vector_load %arg7[%get3A_1596, %get3A_1597, %get3A_1598, %get3A_1599] {strides = array<i32>} : memref<3x4x32x256xf32, #tpu.memory_space<vmem>>, vector<16xf32>,
      %add3A_1601 = arith.addf %get3A_1593, %get3A_1600 : vector<16xf32>
      %add3A_1602 = arith.addf %add3A_1586, %add3A_1601 : vector<16xf32>
      %mul3A_1603 = arith.constant 2.500000e-01 : f32
      %mul3A_1604 = vector.broadcast %mul3A_1603 : f32 to vector<16xf32>
      %mul3A_1605 = arith.mulf %add3A_1602, %mul3A_1604 : vector<16xf32>
      %swap3A_1606 = arith.constant 0 : i32
      %swap3A_1607 = arith.index_cast %swap3A_1606 : i32 to index
      %swap3A_1608 = arith.index_cast %scan3A_1102 : i32 to index
      %swap3A_1609 = arith.constant 192 : index
      %swap3A_1610 = tpu.vector_load %arg8[%swap3A_1607, %swap3A_1608, %swap3A_1609] {strides = array<i32>} : memref<2x32x256xf32, #tpu.memory_space<vmem>>, vector<16xf32>,
      tpu.vector_store %arg8[%swap3A_1607, %swap3A_1608, %swap3A_1609], %mul3A_1605 {strides = array<i32>} : memref<2x32x256xf32, #tpu.memory_space<vmem>>, vector<16xf32>,
      %get3A_1611 = arith.constant 0 : i32
      %get3A_1612 = arith.constant 0 : i32
      %get3A_1613 = arith.index_cast %get3A_1611 : i32 to index
      %get3A_1614 = arith.index_cast %get3A_1612 : i32 to index
      %get3A_1615 = arith.index_cast %scan3A_1102 : i32 to index
      %get3A_1616 = arith.constant 208 : index
      %get3A_1617 = tpu.vector_load %arg7[%get3A_1613, %get3A_1614, %get3A_1615, %get3A_1616] {strides = array<i32>} : memref<3x4x32x256xf32, #tpu.memory_space<vmem>>, vector<16xf32>,
      %get3A_1618 = arith.constant 0 : i32
      %get3A_1619 = arith.constant 1 : i32
      %get3A_1620 = arith.index_cast %get3A_1618 : i32 to index
      %get3A_1621 = arith.index_cast %get3A_1619 : i32 to index
      %get3A_1622 = arith.index_cast %scan3A_1102 : i32 to index
      %get3A_1623 = arith.constant 208 : index
      %get3A_1624 = tpu.vector_load %arg7[%get3A_1620, %get3A_1621, %get3A_1622, %get3A_1623] {strides = array<i32>} : memref<3x4x32x256xf32, #tpu.memory_space<vmem>>, vector<16xf32>,
      %add3A_1625 = arith.addf %get3A_1617, %get3A_1624 : vector<16xf32>
      %get3A_1626 = arith.constant 0 : i32
      %get3A_1627 = arith.constant 2 : i32
      %get3A_1628 = arith.index_cast %get3A_1626 : i32 to index
      %get3A_1629 = arith.index_cast %get3A_1627 : i32 to index
      %get3A_1630 = arith.index_cast %scan3A_1102 : i32 to index
      %get3A_1631 = arith.constant 208 : index
      %get3A_1632 = tpu.vector_load %arg7[%get3A_1628, %get3A_1629, %get3A_1630, %get3A_1631] {strides = array<i32>} : memref<3x4x32x256xf32, #tpu.memory_space<vmem>>, vector<16xf32>,
      %get3A_1633 = arith.constant 0 : i32
      %get3A_1634 = arith.constant 3 : i32
      %get3A_1635 = arith.index_cast %get3A_1633 : i32 to index
      %get3A_1636 = arith.index_cast %get3A_1634 : i32 to index
      %get3A_1637 = arith.index_cast %scan3A_1102 : i32 to index
      %get3A_1638 = arith.constant 208 : index
      %get3A_1639 = tpu.vector_load %arg7[%get3A_1635, %get3A_1636, %get3A_1637, %get3A_1638] {strides = array<i32>} : memref<3x4x32x256xf32, #tpu.memory_space<vmem>>, vector<16xf32>,
      %add3A_1640 = arith.addf %get3A_1632, %get3A_1639 : vector<16xf32>
      %add3A_1641 = arith.addf %add3A_1625, %add3A_1640 : vector<16xf32>
      %mul3A_1642 = arith.constant 2.500000e-01 : f32
      %mul3A_1643 = vector.broadcast %mul3A_1642 : f32 to vector<16xf32>
      %mul3A_1644 = arith.mulf %add3A_1641, %mul3A_1643 : vector<16xf32>
      %swap3A_1645 = arith.constant 0 : i32
      %swap3A_1646 = arith.index_cast %swap3A_1645 : i32 to index
      %swap3A_1647 = arith.index_cast %scan3A_1102 : i32 to index
      %swap3A_1648 = arith.constant 208 : index
      %swap3A_1649 = tpu.vector_load %arg8[%swap3A_1646, %swap3A_1647, %swap3A_1648] {strides = array<i32>} : memref<2x32x256xf32, #tpu.memory_space<vmem>>, vector<16xf32>,
      tpu.vector_store %arg8[%swap3A_1646, %swap3A_1647, %swap3A_1648], %mul3A_1644 {strides = array<i32>} : memref<2x32x256xf32, #tpu.memory_space<vmem>>, vector<16xf32>,
      %get3A_1650 = arith.constant 0 : i32
      %get3A_1651 = arith.constant 0 : i32
      %get3A_1652 = arith.index_cast %get3A_1650 : i32 to index
      %get3A_1653 = arith.index_cast %get3A_1651 : i32 to index
      %get3A_1654 = arith.index_cast %scan3A_1102 : i32 to index
      %get3A_1655 = arith.constant 224 : index
      %get3A_1656 = tpu.vector_load %arg7[%get3A_1652, %get3A_1653, %get3A_1654, %get3A_1655] {strides = array<i32>} : memref<3x4x32x256xf32, #tpu.memory_space<vmem>>, vector<16xf32>,
      %get3A_1657 = arith.constant 0 : i32
      %get3A_1658 = arith.constant 1 : i32
      %get3A_1659 = arith.index_cast %get3A_1657 : i32 to index
      %get3A_1660 = arith.index_cast %get3A_1658 : i32 to index
      %get3A_1661 = arith.index_cast %scan3A_1102 : i32 to index
      %get3A_1662 = arith.constant 224 : index
      %get3A_1663 = tpu.vector_load %arg7[%get3A_1659, %get3A_1660, %get3A_1661, %get3A_1662] {strides = array<i32>} : memref<3x4x32x256xf32, #tpu.memory_space<vmem>>, vector<16xf32>,
      %add3A_1664 = arith.addf %get3A_1656, %get3A_1663 : vector<16xf32>
      %get3A_1665 = arith.constant 0 : i32
      %get3A_1666 = arith.constant 2 : i32
      %get3A_1667 = arith.index_cast %get3A_1665 : i32 to index
      %get3A_1668 = arith.index_cast %get3A_1666 : i32 to index
      %get3A_1669 = arith.index_cast %scan3A_1102 : i32 to index
      %get3A_1670 = arith.constant 224 : index
      %get3A_1671 = tpu.vector_load %arg7[%get3A_1667, %get3A_1668, %get3A_1669, %get3A_1670] {strides = array<i32>} : memref<3x4x32x256xf32, #tpu.memory_space<vmem>>, vector<16xf32>,
      %get3A_1672 = arith.constant 0 : i32
      %get3A_1673 = arith.constant 3 : i32
      %get3A_1674 = arith.index_cast %get3A_1672 : i32 to index
      %get3A_1675 = arith.index_cast %get3A_1673 : i32 to index
      %get3A_1676 = arith.index_cast %scan3A_1102 : i32 to index
      %get3A_1677 = arith.constant 224 : index
      %get3A_1678 = tpu.vector_load %arg7[%get3A_1674, %get3A_1675, %get3A_1676, %get3A_1677] {strides = array<i32>} : memref<3x4x32x256xf32, #tpu.memory_space<vmem>>, vector<16xf32>,
      %add3A_1679 = arith.addf %get3A_1671, %get3A_1678 : vector<16xf32>
      %add3A_1680 = arith.addf %add3A_1664, %add3A_1679 : vector<16xf32>
      %mul3A_1681 = arith.constant 2.500000e-01 : f32
      %mul3A_1682 = vector.broadcast %mul3A_1681 : f32 to vector<16xf32>
      %mul3A_1683 = arith.mulf %add3A_1680, %mul3A_1682 : vector<16xf32>
      %swap3A_1684 = arith.constant 0 : i32
      %swap3A_1685 = arith.index_cast %swap3A_1684 : i32 to index
      %swap3A_1686 = arith.index_cast %scan3A_1102 : i32 to index
      %swap3A_1687 = arith.constant 224 : index
      %swap3A_1688 = tpu.vector_load %arg8[%swap3A_1685, %swap3A_1686, %swap3A_1687] {strides = array<i32>} : memref<2x32x256xf32, #tpu.memory_space<vmem>>, vector<16xf32>,
      tpu.vector_store %arg8[%swap3A_1685, %swap3A_1686, %swap3A_1687], %mul3A_1683 {strides = array<i32>} : memref<2x32x256xf32, #tpu.memory_space<vmem>>, vector<16xf32>,
      %get3A_1689 = arith.constant 0 : i32
      %get3A_1690 = arith.constant 0 : i32
      %get3A_1691 = arith.index_cast %get3A_1689 : i32 to index
      %get3A_1692 = arith.index_cast %get3A_1690 : i32 to index
      %get3A_1693 = arith.index_cast %scan3A_1102 : i32 to index
      %get3A_1694 = arith.constant 240 : index
      %get3A_1695 = tpu.vector_load %arg7[%get3A_1691, %get3A_1692, %get3A_1693, %get3A_1694] {strides = array<i32>} : memref<3x4x32x256xf32, #tpu.memory_space<vmem>>, vector<16xf32>,
      %get3A_1696 = arith.constant 0 : i32
      %get3A_1697 = arith.constant 1 : i32
      %get3A_1698 = arith.index_cast %get3A_1696 : i32 to index
      %get3A_1699 = arith.index_cast %get3A_1697 : i32 to index
      %get3A_1700 = arith.index_cast %scan3A_1102 : i32 to index
      %get3A_1701 = arith.constant 240 : index
      %get3A_1702 = tpu.vector_load %arg7[%get3A_1698, %get3A_1699, %get3A_1700, %get3A_1701] {strides = array<i32>} : memref<3x4x32x256xf32, #tpu.memory_space<vmem>>, vector<16xf32>,
      %add3A_1703 = arith.addf %get3A_1695, %get3A_1702 : vector<16xf32>
      %get3A_1704 = arith.constant 0 : i32
      %get3A_1705 = arith.constant 2 : i32
      %get3A_1706 = arith.index_cast %get3A_1704 : i32 to index
      %get3A_1707 = arith.index_cast %get3A_1705 : i32 to index
      %get3A_1708 = arith.index_cast %scan3A_1102 : i32 to index
      %get3A_1709 = arith.constant 240 : index
      %get3A_1710 = tpu.vector_load %arg7[%get3A_1706, %get3A_1707, %get3A_1708, %get3A_1709] {strides = array<i32>} : memref<3x4x32x256xf32, #tpu.memory_space<vmem>>, vector<16xf32>,
      %get3A_1711 = arith.constant 0 : i32
      %get3A_1712 = arith.constant 3 : i32
      %get3A_1713 = arith.index_cast %get3A_1711 : i32 to index
      %get3A_1714 = arith.index_cast %get3A_1712 : i32 to index
      %get3A_1715 = arith.index_cast %scan3A_1102 : i32 to index
      %get3A_1716 = arith.constant 240 : index
      %get3A_1717 = tpu.vector_load %arg7[%get3A_1713, %get3A_1714, %get3A_1715, %get3A_1716] {strides = array<i32>} : memref<3x4x32x256xf32, #tpu.memory_space<vmem>>, vector<16xf32>,
      %add3A_1718 = arith.addf %get3A_1710, %get3A_1717 : vector<16xf32>
      %add3A_1719 = arith.addf %add3A_1703, %add3A_1718 : vector<16xf32>
      %mul3A_1720 = arith.constant 2.500000e-01 : f32
      %mul3A_1721 = vector.broadcast %mul3A_1720 : f32 to vector<16xf32>
      %mul3A_1722 = arith.mulf %add3A_1719, %mul3A_1721 : vector<16xf32>
      %swap3A_1723 = arith.constant 0 : i32
      %swap3A_1724 = arith.index_cast %swap3A_1723 : i32 to index
      %swap3A_1725 = arith.index_cast %scan3A_1102 : i32 to index
      %swap3A_1726 = arith.constant 240 : index
      %swap3A_1727 = tpu.vector_load %arg8[%swap3A_1724, %swap3A_1725, %swap3A_1726] {strides = array<i32>} : memref<2x32x256xf32, #tpu.memory_space<vmem>>, vector<16xf32>,
      tpu.vector_store %arg8[%swap3A_1724, %swap3A_1725, %swap3A_1726], %mul3A_1722 {strides = array<i32>} : memref<2x32x256xf32, #tpu.memory_space<vmem>>, vector<16xf32>,
      %scan3A_1728 = arith.constant 0 : i32
      scf.yield %scan3A_1728 : i32
    }
    %scan3A_740 = arith.constant 32 : i32
    %dma_start3A_741 = arith.constant 12 : i32
    %dma_start3A_742 = arith.constant 0 : i32
    %dma_start3A_743 = arith.constant 0 : i32
    %dma_start3A_744 = arith.constant 0 : i32
    %dma_start3A_745 = arith.constant 0 : i32
    %dma_start3A_746 = tpu.memref_slice %arg7[%dma_start3A_742, %dma_start3A_743, %dma_start3A_744, %dma_start3A_745] : memref<3x4x32x256xf32, #tpu.memory_space<vmem>> -> memref<1x1x32x256xf32, #tpu.memory_space<vmem>>
    %dma_start3A_747 = tpu.memref_squeeze %dma_start3A_746 : memref<1x1x32x256xf32, #tpu.memory_space<vmem>> -> memref<32x256xf32, #tpu.memory_space<vmem>>
    %dma_start3A_748 = arith.constant 0 : i32
    %dma_start3A_749 = tpu.memref_slice %arg6[%dma_start3A_741, %dma_start3A_748] : memref<16x32xi32, #tpu.memory_space<vmem>> -> memref<1x32xi32, #tpu.memory_space<vmem>>
    %dma_start3A_750 = tpu.memref_squeeze %dma_start3A_749 : memref<1x32xi32, #tpu.memory_space<vmem>> -> memref<32xi32, #tpu.memory_space<vmem>>
    %dma_start3A_751 = arith.constant 0 : i32
    %dma_start3A_752 = arith.constant 0 : i32
    %dma_start3A_753 = tpu.memref_slice %arg3[%dma_start3A_751, %dma_start3A_752] : memref<131072x256xf32, #tpu.memory_space<hbm>> -> memref<131072x256xf32, #tpu.memory_space<hbm>>
    tpu.enqueue_indirect_dma source(%dma_start3A_753 : memref<131072x256xf32, #tpu.memory_space<hbm>>) target(%dma_start3A_747 : memref<32x256xf32, #tpu.memory_space<vmem>>) offsets(%dma_start3A_750 : memref<32xi32, #tpu.memory_space<vmem>>) semaphore(%arg9 : memref<!tpu.dma_semaphore, #tpu.memory_space<semaphore_mem>>)
    %dma_start3A_754 = arith.constant 13 : i32
    %dma_start3A_755 = arith.constant 0 : i32
    %dma_start3A_756 = arith.constant 1 : i32
    %dma_start3A_757 = arith.constant 0 : i32
    %dma_start3A_758 = arith.constant 0 : i32
    %dma_start3A_759 = tpu.memref_slice %arg7[%dma_start3A_755, %dma_start3A_756, %dma_start3A_757, %dma_start3A_758] : memref<3x4x32x256xf32, #tpu.memory_space<vmem>> -> memref<1x1x32x256xf32, #tpu.memory_space<vmem>>
    %dma_start3A_760 = tpu.memref_squeeze %dma_start3A_759 : memref<1x1x32x256xf32, #tpu.memory_space<vmem>> -> memref<32x256xf32, #tpu.memory_space<vmem>>
    %dma_start3A_761 = arith.constant 0 : i32
    %dma_start3A_762 = tpu.memref_slice %arg6[%dma_start3A_754, %dma_start3A_761] : memref<16x32xi32, #tpu.memory_space<vmem>> -> memref<1x32xi32, #tpu.memory_space<vmem>>
    %dma_start3A_763 = tpu.memref_squeeze %dma_start3A_762 : memref<1x32xi32, #tpu.memory_space<vmem>> -> memref<32xi32, #tpu.memory_space<vmem>>
    %dma_start3A_764 = arith.constant 0 : i32
    %dma_start3A_765 = arith.constant 0 : i32
    %dma_start3A_766 = tpu.memref_slice %arg3[%dma_start3A_764, %dma_start3A_765] : memref<131072x256xf32, #tpu.memory_space<hbm>> -> memref<131072x256xf32, #tpu.memory_space<hbm>>
    tpu.enqueue_indirect_dma source(%dma_start3A_766 : memref<131072x256xf32, #tpu.memory_space<hbm>>) target(%dma_start3A_760 : memref<32x256xf32, #tpu.memory_space<vmem>>) offsets(%dma_start3A_763 : memref<32xi32, #tpu.memory_space<vmem>>) semaphore(%arg9 : memref<!tpu.dma_semaphore, #tpu.memory_space<semaphore_mem>>)
    %dma_start3A_767 = arith.constant 14 : i32
    %dma_start3A_768 = arith.constant 0 : i32
    %dma_start3A_769 = arith.constant 2 : i32
    %dma_start3A_770 = arith.constant 0 : i32
    %dma_start3A_771 = arith.constant 0 : i32
    %dma_start3A_772 = tpu.memref_slice %arg7[%dma_start3A_768, %dma_start3A_769, %dma_start3A_770, %dma_start3A_771] : memref<3x4x32x256xf32, #tpu.memory_space<vmem>> -> memref<1x1x32x256xf32, #tpu.memory_space<vmem>>
    %dma_start3A_773 = tpu.memref_squeeze %dma_start3A_772 : memref<1x1x32x256xf32, #tpu.memory_space<vmem>> -> memref<32x256xf32, #tpu.memory_space<vmem>>
    %dma_start3A_774 = arith.constant 0 : i32
    %dma_start3A_775 = tpu.memref_slice %arg6[%dma_start3A_767, %dma_start3A_774] : memref<16x32xi32, #tpu.memory_space<vmem>> -> memref<1x32xi32, #tpu.memory_space<vmem>>
    %dma_start3A_776 = tpu.memref_squeeze %dma_start3A_775 : memref<1x32xi32, #tpu.memory_space<vmem>> -> memref<32xi32, #tpu.memory_space<vmem>>
    %dma_start3A_777 = arith.constant 0 : i32
    %dma_start3A_778 = arith.constant 0 : i32
    %dma_start3A_779 = tpu.memref_slice %arg3[%dma_start3A_777, %dma_start3A_778] : memref<131072x256xf32, #tpu.memory_space<hbm>> -> memref<131072x256xf32, #tpu.memory_space<hbm>>
    tpu.enqueue_indirect_dma source(%dma_start3A_779 : memref<131072x256xf32, #tpu.memory_space<hbm>>) target(%dma_start3A_773 : memref<32x256xf32, #tpu.memory_space<vmem>>) offsets(%dma_start3A_776 : memref<32xi32, #tpu.memory_space<vmem>>) semaphore(%arg9 : memref<!tpu.dma_semaphore, #tpu.memory_space<semaphore_mem>>)
    %dma_start3A_780 = arith.constant 15 : i32
    %dma_start3A_781 = arith.constant 0 : i32
    %dma_start3A_782 = arith.constant 3 : i32
    %dma_start3A_783 = arith.constant 0 : i32
    %dma_start3A_784 = arith.constant 0 : i32
    %dma_start3A_785 = tpu.memref_slice %arg7[%dma_start3A_781, %dma_start3A_782, %dma_start3A_783, %dma_start3A_784] : memref<3x4x32x256xf32, #tpu.memory_space<vmem>> -> memref<1x1x32x256xf32, #tpu.memory_space<vmem>>
    %dma_start3A_786 = tpu.memref_squeeze %dma_start3A_785 : memref<1x1x32x256xf32, #tpu.memory_space<vmem>> -> memref<32x256xf32, #tpu.memory_space<vmem>>
    %dma_start3A_787 = arith.constant 0 : i32
    %dma_start3A_788 = tpu.memref_slice %arg6[%dma_start3A_780, %dma_start3A_787] : memref<16x32xi32, #tpu.memory_space<vmem>> -> memref<1x32xi32, #tpu.memory_space<vmem>>
    %dma_start3A_789 = tpu.memref_squeeze %dma_start3A_788 : memref<1x32xi32, #tpu.memory_space<vmem>> -> memref<32xi32, #tpu.memory_space<vmem>>
    %dma_start3A_790 = arith.constant 0 : i32
    %dma_start3A_791 = arith.constant 0 : i32
    %dma_start3A_792 = tpu.memref_slice %arg3[%dma_start3A_790, %dma_start3A_791] : memref<131072x256xf32, #tpu.memory_space<hbm>> -> memref<131072x256xf32, #tpu.memory_space<hbm>>
    tpu.enqueue_indirect_dma source(%dma_start3A_792 : memref<131072x256xf32, #tpu.memory_space<hbm>>) target(%dma_start3A_786 : memref<32x256xf32, #tpu.memory_space<vmem>>) offsets(%dma_start3A_789 : memref<32xi32, #tpu.memory_space<vmem>>) semaphore(%arg9 : memref<!tpu.dma_semaphore, #tpu.memory_space<semaphore_mem>>)
    %mul3A_793 = arith.constant 256 : i32
    %mul3A_794 = arith.muli %select_n3A, %mul3A_793 : i32
    %mul3A_795 = arith.constant 128 : i32
    %mul3A_796 = arith.muli %select_n3A_30, %mul3A_795 : i32
    %add3A_797 = arith.addi %mul3A_794, %mul3A_796 : i32
    %add3A_798 = arith.constant 0 : i32
    %add3A_799 = arith.addi %add3A_797, %add3A_798 : i32
    %dma_start3A_800 = arith.constant 0 : i32
    %dma_start3A_801 = arith.constant 0 : i32
    %dma_start3A_802 = arith.constant 0 : i32
    %dma_start3A_803 = tpu.memref_slice %arg8[%dma_start3A_800, %dma_start3A_801, %dma_start3A_802] : memref<2x32x256xf32, #tpu.memory_space<vmem>> -> memref<1x32x256xf32, #tpu.memory_space<vmem>>
    %dma_start3A_804 = tpu.memref_squeeze %dma_start3A_803 : memref<1x32x256xf32, #tpu.memory_space<vmem>> -> memref<32x256xf32, #tpu.memory_space<vmem>>
    %dma_start3A_805 = arith.constant 0 : i32
    %dma_start3A_806 = tpu.memref_slice %arg4[%add3A_799, %dma_start3A_805] : memref<4096x256xf32, #tpu.memory_space<hbm>> -> memref<32x256xf32, #tpu.memory_space<hbm>>
    %dma_start3A_807 = arith.constant 0 : i32
    %dma_start3A_808 = tpu.memref_slice %arg4[%add3A_799, %dma_start3A_807] : memref<4096x256xf32, #tpu.memory_space<hbm>> -> memref<32x256xf32, #tpu.memory_space<hbm>>
    %dma_start3A_809 = arith.constant 0 : i32
    %dma_start3A_810 = arith.constant 0 : i32
    %dma_start3A_811 = tpu.memref_slice %arg8[%dma_start3A_800, %dma_start3A_809, %dma_start3A_810] : memref<2x32x256xf32, #tpu.memory_space<vmem>> -> memref<1x32x256xf32, #tpu.memory_space<vmem>>
    %dma_start3A_812 = tpu.memref_squeeze %dma_start3A_811 : memref<1x32x256xf32, #tpu.memory_space<vmem>> -> memref<32x256xf32, #tpu.memory_space<vmem>>
    tpu.enqueue_dma source(%dma_start3A_812 : memref<32x256xf32, #tpu.memory_space<vmem>>) target(%dma_start3A_808 : memref<32x256xf32, #tpu.memory_space<hbm>>) target_semaphore(%arg12 : memref<!tpu.dma_semaphore, #tpu.memory_space<semaphore_mem>>)
    %dma_wait3A_813 = arith.constant 4 : i32
    %dma_wait3A_814 = arith.constant 1 : i32
    %dma_wait3A_815 = arith.constant 0 : i32
    %dma_wait3A_816 = arith.constant 0 : i32
    %dma_wait3A_817 = arith.constant 0 : i32
    %dma_wait3A_818 = tpu.memref_slice %arg7[%dma_wait3A_814, %dma_wait3A_815, %dma_wait3A_816, %dma_wait3A_817] : memref<3x4x32x256xf32, #tpu.memory_space<vmem>> -> memref<1x1x32x256xf32, #tpu.memory_space<vmem>>
    %dma_wait3A_819 = tpu.memref_squeeze %dma_wait3A_818 : memref<1x1x32x256xf32, #tpu.memory_space<vmem>> -> memref<32x256xf32, #tpu.memory_space<vmem>>
    %dma_wait3A_820 = arith.constant 0 : i32
    %dma_wait3A_821 = tpu.memref_slice %arg6[%dma_wait3A_813, %dma_wait3A_820] : memref<16x32xi32, #tpu.memory_space<vmem>> -> memref<1x32xi32, #tpu.memory_space<vmem>>
    %dma_wait3A_822 = tpu.memref_squeeze %dma_wait3A_821 : memref<1x32xi32, #tpu.memory_space<vmem>> -> memref<32xi32, #tpu.memory_space<vmem>>
    %dma_wait3A_823 = arith.constant 0 : i32
    %dma_wait3A_824 = arith.constant 0 : i32
    %dma_wait3A_825 = tpu.memref_slice %arg3[%dma_wait3A_823, %dma_wait3A_824] : memref<131072x256xf32, #tpu.memory_space<hbm>> -> memref<131072x256xf32, #tpu.memory_space<hbm>>
    tpu.wait_indirect_dma semaphore(%arg10 : memref<!tpu.dma_semaphore, #tpu.memory_space<semaphore_mem>>) src(%dma_wait3A_825 : memref<131072x256xf32, #tpu.memory_space<hbm>>) dst(%dma_wait3A_819 : memref<32x256xf32, #tpu.memory_space<vmem>>)
    %dma_wait3A_826 = arith.constant 5 : i32
    %dma_wait3A_827 = arith.constant 1 : i32
    %dma_wait3A_828 = arith.constant 1 : i32
    %dma_wait3A_829 = arith.constant 0 : i32
    %dma_wait3A_830 = arith.constant 0 : i32
    %dma_wait3A_831 = tpu.memref_slice %arg7[%dma_wait3A_827, %dma_wait3A_828, %dma_wait3A_829, %dma_wait3A_830] : memref<3x4x32x256xf32, #tpu.memory_space<vmem>> -> memref<1x1x32x256xf32, #tpu.memory_space<vmem>>
    %dma_wait3A_832 = tpu.memref_squeeze %dma_wait3A_831 : memref<1x1x32x256xf32, #tpu.memory_space<vmem>> -> memref<32x256xf32, #tpu.memory_space<vmem>>
    %dma_wait3A_833 = arith.constant 0 : i32
    %dma_wait3A_834 = tpu.memref_slice %arg6[%dma_wait3A_826, %dma_wait3A_833] : memref<16x32xi32, #tpu.memory_space<vmem>> -> memref<1x32xi32, #tpu.memory_space<vmem>>
    %dma_wait3A_835 = tpu.memref_squeeze %dma_wait3A_834 : memref<1x32xi32, #tpu.memory_space<vmem>> -> memref<32xi32, #tpu.memory_space<vmem>>
    %dma_wait3A_836 = arith.constant 0 : i32
    %dma_wait3A_837 = arith.constant 0 : i32
    %dma_wait3A_838 = tpu.memref_slice %arg3[%dma_wait3A_836, %dma_wait3A_837] : memref<131072x256xf32, #tpu.memory_space<hbm>> -> memref<131072x256xf32, #tpu.memory_space<hbm>>
    tpu.wait_indirect_dma semaphore(%arg10 : memref<!tpu.dma_semaphore, #tpu.memory_space<semaphore_mem>>) src(%dma_wait3A_838 : memref<131072x256xf32, #tpu.memory_space<hbm>>) dst(%dma_wait3A_832 : memref<32x256xf32, #tpu.memory_space<vmem>>)
    %dma_wait3A_839 = arith.constant 6 : i32
    %dma_wait3A_840 = arith.constant 1 : i32
    %dma_wait3A_841 = arith.constant 2 : i32
    %dma_wait3A_842 = arith.constant 0 : i32
    %dma_wait3A_843 = arith.constant 0 : i32
    %dma_wait3A_844 = tpu.memref_slice %arg7[%dma_wait3A_840, %dma_wait3A_841, %dma_wait3A_842, %dma_wait3A_843] : memref<3x4x32x256xf32, #tpu.memory_space<vmem>> -> memref<1x1x32x256xf32, #tpu.memory_space<vmem>>
    %dma_wait3A_845 = tpu.memref_squeeze %dma_wait3A_844 : memref<1x1x32x256xf32, #tpu.memory_space<vmem>> -> memref<32x256xf32, #tpu.memory_space<vmem>>
    %dma_wait3A_846 = arith.constant 0 : i32
    %dma_wait3A_847 = tpu.memref_slice %arg6[%dma_wait3A_839, %dma_wait3A_846] : memref<16x32xi32, #tpu.memory_space<vmem>> -> memref<1x32xi32, #tpu.memory_space<vmem>>
    %dma_wait3A_848 = tpu.memref_squeeze %dma_wait3A_847 : memref<1x32xi32, #tpu.memory_space<vmem>> -> memref<32xi32, #tpu.memory_space<vmem>>
    %dma_wait3A_849 = arith.constant 0 : i32
    %dma_wait3A_850 = arith.constant 0 : i32
    %dma_wait3A_851 = tpu.memref_slice %arg3[%dma_wait3A_849, %dma_wait3A_850] : memref<131072x256xf32, #tpu.memory_space<hbm>> -> memref<131072x256xf32, #tpu.memory_space<hbm>>
    tpu.wait_indirect_dma semaphore(%arg10 : memref<!tpu.dma_semaphore, #tpu.memory_space<semaphore_mem>>) src(%dma_wait3A_851 : memref<131072x256xf32, #tpu.memory_space<hbm>>) dst(%dma_wait3A_845 : memref<32x256xf32, #tpu.memory_space<vmem>>)
    %dma_wait3A_852 = arith.constant 7 : i32
    %dma_wait3A_853 = arith.constant 1 : i32
    %dma_wait3A_854 = arith.constant 3 : i32
    %dma_wait3A_855 = arith.constant 0 : i32
    %dma_wait3A_856 = arith.constant 0 : i32
    %dma_wait3A_857 = tpu.memref_slice %arg7[%dma_wait3A_853, %dma_wait3A_854, %dma_wait3A_855, %dma_wait3A_856] : memref<3x4x32x256xf32, #tpu.memory_space<vmem>> -> memref<1x1x32x256xf32, #tpu.memory_space<vmem>>
    %dma_wait3A_858 = tpu.memref_squeeze %dma_wait3A_857 : memref<1x1x32x256xf32, #tpu.memory_space<vmem>> -> memref<32x256xf32, #tpu.memory_space<vmem>>
    %dma_wait3A_859 = arith.constant 0 : i32
    %dma_wait3A_860 = tpu.memref_slice %arg6[%dma_wait3A_852, %dma_wait3A_859] : memref<16x32xi32, #tpu.memory_space<vmem>> -> memref<1x32xi32, #tpu.memory_space<vmem>>
    %dma_wait3A_861 = tpu.memref_squeeze %dma_wait3A_860 : memref<1x32xi32, #tpu.memory_space<vmem>> -> memref<32xi32, #tpu.memory_space<vmem>>
    %dma_wait3A_862 = arith.constant 0 : i32
    %dma_wait3A_863 = arith.constant 0 : i32
    %dma_wait3A_864 = tpu.memref_slice %arg3[%dma_wait3A_862, %dma_wait3A_863] : memref<131072x256xf32, #tpu.memory_space<hbm>> -> memref<131072x256xf32, #tpu.memory_space<hbm>>
    tpu.wait_indirect_dma semaphore(%arg10 : memref<!tpu.dma_semaphore, #tpu.memory_space<semaphore_mem>>) src(%dma_wait3A_864 : memref<131072x256xf32, #tpu.memory_space<hbm>>) dst(%dma_wait3A_858 : memref<32x256xf32, #tpu.memory_space<vmem>>)
    %scan3A_865 = arith.constant 0 : i32
    %scan3A_866 = arith.constant 0 : i32
    %scan3A_867 = arith.constant 32 : i32
    %scan3A_868 = arith.addi %scan3A_866, %scan3A_867 : i32
    %scan3A_869 = arith.constant 1 : i32
    %scan3A_870 = scf.for %scan3A_1102 = %scan3A_866 to %scan3A_868 step %scan3A_869 iter_args(%scan3A_1103 = %scan3A_865) -> (i32)  : i32 {
      %get3A_1104 = arith.constant 1 : i32
      %get3A_1105 = arith.constant 0 : i32
      %get3A_1106 = arith.index_cast %get3A_1104 : i32 to index
      %get3A_1107 = arith.index_cast %get3A_1105 : i32 to index
      %get3A_1108 = arith.index_cast %scan3A_1102 : i32 to index
      %get3A_1109 = arith.constant 0 : index
      %get3A_1110 = tpu.vector_load %arg7[%get3A_1106, %get3A_1107, %get3A_1108, %get3A_1109] {strides = array<i32>} : memref<3x4x32x256xf32, #tpu.memory_space<vmem>>, vector<16xf32>,
      %get3A_1111 = arith.constant 1 : i32
      %get3A_1112 = arith.constant 1 : i32
      %get3A_1113 = arith.index_cast %get3A_1111 : i32 to index
      %get3A_1114 = arith.index_cast %get3A_1112 : i32 to index
      %get3A_1115 = arith.index_cast %scan3A_1102 : i32 to index
      %get3A_1116 = arith.constant 0 : index
      %get3A_1117 = tpu.vector_load %arg7[%get3A_1113, %get3A_1114, %get3A_1115, %get3A_1116] {strides = array<i32>} : memref<3x4x32x256xf32, #tpu.memory_space<vmem>>, vector<16xf32>,
      %add3A_1118 = arith.addf %get3A_1110, %get3A_1117 : vector<16xf32>
      %get3A_1119 = arith.constant 1 : i32
      %get3A_1120 = arith.constant 2 : i32
      %get3A_1121 = arith.index_cast %get3A_1119 : i32 to index
      %get3A_1122 = arith.index_cast %get3A_1120 : i32 to index
      %get3A_1123 = arith.index_cast %scan3A_1102 : i32 to index
      %get3A_1124 = arith.constant 0 : index
      %get3A_1125 = tpu.vector_load %arg7[%get3A_1121, %get3A_1122, %get3A_1123, %get3A_1124] {strides = array<i32>} : memref<3x4x32x256xf32, #tpu.memory_space<vmem>>, vector<16xf32>,
      %get3A_1126 = arith.constant 1 : i32
      %get3A_1127 = arith.constant 3 : i32
      %get3A_1128 = arith.index_cast %get3A_1126 : i32 to index
      %get3A_1129 = arith.index_cast %get3A_1127 : i32 to index
      %get3A_1130 = arith.index_cast %scan3A_1102 : i32 to index
      %get3A_1131 = arith.constant 0 : index
      %get3A_1132 = tpu.vector_load %arg7[%get3A_1128, %get3A_1129, %get3A_1130, %get3A_1131] {strides = array<i32>} : memref<3x4x32x256xf32, #tpu.memory_space<vmem>>, vector<16xf32>,
      %add3A_1133 = arith.addf %get3A_1125, %get3A_1132 : vector<16xf32>
      %add3A_1134 = arith.addf %add3A_1118, %add3A_1133 : vector<16xf32>
      %mul3A_1135 = arith.constant 2.500000e-01 : f32
      %mul3A_1136 = vector.broadcast %mul3A_1135 : f32 to vector<16xf32>
      %mul3A_1137 = arith.mulf %add3A_1134, %mul3A_1136 : vector<16xf32>
      %swap3A_1138 = arith.constant 1 : i32
      %swap3A_1139 = arith.index_cast %swap3A_1138 : i32 to index
      %swap3A_1140 = arith.index_cast %scan3A_1102 : i32 to index
      %swap3A_1141 = arith.constant 0 : index
      %swap3A_1142 = tpu.vector_load %arg8[%swap3A_1139, %swap3A_1140, %swap3A_1141] {strides = array<i32>} : memref<2x32x256xf32, #tpu.memory_space<vmem>>, vector<16xf32>,
      tpu.vector_store %arg8[%swap3A_1139, %swap3A_1140, %swap3A_1141], %mul3A_1137 {strides = array<i32>} : memref<2x32x256xf32, #tpu.memory_space<vmem>>, vector<16xf32>,
      %get3A_1143 = arith.constant 1 : i32
      %get3A_1144 = arith.constant 0 : i32
      %get3A_1145 = arith.index_cast %get3A_1143 : i32 to index
      %get3A_1146 = arith.index_cast %get3A_1144 : i32 to index
      %get3A_1147 = arith.index_cast %scan3A_1102 : i32 to index
      %get3A_1148 = arith.constant 16 : index
      %get3A_1149 = tpu.vector_load %arg7[%get3A_1145, %get3A_1146, %get3A_1147, %get3A_1148] {strides = array<i32>} : memref<3x4x32x256xf32, #tpu.memory_space<vmem>>, vector<16xf32>,
      %get3A_1150 = arith.constant 1 : i32
      %get3A_1151 = arith.constant 1 : i32
      %get3A_1152 = arith.index_cast %get3A_1150 : i32 to index
      %get3A_1153 = arith.index_cast %get3A_1151 : i32 to index
      %get3A_1154 = arith.index_cast %scan3A_1102 : i32 to index
      %get3A_1155 = arith.constant 16 : index
      %get3A_1156 = tpu.vector_load %arg7[%get3A_1152, %get3A_1153, %get3A_1154, %get3A_1155] {strides = array<i32>} : memref<3x4x32x256xf32, #tpu.memory_space<vmem>>, vector<16xf32>,
      %add3A_1157 = arith.addf %get3A_1149, %get3A_1156 : vector<16xf32>
      %get3A_1158 = arith.constant 1 : i32
      %get3A_1159 = arith.constant 2 : i32
      %get3A_1160 = arith.index_cast %get3A_1158 : i32 to index
      %get3A_1161 = arith.index_cast %get3A_1159 : i32 to index
      %get3A_1162 = arith.index_cast %scan3A_1102 : i32 to index
      %get3A_1163 = arith.constant 16 : index
      %get3A_1164 = tpu.vector_load %arg7[%get3A_1160, %get3A_1161, %get3A_1162, %get3A_1163] {strides = array<i32>} : memref<3x4x32x256xf32, #tpu.memory_space<vmem>>, vector<16xf32>,
      %get3A_1165 = arith.constant 1 : i32
      %get3A_1166 = arith.constant 3 : i32
      %get3A_1167 = arith.index_cast %get3A_1165 : i32 to index
      %get3A_1168 = arith.index_cast %get3A_1166 : i32 to index
      %get3A_1169 = arith.index_cast %scan3A_1102 : i32 to index
      %get3A_1170 = arith.constant 16 : index
      %get3A_1171 = tpu.vector_load %arg7[%get3A_1167, %get3A_1168, %get3A_1169, %get3A_1170] {strides = array<i32>} : memref<3x4x32x256xf32, #tpu.memory_space<vmem>>, vector<16xf32>,
      %add3A_1172 = arith.addf %get3A_1164, %get3A_1171 : vector<16xf32>
      %add3A_1173 = arith.addf %add3A_1157, %add3A_1172 : vector<16xf32>
      %mul3A_1174 = arith.constant 2.500000e-01 : f32
      %mul3A_1175 = vector.broadcast %mul3A_1174 : f32 to vector<16xf32>
      %mul3A_1176 = arith.mulf %add3A_1173, %mul3A_1175 : vector<16xf32>
      %swap3A_1177 = arith.constant 1 : i32
      %swap3A_1178 = arith.index_cast %swap3A_1177 : i32 to index
      %swap3A_1179 = arith.index_cast %scan3A_1102 : i32 to index
      %swap3A_1180 = arith.constant 16 : index
      %swap3A_1181 = tpu.vector_load %arg8[%swap3A_1178, %swap3A_1179, %swap3A_1180] {strides = array<i32>} : memref<2x32x256xf32, #tpu.memory_space<vmem>>, vector<16xf32>,
      tpu.vector_store %arg8[%swap3A_1178, %swap3A_1179, %swap3A_1180], %mul3A_1176 {strides = array<i32>} : memref<2x32x256xf32, #tpu.memory_space<vmem>>, vector<16xf32>,
      %get3A_1182 = arith.constant 1 : i32
      %get3A_1183 = arith.constant 0 : i32
      %get3A_1184 = arith.index_cast %get3A_1182 : i32 to index
      %get3A_1185 = arith.index_cast %get3A_1183 : i32 to index
      %get3A_1186 = arith.index_cast %scan3A_1102 : i32 to index
      %get3A_1187 = arith.constant 32 : index
      %get3A_1188 = tpu.vector_load %arg7[%get3A_1184, %get3A_1185, %get3A_1186, %get3A_1187] {strides = array<i32>} : memref<3x4x32x256xf32, #tpu.memory_space<vmem>>, vector<16xf32>,
      %get3A_1189 = arith.constant 1 : i32
      %get3A_1190 = arith.constant 1 : i32
      %get3A_1191 = arith.index_cast %get3A_1189 : i32 to index
      %get3A_1192 = arith.index_cast %get3A_1190 : i32 to index
      %get3A_1193 = arith.index_cast %scan3A_1102 : i32 to index
      %get3A_1194 = arith.constant 32 : index
      %get3A_1195 = tpu.vector_load %arg7[%get3A_1191, %get3A_1192, %get3A_1193, %get3A_1194] {strides = array<i32>} : memref<3x4x32x256xf32, #tpu.memory_space<vmem>>, vector<16xf32>,
      %add3A_1196 = arith.addf %get3A_1188, %get3A_1195 : vector<16xf32>
      %get3A_1197 = arith.constant 1 : i32
      %get3A_1198 = arith.constant 2 : i32
      %get3A_1199 = arith.index_cast %get3A_1197 : i32 to index
      %get3A_1200 = arith.index_cast %get3A_1198 : i32 to index
      %get3A_1201 = arith.index_cast %scan3A_1102 : i32 to index
      %get3A_1202 = arith.constant 32 : index
      %get3A_1203 = tpu.vector_load %arg7[%get3A_1199, %get3A_1200, %get3A_1201, %get3A_1202] {strides = array<i32>} : memref<3x4x32x256xf32, #tpu.memory_space<vmem>>, vector<16xf32>,
      %get3A_1204 = arith.constant 1 : i32
      %get3A_1205 = arith.constant 3 : i32
      %get3A_1206 = arith.index_cast %get3A_1204 : i32 to index
      %get3A_1207 = arith.index_cast %get3A_1205 : i32 to index
      %get3A_1208 = arith.index_cast %scan3A_1102 : i32 to index
      %get3A_1209 = arith.constant 32 : index
      %get3A_1210 = tpu.vector_load %arg7[%get3A_1206, %get3A_1207, %get3A_1208, %get3A_1209] {strides = array<i32>} : memref<3x4x32x256xf32, #tpu.memory_space<vmem>>, vector<16xf32>,
      %add3A_1211 = arith.addf %get3A_1203, %get3A_1210 : vector<16xf32>
      %add3A_1212 = arith.addf %add3A_1196, %add3A_1211 : vector<16xf32>
      %mul3A_1213 = arith.constant 2.500000e-01 : f32
      %mul3A_1214 = vector.broadcast %mul3A_1213 : f32 to vector<16xf32>
      %mul3A_1215 = arith.mulf %add3A_1212, %mul3A_1214 : vector<16xf32>
      %swap3A_1216 = arith.constant 1 : i32
      %swap3A_1217 = arith.index_cast %swap3A_1216 : i32 to index
      %swap3A_1218 = arith.index_cast %scan3A_1102 : i32 to index
      %swap3A_1219 = arith.constant 32 : index
      %swap3A_1220 = tpu.vector_load %arg8[%swap3A_1217, %swap3A_1218, %swap3A_1219] {strides = array<i32>} : memref<2x32x256xf32, #tpu.memory_space<vmem>>, vector<16xf32>,
      tpu.vector_store %arg8[%swap3A_1217, %swap3A_1218, %swap3A_1219], %mul3A_1215 {strides = array<i32>} : memref<2x32x256xf32, #tpu.memory_space<vmem>>, vector<16xf32>,
      %get3A_1221 = arith.constant 1 : i32
      %get3A_1222 = arith.constant 0 : i32
      %get3A_1223 = arith.index_cast %get3A_1221 : i32 to index
      %get3A_1224 = arith.index_cast %get3A_1222 : i32 to index
      %get3A_1225 = arith.index_cast %scan3A_1102 : i32 to index
      %get3A_1226 = arith.constant 48 : index
      %get3A_1227 = tpu.vector_load %arg7[%get3A_1223, %get3A_1224, %get3A_1225, %get3A_1226] {strides = array<i32>} : memref<3x4x32x256xf32, #tpu.memory_space<vmem>>, vector<16xf32>,
      %get3A_1228 = arith.constant 1 : i32
      %get3A_1229 = arith.constant 1 : i32
      %get3A_1230 = arith.index_cast %get3A_1228 : i32 to index
      %get3A_1231 = arith.index_cast %get3A_1229 : i32 to index
      %get3A_1232 = arith.index_cast %scan3A_1102 : i32 to index
      %get3A_1233 = arith.constant 48 : index
      %get3A_1234 = tpu.vector_load %arg7[%get3A_1230, %get3A_1231, %get3A_1232, %get3A_1233] {strides = array<i32>} : memref<3x4x32x256xf32, #tpu.memory_space<vmem>>, vector<16xf32>,
      %add3A_1235 = arith.addf %get3A_1227, %get3A_1234 : vector<16xf32>
      %get3A_1236 = arith.constant 1 : i32
      %get3A_1237 = arith.constant 2 : i32
      %get3A_1238 = arith.index_cast %get3A_1236 : i32 to index
      %get3A_1239 = arith.index_cast %get3A_1237 : i32 to index
      %get3A_1240 = arith.index_cast %scan3A_1102 : i32 to index
      %get3A_1241 = arith.constant 48 : index
      %get3A_1242 = tpu.vector_load %arg7[%get3A_1238, %get3A_1239, %get3A_1240, %get3A_1241] {strides = array<i32>} : memref<3x4x32x256xf32, #tpu.memory_space<vmem>>, vector<16xf32>,
      %get3A_1243 = arith.constant 1 : i32
      %get3A_1244 = arith.constant 3 : i32
      %get3A_1245 = arith.index_cast %get3A_1243 : i32 to index
      %get3A_1246 = arith.index_cast %get3A_1244 : i32 to index
      %get3A_1247 = arith.index_cast %scan3A_1102 : i32 to index
      %get3A_1248 = arith.constant 48 : index
      %get3A_1249 = tpu.vector_load %arg7[%get3A_1245, %get3A_1246, %get3A_1247, %get3A_1248] {strides = array<i32>} : memref<3x4x32x256xf32, #tpu.memory_space<vmem>>, vector<16xf32>,
      %add3A_1250 = arith.addf %get3A_1242, %get3A_1249 : vector<16xf32>
      %add3A_1251 = arith.addf %add3A_1235, %add3A_1250 : vector<16xf32>
      %mul3A_1252 = arith.constant 2.500000e-01 : f32
      %mul3A_1253 = vector.broadcast %mul3A_1252 : f32 to vector<16xf32>
      %mul3A_1254 = arith.mulf %add3A_1251, %mul3A_1253 : vector<16xf32>
      %swap3A_1255 = arith.constant 1 : i32
      %swap3A_1256 = arith.index_cast %swap3A_1255 : i32 to index
      %swap3A_1257 = arith.index_cast %scan3A_1102 : i32 to index
      %swap3A_1258 = arith.constant 48 : index
      %swap3A_1259 = tpu.vector_load %arg8[%swap3A_1256, %swap3A_1257, %swap3A_1258] {strides = array<i32>} : memref<2x32x256xf32, #tpu.memory_space<vmem>>, vector<16xf32>,
      tpu.vector_store %arg8[%swap3A_1256, %swap3A_1257, %swap3A_1258], %mul3A_1254 {strides = array<i32>} : memref<2x32x256xf32, #tpu.memory_space<vmem>>, vector<16xf32>,
      %get3A_1260 = arith.constant 1 : i32
      %get3A_1261 = arith.constant 0 : i32
      %get3A_1262 = arith.index_cast %get3A_1260 : i32 to index
      %get3A_1263 = arith.index_cast %get3A_1261 : i32 to index
      %get3A_1264 = arith.index_cast %scan3A_1102 : i32 to index
      %get3A_1265 = arith.constant 64 : index
      %get3A_1266 = tpu.vector_load %arg7[%get3A_1262, %get3A_1263, %get3A_1264, %get3A_1265] {strides = array<i32>} : memref<3x4x32x256xf32, #tpu.memory_space<vmem>>, vector<16xf32>,
      %get3A_1267 = arith.constant 1 : i32
      %get3A_1268 = arith.constant 1 : i32
      %get3A_1269 = arith.index_cast %get3A_1267 : i32 to index
      %get3A_1270 = arith.index_cast %get3A_1268 : i32 to index
      %get3A_1271 = arith.index_cast %scan3A_1102 : i32 to index
      %get3A_1272 = arith.constant 64 : index
      %get3A_1273 = tpu.vector_load %arg7[%get3A_1269, %get3A_1270, %get3A_1271, %get3A_1272] {strides = array<i32>} : memref<3x4x32x256xf32, #tpu.memory_space<vmem>>, vector<16xf32>,
      %add3A_1274 = arith.addf %get3A_1266, %get3A_1273 : vector<16xf32>
      %get3A_1275 = arith.constant 1 : i32
      %get3A_1276 = arith.constant 2 : i32
      %get3A_1277 = arith.index_cast %get3A_1275 : i32 to index
      %get3A_1278 = arith.index_cast %get3A_1276 : i32 to index
      %get3A_1279 = arith.index_cast %scan3A_1102 : i32 to index
      %get3A_1280 = arith.constant 64 : index
      %get3A_1281 = tpu.vector_load %arg7[%get3A_1277, %get3A_1278, %get3A_1279, %get3A_1280] {strides = array<i32>} : memref<3x4x32x256xf32, #tpu.memory_space<vmem>>, vector<16xf32>,
      %get3A_1282 = arith.constant 1 : i32
      %get3A_1283 = arith.constant 3 : i32
      %get3A_1284 = arith.index_cast %get3A_1282 : i32 to index
      %get3A_1285 = arith.index_cast %get3A_1283 : i32 to index
      %get3A_1286 = arith.index_cast %scan3A_1102 : i32 to index
      %get3A_1287 = arith.constant 64 : index
      %get3A_1288 = tpu.vector_load %arg7[%get3A_1284, %get3A_1285, %get3A_1286, %get3A_1287] {strides = array<i32>} : memref<3x4x32x256xf32, #tpu.memory_space<vmem>>, vector<16xf32>,
      %add3A_1289 = arith.addf %get3A_1281, %get3A_1288 : vector<16xf32>
      %add3A_1290 = arith.addf %add3A_1274, %add3A_1289 : vector<16xf32>
      %mul3A_1291 = arith.constant 2.500000e-01 : f32
      %mul3A_1292 = vector.broadcast %mul3A_1291 : f32 to vector<16xf32>
      %mul3A_1293 = arith.mulf %add3A_1290, %mul3A_1292 : vector<16xf32>
      %swap3A_1294 = arith.constant 1 : i32
      %swap3A_1295 = arith.index_cast %swap3A_1294 : i32 to index
      %swap3A_1296 = arith.index_cast %scan3A_1102 : i32 to index
      %swap3A_1297 = arith.constant 64 : index
      %swap3A_1298 = tpu.vector_load %arg8[%swap3A_1295, %swap3A_1296, %swap3A_1297] {strides = array<i32>} : memref<2x32x256xf32, #tpu.memory_space<vmem>>, vector<16xf32>,
      tpu.vector_store %arg8[%swap3A_1295, %swap3A_1296, %swap3A_1297], %mul3A_1293 {strides = array<i32>} : memref<2x32x256xf32, #tpu.memory_space<vmem>>, vector<16xf32>,
      %get3A_1299 = arith.constant 1 : i32
      %get3A_1300 = arith.constant 0 : i32
      %get3A_1301 = arith.index_cast %get3A_1299 : i32 to index
      %get3A_1302 = arith.index_cast %get3A_1300 : i32 to index
      %get3A_1303 = arith.index_cast %scan3A_1102 : i32 to index
      %get3A_1304 = arith.constant 80 : index
      %get3A_1305 = tpu.vector_load %arg7[%get3A_1301, %get3A_1302, %get3A_1303, %get3A_1304] {strides = array<i32>} : memref<3x4x32x256xf32, #tpu.memory_space<vmem>>, vector<16xf32>,
      %get3A_1306 = arith.constant 1 : i32
      %get3A_1307 = arith.constant 1 : i32
      %get3A_1308 = arith.index_cast %get3A_1306 : i32 to index
      %get3A_1309 = arith.index_cast %get3A_1307 : i32 to index
      %get3A_1310 = arith.index_cast %scan3A_1102 : i32 to index
      %get3A_1311 = arith.constant 80 : index
      %get3A_1312 = tpu.vector_load %arg7[%get3A_1308, %get3A_1309, %get3A_1310, %get3A_1311] {strides = array<i32>} : memref<3x4x32x256xf32, #tpu.memory_space<vmem>>, vector<16xf32>,
      %add3A_1313 = arith.addf %get3A_1305, %get3A_1312 : vector<16xf32>
      %get3A_1314 = arith.constant 1 : i32
      %get3A_1315 = arith.constant 2 : i32
      %get3A_1316 = arith.index_cast %get3A_1314 : i32 to index
      %get3A_1317 = arith.index_cast %get3A_1315 : i32 to index
      %get3A_1318 = arith.index_cast %scan3A_1102 : i32 to index
      %get3A_1319 = arith.constant 80 : index
      %get3A_1320 = tpu.vector_load %arg7[%get3A_1316, %get3A_1317, %get3A_1318, %get3A_1319] {strides = array<i32>} : memref<3x4x32x256xf32, #tpu.memory_space<vmem>>, vector<16xf32>,
      %get3A_1321 = arith.constant 1 : i32
      %get3A_1322 = arith.constant 3 : i32
      %get3A_1323 = arith.index_cast %get3A_1321 : i32 to index
      %get3A_1324 = arith.index_cast %get3A_1322 : i32 to index
      %get3A_1325 = arith.index_cast %scan3A_1102 : i32 to index
      %get3A_1326 = arith.constant 80 : index
      %get3A_1327 = tpu.vector_load %arg7[%get3A_1323, %get3A_1324, %get3A_1325, %get3A_1326] {strides = array<i32>} : memref<3x4x32x256xf32, #tpu.memory_space<vmem>>, vector<16xf32>,
      %add3A_1328 = arith.addf %get3A_1320, %get3A_1327 : vector<16xf32>
      %add3A_1329 = arith.addf %add3A_1313, %add3A_1328 : vector<16xf32>
      %mul3A_1330 = arith.constant 2.500000e-01 : f32
      %mul3A_1331 = vector.broadcast %mul3A_1330 : f32 to vector<16xf32>
      %mul3A_1332 = arith.mulf %add3A_1329, %mul3A_1331 : vector<16xf32>
      %swap3A_1333 = arith.constant 1 : i32
      %swap3A_1334 = arith.index_cast %swap3A_1333 : i32 to index
      %swap3A_1335 = arith.index_cast %scan3A_1102 : i32 to index
      %swap3A_1336 = arith.constant 80 : index
      %swap3A_1337 = tpu.vector_load %arg8[%swap3A_1334, %swap3A_1335, %swap3A_1336] {strides = array<i32>} : memref<2x32x256xf32, #tpu.memory_space<vmem>>, vector<16xf32>,
      tpu.vector_store %arg8[%swap3A_1334, %swap3A_1335, %swap3A_1336], %mul3A_1332 {strides = array<i32>} : memref<2x32x256xf32, #tpu.memory_space<vmem>>, vector<16xf32>,
      %get3A_1338 = arith.constant 1 : i32
      %get3A_1339 = arith.constant 0 : i32
      %get3A_1340 = arith.index_cast %get3A_1338 : i32 to index
      %get3A_1341 = arith.index_cast %get3A_1339 : i32 to index
      %get3A_1342 = arith.index_cast %scan3A_1102 : i32 to index
      %get3A_1343 = arith.constant 96 : index
      %get3A_1344 = tpu.vector_load %arg7[%get3A_1340, %get3A_1341, %get3A_1342, %get3A_1343] {strides = array<i32>} : memref<3x4x32x256xf32, #tpu.memory_space<vmem>>, vector<16xf32>,
      %get3A_1345 = arith.constant 1 : i32
      %get3A_1346 = arith.constant 1 : i32
      %get3A_1347 = arith.index_cast %get3A_1345 : i32 to index
      %get3A_1348 = arith.index_cast %get3A_1346 : i32 to index
      %get3A_1349 = arith.index_cast %scan3A_1102 : i32 to index
      %get3A_1350 = arith.constant 96 : index
      %get3A_1351 = tpu.vector_load %arg7[%get3A_1347, %get3A_1348, %get3A_1349, %get3A_1350] {strides = array<i32>} : memref<3x4x32x256xf32, #tpu.memory_space<vmem>>, vector<16xf32>,
      %add3A_1352 = arith.addf %get3A_1344, %get3A_1351 : vector<16xf32>
      %get3A_1353 = arith.constant 1 : i32
      %get3A_1354 = arith.constant 2 : i32
      %get3A_1355 = arith.index_cast %get3A_1353 : i32 to index
      %get3A_1356 = arith.index_cast %get3A_1354 : i32 to index
      %get3A_1357 = arith.index_cast %scan3A_1102 : i32 to index
      %get3A_1358 = arith.constant 96 : index
      %get3A_1359 = tpu.vector_load %arg7[%get3A_1355, %get3A_1356, %get3A_1357, %get3A_1358] {strides = array<i32>} : memref<3x4x32x256xf32, #tpu.memory_space<vmem>>, vector<16xf32>,
      %get3A_1360 = arith.constant 1 : i32
      %get3A_1361 = arith.constant 3 : i32
      %get3A_1362 = arith.index_cast %get3A_1360 : i32 to index
      %get3A_1363 = arith.index_cast %get3A_1361 : i32 to index
      %get3A_1364 = arith.index_cast %scan3A_1102 : i32 to index
      %get3A_1365 = arith.constant 96 : index
      %get3A_1366 = tpu.vector_load %arg7[%get3A_1362, %get3A_1363, %get3A_1364, %get3A_1365] {strides = array<i32>} : memref<3x4x32x256xf32, #tpu.memory_space<vmem>>, vector<16xf32>,
      %add3A_1367 = arith.addf %get3A_1359, %get3A_1366 : vector<16xf32>
      %add3A_1368 = arith.addf %add3A_1352, %add3A_1367 : vector<16xf32>
      %mul3A_1369 = arith.constant 2.500000e-01 : f32
      %mul3A_1370 = vector.broadcast %mul3A_1369 : f32 to vector<16xf32>
      %mul3A_1371 = arith.mulf %add3A_1368, %mul3A_1370 : vector<16xf32>
      %swap3A_1372 = arith.constant 1 : i32
      %swap3A_1373 = arith.index_cast %swap3A_1372 : i32 to index
      %swap3A_1374 = arith.index_cast %scan3A_1102 : i32 to index
      %swap3A_1375 = arith.constant 96 : index
      %swap3A_1376 = tpu.vector_load %arg8[%swap3A_1373, %swap3A_1374, %swap3A_1375] {strides = array<i32>} : memref<2x32x256xf32, #tpu.memory_space<vmem>>, vector<16xf32>,
      tpu.vector_store %arg8[%swap3A_1373, %swap3A_1374, %swap3A_1375], %mul3A_1371 {strides = array<i32>} : memref<2x32x256xf32, #tpu.memory_space<vmem>>, vector<16xf32>,
      %get3A_1377 = arith.constant 1 : i32
      %get3A_1378 = arith.constant 0 : i32
      %get3A_1379 = arith.index_cast %get3A_1377 : i32 to index
      %get3A_1380 = arith.index_cast %get3A_1378 : i32 to index
      %get3A_1381 = arith.index_cast %scan3A_1102 : i32 to index
      %get3A_1382 = arith.constant 112 : index
      %get3A_1383 = tpu.vector_load %arg7[%get3A_1379, %get3A_1380, %get3A_1381, %get3A_1382] {strides = array<i32>} : memref<3x4x32x256xf32, #tpu.memory_space<vmem>>, vector<16xf32>,
      %get3A_1384 = arith.constant 1 : i32
      %get3A_1385 = arith.constant 1 : i32
      %get3A_1386 = arith.index_cast %get3A_1384 : i32 to index
      %get3A_1387 = arith.index_cast %get3A_1385 : i32 to index
      %get3A_1388 = arith.index_cast %scan3A_1102 : i32 to index
      %get3A_1389 = arith.constant 112 : index
      %get3A_1390 = tpu.vector_load %arg7[%get3A_1386, %get3A_1387, %get3A_1388, %get3A_1389] {strides = array<i32>} : memref<3x4x32x256xf32, #tpu.memory_space<vmem>>, vector<16xf32>,
      %add3A_1391 = arith.addf %get3A_1383, %get3A_1390 : vector<16xf32>
      %get3A_1392 = arith.constant 1 : i32
      %get3A_1393 = arith.constant 2 : i32
      %get3A_1394 = arith.index_cast %get3A_1392 : i32 to index
      %get3A_1395 = arith.index_cast %get3A_1393 : i32 to index
      %get3A_1396 = arith.index_cast %scan3A_1102 : i32 to index
      %get3A_1397 = arith.constant 112 : index
      %get3A_1398 = tpu.vector_load %arg7[%get3A_1394, %get3A_1395, %get3A_1396, %get3A_1397] {strides = array<i32>} : memref<3x4x32x256xf32, #tpu.memory_space<vmem>>, vector<16xf32>,
      %get3A_1399 = arith.constant 1 : i32
      %get3A_1400 = arith.constant 3 : i32
      %get3A_1401 = arith.index_cast %get3A_1399 : i32 to index
      %get3A_1402 = arith.index_cast %get3A_1400 : i32 to index
      %get3A_1403 = arith.index_cast %scan3A_1102 : i32 to index
      %get3A_1404 = arith.constant 112 : index
      %get3A_1405 = tpu.vector_load %arg7[%get3A_1401, %get3A_1402, %get3A_1403, %get3A_1404] {strides = array<i32>} : memref<3x4x32x256xf32, #tpu.memory_space<vmem>>, vector<16xf32>,
      %add3A_1406 = arith.addf %get3A_1398, %get3A_1405 : vector<16xf32>
      %add3A_1407 = arith.addf %add3A_1391, %add3A_1406 : vector<16xf32>
      %mul3A_1408 = arith.constant 2.500000e-01 : f32
      %mul3A_1409 = vector.broadcast %mul3A_1408 : f32 to vector<16xf32>
      %mul3A_1410 = arith.mulf %add3A_1407, %mul3A_1409 : vector<16xf32>
      %swap3A_1411 = arith.constant 1 : i32
      %swap3A_1412 = arith.index_cast %swap3A_1411 : i32 to index
      %swap3A_1413 = arith.index_cast %scan3A_1102 : i32 to index
      %swap3A_1414 = arith.constant 112 : index
      %swap3A_1415 = tpu.vector_load %arg8[%swap3A_1412, %swap3A_1413, %swap3A_1414] {strides = array<i32>} : memref<2x32x256xf32, #tpu.memory_space<vmem>>, vector<16xf32>,
      tpu.vector_store %arg8[%swap3A_1412, %swap3A_1413, %swap3A_1414], %mul3A_1410 {strides = array<i32>} : memref<2x32x256xf32, #tpu.memory_space<vmem>>, vector<16xf32>,
      %get3A_1416 = arith.constant 1 : i32
      %get3A_1417 = arith.constant 0 : i32
      %get3A_1418 = arith.index_cast %get3A_1416 : i32 to index
      %get3A_1419 = arith.index_cast %get3A_1417 : i32 to index
      %get3A_1420 = arith.index_cast %scan3A_1102 : i32 to index
      %get3A_1421 = arith.constant 128 : index
      %get3A_1422 = tpu.vector_load %arg7[%get3A_1418, %get3A_1419, %get3A_1420, %get3A_1421] {strides = array<i32>} : memref<3x4x32x256xf32, #tpu.memory_space<vmem>>, vector<16xf32>,
      %get3A_1423 = arith.constant 1 : i32
      %get3A_1424 = arith.constant 1 : i32
      %get3A_1425 = arith.index_cast %get3A_1423 : i32 to index
      %get3A_1426 = arith.index_cast %get3A_1424 : i32 to index
      %get3A_1427 = arith.index_cast %scan3A_1102 : i32 to index
      %get3A_1428 = arith.constant 128 : index
      %get3A_1429 = tpu.vector_load %arg7[%get3A_1425, %get3A_1426, %get3A_1427, %get3A_1428] {strides = array<i32>} : memref<3x4x32x256xf32, #tpu.memory_space<vmem>>, vector<16xf32>,
      %add3A_1430 = arith.addf %get3A_1422, %get3A_1429 : vector<16xf32>
      %get3A_1431 = arith.constant 1 : i32
      %get3A_1432 = arith.constant 2 : i32
      %get3A_1433 = arith.index_cast %get3A_1431 : i32 to index
      %get3A_1434 = arith.index_cast %get3A_1432 : i32 to index
      %get3A_1435 = arith.index_cast %scan3A_1102 : i32 to index
      %get3A_1436 = arith.constant 128 : index
      %get3A_1437 = tpu.vector_load %arg7[%get3A_1433, %get3A_1434, %get3A_1435, %get3A_1436] {strides = array<i32>} : memref<3x4x32x256xf32, #tpu.memory_space<vmem>>, vector<16xf32>,
      %get3A_1438 = arith.constant 1 : i32
      %get3A_1439 = arith.constant 3 : i32
      %get3A_1440 = arith.index_cast %get3A_1438 : i32 to index
      %get3A_1441 = arith.index_cast %get3A_1439 : i32 to index
      %get3A_1442 = arith.index_cast %scan3A_1102 : i32 to index
      %get3A_1443 = arith.constant 128 : index
      %get3A_1444 = tpu.vector_load %arg7[%get3A_1440, %get3A_1441, %get3A_1442, %get3A_1443] {strides = array<i32>} : memref<3x4x32x256xf32, #tpu.memory_space<vmem>>, vector<16xf32>,
      %add3A_1445 = arith.addf %get3A_1437, %get3A_1444 : vector<16xf32>
      %add3A_1446 = arith.addf %add3A_1430, %add3A_1445 : vector<16xf32>
      %mul3A_1447 = arith.constant 2.500000e-01 : f32
      %mul3A_1448 = vector.broadcast %mul3A_1447 : f32 to vector<16xf32>
      %mul3A_1449 = arith.mulf %add3A_1446, %mul3A_1448 : vector<16xf32>
      %swap3A_1450 = arith.constant 1 : i32
      %swap3A_1451 = arith.index_cast %swap3A_1450 : i32 to index
      %swap3A_1452 = arith.index_cast %scan3A_1102 : i32 to index
      %swap3A_1453 = arith.constant 128 : index
      %swap3A_1454 = tpu.vector_load %arg8[%swap3A_1451, %swap3A_1452, %swap3A_1453] {strides = array<i32>} : memref<2x32x256xf32, #tpu.memory_space<vmem>>, vector<16xf32>,
      tpu.vector_store %arg8[%swap3A_1451, %swap3A_1452, %swap3A_1453], %mul3A_1449 {strides = array<i32>} : memref<2x32x256xf32, #tpu.memory_space<vmem>>, vector<16xf32>,
      %get3A_1455 = arith.constant 1 : i32
      %get3A_1456 = arith.constant 0 : i32
      %get3A_1457 = arith.index_cast %get3A_1455 : i32 to index
      %get3A_1458 = arith.index_cast %get3A_1456 : i32 to index
      %get3A_1459 = arith.index_cast %scan3A_1102 : i32 to index
      %get3A_1460 = arith.constant 144 : index
      %get3A_1461 = tpu.vector_load %arg7[%get3A_1457, %get3A_1458, %get3A_1459, %get3A_1460] {strides = array<i32>} : memref<3x4x32x256xf32, #tpu.memory_space<vmem>>, vector<16xf32>,
      %get3A_1462 = arith.constant 1 : i32
      %get3A_1463 = arith.constant 1 : i32
      %get3A_1464 = arith.index_cast %get3A_1462 : i32 to index
      %get3A_1465 = arith.index_cast %get3A_1463 : i32 to index
      %get3A_1466 = arith.index_cast %scan3A_1102 : i32 to index
      %get3A_1467 = arith.constant 144 : index
      %get3A_1468 = tpu.vector_load %arg7[%get3A_1464, %get3A_1465, %get3A_1466, %get3A_1467] {strides = array<i32>} : memref<3x4x32x256xf32, #tpu.memory_space<vmem>>, vector<16xf32>,
      %add3A_1469 = arith.addf %get3A_1461, %get3A_1468 : vector<16xf32>
      %get3A_1470 = arith.constant 1 : i32
      %get3A_1471 = arith.constant 2 : i32
      %get3A_1472 = arith.index_cast %get3A_1470 : i32 to index
      %get3A_1473 = arith.index_cast %get3A_1471 : i32 to index
      %get3A_1474 = arith.index_cast %scan3A_1102 : i32 to index
      %get3A_1475 = arith.constant 144 : index
      %get3A_1476 = tpu.vector_load %arg7[%get3A_1472, %get3A_1473, %get3A_1474, %get3A_1475] {strides = array<i32>} : memref<3x4x32x256xf32, #tpu.memory_space<vmem>>, vector<16xf32>,
      %get3A_1477 = arith.constant 1 : i32
      %get3A_1478 = arith.constant 3 : i32
      %get3A_1479 = arith.index_cast %get3A_1477 : i32 to index
      %get3A_1480 = arith.index_cast %get3A_1478 : i32 to index
      %get3A_1481 = arith.index_cast %scan3A_1102 : i32 to index
      %get3A_1482 = arith.constant 144 : index
      %get3A_1483 = tpu.vector_load %arg7[%get3A_1479, %get3A_1480, %get3A_1481, %get3A_1482] {strides = array<i32>} : memref<3x4x32x256xf32, #tpu.memory_space<vmem>>, vector<16xf32>,
      %add3A_1484 = arith.addf %get3A_1476, %get3A_1483 : vector<16xf32>
      %add3A_1485 = arith.addf %add3A_1469, %add3A_1484 : vector<16xf32>
      %mul3A_1486 = arith.constant 2.500000e-01 : f32
      %mul3A_1487 = vector.broadcast %mul3A_1486 : f32 to vector<16xf32>
      %mul3A_1488 = arith.mulf %add3A_1485, %mul3A_1487 : vector<16xf32>
      %swap3A_1489 = arith.constant 1 : i32
      %swap3A_1490 = arith.index_cast %swap3A_1489 : i32 to index
      %swap3A_1491 = arith.index_cast %scan3A_1102 : i32 to index
      %swap3A_1492 = arith.constant 144 : index
      %swap3A_1493 = tpu.vector_load %arg8[%swap3A_1490, %swap3A_1491, %swap3A_1492] {strides = array<i32>} : memref<2x32x256xf32, #tpu.memory_space<vmem>>, vector<16xf32>,
      tpu.vector_store %arg8[%swap3A_1490, %swap3A_1491, %swap3A_1492], %mul3A_1488 {strides = array<i32>} : memref<2x32x256xf32, #tpu.memory_space<vmem>>, vector<16xf32>,
      %get3A_1494 = arith.constant 1 : i32
      %get3A_1495 = arith.constant 0 : i32
      %get3A_1496 = arith.index_cast %get3A_1494 : i32 to index
      %get3A_1497 = arith.index_cast %get3A_1495 : i32 to index
      %get3A_1498 = arith.index_cast %scan3A_1102 : i32 to index
      %get3A_1499 = arith.constant 160 : index
      %get3A_1500 = tpu.vector_load %arg7[%get3A_1496, %get3A_1497, %get3A_1498, %get3A_1499] {strides = array<i32>} : memref<3x4x32x256xf32, #tpu.memory_space<vmem>>, vector<16xf32>,
      %get3A_1501 = arith.constant 1 : i32
      %get3A_1502 = arith.constant 1 : i32
      %get3A_1503 = arith.index_cast %get3A_1501 : i32 to index
      %get3A_1504 = arith.index_cast %get3A_1502 : i32 to index
      %get3A_1505 = arith.index_cast %scan3A_1102 : i32 to index
      %get3A_1506 = arith.constant 160 : index
      %get3A_1507 = tpu.vector_load %arg7[%get3A_1503, %get3A_1504, %get3A_1505, %get3A_1506] {strides = array<i32>} : memref<3x4x32x256xf32, #tpu.memory_space<vmem>>, vector<16xf32>,
      %add3A_1508 = arith.addf %get3A_1500, %get3A_1507 : vector<16xf32>
      %get3A_1509 = arith.constant 1 : i32
      %get3A_1510 = arith.constant 2 : i32
      %get3A_1511 = arith.index_cast %get3A_1509 : i32 to index
      %get3A_1512 = arith.index_cast %get3A_1510 : i32 to index
      %get3A_1513 = arith.index_cast %scan3A_1102 : i32 to index
      %get3A_1514 = arith.constant 160 : index
      %get3A_1515 = tpu.vector_load %arg7[%get3A_1511, %get3A_1512, %get3A_1513, %get3A_1514] {strides = array<i32>} : memref<3x4x32x256xf32, #tpu.memory_space<vmem>>, vector<16xf32>,
      %get3A_1516 = arith.constant 1 : i32
      %get3A_1517 = arith.constant 3 : i32
      %get3A_1518 = arith.index_cast %get3A_1516 : i32 to index
      %get3A_1519 = arith.index_cast %get3A_1517 : i32 to index
      %get3A_1520 = arith.index_cast %scan3A_1102 : i32 to index
      %get3A_1521 = arith.constant 160 : index
      %get3A_1522 = tpu.vector_load %arg7[%get3A_1518, %get3A_1519, %get3A_1520, %get3A_1521] {strides = array<i32>} : memref<3x4x32x256xf32, #tpu.memory_space<vmem>>, vector<16xf32>,
      %add3A_1523 = arith.addf %get3A_1515, %get3A_1522 : vector<16xf32>
      %add3A_1524 = arith.addf %add3A_1508, %add3A_1523 : vector<16xf32>
      %mul3A_1525 = arith.constant 2.500000e-01 : f32
      %mul3A_1526 = vector.broadcast %mul3A_1525 : f32 to vector<16xf32>
      %mul3A_1527 = arith.mulf %add3A_1524, %mul3A_1526 : vector<16xf32>
      %swap3A_1528 = arith.constant 1 : i32
      %swap3A_1529 = arith.index_cast %swap3A_1528 : i32 to index
      %swap3A_1530 = arith.index_cast %scan3A_1102 : i32 to index
      %swap3A_1531 = arith.constant 160 : index
      %swap3A_1532 = tpu.vector_load %arg8[%swap3A_1529, %swap3A_1530, %swap3A_1531] {strides = array<i32>} : memref<2x32x256xf32, #tpu.memory_space<vmem>>, vector<16xf32>,
      tpu.vector_store %arg8[%swap3A_1529, %swap3A_1530, %swap3A_1531], %mul3A_1527 {strides = array<i32>} : memref<2x32x256xf32, #tpu.memory_space<vmem>>, vector<16xf32>,
      %get3A_1533 = arith.constant 1 : i32
      %get3A_1534 = arith.constant 0 : i32
      %get3A_1535 = arith.index_cast %get3A_1533 : i32 to index
      %get3A_1536 = arith.index_cast %get3A_1534 : i32 to index
      %get3A_1537 = arith.index_cast %scan3A_1102 : i32 to index
      %get3A_1538 = arith.constant 176 : index
      %get3A_1539 = tpu.vector_load %arg7[%get3A_1535, %get3A_1536, %get3A_1537, %get3A_1538] {strides = array<i32>} : memref<3x4x32x256xf32, #tpu.memory_space<vmem>>, vector<16xf32>,
      %get3A_1540 = arith.constant 1 : i32
      %get3A_1541 = arith.constant 1 : i32
      %get3A_1542 = arith.index_cast %get3A_1540 : i32 to index
      %get3A_1543 = arith.index_cast %get3A_1541 : i32 to index
      %get3A_1544 = arith.index_cast %scan3A_1102 : i32 to index
      %get3A_1545 = arith.constant 176 : index
      %get3A_1546 = tpu.vector_load %arg7[%get3A_1542, %get3A_1543, %get3A_1544, %get3A_1545] {strides = array<i32>} : memref<3x4x32x256xf32, #tpu.memory_space<vmem>>, vector<16xf32>,
      %add3A_1547 = arith.addf %get3A_1539, %get3A_1546 : vector<16xf32>
      %get3A_1548 = arith.constant 1 : i32
      %get3A_1549 = arith.constant 2 : i32
      %get3A_1550 = arith.index_cast %get3A_1548 : i32 to index
      %get3A_1551 = arith.index_cast %get3A_1549 : i32 to index
      %get3A_1552 = arith.index_cast %scan3A_1102 : i32 to index
      %get3A_1553 = arith.constant 176 : index
      %get3A_1554 = tpu.vector_load %arg7[%get3A_1550, %get3A_1551, %get3A_1552, %get3A_1553] {strides = array<i32>} : memref<3x4x32x256xf32, #tpu.memory_space<vmem>>, vector<16xf32>,
      %get3A_1555 = arith.constant 1 : i32
      %get3A_1556 = arith.constant 3 : i32
      %get3A_1557 = arith.index_cast %get3A_1555 : i32 to index
      %get3A_1558 = arith.index_cast %get3A_1556 : i32 to index
      %get3A_1559 = arith.index_cast %scan3A_1102 : i32 to index
      %get3A_1560 = arith.constant 176 : index
      %get3A_1561 = tpu.vector_load %arg7[%get3A_1557, %get3A_1558, %get3A_1559, %get3A_1560] {strides = array<i32>} : memref<3x4x32x256xf32, #tpu.memory_space<vmem>>, vector<16xf32>,
      %add3A_1562 = arith.addf %get3A_1554, %get3A_1561 : vector<16xf32>
      %add3A_1563 = arith.addf %add3A_1547, %add3A_1562 : vector<16xf32>
      %mul3A_1564 = arith.constant 2.500000e-01 : f32
      %mul3A_1565 = vector.broadcast %mul3A_1564 : f32 to vector<16xf32>
      %mul3A_1566 = arith.mulf %add3A_1563, %mul3A_1565 : vector<16xf32>
      %swap3A_1567 = arith.constant 1 : i32
      %swap3A_1568 = arith.index_cast %swap3A_1567 : i32 to index
      %swap3A_1569 = arith.index_cast %scan3A_1102 : i32 to index
      %swap3A_1570 = arith.constant 176 : index
      %swap3A_1571 = tpu.vector_load %arg8[%swap3A_1568, %swap3A_1569, %swap3A_1570] {strides = array<i32>} : memref<2x32x256xf32, #tpu.memory_space<vmem>>, vector<16xf32>,
      tpu.vector_store %arg8[%swap3A_1568, %swap3A_1569, %swap3A_1570], %mul3A_1566 {strides = array<i32>} : memref<2x32x256xf32, #tpu.memory_space<vmem>>, vector<16xf32>,
      %get3A_1572 = arith.constant 1 : i32
      %get3A_1573 = arith.constant 0 : i32
      %get3A_1574 = arith.index_cast %get3A_1572 : i32 to index
      %get3A_1575 = arith.index_cast %get3A_1573 : i32 to index
      %get3A_1576 = arith.index_cast %scan3A_1102 : i32 to index
      %get3A_1577 = arith.constant 192 : index
      %get3A_1578 = tpu.vector_load %arg7[%get3A_1574, %get3A_1575, %get3A_1576, %get3A_1577] {strides = array<i32>} : memref<3x4x32x256xf32, #tpu.memory_space<vmem>>, vector<16xf32>,
      %get3A_1579 = arith.constant 1 : i32
      %get3A_1580 = arith.constant 1 : i32
      %get3A_1581 = arith.index_cast %get3A_1579 : i32 to index
      %get3A_1582 = arith.index_cast %get3A_1580 : i32 to index
      %get3A_1583 = arith.index_cast %scan3A_1102 : i32 to index
      %get3A_1584 = arith.constant 192 : index
      %get3A_1585 = tpu.vector_load %arg7[%get3A_1581, %get3A_1582, %get3A_1583, %get3A_1584] {strides = array<i32>} : memref<3x4x32x256xf32, #tpu.memory_space<vmem>>, vector<16xf32>,
      %add3A_1586 = arith.addf %get3A_1578, %get3A_1585 : vector<16xf32>
      %get3A_1587 = arith.constant 1 : i32
      %get3A_1588 = arith.constant 2 : i32
      %get3A_1589 = arith.index_cast %get3A_1587 : i32 to index
      %get3A_1590 = arith.index_cast %get3A_1588 : i32 to index
      %get3A_1591 = arith.index_cast %scan3A_1102 : i32 to index
      %get3A_1592 = arith.constant 192 : index
      %get3A_1593 = tpu.vector_load %arg7[%get3A_1589, %get3A_1590, %get3A_1591, %get3A_1592] {strides = array<i32>} : memref<3x4x32x256xf32, #tpu.memory_space<vmem>>, vector<16xf32>,
      %get3A_1594 = arith.constant 1 : i32
      %get3A_1595 = arith.constant 3 : i32
      %get3A_1596 = arith.index_cast %get3A_1594 : i32 to index
      %get3A_1597 = arith.index_cast %get3A_1595 : i32 to index
      %get3A_1598 = arith.index_cast %scan3A_1102 : i32 to index
      %get3A_1599 = arith.constant 192 : index
      %get3A_1600 = tpu.vector_load %arg7[%get3A_1596, %get3A_1597, %get3A_1598, %get3A_1599] {strides = array<i32>} : memref<3x4x32x256xf32, #tpu.memory_space<vmem>>, vector<16xf32>,
      %add3A_1601 = arith.addf %get3A_1593, %get3A_1600 : vector<16xf32>
      %add3A_1602 = arith.addf %add3A_1586, %add3A_1601 : vector<16xf32>
      %mul3A_1603 = arith.constant 2.500000e-01 : f32
      %mul3A_1604 = vector.broadcast %mul3A_1603 : f32 to vector<16xf32>
      %mul3A_1605 = arith.mulf %add3A_1602, %mul3A_1604 : vector<16xf32>
      %swap3A_1606 = arith.constant 1 : i32
      %swap3A_1607 = arith.index_cast %swap3A_1606 : i32 to index
      %swap3A_1608 = arith.index_cast %scan3A_1102 : i32 to index
      %swap3A_1609 = arith.constant 192 : index
      %swap3A_1610 = tpu.vector_load %arg8[%swap3A_1607, %swap3A_1608, %swap3A_1609] {strides = array<i32>} : memref<2x32x256xf32, #tpu.memory_space<vmem>>, vector<16xf32>,
      tpu.vector_store %arg8[%swap3A_1607, %swap3A_1608, %swap3A_1609], %mul3A_1605 {strides = array<i32>} : memref<2x32x256xf32, #tpu.memory_space<vmem>>, vector<16xf32>,
      %get3A_1611 = arith.constant 1 : i32
      %get3A_1612 = arith.constant 0 : i32
      %get3A_1613 = arith.index_cast %get3A_1611 : i32 to index
      %get3A_1614 = arith.index_cast %get3A_1612 : i32 to index
      %get3A_1615 = arith.index_cast %scan3A_1102 : i32 to index
      %get3A_1616 = arith.constant 208 : index
      %get3A_1617 = tpu.vector_load %arg7[%get3A_1613, %get3A_1614, %get3A_1615, %get3A_1616] {strides = array<i32>} : memref<3x4x32x256xf32, #tpu.memory_space<vmem>>, vector<16xf32>,
      %get3A_1618 = arith.constant 1 : i32
      %get3A_1619 = arith.constant 1 : i32
      %get3A_1620 = arith.index_cast %get3A_1618 : i32 to index
      %get3A_1621 = arith.index_cast %get3A_1619 : i32 to index
      %get3A_1622 = arith.index_cast %scan3A_1102 : i32 to index
      %get3A_1623 = arith.constant 208 : index
      %get3A_1624 = tpu.vector_load %arg7[%get3A_1620, %get3A_1621, %get3A_1622, %get3A_1623] {strides = array<i32>} : memref<3x4x32x256xf32, #tpu.memory_space<vmem>>, vector<16xf32>,
      %add3A_1625 = arith.addf %get3A_1617, %get3A_1624 : vector<16xf32>
      %get3A_1626 = arith.constant 1 : i32
      %get3A_1627 = arith.constant 2 : i32
      %get3A_1628 = arith.index_cast %get3A_1626 : i32 to index
      %get3A_1629 = arith.index_cast %get3A_1627 : i32 to index
      %get3A_1630 = arith.index_cast %scan3A_1102 : i32 to index
      %get3A_1631 = arith.constant 208 : index
      %get3A_1632 = tpu.vector_load %arg7[%get3A_1628, %get3A_1629, %get3A_1630, %get3A_1631] {strides = array<i32>} : memref<3x4x32x256xf32, #tpu.memory_space<vmem>>, vector<16xf32>,
      %get3A_1633 = arith.constant 1 : i32
      %get3A_1634 = arith.constant 3 : i32
      %get3A_1635 = arith.index_cast %get3A_1633 : i32 to index
      %get3A_1636 = arith.index_cast %get3A_1634 : i32 to index
      %get3A_1637 = arith.index_cast %scan3A_1102 : i32 to index
      %get3A_1638 = arith.constant 208 : index
      %get3A_1639 = tpu.vector_load %arg7[%get3A_1635, %get3A_1636, %get3A_1637, %get3A_1638] {strides = array<i32>} : memref<3x4x32x256xf32, #tpu.memory_space<vmem>>, vector<16xf32>,
      %add3A_1640 = arith.addf %get3A_1632, %get3A_1639 : vector<16xf32>
      %add3A_1641 = arith.addf %add3A_1625, %add3A_1640 : vector<16xf32>
      %mul3A_1642 = arith.constant 2.500000e-01 : f32
      %mul3A_1643 = vector.broadcast %mul3A_1642 : f32 to vector<16xf32>
      %mul3A_1644 = arith.mulf %add3A_1641, %mul3A_1643 : vector<16xf32>
      %swap3A_1645 = arith.constant 1 : i32
      %swap3A_1646 = arith.index_cast %swap3A_1645 : i32 to index
      %swap3A_1647 = arith.index_cast %scan3A_1102 : i32 to index
      %swap3A_1648 = arith.constant 208 : index
      %swap3A_1649 = tpu.vector_load %arg8[%swap3A_1646, %swap3A_1647, %swap3A_1648] {strides = array<i32>} : memref<2x32x256xf32, #tpu.memory_space<vmem>>, vector<16xf32>,
      tpu.vector_store %arg8[%swap3A_1646, %swap3A_1647, %swap3A_1648], %mul3A_1644 {strides = array<i32>} : memref<2x32x256xf32, #tpu.memory_space<vmem>>, vector<16xf32>,
      %get3A_1650 = arith.constant 1 : i32
      %get3A_1651 = arith.constant 0 : i32
      %get3A_1652 = arith.index_cast %get3A_1650 : i32 to index
      %get3A_1653 = arith.index_cast %get3A_1651 : i32 to index
      %get3A_1654 = arith.index_cast %scan3A_1102 : i32 to index
      %get3A_1655 = arith.constant 224 : index
      %get3A_1656 = tpu.vector_load %arg7[%get3A_1652, %get3A_1653, %get3A_1654, %get3A_1655] {strides = array<i32>} : memref<3x4x32x256xf32, #tpu.memory_space<vmem>>, vector<16xf32>,
      %get3A_1657 = arith.constant 1 : i32
      %get3A_1658 = arith.constant 1 : i32
      %get3A_1659 = arith.index_cast %get3A_1657 : i32 to index
      %get3A_1660 = arith.index_cast %get3A_1658 : i32 to index
      %get3A_1661 = arith.index_cast %scan3A_1102 : i32 to index
      %get3A_1662 = arith.constant 224 : index
      %get3A_1663 = tpu.vector_load %arg7[%get3A_1659, %get3A_1660, %get3A_1661, %get3A_1662] {strides = array<i32>} : memref<3x4x32x256xf32, #tpu.memory_space<vmem>>, vector<16xf32>,
      %add3A_1664 = arith.addf %get3A_1656, %get3A_1663 : vector<16xf32>
      %get3A_1665 = arith.constant 1 : i32
      %get3A_1666 = arith.constant 2 : i32
      %get3A_1667 = arith.index_cast %get3A_1665 : i32 to index
      %get3A_1668 = arith.index_cast %get3A_1666 : i32 to index
      %get3A_1669 = arith.index_cast %scan3A_1102 : i32 to index
      %get3A_1670 = arith.constant 224 : index
      %get3A_1671 = tpu.vector_load %arg7[%get3A_1667, %get3A_1668, %get3A_1669, %get3A_1670] {strides = array<i32>} : memref<3x4x32x256xf32, #tpu.memory_space<vmem>>, vector<16xf32>,
      %get3A_1672 = arith.constant 1 : i32
      %get3A_1673 = arith.constant 3 : i32
      %get3A_1674 = arith.index_cast %get3A_1672 : i32 to index
      %get3A_1675 = arith.index_cast %get3A_1673 : i32 to index
      %get3A_1676 = arith.index_cast %scan3A_1102 : i32 to index
      %get3A_1677 = arith.constant 224 : index
      %get3A_1678 = tpu.vector_load %arg7[%get3A_1674, %get3A_1675, %get3A_1676, %get3A_1677] {strides = array<i32>} : memref<3x4x32x256xf32, #tpu.memory_space<vmem>>, vector<16xf32>,
      %add3A_1679 = arith.addf %get3A_1671, %get3A_1678 : vector<16xf32>
      %add3A_1680 = arith.addf %add3A_1664, %add3A_1679 : vector<16xf32>
      %mul3A_1681 = arith.constant 2.500000e-01 : f32
      %mul3A_1682 = vector.broadcast %mul3A_1681 : f32 to vector<16xf32>
      %mul3A_1683 = arith.mulf %add3A_1680, %mul3A_1682 : vector<16xf32>
      %swap3A_1684 = arith.constant 1 : i32
      %swap3A_1685 = arith.index_cast %swap3A_1684 : i32 to index
      %swap3A_1686 = arith.index_cast %scan3A_1102 : i32 to index
      %swap3A_1687 = arith.constant 224 : index
      %swap3A_1688 = tpu.vector_load %arg8[%swap3A_1685, %swap3A_1686, %swap3A_1687] {strides = array<i32>} : memref<2x32x256xf32, #tpu.memory_space<vmem>>, vector<16xf32>,
      tpu.vector_store %arg8[%swap3A_1685, %swap3A_1686, %swap3A_1687], %mul3A_1683 {strides = array<i32>} : memref<2x32x256xf32, #tpu.memory_space<vmem>>, vector<16xf32>,
      %get3A_1689 = arith.constant 1 : i32
      %get3A_1690 = arith.constant 0 : i32
      %get3A_1691 = arith.index_cast %get3A_1689 : i32 to index
      %get3A_1692 = arith.index_cast %get3A_1690 : i32 to index
      %get3A_1693 = arith.index_cast %scan3A_1102 : i32 to index
      %get3A_1694 = arith.constant 240 : index
      %get3A_1695 = tpu.vector_load %arg7[%get3A_1691, %get3A_1692, %get3A_1693, %get3A_1694] {strides = array<i32>} : memref<3x4x32x256xf32, #tpu.memory_space<vmem>>, vector<16xf32>,
      %get3A_1696 = arith.constant 1 : i32
      %get3A_1697 = arith.constant 1 : i32
      %get3A_1698 = arith.index_cast %get3A_1696 : i32 to index
      %get3A_1699 = arith.index_cast %get3A_1697 : i32 to index
      %get3A_1700 = arith.index_cast %scan3A_1102 : i32 to index
      %get3A_1701 = arith.constant 240 : index
      %get3A_1702 = tpu.vector_load %arg7[%get3A_1698, %get3A_1699, %get3A_1700, %get3A_1701] {strides = array<i32>} : memref<3x4x32x256xf32, #tpu.memory_space<vmem>>, vector<16xf32>,
      %add3A_1703 = arith.addf %get3A_1695, %get3A_1702 : vector<16xf32>
      %get3A_1704 = arith.constant 1 : i32
      %get3A_1705 = arith.constant 2 : i32
      %get3A_1706 = arith.index_cast %get3A_1704 : i32 to index
      %get3A_1707 = arith.index_cast %get3A_1705 : i32 to index
      %get3A_1708 = arith.index_cast %scan3A_1102 : i32 to index
      %get3A_1709 = arith.constant 240 : index
      %get3A_1710 = tpu.vector_load %arg7[%get3A_1706, %get3A_1707, %get3A_1708, %get3A_1709] {strides = array<i32>} : memref<3x4x32x256xf32, #tpu.memory_space<vmem>>, vector<16xf32>,
      %get3A_1711 = arith.constant 1 : i32
      %get3A_1712 = arith.constant 3 : i32
      %get3A_1713 = arith.index_cast %get3A_1711 : i32 to index
      %get3A_1714 = arith.index_cast %get3A_1712 : i32 to index
      %get3A_1715 = arith.index_cast %scan3A_1102 : i32 to index
      %get3A_1716 = arith.constant 240 : index
      %get3A_1717 = tpu.vector_load %arg7[%get3A_1713, %get3A_1714, %get3A_1715, %get3A_1716] {strides = array<i32>} : memref<3x4x32x256xf32, #tpu.memory_space<vmem>>, vector<16xf32>,
      %add3A_1718 = arith.addf %get3A_1710, %get3A_1717 : vector<16xf32>
      %add3A_1719 = arith.addf %add3A_1703, %add3A_1718 : vector<16xf32>
      %mul3A_1720 = arith.constant 2.500000e-01 : f32
      %mul3A_1721 = vector.broadcast %mul3A_1720 : f32 to vector<16xf32>
      %mul3A_1722 = arith.mulf %add3A_1719, %mul3A_1721 : vector<16xf32>
      %swap3A_1723 = arith.constant 1 : i32
      %swap3A_1724 = arith.index_cast %swap3A_1723 : i32 to index
      %swap3A_1725 = arith.index_cast %scan3A_1102 : i32 to index
      %swap3A_1726 = arith.constant 240 : index
      %swap3A_1727 = tpu.vector_load %arg8[%swap3A_1724, %swap3A_1725, %swap3A_1726] {strides = array<i32>} : memref<2x32x256xf32, #tpu.memory_space<vmem>>, vector<16xf32>,
      tpu.vector_store %arg8[%swap3A_1724, %swap3A_1725, %swap3A_1726], %mul3A_1722 {strides = array<i32>} : memref<2x32x256xf32, #tpu.memory_space<vmem>>, vector<16xf32>,
      %scan3A_1728 = arith.constant 0 : i32
      scf.yield %scan3A_1728 : i32
    }
    %scan3A_871 = arith.constant 32 : i32
    %mul3A_872 = arith.constant 256 : i32
    %mul3A_873 = arith.muli %select_n3A, %mul3A_872 : i32
    %mul3A_874 = arith.constant 128 : i32
    %mul3A_875 = arith.muli %select_n3A_30, %mul3A_874 : i32
    %add3A_876 = arith.addi %mul3A_873, %mul3A_875 : i32
    %add3A_877 = arith.constant 32 : i32
    %add3A_878 = arith.addi %add3A_876, %add3A_877 : i32
    %dma_start3A_879 = arith.constant 1 : i32
    %dma_start3A_880 = arith.constant 0 : i32
    %dma_start3A_881 = arith.constant 0 : i32
    %dma_start3A_882 = tpu.memref_slice %arg8[%dma_start3A_879, %dma_start3A_880, %dma_start3A_881] : memref<2x32x256xf32, #tpu.memory_space<vmem>> -> memref<1x32x256xf32, #tpu.memory_space<vmem>>
    %dma_start3A_883 = tpu.memref_squeeze %dma_start3A_882 : memref<1x32x256xf32, #tpu.memory_space<vmem>> -> memref<32x256xf32, #tpu.memory_space<vmem>>
    %dma_start3A_884 = arith.constant 0 : i32
    %dma_start3A_885 = tpu.memref_slice %arg4[%add3A_878, %dma_start3A_884] : memref<4096x256xf32, #tpu.memory_space<hbm>> -> memref<32x256xf32, #tpu.memory_space<hbm>>
    %dma_start3A_886 = arith.constant 0 : i32
    %dma_start3A_887 = tpu.memref_slice %arg4[%add3A_878, %dma_start3A_886] : memref<4096x256xf32, #tpu.memory_space<hbm>> -> memref<32x256xf32, #tpu.memory_space<hbm>>
    %dma_start3A_888 = arith.constant 0 : i32
    %dma_start3A_889 = arith.constant 0 : i32
    %dma_start3A_890 = tpu.memref_slice %arg8[%dma_start3A_879, %dma_start3A_888, %dma_start3A_889] : memref<2x32x256xf32, #tpu.memory_space<vmem>> -> memref<1x32x256xf32, #tpu.memory_space<vmem>>
    %dma_start3A_891 = tpu.memref_squeeze %dma_start3A_890 : memref<1x32x256xf32, #tpu.memory_space<vmem>> -> memref<32x256xf32, #tpu.memory_space<vmem>>
    tpu.enqueue_dma source(%dma_start3A_891 : memref<32x256xf32, #tpu.memory_space<vmem>>) target(%dma_start3A_887 : memref<32x256xf32, #tpu.memory_space<hbm>>) target_semaphore(%arg13 : memref<!tpu.dma_semaphore, #tpu.memory_space<semaphore_mem>>)
    %dma_wait3A_892 = arith.constant 8 : i32
    %dma_wait3A_893 = arith.constant 2 : i32
    %dma_wait3A_894 = arith.constant 0 : i32
    %dma_wait3A_895 = arith.constant 0 : i32
    %dma_wait3A_896 = arith.constant 0 : i32
    %dma_wait3A_897 = tpu.memref_slice %arg7[%dma_wait3A_893, %dma_wait3A_894, %dma_wait3A_895, %dma_wait3A_896] : memref<3x4x32x256xf32, #tpu.memory_space<vmem>> -> memref<1x1x32x256xf32, #tpu.memory_space<vmem>>
    %dma_wait3A_898 = tpu.memref_squeeze %dma_wait3A_897 : memref<1x1x32x256xf32, #tpu.memory_space<vmem>> -> memref<32x256xf32, #tpu.memory_space<vmem>>
    %dma_wait3A_899 = arith.constant 0 : i32
    %dma_wait3A_900 = tpu.memref_slice %arg6[%dma_wait3A_892, %dma_wait3A_899] : memref<16x32xi32, #tpu.memory_space<vmem>> -> memref<1x32xi32, #tpu.memory_space<vmem>>
    %dma_wait3A_901 = tpu.memref_squeeze %dma_wait3A_900 : memref<1x32xi32, #tpu.memory_space<vmem>> -> memref<32xi32, #tpu.memory_space<vmem>>
    %dma_wait3A_902 = arith.constant 0 : i32
    %dma_wait3A_903 = arith.constant 0 : i32
    %dma_wait3A_904 = tpu.memref_slice %arg3[%dma_wait3A_902, %dma_wait3A_903] : memref<131072x256xf32, #tpu.memory_space<hbm>> -> memref<131072x256xf32, #tpu.memory_space<hbm>>
    tpu.wait_indirect_dma semaphore(%arg11 : memref<!tpu.dma_semaphore, #tpu.memory_space<semaphore_mem>>) src(%dma_wait3A_904 : memref<131072x256xf32, #tpu.memory_space<hbm>>) dst(%dma_wait3A_898 : memref<32x256xf32, #tpu.memory_space<vmem>>)
    %dma_wait3A_905 = arith.constant 9 : i32
    %dma_wait3A_906 = arith.constant 2 : i32
    %dma_wait3A_907 = arith.constant 1 : i32
    %dma_wait3A_908 = arith.constant 0 : i32
    %dma_wait3A_909 = arith.constant 0 : i32
    %dma_wait3A_910 = tpu.memref_slice %arg7[%dma_wait3A_906, %dma_wait3A_907, %dma_wait3A_908, %dma_wait3A_909] : memref<3x4x32x256xf32, #tpu.memory_space<vmem>> -> memref<1x1x32x256xf32, #tpu.memory_space<vmem>>
    %dma_wait3A_911 = tpu.memref_squeeze %dma_wait3A_910 : memref<1x1x32x256xf32, #tpu.memory_space<vmem>> -> memref<32x256xf32, #tpu.memory_space<vmem>>
    %dma_wait3A_912 = arith.constant 0 : i32
    %dma_wait3A_913 = tpu.memref_slice %arg6[%dma_wait3A_905, %dma_wait3A_912] : memref<16x32xi32, #tpu.memory_space<vmem>> -> memref<1x32xi32, #tpu.memory_space<vmem>>
    %dma_wait3A_914 = tpu.memref_squeeze %dma_wait3A_913 : memref<1x32xi32, #tpu.memory_space<vmem>> -> memref<32xi32, #tpu.memory_space<vmem>>
    %dma_wait3A_915 = arith.constant 0 : i32
    %dma_wait3A_916 = arith.constant 0 : i32
    %dma_wait3A_917 = tpu.memref_slice %arg3[%dma_wait3A_915, %dma_wait3A_916] : memref<131072x256xf32, #tpu.memory_space<hbm>> -> memref<131072x256xf32, #tpu.memory_space<hbm>>
    tpu.wait_indirect_dma semaphore(%arg11 : memref<!tpu.dma_semaphore, #tpu.memory_space<semaphore_mem>>) src(%dma_wait3A_917 : memref<131072x256xf32, #tpu.memory_space<hbm>>) dst(%dma_wait3A_911 : memref<32x256xf32, #tpu.memory_space<vmem>>)
    %dma_wait3A_918 = arith.constant 10 : i32
    %dma_wait3A_919 = arith.constant 2 : i32
    %dma_wait3A_920 = arith.constant 2 : i32
    %dma_wait3A_921 = arith.constant 0 : i32
    %dma_wait3A_922 = arith.constant 0 : i32
    %dma_wait3A_923 = tpu.memref_slice %arg7[%dma_wait3A_919, %dma_wait3A_920, %dma_wait3A_921, %dma_wait3A_922] : memref<3x4x32x256xf32, #tpu.memory_space<vmem>> -> memref<1x1x32x256xf32, #tpu.memory_space<vmem>>
    %dma_wait3A_924 = tpu.memref_squeeze %dma_wait3A_923 : memref<1x1x32x256xf32, #tpu.memory_space<vmem>> -> memref<32x256xf32, #tpu.memory_space<vmem>>
    %dma_wait3A_925 = arith.constant 0 : i32
    %dma_wait3A_926 = tpu.memref_slice %arg6[%dma_wait3A_918, %dma_wait3A_925] : memref<16x32xi32, #tpu.memory_space<vmem>> -> memref<1x32xi32, #tpu.memory_space<vmem>>
    %dma_wait3A_927 = tpu.memref_squeeze %dma_wait3A_926 : memref<1x32xi32, #tpu.memory_space<vmem>> -> memref<32xi32, #tpu.memory_space<vmem>>
    %dma_wait3A_928 = arith.constant 0 : i32
    %dma_wait3A_929 = arith.constant 0 : i32
    %dma_wait3A_930 = tpu.memref_slice %arg3[%dma_wait3A_928, %dma_wait3A_929] : memref<131072x256xf32, #tpu.memory_space<hbm>> -> memref<131072x256xf32, #tpu.memory_space<hbm>>
    tpu.wait_indirect_dma semaphore(%arg11 : memref<!tpu.dma_semaphore, #tpu.memory_space<semaphore_mem>>) src(%dma_wait3A_930 : memref<131072x256xf32, #tpu.memory_space<hbm>>) dst(%dma_wait3A_924 : memref<32x256xf32, #tpu.memory_space<vmem>>)
    %dma_wait3A_931 = arith.constant 11 : i32
    %dma_wait3A_932 = arith.constant 2 : i32
    %dma_wait3A_933 = arith.constant 3 : i32
    %dma_wait3A_934 = arith.constant 0 : i32
    %dma_wait3A_935 = arith.constant 0 : i32
    %dma_wait3A_936 = tpu.memref_slice %arg7[%dma_wait3A_932, %dma_wait3A_933, %dma_wait3A_934, %dma_wait3A_935] : memref<3x4x32x256xf32, #tpu.memory_space<vmem>> -> memref<1x1x32x256xf32, #tpu.memory_space<vmem>>
    %dma_wait3A_937 = tpu.memref_squeeze %dma_wait3A_936 : memref<1x1x32x256xf32, #tpu.memory_space<vmem>> -> memref<32x256xf32, #tpu.memory_space<vmem>>
    %dma_wait3A_938 = arith.constant 0 : i32
    %dma_wait3A_939 = tpu.memref_slice %arg6[%dma_wait3A_931, %dma_wait3A_938] : memref<16x32xi32, #tpu.memory_space<vmem>> -> memref<1x32xi32, #tpu.memory_space<vmem>>
    %dma_wait3A_940 = tpu.memref_squeeze %dma_wait3A_939 : memref<1x32xi32, #tpu.memory_space<vmem>> -> memref<32xi32, #tpu.memory_space<vmem>>
    %dma_wait3A_941 = arith.constant 0 : i32
    %dma_wait3A_942 = arith.constant 0 : i32
    %dma_wait3A_943 = tpu.memref_slice %arg3[%dma_wait3A_941, %dma_wait3A_942] : memref<131072x256xf32, #tpu.memory_space<hbm>> -> memref<131072x256xf32, #tpu.memory_space<hbm>>
    tpu.wait_indirect_dma semaphore(%arg11 : memref<!tpu.dma_semaphore, #tpu.memory_space<semaphore_mem>>) src(%dma_wait3A_943 : memref<131072x256xf32, #tpu.memory_space<hbm>>) dst(%dma_wait3A_937 : memref<32x256xf32, #tpu.memory_space<vmem>>)
    %dma_wait3A_944 = arith.constant 0 : i32
    %dma_wait3A_945 = arith.constant 0 : i32
    %dma_wait3A_946 = arith.constant 0 : i32
    %dma_wait3A_947 = tpu.memref_slice %arg8[%dma_wait3A_944, %dma_wait3A_945, %dma_wait3A_946] : memref<2x32x256xf32, #tpu.memory_space<vmem>> -> memref<1x32x256xf32, #tpu.memory_space<vmem>>
    %dma_wait3A_948 = tpu.memref_squeeze %dma_wait3A_947 : memref<1x32x256xf32, #tpu.memory_space<vmem>> -> memref<32x256xf32, #tpu.memory_space<vmem>>
    %dma_wait3A_949 = arith.constant 0 : i32
    %dma_wait3A_950 = tpu.memref_slice %arg4[%add3A_799, %dma_wait3A_949] : memref<4096x256xf32, #tpu.memory_space<hbm>> -> memref<32x256xf32, #tpu.memory_space<hbm>>
    %dma_wait3A_951 = arith.constant 0 : i32
    %dma_wait3A_952 = tpu.memref_slice %arg4[%add3A_799, %dma_wait3A_951] : memref<4096x256xf32, #tpu.memory_space<hbm>> -> memref<32x256xf32, #tpu.memory_space<hbm>>
    %dma_wait3A_953 = arith.constant 0 : i32
    %dma_wait3A_954 = arith.constant 0 : i32
    %dma_wait3A_955 = tpu.memref_slice %arg8[%dma_wait3A_944, %dma_wait3A_953, %dma_wait3A_954] : memref<2x32x256xf32, #tpu.memory_space<vmem>> -> memref<1x32x256xf32, #tpu.memory_space<vmem>>
    %dma_wait3A_956 = tpu.memref_squeeze %dma_wait3A_955 : memref<1x32x256xf32, #tpu.memory_space<vmem>> -> memref<32x256xf32, #tpu.memory_space<vmem>>
    tpu.wait_dma2 semaphore(%arg12 : memref<!tpu.dma_semaphore, #tpu.memory_space<semaphore_mem>>) src(%dma_wait3A_956 : memref<32x256xf32, #tpu.memory_space<vmem>>) dst(%dma_wait3A_952 : memref<32x256xf32, #tpu.memory_space<hbm>>)
    %scan3A_957 = arith.constant 0 : i32
    %scan3A_958 = arith.constant 0 : i32
    %scan3A_959 = arith.constant 32 : i32
    %scan3A_960 = arith.addi %scan3A_958, %scan3A_959 : i32
    %scan3A_961 = arith.constant 1 : i32
    %scan3A_962 = scf.for %scan3A_1102 = %scan3A_958 to %scan3A_960 step %scan3A_961 iter_args(%scan3A_1103 = %scan3A_957) -> (i32)  : i32 {
      %get3A_1104 = arith.constant 2 : i32
      %get3A_1105 = arith.constant 0 : i32
      %get3A_1106 = arith.index_cast %get3A_1104 : i32 to index
      %get3A_1107 = arith.index_cast %get3A_1105 : i32 to index
      %get3A_1108 = arith.index_cast %scan3A_1102 : i32 to index
      %get3A_1109 = arith.constant 0 : index
      %get3A_1110 = tpu.vector_load %arg7[%get3A_1106, %get3A_1107, %get3A_1108, %get3A_1109] {strides = array<i32>} : memref<3x4x32x256xf32, #tpu.memory_space<vmem>>, vector<16xf32>,
      %get3A_1111 = arith.constant 2 : i32
      %get3A_1112 = arith.constant 1 : i32
      %get3A_1113 = arith.index_cast %get3A_1111 : i32 to index
      %get3A_1114 = arith.index_cast %get3A_1112 : i32 to index
      %get3A_1115 = arith.index_cast %scan3A_1102 : i32 to index
      %get3A_1116 = arith.constant 0 : index
      %get3A_1117 = tpu.vector_load %arg7[%get3A_1113, %get3A_1114, %get3A_1115, %get3A_1116] {strides = array<i32>} : memref<3x4x32x256xf32, #tpu.memory_space<vmem>>, vector<16xf32>,
      %add3A_1118 = arith.addf %get3A_1110, %get3A_1117 : vector<16xf32>
      %get3A_1119 = arith.constant 2 : i32
      %get3A_1120 = arith.constant 2 : i32
      %get3A_1121 = arith.index_cast %get3A_1119 : i32 to index
      %get3A_1122 = arith.index_cast %get3A_1120 : i32 to index
      %get3A_1123 = arith.index_cast %scan3A_1102 : i32 to index
      %get3A_1124 = arith.constant 0 : index
      %get3A_1125 = tpu.vector_load %arg7[%get3A_1121, %get3A_1122, %get3A_1123, %get3A_1124] {strides = array<i32>} : memref<3x4x32x256xf32, #tpu.memory_space<vmem>>, vector<16xf32>,
      %get3A_1126 = arith.constant 2 : i32
      %get3A_1127 = arith.constant 3 : i32
      %get3A_1128 = arith.index_cast %get3A_1126 : i32 to index
      %get3A_1129 = arith.index_cast %get3A_1127 : i32 to index
      %get3A_1130 = arith.index_cast %scan3A_1102 : i32 to index
      %get3A_1131 = arith.constant 0 : index
      %get3A_1132 = tpu.vector_load %arg7[%get3A_1128, %get3A_1129, %get3A_1130, %get3A_1131] {strides = array<i32>} : memref<3x4x32x256xf32, #tpu.memory_space<vmem>>, vector<16xf32>,
      %add3A_1133 = arith.addf %get3A_1125, %get3A_1132 : vector<16xf32>
      %add3A_1134 = arith.addf %add3A_1118, %add3A_1133 : vector<16xf32>
      %mul3A_1135 = arith.constant 2.500000e-01 : f32
      %mul3A_1136 = vector.broadcast %mul3A_1135 : f32 to vector<16xf32>
      %mul3A_1137 = arith.mulf %add3A_1134, %mul3A_1136 : vector<16xf32>
      %swap3A_1138 = arith.constant 0 : i32
      %swap3A_1139 = arith.index_cast %swap3A_1138 : i32 to index
      %swap3A_1140 = arith.index_cast %scan3A_1102 : i32 to index
      %swap3A_1141 = arith.constant 0 : index
      %swap3A_1142 = tpu.vector_load %arg8[%swap3A_1139, %swap3A_1140, %swap3A_1141] {strides = array<i32>} : memref<2x32x256xf32, #tpu.memory_space<vmem>>, vector<16xf32>,
      tpu.vector_store %arg8[%swap3A_1139, %swap3A_1140, %swap3A_1141], %mul3A_1137 {strides = array<i32>} : memref<2x32x256xf32, #tpu.memory_space<vmem>>, vector<16xf32>,
      %get3A_1143 = arith.constant 2 : i32
      %get3A_1144 = arith.constant 0 : i32
      %get3A_1145 = arith.index_cast %get3A_1143 : i32 to index
      %get3A_1146 = arith.index_cast %get3A_1144 : i32 to index
      %get3A_1147 = arith.index_cast %scan3A_1102 : i32 to index
      %get3A_1148 = arith.constant 16 : index
      %get3A_1149 = tpu.vector_load %arg7[%get3A_1145, %get3A_1146, %get3A_1147, %get3A_1148] {strides = array<i32>} : memref<3x4x32x256xf32, #tpu.memory_space<vmem>>, vector<16xf32>,
      %get3A_1150 = arith.constant 2 : i32
      %get3A_1151 = arith.constant 1 : i32
      %get3A_1152 = arith.index_cast %get3A_1150 : i32 to index
      %get3A_1153 = arith.index_cast %get3A_1151 : i32 to index
      %get3A_1154 = arith.index_cast %scan3A_1102 : i32 to index
      %get3A_1155 = arith.constant 16 : index
      %get3A_1156 = tpu.vector_load %arg7[%get3A_1152, %get3A_1153, %get3A_1154, %get3A_1155] {strides = array<i32>} : memref<3x4x32x256xf32, #tpu.memory_space<vmem>>, vector<16xf32>,
      %add3A_1157 = arith.addf %get3A_1149, %get3A_1156 : vector<16xf32>
      %get3A_1158 = arith.constant 2 : i32
      %get3A_1159 = arith.constant 2 : i32
      %get3A_1160 = arith.index_cast %get3A_1158 : i32 to index
      %get3A_1161 = arith.index_cast %get3A_1159 : i32 to index
      %get3A_1162 = arith.index_cast %scan3A_1102 : i32 to index
      %get3A_1163 = arith.constant 16 : index
      %get3A_1164 = tpu.vector_load %arg7[%get3A_1160, %get3A_1161, %get3A_1162, %get3A_1163] {strides = array<i32>} : memref<3x4x32x256xf32, #tpu.memory_space<vmem>>, vector<16xf32>,
      %get3A_1165 = arith.constant 2 : i32
      %get3A_1166 = arith.constant 3 : i32
      %get3A_1167 = arith.index_cast %get3A_1165 : i32 to index
      %get3A_1168 = arith.index_cast %get3A_1166 : i32 to index
      %get3A_1169 = arith.index_cast %scan3A_1102 : i32 to index
      %get3A_1170 = arith.constant 16 : index
      %get3A_1171 = tpu.vector_load %arg7[%get3A_1167, %get3A_1168, %get3A_1169, %get3A_1170] {strides = array<i32>} : memref<3x4x32x256xf32, #tpu.memory_space<vmem>>, vector<16xf32>,
      %add3A_1172 = arith.addf %get3A_1164, %get3A_1171 : vector<16xf32>
      %add3A_1173 = arith.addf %add3A_1157, %add3A_1172 : vector<16xf32>
      %mul3A_1174 = arith.constant 2.500000e-01 : f32
      %mul3A_1175 = vector.broadcast %mul3A_1174 : f32 to vector<16xf32>
      %mul3A_1176 = arith.mulf %add3A_1173, %mul3A_1175 : vector<16xf32>
      %swap3A_1177 = arith.constant 0 : i32
      %swap3A_1178 = arith.index_cast %swap3A_1177 : i32 to index
      %swap3A_1179 = arith.index_cast %scan3A_1102 : i32 to index
      %swap3A_1180 = arith.constant 16 : index
      %swap3A_1181 = tpu.vector_load %arg8[%swap3A_1178, %swap3A_1179, %swap3A_1180] {strides = array<i32>} : memref<2x32x256xf32, #tpu.memory_space<vmem>>, vector<16xf32>,
      tpu.vector_store %arg8[%swap3A_1178, %swap3A_1179, %swap3A_1180], %mul3A_1176 {strides = array<i32>} : memref<2x32x256xf32, #tpu.memory_space<vmem>>, vector<16xf32>,
      %get3A_1182 = arith.constant 2 : i32
      %get3A_1183 = arith.constant 0 : i32
      %get3A_1184 = arith.index_cast %get3A_1182 : i32 to index
      %get3A_1185 = arith.index_cast %get3A_1183 : i32 to index
      %get3A_1186 = arith.index_cast %scan3A_1102 : i32 to index
      %get3A_1187 = arith.constant 32 : index
      %get3A_1188 = tpu.vector_load %arg7[%get3A_1184, %get3A_1185, %get3A_1186, %get3A_1187] {strides = array<i32>} : memref<3x4x32x256xf32, #tpu.memory_space<vmem>>, vector<16xf32>,
      %get3A_1189 = arith.constant 2 : i32
      %get3A_1190 = arith.constant 1 : i32
      %get3A_1191 = arith.index_cast %get3A_1189 : i32 to index
      %get3A_1192 = arith.index_cast %get3A_1190 : i32 to index
      %get3A_1193 = arith.index_cast %scan3A_1102 : i32 to index
      %get3A_1194 = arith.constant 32 : index
      %get3A_1195 = tpu.vector_load %arg7[%get3A_1191, %get3A_1192, %get3A_1193, %get3A_1194] {strides = array<i32>} : memref<3x4x32x256xf32, #tpu.memory_space<vmem>>, vector<16xf32>,
      %add3A_1196 = arith.addf %get3A_1188, %get3A_1195 : vector<16xf32>
      %get3A_1197 = arith.constant 2 : i32
      %get3A_1198 = arith.constant 2 : i32
      %get3A_1199 = arith.index_cast %get3A_1197 : i32 to index
      %get3A_1200 = arith.index_cast %get3A_1198 : i32 to index
      %get3A_1201 = arith.index_cast %scan3A_1102 : i32 to index
      %get3A_1202 = arith.constant 32 : index
      %get3A_1203 = tpu.vector_load %arg7[%get3A_1199, %get3A_1200, %get3A_1201, %get3A_1202] {strides = array<i32>} : memref<3x4x32x256xf32, #tpu.memory_space<vmem>>, vector<16xf32>,
      %get3A_1204 = arith.constant 2 : i32
      %get3A_1205 = arith.constant 3 : i32
      %get3A_1206 = arith.index_cast %get3A_1204 : i32 to index
      %get3A_1207 = arith.index_cast %get3A_1205 : i32 to index
      %get3A_1208 = arith.index_cast %scan3A_1102 : i32 to index
      %get3A_1209 = arith.constant 32 : index
      %get3A_1210 = tpu.vector_load %arg7[%get3A_1206, %get3A_1207, %get3A_1208, %get3A_1209] {strides = array<i32>} : memref<3x4x32x256xf32, #tpu.memory_space<vmem>>, vector<16xf32>,
      %add3A_1211 = arith.addf %get3A_1203, %get3A_1210 : vector<16xf32>
      %add3A_1212 = arith.addf %add3A_1196, %add3A_1211 : vector<16xf32>
      %mul3A_1213 = arith.constant 2.500000e-01 : f32
      %mul3A_1214 = vector.broadcast %mul3A_1213 : f32 to vector<16xf32>
      %mul3A_1215 = arith.mulf %add3A_1212, %mul3A_1214 : vector<16xf32>
      %swap3A_1216 = arith.constant 0 : i32
      %swap3A_1217 = arith.index_cast %swap3A_1216 : i32 to index
      %swap3A_1218 = arith.index_cast %scan3A_1102 : i32 to index
      %swap3A_1219 = arith.constant 32 : index
      %swap3A_1220 = tpu.vector_load %arg8[%swap3A_1217, %swap3A_1218, %swap3A_1219] {strides = array<i32>} : memref<2x32x256xf32, #tpu.memory_space<vmem>>, vector<16xf32>,
      tpu.vector_store %arg8[%swap3A_1217, %swap3A_1218, %swap3A_1219], %mul3A_1215 {strides = array<i32>} : memref<2x32x256xf32, #tpu.memory_space<vmem>>, vector<16xf32>,
      %get3A_1221 = arith.constant 2 : i32
      %get3A_1222 = arith.constant 0 : i32
      %get3A_1223 = arith.index_cast %get3A_1221 : i32 to index
      %get3A_1224 = arith.index_cast %get3A_1222 : i32 to index
      %get3A_1225 = arith.index_cast %scan3A_1102 : i32 to index
      %get3A_1226 = arith.constant 48 : index
      %get3A_1227 = tpu.vector_load %arg7[%get3A_1223, %get3A_1224, %get3A_1225, %get3A_1226] {strides = array<i32>} : memref<3x4x32x256xf32, #tpu.memory_space<vmem>>, vector<16xf32>,
      %get3A_1228 = arith.constant 2 : i32
      %get3A_1229 = arith.constant 1 : i32
      %get3A_1230 = arith.index_cast %get3A_1228 : i32 to index
      %get3A_1231 = arith.index_cast %get3A_1229 : i32 to index
      %get3A_1232 = arith.index_cast %scan3A_1102 : i32 to index
      %get3A_1233 = arith.constant 48 : index
      %get3A_1234 = tpu.vector_load %arg7[%get3A_1230, %get3A_1231, %get3A_1232, %get3A_1233] {strides = array<i32>} : memref<3x4x32x256xf32, #tpu.memory_space<vmem>>, vector<16xf32>,
      %add3A_1235 = arith.addf %get3A_1227, %get3A_1234 : vector<16xf32>
      %get3A_1236 = arith.constant 2 : i32
      %get3A_1237 = arith.constant 2 : i32
      %get3A_1238 = arith.index_cast %get3A_1236 : i32 to index
      %get3A_1239 = arith.index_cast %get3A_1237 : i32 to index
      %get3A_1240 = arith.index_cast %scan3A_1102 : i32 to index
      %get3A_1241 = arith.constant 48 : index
      %get3A_1242 = tpu.vector_load %arg7[%get3A_1238, %get3A_1239, %get3A_1240, %get3A_1241] {strides = array<i32>} : memref<3x4x32x256xf32, #tpu.memory_space<vmem>>, vector<16xf32>,
      %get3A_1243 = arith.constant 2 : i32
      %get3A_1244 = arith.constant 3 : i32
      %get3A_1245 = arith.index_cast %get3A_1243 : i32 to index
      %get3A_1246 = arith.index_cast %get3A_1244 : i32 to index
      %get3A_1247 = arith.index_cast %scan3A_1102 : i32 to index
      %get3A_1248 = arith.constant 48 : index
      %get3A_1249 = tpu.vector_load %arg7[%get3A_1245, %get3A_1246, %get3A_1247, %get3A_1248] {strides = array<i32>} : memref<3x4x32x256xf32, #tpu.memory_space<vmem>>, vector<16xf32>,
      %add3A_1250 = arith.addf %get3A_1242, %get3A_1249 : vector<16xf32>
      %add3A_1251 = arith.addf %add3A_1235, %add3A_1250 : vector<16xf32>
      %mul3A_1252 = arith.constant 2.500000e-01 : f32
      %mul3A_1253 = vector.broadcast %mul3A_1252 : f32 to vector<16xf32>
      %mul3A_1254 = arith.mulf %add3A_1251, %mul3A_1253 : vector<16xf32>
      %swap3A_1255 = arith.constant 0 : i32
      %swap3A_1256 = arith.index_cast %swap3A_1255 : i32 to index
      %swap3A_1257 = arith.index_cast %scan3A_1102 : i32 to index
      %swap3A_1258 = arith.constant 48 : index
      %swap3A_1259 = tpu.vector_load %arg8[%swap3A_1256, %swap3A_1257, %swap3A_1258] {strides = array<i32>} : memref<2x32x256xf32, #tpu.memory_space<vmem>>, vector<16xf32>,
      tpu.vector_store %arg8[%swap3A_1256, %swap3A_1257, %swap3A_1258], %mul3A_1254 {strides = array<i32>} : memref<2x32x256xf32, #tpu.memory_space<vmem>>, vector<16xf32>,
      %get3A_1260 = arith.constant 2 : i32
      %get3A_1261 = arith.constant 0 : i32
      %get3A_1262 = arith.index_cast %get3A_1260 : i32 to index
      %get3A_1263 = arith.index_cast %get3A_1261 : i32 to index
      %get3A_1264 = arith.index_cast %scan3A_1102 : i32 to index
      %get3A_1265 = arith.constant 64 : index
      %get3A_1266 = tpu.vector_load %arg7[%get3A_1262, %get3A_1263, %get3A_1264, %get3A_1265] {strides = array<i32>} : memref<3x4x32x256xf32, #tpu.memory_space<vmem>>, vector<16xf32>,
      %get3A_1267 = arith.constant 2 : i32
      %get3A_1268 = arith.constant 1 : i32
      %get3A_1269 = arith.index_cast %get3A_1267 : i32 to index
      %get3A_1270 = arith.index_cast %get3A_1268 : i32 to index
      %get3A_1271 = arith.index_cast %scan3A_1102 : i32 to index
      %get3A_1272 = arith.constant 64 : index
      %get3A_1273 = tpu.vector_load %arg7[%get3A_1269, %get3A_1270, %get3A_1271, %get3A_1272] {strides = array<i32>} : memref<3x4x32x256xf32, #tpu.memory_space<vmem>>, vector<16xf32>,
      %add3A_1274 = arith.addf %get3A_1266, %get3A_1273 : vector<16xf32>
      %get3A_1275 = arith.constant 2 : i32
      %get3A_1276 = arith.constant 2 : i32
      %get3A_1277 = arith.index_cast %get3A_1275 : i32 to index
      %get3A_1278 = arith.index_cast %get3A_1276 : i32 to index
      %get3A_1279 = arith.index_cast %scan3A_1102 : i32 to index
      %get3A_1280 = arith.constant 64 : index
      %get3A_1281 = tpu.vector_load %arg7[%get3A_1277, %get3A_1278, %get3A_1279, %get3A_1280] {strides = array<i32>} : memref<3x4x32x256xf32, #tpu.memory_space<vmem>>, vector<16xf32>,
      %get3A_1282 = arith.constant 2 : i32
      %get3A_1283 = arith.constant 3 : i32
      %get3A_1284 = arith.index_cast %get3A_1282 : i32 to index
      %get3A_1285 = arith.index_cast %get3A_1283 : i32 to index
      %get3A_1286 = arith.index_cast %scan3A_1102 : i32 to index
      %get3A_1287 = arith.constant 64 : index
      %get3A_1288 = tpu.vector_load %arg7[%get3A_1284, %get3A_1285, %get3A_1286, %get3A_1287] {strides = array<i32>} : memref<3x4x32x256xf32, #tpu.memory_space<vmem>>, vector<16xf32>,
      %add3A_1289 = arith.addf %get3A_1281, %get3A_1288 : vector<16xf32>
      %add3A_1290 = arith.addf %add3A_1274, %add3A_1289 : vector<16xf32>
      %mul3A_1291 = arith.constant 2.500000e-01 : f32
      %mul3A_1292 = vector.broadcast %mul3A_1291 : f32 to vector<16xf32>
      %mul3A_1293 = arith.mulf %add3A_1290, %mul3A_1292 : vector<16xf32>
      %swap3A_1294 = arith.constant 0 : i32
      %swap3A_1295 = arith.index_cast %swap3A_1294 : i32 to index
      %swap3A_1296 = arith.index_cast %scan3A_1102 : i32 to index
      %swap3A_1297 = arith.constant 64 : index
      %swap3A_1298 = tpu.vector_load %arg8[%swap3A_1295, %swap3A_1296, %swap3A_1297] {strides = array<i32>} : memref<2x32x256xf32, #tpu.memory_space<vmem>>, vector<16xf32>,
      tpu.vector_store %arg8[%swap3A_1295, %swap3A_1296, %swap3A_1297], %mul3A_1293 {strides = array<i32>} : memref<2x32x256xf32, #tpu.memory_space<vmem>>, vector<16xf32>,
      %get3A_1299 = arith.constant 2 : i32
      %get3A_1300 = arith.constant 0 : i32
      %get3A_1301 = arith.index_cast %get3A_1299 : i32 to index
      %get3A_1302 = arith.index_cast %get3A_1300 : i32 to index
      %get3A_1303 = arith.index_cast %scan3A_1102 : i32 to index
      %get3A_1304 = arith.constant 80 : index
      %get3A_1305 = tpu.vector_load %arg7[%get3A_1301, %get3A_1302, %get3A_1303, %get3A_1304] {strides = array<i32>} : memref<3x4x32x256xf32, #tpu.memory_space<vmem>>, vector<16xf32>,
      %get3A_1306 = arith.constant 2 : i32
      %get3A_1307 = arith.constant 1 : i32
      %get3A_1308 = arith.index_cast %get3A_1306 : i32 to index
      %get3A_1309 = arith.index_cast %get3A_1307 : i32 to index
      %get3A_1310 = arith.index_cast %scan3A_1102 : i32 to index
      %get3A_1311 = arith.constant 80 : index
      %get3A_1312 = tpu.vector_load %arg7[%get3A_1308, %get3A_1309, %get3A_1310, %get3A_1311] {strides = array<i32>} : memref<3x4x32x256xf32, #tpu.memory_space<vmem>>, vector<16xf32>,
      %add3A_1313 = arith.addf %get3A_1305, %get3A_1312 : vector<16xf32>
      %get3A_1314 = arith.constant 2 : i32
      %get3A_1315 = arith.constant 2 : i32
      %get3A_1316 = arith.index_cast %get3A_1314 : i32 to index
      %get3A_1317 = arith.index_cast %get3A_1315 : i32 to index
      %get3A_1318 = arith.index_cast %scan3A_1102 : i32 to index
      %get3A_1319 = arith.constant 80 : index
      %get3A_1320 = tpu.vector_load %arg7[%get3A_1316, %get3A_1317, %get3A_1318, %get3A_1319] {strides = array<i32>} : memref<3x4x32x256xf32, #tpu.memory_space<vmem>>, vector<16xf32>,
      %get3A_1321 = arith.constant 2 : i32
      %get3A_1322 = arith.constant 3 : i32
      %get3A_1323 = arith.index_cast %get3A_1321 : i32 to index
      %get3A_1324 = arith.index_cast %get3A_1322 : i32 to index
      %get3A_1325 = arith.index_cast %scan3A_1102 : i32 to index
      %get3A_1326 = arith.constant 80 : index
      %get3A_1327 = tpu.vector_load %arg7[%get3A_1323, %get3A_1324, %get3A_1325, %get3A_1326] {strides = array<i32>} : memref<3x4x32x256xf32, #tpu.memory_space<vmem>>, vector<16xf32>,
      %add3A_1328 = arith.addf %get3A_1320, %get3A_1327 : vector<16xf32>
      %add3A_1329 = arith.addf %add3A_1313, %add3A_1328 : vector<16xf32>
      %mul3A_1330 = arith.constant 2.500000e-01 : f32
      %mul3A_1331 = vector.broadcast %mul3A_1330 : f32 to vector<16xf32>
      %mul3A_1332 = arith.mulf %add3A_1329, %mul3A_1331 : vector<16xf32>
      %swap3A_1333 = arith.constant 0 : i32
      %swap3A_1334 = arith.index_cast %swap3A_1333 : i32 to index
      %swap3A_1335 = arith.index_cast %scan3A_1102 : i32 to index
      %swap3A_1336 = arith.constant 80 : index
      %swap3A_1337 = tpu.vector_load %arg8[%swap3A_1334, %swap3A_1335, %swap3A_1336] {strides = array<i32>} : memref<2x32x256xf32, #tpu.memory_space<vmem>>, vector<16xf32>,
      tpu.vector_store %arg8[%swap3A_1334, %swap3A_1335, %swap3A_1336], %mul3A_1332 {strides = array<i32>} : memref<2x32x256xf32, #tpu.memory_space<vmem>>, vector<16xf32>,
      %get3A_1338 = arith.constant 2 : i32
      %get3A_1339 = arith.constant 0 : i32
      %get3A_1340 = arith.index_cast %get3A_1338 : i32 to index
      %get3A_1341 = arith.index_cast %get3A_1339 : i32 to index
      %get3A_1342 = arith.index_cast %scan3A_1102 : i32 to index
      %get3A_1343 = arith.constant 96 : index
      %get3A_1344 = tpu.vector_load %arg7[%get3A_1340, %get3A_1341, %get3A_1342, %get3A_1343] {strides = array<i32>} : memref<3x4x32x256xf32, #tpu.memory_space<vmem>>, vector<16xf32>,
      %get3A_1345 = arith.constant 2 : i32
      %get3A_1346 = arith.constant 1 : i32
      %get3A_1347 = arith.index_cast %get3A_1345 : i32 to index
      %get3A_1348 = arith.index_cast %get3A_1346 : i32 to index
      %get3A_1349 = arith.index_cast %scan3A_1102 : i32 to index
      %get3A_1350 = arith.constant 96 : index
      %get3A_1351 = tpu.vector_load %arg7[%get3A_1347, %get3A_1348, %get3A_1349, %get3A_1350] {strides = array<i32>} : memref<3x4x32x256xf32, #tpu.memory_space<vmem>>, vector<16xf32>,
      %add3A_1352 = arith.addf %get3A_1344, %get3A_1351 : vector<16xf32>
      %get3A_1353 = arith.constant 2 : i32
      %get3A_1354 = arith.constant 2 : i32
      %get3A_1355 = arith.index_cast %get3A_1353 : i32 to index
      %get3A_1356 = arith.index_cast %get3A_1354 : i32 to index
      %get3A_1357 = arith.index_cast %scan3A_1102 : i32 to index
      %get3A_1358 = arith.constant 96 : index
      %get3A_1359 = tpu.vector_load %arg7[%get3A_1355, %get3A_1356, %get3A_1357, %get3A_1358] {strides = array<i32>} : memref<3x4x32x256xf32, #tpu.memory_space<vmem>>, vector<16xf32>,
      %get3A_1360 = arith.constant 2 : i32
      %get3A_1361 = arith.constant 3 : i32
      %get3A_1362 = arith.index_cast %get3A_1360 : i32 to index
      %get3A_1363 = arith.index_cast %get3A_1361 : i32 to index
      %get3A_1364 = arith.index_cast %scan3A_1102 : i32 to index
      %get3A_1365 = arith.constant 96 : index
      %get3A_1366 = tpu.vector_load %arg7[%get3A_1362, %get3A_1363, %get3A_1364, %get3A_1365] {strides = array<i32>} : memref<3x4x32x256xf32, #tpu.memory_space<vmem>>, vector<16xf32>,
      %add3A_1367 = arith.addf %get3A_1359, %get3A_1366 : vector<16xf32>
      %add3A_1368 = arith.addf %add3A_1352, %add3A_1367 : vector<16xf32>
      %mul3A_1369 = arith.constant 2.500000e-01 : f32
      %mul3A_1370 = vector.broadcast %mul3A_1369 : f32 to vector<16xf32>
      %mul3A_1371 = arith.mulf %add3A_1368, %mul3A_1370 : vector<16xf32>
      %swap3A_1372 = arith.constant 0 : i32
      %swap3A_1373 = arith.index_cast %swap3A_1372 : i32 to index
      %swap3A_1374 = arith.index_cast %scan3A_1102 : i32 to index
      %swap3A_1375 = arith.constant 96 : index
      %swap3A_1376 = tpu.vector_load %arg8[%swap3A_1373, %swap3A_1374, %swap3A_1375] {strides = array<i32>} : memref<2x32x256xf32, #tpu.memory_space<vmem>>, vector<16xf32>,
      tpu.vector_store %arg8[%swap3A_1373, %swap3A_1374, %swap3A_1375], %mul3A_1371 {strides = array<i32>} : memref<2x32x256xf32, #tpu.memory_space<vmem>>, vector<16xf32>,
      %get3A_1377 = arith.constant 2 : i32
      %get3A_1378 = arith.constant 0 : i32
      %get3A_1379 = arith.index_cast %get3A_1377 : i32 to index
      %get3A_1380 = arith.index_cast %get3A_1378 : i32 to index
      %get3A_1381 = arith.index_cast %scan3A_1102 : i32 to index
      %get3A_1382 = arith.constant 112 : index
      %get3A_1383 = tpu.vector_load %arg7[%get3A_1379, %get3A_1380, %get3A_1381, %get3A_1382] {strides = array<i32>} : memref<3x4x32x256xf32, #tpu.memory_space<vmem>>, vector<16xf32>,
      %get3A_1384 = arith.constant 2 : i32
      %get3A_1385 = arith.constant 1 : i32
      %get3A_1386 = arith.index_cast %get3A_1384 : i32 to index
      %get3A_1387 = arith.index_cast %get3A_1385 : i32 to index
      %get3A_1388 = arith.index_cast %scan3A_1102 : i32 to index
      %get3A_1389 = arith.constant 112 : index
      %get3A_1390 = tpu.vector_load %arg7[%get3A_1386, %get3A_1387, %get3A_1388, %get3A_1389] {strides = array<i32>} : memref<3x4x32x256xf32, #tpu.memory_space<vmem>>, vector<16xf32>,
      %add3A_1391 = arith.addf %get3A_1383, %get3A_1390 : vector<16xf32>
      %get3A_1392 = arith.constant 2 : i32
      %get3A_1393 = arith.constant 2 : i32
      %get3A_1394 = arith.index_cast %get3A_1392 : i32 to index
      %get3A_1395 = arith.index_cast %get3A_1393 : i32 to index
      %get3A_1396 = arith.index_cast %scan3A_1102 : i32 to index
      %get3A_1397 = arith.constant 112 : index
      %get3A_1398 = tpu.vector_load %arg7[%get3A_1394, %get3A_1395, %get3A_1396, %get3A_1397] {strides = array<i32>} : memref<3x4x32x256xf32, #tpu.memory_space<vmem>>, vector<16xf32>,
      %get3A_1399 = arith.constant 2 : i32
      %get3A_1400 = arith.constant 3 : i32
      %get3A_1401 = arith.index_cast %get3A_1399 : i32 to index
      %get3A_1402 = arith.index_cast %get3A_1400 : i32 to index
      %get3A_1403 = arith.index_cast %scan3A_1102 : i32 to index
      %get3A_1404 = arith.constant 112 : index
      %get3A_1405 = tpu.vector_load %arg7[%get3A_1401, %get3A_1402, %get3A_1403, %get3A_1404] {strides = array<i32>} : memref<3x4x32x256xf32, #tpu.memory_space<vmem>>, vector<16xf32>,
      %add3A_1406 = arith.addf %get3A_1398, %get3A_1405 : vector<16xf32>
      %add3A_1407 = arith.addf %add3A_1391, %add3A_1406 : vector<16xf32>
      %mul3A_1408 = arith.constant 2.500000e-01 : f32
      %mul3A_1409 = vector.broadcast %mul3A_1408 : f32 to vector<16xf32>
      %mul3A_1410 = arith.mulf %add3A_1407, %mul3A_1409 : vector<16xf32>
      %swap3A_1411 = arith.constant 0 : i32
      %swap3A_1412 = arith.index_cast %swap3A_1411 : i32 to index
      %swap3A_1413 = arith.index_cast %scan3A_1102 : i32 to index
      %swap3A_1414 = arith.constant 112 : index
      %swap3A_1415 = tpu.vector_load %arg8[%swap3A_1412, %swap3A_1413, %swap3A_1414] {strides = array<i32>} : memref<2x32x256xf32, #tpu.memory_space<vmem>>, vector<16xf32>,
      tpu.vector_store %arg8[%swap3A_1412, %swap3A_1413, %swap3A_1414], %mul3A_1410 {strides = array<i32>} : memref<2x32x256xf32, #tpu.memory_space<vmem>>, vector<16xf32>,
      %get3A_1416 = arith.constant 2 : i32
      %get3A_1417 = arith.constant 0 : i32
      %get3A_1418 = arith.index_cast %get3A_1416 : i32 to index
      %get3A_1419 = arith.index_cast %get3A_1417 : i32 to index
      %get3A_1420 = arith.index_cast %scan3A_1102 : i32 to index
      %get3A_1421 = arith.constant 128 : index
      %get3A_1422 = tpu.vector_load %arg7[%get3A_1418, %get3A_1419, %get3A_1420, %get3A_1421] {strides = array<i32>} : memref<3x4x32x256xf32, #tpu.memory_space<vmem>>, vector<16xf32>,
      %get3A_1423 = arith.constant 2 : i32
      %get3A_1424 = arith.constant 1 : i32
      %get3A_1425 = arith.index_cast %get3A_1423 : i32 to index
      %get3A_1426 = arith.index_cast %get3A_1424 : i32 to index
      %get3A_1427 = arith.index_cast %scan3A_1102 : i32 to index
      %get3A_1428 = arith.constant 128 : index
      %get3A_1429 = tpu.vector_load %arg7[%get3A_1425, %get3A_1426, %get3A_1427, %get3A_1428] {strides = array<i32>} : memref<3x4x32x256xf32, #tpu.memory_space<vmem>>, vector<16xf32>,
      %add3A_1430 = arith.addf %get3A_1422, %get3A_1429 : vector<16xf32>
      %get3A_1431 = arith.constant 2 : i32
      %get3A_1432 = arith.constant 2 : i32
      %get3A_1433 = arith.index_cast %get3A_1431 : i32 to index
      %get3A_1434 = arith.index_cast %get3A_1432 : i32 to index
      %get3A_1435 = arith.index_cast %scan3A_1102 : i32 to index
      %get3A_1436 = arith.constant 128 : index
      %get3A_1437 = tpu.vector_load %arg7[%get3A_1433, %get3A_1434, %get3A_1435, %get3A_1436] {strides = array<i32>} : memref<3x4x32x256xf32, #tpu.memory_space<vmem>>, vector<16xf32>,
      %get3A_1438 = arith.constant 2 : i32
      %get3A_1439 = arith.constant 3 : i32
      %get3A_1440 = arith.index_cast %get3A_1438 : i32 to index
      %get3A_1441 = arith.index_cast %get3A_1439 : i32 to index
      %get3A_1442 = arith.index_cast %scan3A_1102 : i32 to index
      %get3A_1443 = arith.constant 128 : index
      %get3A_1444 = tpu.vector_load %arg7[%get3A_1440, %get3A_1441, %get3A_1442, %get3A_1443] {strides = array<i32>} : memref<3x4x32x256xf32, #tpu.memory_space<vmem>>, vector<16xf32>,
      %add3A_1445 = arith.addf %get3A_1437, %get3A_1444 : vector<16xf32>
      %add3A_1446 = arith.addf %add3A_1430, %add3A_1445 : vector<16xf32>
      %mul3A_1447 = arith.constant 2.500000e-01 : f32
      %mul3A_1448 = vector.broadcast %mul3A_1447 : f32 to vector<16xf32>
      %mul3A_1449 = arith.mulf %add3A_1446, %mul3A_1448 : vector<16xf32>
      %swap3A_1450 = arith.constant 0 : i32
      %swap3A_1451 = arith.index_cast %swap3A_1450 : i32 to index
      %swap3A_1452 = arith.index_cast %scan3A_1102 : i32 to index
      %swap3A_1453 = arith.constant 128 : index
      %swap3A_1454 = tpu.vector_load %arg8[%swap3A_1451, %swap3A_1452, %swap3A_1453] {strides = array<i32>} : memref<2x32x256xf32, #tpu.memory_space<vmem>>, vector<16xf32>,
      tpu.vector_store %arg8[%swap3A_1451, %swap3A_1452, %swap3A_1453], %mul3A_1449 {strides = array<i32>} : memref<2x32x256xf32, #tpu.memory_space<vmem>>, vector<16xf32>,
      %get3A_1455 = arith.constant 2 : i32
      %get3A_1456 = arith.constant 0 : i32
      %get3A_1457 = arith.index_cast %get3A_1455 : i32 to index
      %get3A_1458 = arith.index_cast %get3A_1456 : i32 to index
      %get3A_1459 = arith.index_cast %scan3A_1102 : i32 to index
      %get3A_1460 = arith.constant 144 : index
      %get3A_1461 = tpu.vector_load %arg7[%get3A_1457, %get3A_1458, %get3A_1459, %get3A_1460] {strides = array<i32>} : memref<3x4x32x256xf32, #tpu.memory_space<vmem>>, vector<16xf32>,
      %get3A_1462 = arith.constant 2 : i32
      %get3A_1463 = arith.constant 1 : i32
      %get3A_1464 = arith.index_cast %get3A_1462 : i32 to index
      %get3A_1465 = arith.index_cast %get3A_1463 : i32 to index
      %get3A_1466 = arith.index_cast %scan3A_1102 : i32 to index
      %get3A_1467 = arith.constant 144 : index
      %get3A_1468 = tpu.vector_load %arg7[%get3A_1464, %get3A_1465, %get3A_1466, %get3A_1467] {strides = array<i32>} : memref<3x4x32x256xf32, #tpu.memory_space<vmem>>, vector<16xf32>,
      %add3A_1469 = arith.addf %get3A_1461, %get3A_1468 : vector<16xf32>
      %get3A_1470 = arith.constant 2 : i32
      %get3A_1471 = arith.constant 2 : i32
      %get3A_1472 = arith.index_cast %get3A_1470 : i32 to index
      %get3A_1473 = arith.index_cast %get3A_1471 : i32 to index
      %get3A_1474 = arith.index_cast %scan3A_1102 : i32 to index
      %get3A_1475 = arith.constant 144 : index
      %get3A_1476 = tpu.vector_load %arg7[%get3A_1472, %get3A_1473, %get3A_1474, %get3A_1475] {strides = array<i32>} : memref<3x4x32x256xf32, #tpu.memory_space<vmem>>, vector<16xf32>,
      %get3A_1477 = arith.constant 2 : i32
      %get3A_1478 = arith.constant 3 : i32
      %get3A_1479 = arith.index_cast %get3A_1477 : i32 to index
      %get3A_1480 = arith.index_cast %get3A_1478 : i32 to index
      %get3A_1481 = arith.index_cast %scan3A_1102 : i32 to index
      %get3A_1482 = arith.constant 144 : index
      %get3A_1483 = tpu.vector_load %arg7[%get3A_1479, %get3A_1480, %get3A_1481, %get3A_1482] {strides = array<i32>} : memref<3x4x32x256xf32, #tpu.memory_space<vmem>>, vector<16xf32>,
      %add3A_1484 = arith.addf %get3A_1476, %get3A_1483 : vector<16xf32>
      %add3A_1485 = arith.addf %add3A_1469, %add3A_1484 : vector<16xf32>
      %mul3A_1486 = arith.constant 2.500000e-01 : f32
      %mul3A_1487 = vector.broadcast %mul3A_1486 : f32 to vector<16xf32>
      %mul3A_1488 = arith.mulf %add3A_1485, %mul3A_1487 : vector<16xf32>
      %swap3A_1489 = arith.constant 0 : i32
      %swap3A_1490 = arith.index_cast %swap3A_1489 : i32 to index
      %swap3A_1491 = arith.index_cast %scan3A_1102 : i32 to index
      %swap3A_1492 = arith.constant 144 : index
      %swap3A_1493 = tpu.vector_load %arg8[%swap3A_1490, %swap3A_1491, %swap3A_1492] {strides = array<i32>} : memref<2x32x256xf32, #tpu.memory_space<vmem>>, vector<16xf32>,
      tpu.vector_store %arg8[%swap3A_1490, %swap3A_1491, %swap3A_1492], %mul3A_1488 {strides = array<i32>} : memref<2x32x256xf32, #tpu.memory_space<vmem>>, vector<16xf32>,
      %get3A_1494 = arith.constant 2 : i32
      %get3A_1495 = arith.constant 0 : i32
      %get3A_1496 = arith.index_cast %get3A_1494 : i32 to index
      %get3A_1497 = arith.index_cast %get3A_1495 : i32 to index
      %get3A_1498 = arith.index_cast %scan3A_1102 : i32 to index
      %get3A_1499 = arith.constant 160 : index
      %get3A_1500 = tpu.vector_load %arg7[%get3A_1496, %get3A_1497, %get3A_1498, %get3A_1499] {strides = array<i32>} : memref<3x4x32x256xf32, #tpu.memory_space<vmem>>, vector<16xf32>,
      %get3A_1501 = arith.constant 2 : i32
      %get3A_1502 = arith.constant 1 : i32
      %get3A_1503 = arith.index_cast %get3A_1501 : i32 to index
      %get3A_1504 = arith.index_cast %get3A_1502 : i32 to index
      %get3A_1505 = arith.index_cast %scan3A_1102 : i32 to index
      %get3A_1506 = arith.constant 160 : index
      %get3A_1507 = tpu.vector_load %arg7[%get3A_1503, %get3A_1504, %get3A_1505, %get3A_1506] {strides = array<i32>} : memref<3x4x32x256xf32, #tpu.memory_space<vmem>>, vector<16xf32>,
      %add3A_1508 = arith.addf %get3A_1500, %get3A_1507 : vector<16xf32>
      %get3A_1509 = arith.constant 2 : i32
      %get3A_1510 = arith.constant 2 : i32
      %get3A_1511 = arith.index_cast %get3A_1509 : i32 to index
      %get3A_1512 = arith.index_cast %get3A_1510 : i32 to index
      %get3A_1513 = arith.index_cast %scan3A_1102 : i32 to index
      %get3A_1514 = arith.constant 160 : index
      %get3A_1515 = tpu.vector_load %arg7[%get3A_1511, %get3A_1512, %get3A_1513, %get3A_1514] {strides = array<i32>} : memref<3x4x32x256xf32, #tpu.memory_space<vmem>>, vector<16xf32>,
      %get3A_1516 = arith.constant 2 : i32
      %get3A_1517 = arith.constant 3 : i32
      %get3A_1518 = arith.index_cast %get3A_1516 : i32 to index
      %get3A_1519 = arith.index_cast %get3A_1517 : i32 to index
      %get3A_1520 = arith.index_cast %scan3A_1102 : i32 to index
      %get3A_1521 = arith.constant 160 : index
      %get3A_1522 = tpu.vector_load %arg7[%get3A_1518, %get3A_1519, %get3A_1520, %get3A_1521] {strides = array<i32>} : memref<3x4x32x256xf32, #tpu.memory_space<vmem>>, vector<16xf32>,
      %add3A_1523 = arith.addf %get3A_1515, %get3A_1522 : vector<16xf32>
      %add3A_1524 = arith.addf %add3A_1508, %add3A_1523 : vector<16xf32>
      %mul3A_1525 = arith.constant 2.500000e-01 : f32
      %mul3A_1526 = vector.broadcast %mul3A_1525 : f32 to vector<16xf32>
      %mul3A_1527 = arith.mulf %add3A_1524, %mul3A_1526 : vector<16xf32>
      %swap3A_1528 = arith.constant 0 : i32
      %swap3A_1529 = arith.index_cast %swap3A_1528 : i32 to index
      %swap3A_1530 = arith.index_cast %scan3A_1102 : i32 to index
      %swap3A_1531 = arith.constant 160 : index
      %swap3A_1532 = tpu.vector_load %arg8[%swap3A_1529, %swap3A_1530, %swap3A_1531] {strides = array<i32>} : memref<2x32x256xf32, #tpu.memory_space<vmem>>, vector<16xf32>,
      tpu.vector_store %arg8[%swap3A_1529, %swap3A_1530, %swap3A_1531], %mul3A_1527 {strides = array<i32>} : memref<2x32x256xf32, #tpu.memory_space<vmem>>, vector<16xf32>,
      %get3A_1533 = arith.constant 2 : i32
      %get3A_1534 = arith.constant 0 : i32
      %get3A_1535 = arith.index_cast %get3A_1533 : i32 to index
      %get3A_1536 = arith.index_cast %get3A_1534 : i32 to index
      %get3A_1537 = arith.index_cast %scan3A_1102 : i32 to index
      %get3A_1538 = arith.constant 176 : index
      %get3A_1539 = tpu.vector_load %arg7[%get3A_1535, %get3A_1536, %get3A_1537, %get3A_1538] {strides = array<i32>} : memref<3x4x32x256xf32, #tpu.memory_space<vmem>>, vector<16xf32>,
      %get3A_1540 = arith.constant 2 : i32
      %get3A_1541 = arith.constant 1 : i32
      %get3A_1542 = arith.index_cast %get3A_1540 : i32 to index
      %get3A_1543 = arith.index_cast %get3A_1541 : i32 to index
      %get3A_1544 = arith.index_cast %scan3A_1102 : i32 to index
      %get3A_1545 = arith.constant 176 : index
      %get3A_1546 = tpu.vector_load %arg7[%get3A_1542, %get3A_1543, %get3A_1544, %get3A_1545] {strides = array<i32>} : memref<3x4x32x256xf32, #tpu.memory_space<vmem>>, vector<16xf32>,
      %add3A_1547 = arith.addf %get3A_1539, %get3A_1546 : vector<16xf32>
      %get3A_1548 = arith.constant 2 : i32
      %get3A_1549 = arith.constant 2 : i32
      %get3A_1550 = arith.index_cast %get3A_1548 : i32 to index
      %get3A_1551 = arith.index_cast %get3A_1549 : i32 to index
      %get3A_1552 = arith.index_cast %scan3A_1102 : i32 to index
      %get3A_1553 = arith.constant 176 : index
      %get3A_1554 = tpu.vector_load %arg7[%get3A_1550, %get3A_1551, %get3A_1552, %get3A_1553] {strides = array<i32>} : memref<3x4x32x256xf32, #tpu.memory_space<vmem>>, vector<16xf32>,
      %get3A_1555 = arith.constant 2 : i32
      %get3A_1556 = arith.constant 3 : i32
      %get3A_1557 = arith.index_cast %get3A_1555 : i32 to index
      %get3A_1558 = arith.index_cast %get3A_1556 : i32 to index
      %get3A_1559 = arith.index_cast %scan3A_1102 : i32 to index
      %get3A_1560 = arith.constant 176 : index
      %get3A_1561 = tpu.vector_load %arg7[%get3A_1557, %get3A_1558, %get3A_1559, %get3A_1560] {strides = array<i32>} : memref<3x4x32x256xf32, #tpu.memory_space<vmem>>, vector<16xf32>,
      %add3A_1562 = arith.addf %get3A_1554, %get3A_1561 : vector<16xf32>
      %add3A_1563 = arith.addf %add3A_1547, %add3A_1562 : vector<16xf32>
      %mul3A_1564 = arith.constant 2.500000e-01 : f32
      %mul3A_1565 = vector.broadcast %mul3A_1564 : f32 to vector<16xf32>
      %mul3A_1566 = arith.mulf %add3A_1563, %mul3A_1565 : vector<16xf32>
      %swap3A_1567 = arith.constant 0 : i32
      %swap3A_1568 = arith.index_cast %swap3A_1567 : i32 to index
      %swap3A_1569 = arith.index_cast %scan3A_1102 : i32 to index
      %swap3A_1570 = arith.constant 176 : index
      %swap3A_1571 = tpu.vector_load %arg8[%swap3A_1568, %swap3A_1569, %swap3A_1570] {strides = array<i32>} : memref<2x32x256xf32, #tpu.memory_space<vmem>>, vector<16xf32>,
      tpu.vector_store %arg8[%swap3A_1568, %swap3A_1569, %swap3A_1570], %mul3A_1566 {strides = array<i32>} : memref<2x32x256xf32, #tpu.memory_space<vmem>>, vector<16xf32>,
      %get3A_1572 = arith.constant 2 : i32
      %get3A_1573 = arith.constant 0 : i32
      %get3A_1574 = arith.index_cast %get3A_1572 : i32 to index
      %get3A_1575 = arith.index_cast %get3A_1573 : i32 to index
      %get3A_1576 = arith.index_cast %scan3A_1102 : i32 to index
      %get3A_1577 = arith.constant 192 : index
      %get3A_1578 = tpu.vector_load %arg7[%get3A_1574, %get3A_1575, %get3A_1576, %get3A_1577] {strides = array<i32>} : memref<3x4x32x256xf32, #tpu.memory_space<vmem>>, vector<16xf32>,
      %get3A_1579 = arith.constant 2 : i32
      %get3A_1580 = arith.constant 1 : i32
      %get3A_1581 = arith.index_cast %get3A_1579 : i32 to index
      %get3A_1582 = arith.index_cast %get3A_1580 : i32 to index
      %get3A_1583 = arith.index_cast %scan3A_1102 : i32 to index
      %get3A_1584 = arith.constant 192 : index
      %get3A_1585 = tpu.vector_load %arg7[%get3A_1581, %get3A_1582, %get3A_1583, %get3A_1584] {strides = array<i32>} : memref<3x4x32x256xf32, #tpu.memory_space<vmem>>, vector<16xf32>,
      %add3A_1586 = arith.addf %get3A_1578, %get3A_1585 : vector<16xf32>
      %get3A_1587 = arith.constant 2 : i32
      %get3A_1588 = arith.constant 2 : i32
      %get3A_1589 = arith.index_cast %get3A_1587 : i32 to index
      %get3A_1590 = arith.index_cast %get3A_1588 : i32 to index
      %get3A_1591 = arith.index_cast %scan3A_1102 : i32 to index
      %get3A_1592 = arith.constant 192 : index
      %get3A_1593 = tpu.vector_load %arg7[%get3A_1589, %get3A_1590, %get3A_1591, %get3A_1592] {strides = array<i32>} : memref<3x4x32x256xf32, #tpu.memory_space<vmem>>, vector<16xf32>,
      %get3A_1594 = arith.constant 2 : i32
      %get3A_1595 = arith.constant 3 : i32
      %get3A_1596 = arith.index_cast %get3A_1594 : i32 to index
      %get3A_1597 = arith.index_cast %get3A_1595 : i32 to index
      %get3A_1598 = arith.index_cast %scan3A_1102 : i32 to index
      %get3A_1599 = arith.constant 192 : index
      %get3A_1600 = tpu.vector_load %arg7[%get3A_1596, %get3A_1597, %get3A_1598, %get3A_1599] {strides = array<i32>} : memref<3x4x32x256xf32, #tpu.memory_space<vmem>>, vector<16xf32>,
      %add3A_1601 = arith.addf %get3A_1593, %get3A_1600 : vector<16xf32>
      %add3A_1602 = arith.addf %add3A_1586, %add3A_1601 : vector<16xf32>
      %mul3A_1603 = arith.constant 2.500000e-01 : f32
      %mul3A_1604 = vector.broadcast %mul3A_1603 : f32 to vector<16xf32>
      %mul3A_1605 = arith.mulf %add3A_1602, %mul3A_1604 : vector<16xf32>
      %swap3A_1606 = arith.constant 0 : i32
      %swap3A_1607 = arith.index_cast %swap3A_1606 : i32 to index
      %swap3A_1608 = arith.index_cast %scan3A_1102 : i32 to index
      %swap3A_1609 = arith.constant 192 : index
      %swap3A_1610 = tpu.vector_load %arg8[%swap3A_1607, %swap3A_1608, %swap3A_1609] {strides = array<i32>} : memref<2x32x256xf32, #tpu.memory_space<vmem>>, vector<16xf32>,
      tpu.vector_store %arg8[%swap3A_1607, %swap3A_1608, %swap3A_1609], %mul3A_1605 {strides = array<i32>} : memref<2x32x256xf32, #tpu.memory_space<vmem>>, vector<16xf32>,
      %get3A_1611 = arith.constant 2 : i32
      %get3A_1612 = arith.constant 0 : i32
      %get3A_1613 = arith.index_cast %get3A_1611 : i32 to index
      %get3A_1614 = arith.index_cast %get3A_1612 : i32 to index
      %get3A_1615 = arith.index_cast %scan3A_1102 : i32 to index
      %get3A_1616 = arith.constant 208 : index
      %get3A_1617 = tpu.vector_load %arg7[%get3A_1613, %get3A_1614, %get3A_1615, %get3A_1616] {strides = array<i32>} : memref<3x4x32x256xf32, #tpu.memory_space<vmem>>, vector<16xf32>,
      %get3A_1618 = arith.constant 2 : i32
      %get3A_1619 = arith.constant 1 : i32
      %get3A_1620 = arith.index_cast %get3A_1618 : i32 to index
      %get3A_1621 = arith.index_cast %get3A_1619 : i32 to index
      %get3A_1622 = arith.index_cast %scan3A_1102 : i32 to index
      %get3A_1623 = arith.constant 208 : index
      %get3A_1624 = tpu.vector_load %arg7[%get3A_1620, %get3A_1621, %get3A_1622, %get3A_1623] {strides = array<i32>} : memref<3x4x32x256xf32, #tpu.memory_space<vmem>>, vector<16xf32>,
      %add3A_1625 = arith.addf %get3A_1617, %get3A_1624 : vector<16xf32>
      %get3A_1626 = arith.constant 2 : i32
      %get3A_1627 = arith.constant 2 : i32
      %get3A_1628 = arith.index_cast %get3A_1626 : i32 to index
      %get3A_1629 = arith.index_cast %get3A_1627 : i32 to index
      %get3A_1630 = arith.index_cast %scan3A_1102 : i32 to index
      %get3A_1631 = arith.constant 208 : index
      %get3A_1632 = tpu.vector_load %arg7[%get3A_1628, %get3A_1629, %get3A_1630, %get3A_1631] {strides = array<i32>} : memref<3x4x32x256xf32, #tpu.memory_space<vmem>>, vector<16xf32>,
      %get3A_1633 = arith.constant 2 : i32
      %get3A_1634 = arith.constant 3 : i32
      %get3A_1635 = arith.index_cast %get3A_1633 : i32 to index
      %get3A_1636 = arith.index_cast %get3A_1634 : i32 to index
      %get3A_1637 = arith.index_cast %scan3A_1102 : i32 to index
      %get3A_1638 = arith.constant 208 : index
      %get3A_1639 = tpu.vector_load %arg7[%get3A_1635, %get3A_1636, %get3A_1637, %get3A_1638] {strides = array<i32>} : memref<3x4x32x256xf32, #tpu.memory_space<vmem>>, vector<16xf32>,
      %add3A_1640 = arith.addf %get3A_1632, %get3A_1639 : vector<16xf32>
      %add3A_1641 = arith.addf %add3A_1625, %add3A_1640 : vector<16xf32>
      %mul3A_1642 = arith.constant 2.500000e-01 : f32
      %mul3A_1643 = vector.broadcast %mul3A_1642 : f32 to vector<16xf32>
      %mul3A_1644 = arith.mulf %add3A_1641, %mul3A_1643 : vector<16xf32>
      %swap3A_1645 = arith.constant 0 : i32
      %swap3A_1646 = arith.index_cast %swap3A_1645 : i32 to index
      %swap3A_1647 = arith.index_cast %scan3A_1102 : i32 to index
      %swap3A_1648 = arith.constant 208 : index
      %swap3A_1649 = tpu.vector_load %arg8[%swap3A_1646, %swap3A_1647, %swap3A_1648] {strides = array<i32>} : memref<2x32x256xf32, #tpu.memory_space<vmem>>, vector<16xf32>,
      tpu.vector_store %arg8[%swap3A_1646, %swap3A_1647, %swap3A_1648], %mul3A_1644 {strides = array<i32>} : memref<2x32x256xf32, #tpu.memory_space<vmem>>, vector<16xf32>,
      %get3A_1650 = arith.constant 2 : i32
      %get3A_1651 = arith.constant 0 : i32
      %get3A_1652 = arith.index_cast %get3A_1650 : i32 to index
      %get3A_1653 = arith.index_cast %get3A_1651 : i32 to index
      %get3A_1654 = arith.index_cast %scan3A_1102 : i32 to index
      %get3A_1655 = arith.constant 224 : index
      %get3A_1656 = tpu.vector_load %arg7[%get3A_1652, %get3A_1653, %get3A_1654, %get3A_1655] {strides = array<i32>} : memref<3x4x32x256xf32, #tpu.memory_space<vmem>>, vector<16xf32>,
      %get3A_1657 = arith.constant 2 : i32
      %get3A_1658 = arith.constant 1 : i32
      %get3A_1659 = arith.index_cast %get3A_1657 : i32 to index
      %get3A_1660 = arith.index_cast %get3A_1658 : i32 to index
      %get3A_1661 = arith.index_cast %scan3A_1102 : i32 to index
      %get3A_1662 = arith.constant 224 : index
      %get3A_1663 = tpu.vector_load %arg7[%get3A_1659, %get3A_1660, %get3A_1661, %get3A_1662] {strides = array<i32>} : memref<3x4x32x256xf32, #tpu.memory_space<vmem>>, vector<16xf32>,
      %add3A_1664 = arith.addf %get3A_1656, %get3A_1663 : vector<16xf32>
      %get3A_1665 = arith.constant 2 : i32
      %get3A_1666 = arith.constant 2 : i32
      %get3A_1667 = arith.index_cast %get3A_1665 : i32 to index
      %get3A_1668 = arith.index_cast %get3A_1666 : i32 to index
      %get3A_1669 = arith.index_cast %scan3A_1102 : i32 to index
      %get3A_1670 = arith.constant 224 : index
      %get3A_1671 = tpu.vector_load %arg7[%get3A_1667, %get3A_1668, %get3A_1669, %get3A_1670] {strides = array<i32>} : memref<3x4x32x256xf32, #tpu.memory_space<vmem>>, vector<16xf32>,
      %get3A_1672 = arith.constant 2 : i32
      %get3A_1673 = arith.constant 3 : i32
      %get3A_1674 = arith.index_cast %get3A_1672 : i32 to index
      %get3A_1675 = arith.index_cast %get3A_1673 : i32 to index
      %get3A_1676 = arith.index_cast %scan3A_1102 : i32 to index
      %get3A_1677 = arith.constant 224 : index
      %get3A_1678 = tpu.vector_load %arg7[%get3A_1674, %get3A_1675, %get3A_1676, %get3A_1677] {strides = array<i32>} : memref<3x4x32x256xf32, #tpu.memory_space<vmem>>, vector<16xf32>,
      %add3A_1679 = arith.addf %get3A_1671, %get3A_1678 : vector<16xf32>
      %add3A_1680 = arith.addf %add3A_1664, %add3A_1679 : vector<16xf32>
      %mul3A_1681 = arith.constant 2.500000e-01 : f32
      %mul3A_1682 = vector.broadcast %mul3A_1681 : f32 to vector<16xf32>
      %mul3A_1683 = arith.mulf %add3A_1680, %mul3A_1682 : vector<16xf32>
      %swap3A_1684 = arith.constant 0 : i32
      %swap3A_1685 = arith.index_cast %swap3A_1684 : i32 to index
      %swap3A_1686 = arith.index_cast %scan3A_1102 : i32 to index
      %swap3A_1687 = arith.constant 224 : index
      %swap3A_1688 = tpu.vector_load %arg8[%swap3A_1685, %swap3A_1686, %swap3A_1687] {strides = array<i32>} : memref<2x32x256xf32, #tpu.memory_space<vmem>>, vector<16xf32>,
      tpu.vector_store %arg8[%swap3A_1685, %swap3A_1686, %swap3A_1687], %mul3A_1683 {strides = array<i32>} : memref<2x32x256xf32, #tpu.memory_space<vmem>>, vector<16xf32>,
      %get3A_1689 = arith.constant 2 : i32
      %get3A_1690 = arith.constant 0 : i32
      %get3A_1691 = arith.index_cast %get3A_1689 : i32 to index
      %get3A_1692 = arith.index_cast %get3A_1690 : i32 to index
      %get3A_1693 = arith.index_cast %scan3A_1102 : i32 to index
      %get3A_1694 = arith.constant 240 : index
      %get3A_1695 = tpu.vector_load %arg7[%get3A_1691, %get3A_1692, %get3A_1693, %get3A_1694] {strides = array<i32>} : memref<3x4x32x256xf32, #tpu.memory_space<vmem>>, vector<16xf32>,
      %get3A_1696 = arith.constant 2 : i32
      %get3A_1697 = arith.constant 1 : i32
      %get3A_1698 = arith.index_cast %get3A_1696 : i32 to index
      %get3A_1699 = arith.index_cast %get3A_1697 : i32 to index
      %get3A_1700 = arith.index_cast %scan3A_1102 : i32 to index
      %get3A_1701 = arith.constant 240 : index
      %get3A_1702 = tpu.vector_load %arg7[%get3A_1698, %get3A_1699, %get3A_1700, %get3A_1701] {strides = array<i32>} : memref<3x4x32x256xf32, #tpu.memory_space<vmem>>, vector<16xf32>,
      %add3A_1703 = arith.addf %get3A_1695, %get3A_1702 : vector<16xf32>
      %get3A_1704 = arith.constant 2 : i32
      %get3A_1705 = arith.constant 2 : i32
      %get3A_1706 = arith.index_cast %get3A_1704 : i32 to index
      %get3A_1707 = arith.index_cast %get3A_1705 : i32 to index
      %get3A_1708 = arith.index_cast %scan3A_1102 : i32 to index
      %get3A_1709 = arith.constant 240 : index
      %get3A_1710 = tpu.vector_load %arg7[%get3A_1706, %get3A_1707, %get3A_1708, %get3A_1709] {strides = array<i32>} : memref<3x4x32x256xf32, #tpu.memory_space<vmem>>, vector<16xf32>,
      %get3A_1711 = arith.constant 2 : i32
      %get3A_1712 = arith.constant 3 : i32
      %get3A_1713 = arith.index_cast %get3A_1711 : i32 to index
      %get3A_1714 = arith.index_cast %get3A_1712 : i32 to index
      %get3A_1715 = arith.index_cast %scan3A_1102 : i32 to index
      %get3A_1716 = arith.constant 240 : index
      %get3A_1717 = tpu.vector_load %arg7[%get3A_1713, %get3A_1714, %get3A_1715, %get3A_1716] {strides = array<i32>} : memref<3x4x32x256xf32, #tpu.memory_space<vmem>>, vector<16xf32>,
      %add3A_1718 = arith.addf %get3A_1710, %get3A_1717 : vector<16xf32>
      %add3A_1719 = arith.addf %add3A_1703, %add3A_1718 : vector<16xf32>
      %mul3A_1720 = arith.constant 2.500000e-01 : f32
      %mul3A_1721 = vector.broadcast %mul3A_1720 : f32 to vector<16xf32>
      %mul3A_1722 = arith.mulf %add3A_1719, %mul3A_1721 : vector<16xf32>
      %swap3A_1723 = arith.constant 0 : i32
      %swap3A_1724 = arith.index_cast %swap3A_1723 : i32 to index
      %swap3A_1725 = arith.index_cast %scan3A_1102 : i32 to index
      %swap3A_1726 = arith.constant 240 : index
      %swap3A_1727 = tpu.vector_load %arg8[%swap3A_1724, %swap3A_1725, %swap3A_1726] {strides = array<i32>} : memref<2x32x256xf32, #tpu.memory_space<vmem>>, vector<16xf32>,
      tpu.vector_store %arg8[%swap3A_1724, %swap3A_1725, %swap3A_1726], %mul3A_1722 {strides = array<i32>} : memref<2x32x256xf32, #tpu.memory_space<vmem>>, vector<16xf32>,
      %scan3A_1728 = arith.constant 0 : i32
      scf.yield %scan3A_1728 : i32
    }
    %scan3A_963 = arith.constant 32 : i32
    %mul3A_964 = arith.constant 256 : i32
    %mul3A_965 = arith.muli %select_n3A, %mul3A_964 : i32
    %mul3A_966 = arith.constant 128 : i32
    %mul3A_967 = arith.muli %select_n3A_30, %mul3A_966 : i32
    %add3A_968 = arith.addi %mul3A_965, %mul3A_967 : i32
    %add3A_969 = arith.constant 64 : i32
    %add3A_970 = arith.addi %add3A_968, %add3A_969 : i32
    %dma_start3A_971 = arith.constant 0 : i32
    %dma_start3A_972 = arith.constant 0 : i32
    %dma_start3A_973 = arith.constant 0 : i32
    %dma_start3A_974 = tpu.memref_slice %arg8[%dma_start3A_971, %dma_start3A_972, %dma_start3A_973] : memref<2x32x256xf32, #tpu.memory_space<vmem>> -> memref<1x32x256xf32, #tpu.memory_space<vmem>>
    %dma_start3A_975 = tpu.memref_squeeze %dma_start3A_974 : memref<1x32x256xf32, #tpu.memory_space<vmem>> -> memref<32x256xf32, #tpu.memory_space<vmem>>
    %dma_start3A_976 = arith.constant 0 : i32
    %dma_start3A_977 = tpu.memref_slice %arg4[%add3A_970, %dma_start3A_976] : memref<4096x256xf32, #tpu.memory_space<hbm>> -> memref<32x256xf32, #tpu.memory_space<hbm>>
    %dma_start3A_978 = arith.constant 0 : i32
    %dma_start3A_979 = tpu.memref_slice %arg4[%add3A_970, %dma_start3A_978] : memref<4096x256xf32, #tpu.memory_space<hbm>> -> memref<32x256xf32, #tpu.memory_space<hbm>>
    %dma_start3A_980 = arith.constant 0 : i32
    %dma_start3A_981 = arith.constant 0 : i32
    %dma_start3A_982 = tpu.memref_slice %arg8[%dma_start3A_971, %dma_start3A_980, %dma_start3A_981] : memref<2x32x256xf32, #tpu.memory_space<vmem>> -> memref<1x32x256xf32, #tpu.memory_space<vmem>>
    %dma_start3A_983 = tpu.memref_squeeze %dma_start3A_982 : memref<1x32x256xf32, #tpu.memory_space<vmem>> -> memref<32x256xf32, #tpu.memory_space<vmem>>
    tpu.enqueue_dma source(%dma_start3A_983 : memref<32x256xf32, #tpu.memory_space<vmem>>) target(%dma_start3A_979 : memref<32x256xf32, #tpu.memory_space<hbm>>) target_semaphore(%arg12 : memref<!tpu.dma_semaphore, #tpu.memory_space<semaphore_mem>>)
    %dma_wait3A_984 = arith.constant 12 : i32
    %dma_wait3A_985 = arith.constant 0 : i32
    %dma_wait3A_986 = arith.constant 0 : i32
    %dma_wait3A_987 = arith.constant 0 : i32
    %dma_wait3A_988 = arith.constant 0 : i32
    %dma_wait3A_989 = tpu.memref_slice %arg7[%dma_wait3A_985, %dma_wait3A_986, %dma_wait3A_987, %dma_wait3A_988] : memref<3x4x32x256xf32, #tpu.memory_space<vmem>> -> memref<1x1x32x256xf32, #tpu.memory_space<vmem>>
    %dma_wait3A_990 = tpu.memref_squeeze %dma_wait3A_989 : memref<1x1x32x256xf32, #tpu.memory_space<vmem>> -> memref<32x256xf32, #tpu.memory_space<vmem>>
    %dma_wait3A_991 = arith.constant 0 : i32
    %dma_wait3A_992 = tpu.memref_slice %arg6[%dma_wait3A_984, %dma_wait3A_991] : memref<16x32xi32, #tpu.memory_space<vmem>> -> memref<1x32xi32, #tpu.memory_space<vmem>>
    %dma_wait3A_993 = tpu.memref_squeeze %dma_wait3A_992 : memref<1x32xi32, #tpu.memory_space<vmem>> -> memref<32xi32, #tpu.memory_space<vmem>>
    %dma_wait3A_994 = arith.constant 0 : i32
    %dma_wait3A_995 = arith.constant 0 : i32
    %dma_wait3A_996 = tpu.memref_slice %arg3[%dma_wait3A_994, %dma_wait3A_995] : memref<131072x256xf32, #tpu.memory_space<hbm>> -> memref<131072x256xf32, #tpu.memory_space<hbm>>
    tpu.wait_indirect_dma semaphore(%arg9 : memref<!tpu.dma_semaphore, #tpu.memory_space<semaphore_mem>>) src(%dma_wait3A_996 : memref<131072x256xf32, #tpu.memory_space<hbm>>) dst(%dma_wait3A_990 : memref<32x256xf32, #tpu.memory_space<vmem>>)
    %dma_wait3A_997 = arith.constant 13 : i32
    %dma_wait3A_998 = arith.constant 0 : i32
    %dma_wait3A_999 = arith.constant 1 : i32
    %dma_wait3A_1000 = arith.constant 0 : i32
    %dma_wait3A_1001 = arith.constant 0 : i32
    %dma_wait3A_1002 = tpu.memref_slice %arg7[%dma_wait3A_998, %dma_wait3A_999, %dma_wait3A_1000, %dma_wait3A_1001] : memref<3x4x32x256xf32, #tpu.memory_space<vmem>> -> memref<1x1x32x256xf32, #tpu.memory_space<vmem>>
    %dma_wait3A_1003 = tpu.memref_squeeze %dma_wait3A_1002 : memref<1x1x32x256xf32, #tpu.memory_space<vmem>> -> memref<32x256xf32, #tpu.memory_space<vmem>>
    %dma_wait3A_1004 = arith.constant 0 : i32
    %dma_wait3A_1005 = tpu.memref_slice %arg6[%dma_wait3A_997, %dma_wait3A_1004] : memref<16x32xi32, #tpu.memory_space<vmem>> -> memref<1x32xi32, #tpu.memory_space<vmem>>
    %dma_wait3A_1006 = tpu.memref_squeeze %dma_wait3A_1005 : memref<1x32xi32, #tpu.memory_space<vmem>> -> memref<32xi32, #tpu.memory_space<vmem>>
    %dma_wait3A_1007 = arith.constant 0 : i32
    %dma_wait3A_1008 = arith.constant 0 : i32
    %dma_wait3A_1009 = tpu.memref_slice %arg3[%dma_wait3A_1007, %dma_wait3A_1008] : memref<131072x256xf32, #tpu.memory_space<hbm>> -> memref<131072x256xf32, #tpu.memory_space<hbm>>
    tpu.wait_indirect_dma semaphore(%arg9 : memref<!tpu.dma_semaphore, #tpu.memory_space<semaphore_mem>>) src(%dma_wait3A_1009 : memref<131072x256xf32, #tpu.memory_space<hbm>>) dst(%dma_wait3A_1003 : memref<32x256xf32, #tpu.memory_space<vmem>>)
    %dma_wait3A_1010 = arith.constant 14 : i32
    %dma_wait3A_1011 = arith.constant 0 : i32
    %dma_wait3A_1012 = arith.constant 2 : i32
    %dma_wait3A_1013 = arith.constant 0 : i32
    %dma_wait3A_1014 = arith.constant 0 : i32
    %dma_wait3A_1015 = tpu.memref_slice %arg7[%dma_wait3A_1011, %dma_wait3A_1012, %dma_wait3A_1013, %dma_wait3A_1014] : memref<3x4x32x256xf32, #tpu.memory_space<vmem>> -> memref<1x1x32x256xf32, #tpu.memory_space<vmem>>
    %dma_wait3A_1016 = tpu.memref_squeeze %dma_wait3A_1015 : memref<1x1x32x256xf32, #tpu.memory_space<vmem>> -> memref<32x256xf32, #tpu.memory_space<vmem>>
    %dma_wait3A_1017 = arith.constant 0 : i32
    %dma_wait3A_1018 = tpu.memref_slice %arg6[%dma_wait3A_1010, %dma_wait3A_1017] : memref<16x32xi32, #tpu.memory_space<vmem>> -> memref<1x32xi32, #tpu.memory_space<vmem>>
    %dma_wait3A_1019 = tpu.memref_squeeze %dma_wait3A_1018 : memref<1x32xi32, #tpu.memory_space<vmem>> -> memref<32xi32, #tpu.memory_space<vmem>>
    %dma_wait3A_1020 = arith.constant 0 : i32
    %dma_wait3A_1021 = arith.constant 0 : i32
    %dma_wait3A_1022 = tpu.memref_slice %arg3[%dma_wait3A_1020, %dma_wait3A_1021] : memref<131072x256xf32, #tpu.memory_space<hbm>> -> memref<131072x256xf32, #tpu.memory_space<hbm>>
    tpu.wait_indirect_dma semaphore(%arg9 : memref<!tpu.dma_semaphore, #tpu.memory_space<semaphore_mem>>) src(%dma_wait3A_1022 : memref<131072x256xf32, #tpu.memory_space<hbm>>) dst(%dma_wait3A_1016 : memref<32x256xf32, #tpu.memory_space<vmem>>)
    %dma_wait3A_1023 = arith.constant 15 : i32
    %dma_wait3A_1024 = arith.constant 0 : i32
    %dma_wait3A_1025 = arith.constant 3 : i32
    %dma_wait3A_1026 = arith.constant 0 : i32
    %dma_wait3A_1027 = arith.constant 0 : i32
    %dma_wait3A_1028 = tpu.memref_slice %arg7[%dma_wait3A_1024, %dma_wait3A_1025, %dma_wait3A_1026, %dma_wait3A_1027] : memref<3x4x32x256xf32, #tpu.memory_space<vmem>> -> memref<1x1x32x256xf32, #tpu.memory_space<vmem>>
    %dma_wait3A_1029 = tpu.memref_squeeze %dma_wait3A_1028 : memref<1x1x32x256xf32, #tpu.memory_space<vmem>> -> memref<32x256xf32, #tpu.memory_space<vmem>>
    %dma_wait3A_1030 = arith.constant 0 : i32
    %dma_wait3A_1031 = tpu.memref_slice %arg6[%dma_wait3A_1023, %dma_wait3A_1030] : memref<16x32xi32, #tpu.memory_space<vmem>> -> memref<1x32xi32, #tpu.memory_space<vmem>>
    %dma_wait3A_1032 = tpu.memref_squeeze %dma_wait3A_1031 : memref<1x32xi32, #tpu.memory_space<vmem>> -> memref<32xi32, #tpu.memory_space<vmem>>
    %dma_wait3A_1033 = arith.constant 0 : i32
    %dma_wait3A_1034 = arith.constant 0 : i32
    %dma_wait3A_1035 = tpu.memref_slice %arg3[%dma_wait3A_1033, %dma_wait3A_1034] : memref<131072x256xf32, #tpu.memory_space<hbm>> -> memref<131072x256xf32, #tpu.memory_space<hbm>>
    tpu.wait_indirect_dma semaphore(%arg9 : memref<!tpu.dma_semaphore, #tpu.memory_space<semaphore_mem>>) src(%dma_wait3A_1035 : memref<131072x256xf32, #tpu.memory_space<hbm>>) dst(%dma_wait3A_1029 : memref<32x256xf32, #tpu.memory_space<vmem>>)
    %dma_wait3A_1036 = arith.constant 1 : i32
    %dma_wait3A_1037 = arith.constant 0 : i32
    %dma_wait3A_1038 = arith.constant 0 : i32
    %dma_wait3A_1039 = tpu.memref_slice %arg8[%dma_wait3A_1036, %dma_wait3A_1037, %dma_wait3A_1038] : memref<2x32x256xf32, #tpu.memory_space<vmem>> -> memref<1x32x256xf32, #tpu.memory_space<vmem>>
    %dma_wait3A_1040 = tpu.memref_squeeze %dma_wait3A_1039 : memref<1x32x256xf32, #tpu.memory_space<vmem>> -> memref<32x256xf32, #tpu.memory_space<vmem>>
    %dma_wait3A_1041 = arith.constant 0 : i32
    %dma_wait3A_1042 = tpu.memref_slice %arg4[%add3A_878, %dma_wait3A_1041] : memref<4096x256xf32, #tpu.memory_space<hbm>> -> memref<32x256xf32, #tpu.memory_space<hbm>>
    %dma_wait3A_1043 = arith.constant 0 : i32
    %dma_wait3A_1044 = tpu.memref_slice %arg4[%add3A_878, %dma_wait3A_1043] : memref<4096x256xf32, #tpu.memory_space<hbm>> -> memref<32x256xf32, #tpu.memory_space<hbm>>
    %dma_wait3A_1045 = arith.constant 0 : i32
    %dma_wait3A_1046 = arith.constant 0 : i32
    %dma_wait3A_1047 = tpu.memref_slice %arg8[%dma_wait3A_1036, %dma_wait3A_1045, %dma_wait3A_1046] : memref<2x32x256xf32, #tpu.memory_space<vmem>> -> memref<1x32x256xf32, #tpu.memory_space<vmem>>
    %dma_wait3A_1048 = tpu.memref_squeeze %dma_wait3A_1047 : memref<1x32x256xf32, #tpu.memory_space<vmem>> -> memref<32x256xf32, #tpu.memory_space<vmem>>
    tpu.wait_dma2 semaphore(%arg13 : memref<!tpu.dma_semaphore, #tpu.memory_space<semaphore_mem>>) src(%dma_wait3A_1048 : memref<32x256xf32, #tpu.memory_space<vmem>>) dst(%dma_wait3A_1044 : memref<32x256xf32, #tpu.memory_space<hbm>>)
    %scan3A_1049 = arith.constant 0 : i32
    %scan3A_1050 = arith.constant 0 : i32
    %scan3A_1051 = arith.constant 32 : i32
    %scan3A_1052 = arith.addi %scan3A_1050, %scan3A_1051 : i32
    %scan3A_1053 = arith.constant 1 : i32
    %scan3A_1054 = scf.for %scan3A_1102 = %scan3A_1050 to %scan3A_1052 step %scan3A_1053 iter_args(%scan3A_1103 = %scan3A_1049) -> (i32)  : i32 {
      %get3A_1104 = arith.constant 0 : i32
      %get3A_1105 = arith.constant 0 : i32
      %get3A_1106 = arith.index_cast %get3A_1104 : i32 to index
      %get3A_1107 = arith.index_cast %get3A_1105 : i32 to index
      %get3A_1108 = arith.index_cast %scan3A_1102 : i32 to index
      %get3A_1109 = arith.constant 0 : index
      %get3A_1110 = tpu.vector_load %arg7[%get3A_1106, %get3A_1107, %get3A_1108, %get3A_1109] {strides = array<i32>} : memref<3x4x32x256xf32, #tpu.memory_space<vmem>>, vector<16xf32>,
      %get3A_1111 = arith.constant 0 : i32
      %get3A_1112 = arith.constant 1 : i32
      %get3A_1113 = arith.index_cast %get3A_1111 : i32 to index
      %get3A_1114 = arith.index_cast %get3A_1112 : i32 to index
      %get3A_1115 = arith.index_cast %scan3A_1102 : i32 to index
      %get3A_1116 = arith.constant 0 : index
      %get3A_1117 = tpu.vector_load %arg7[%get3A_1113, %get3A_1114, %get3A_1115, %get3A_1116] {strides = array<i32>} : memref<3x4x32x256xf32, #tpu.memory_space<vmem>>, vector<16xf32>,
      %add3A_1118 = arith.addf %get3A_1110, %get3A_1117 : vector<16xf32>
      %get3A_1119 = arith.constant 0 : i32
      %get3A_1120 = arith.constant 2 : i32
      %get3A_1121 = arith.index_cast %get3A_1119 : i32 to index
      %get3A_1122 = arith.index_cast %get3A_1120 : i32 to index
      %get3A_1123 = arith.index_cast %scan3A_1102 : i32 to index
      %get3A_1124 = arith.constant 0 : index
      %get3A_1125 = tpu.vector_load %arg7[%get3A_1121, %get3A_1122, %get3A_1123, %get3A_1124] {strides = array<i32>} : memref<3x4x32x256xf32, #tpu.memory_space<vmem>>, vector<16xf32>,
      %get3A_1126 = arith.constant 0 : i32
      %get3A_1127 = arith.constant 3 : i32
      %get3A_1128 = arith.index_cast %get3A_1126 : i32 to index
      %get3A_1129 = arith.index_cast %get3A_1127 : i32 to index
      %get3A_1130 = arith.index_cast %scan3A_1102 : i32 to index
      %get3A_1131 = arith.constant 0 : index
      %get3A_1132 = tpu.vector_load %arg7[%get3A_1128, %get3A_1129, %get3A_1130, %get3A_1131] {strides = array<i32>} : memref<3x4x32x256xf32, #tpu.memory_space<vmem>>, vector<16xf32>,
      %add3A_1133 = arith.addf %get3A_1125, %get3A_1132 : vector<16xf32>
      %add3A_1134 = arith.addf %add3A_1118, %add3A_1133 : vector<16xf32>
      %mul3A_1135 = arith.constant 2.500000e-01 : f32
      %mul3A_1136 = vector.broadcast %mul3A_1135 : f32 to vector<16xf32>
      %mul3A_1137 = arith.mulf %add3A_1134, %mul3A_1136 : vector<16xf32>
      %swap3A_1138 = arith.constant 1 : i32
      %swap3A_1139 = arith.index_cast %swap3A_1138 : i32 to index
      %swap3A_1140 = arith.index_cast %scan3A_1102 : i32 to index
      %swap3A_1141 = arith.constant 0 : index
      %swap3A_1142 = tpu.vector_load %arg8[%swap3A_1139, %swap3A_1140, %swap3A_1141] {strides = array<i32>} : memref<2x32x256xf32, #tpu.memory_space<vmem>>, vector<16xf32>,
      tpu.vector_store %arg8[%swap3A_1139, %swap3A_1140, %swap3A_1141], %mul3A_1137 {strides = array<i32>} : memref<2x32x256xf32, #tpu.memory_space<vmem>>, vector<16xf32>,
      %get3A_1143 = arith.constant 0 : i32
      %get3A_1144 = arith.constant 0 : i32
      %get3A_1145 = arith.index_cast %get3A_1143 : i32 to index
      %get3A_1146 = arith.index_cast %get3A_1144 : i32 to index
      %get3A_1147 = arith.index_cast %scan3A_1102 : i32 to index
      %get3A_1148 = arith.constant 16 : index
      %get3A_1149 = tpu.vector_load %arg7[%get3A_1145, %get3A_1146, %get3A_1147, %get3A_1148] {strides = array<i32>} : memref<3x4x32x256xf32, #tpu.memory_space<vmem>>, vector<16xf32>,
      %get3A_1150 = arith.constant 0 : i32
      %get3A_1151 = arith.constant 1 : i32
      %get3A_1152 = arith.index_cast %get3A_1150 : i32 to index
      %get3A_1153 = arith.index_cast %get3A_1151 : i32 to index
      %get3A_1154 = arith.index_cast %scan3A_1102 : i32 to index
      %get3A_1155 = arith.constant 16 : index
      %get3A_1156 = tpu.vector_load %arg7[%get3A_1152, %get3A_1153, %get3A_1154, %get3A_1155] {strides = array<i32>} : memref<3x4x32x256xf32, #tpu.memory_space<vmem>>, vector<16xf32>,
      %add3A_1157 = arith.addf %get3A_1149, %get3A_1156 : vector<16xf32>
      %get3A_1158 = arith.constant 0 : i32
      %get3A_1159 = arith.constant 2 : i32
      %get3A_1160 = arith.index_cast %get3A_1158 : i32 to index
      %get3A_1161 = arith.index_cast %get3A_1159 : i32 to index
      %get3A_1162 = arith.index_cast %scan3A_1102 : i32 to index
      %get3A_1163 = arith.constant 16 : index
      %get3A_1164 = tpu.vector_load %arg7[%get3A_1160, %get3A_1161, %get3A_1162, %get3A_1163] {strides = array<i32>} : memref<3x4x32x256xf32, #tpu.memory_space<vmem>>, vector<16xf32>,
      %get3A_1165 = arith.constant 0 : i32
      %get3A_1166 = arith.constant 3 : i32
      %get3A_1167 = arith.index_cast %get3A_1165 : i32 to index
      %get3A_1168 = arith.index_cast %get3A_1166 : i32 to index
      %get3A_1169 = arith.index_cast %scan3A_1102 : i32 to index
      %get3A_1170 = arith.constant 16 : index
      %get3A_1171 = tpu.vector_load %arg7[%get3A_1167, %get3A_1168, %get3A_1169, %get3A_1170] {strides = array<i32>} : memref<3x4x32x256xf32, #tpu.memory_space<vmem>>, vector<16xf32>,
      %add3A_1172 = arith.addf %get3A_1164, %get3A_1171 : vector<16xf32>
      %add3A_1173 = arith.addf %add3A_1157, %add3A_1172 : vector<16xf32>
      %mul3A_1174 = arith.constant 2.500000e-01 : f32
      %mul3A_1175 = vector.broadcast %mul3A_1174 : f32 to vector<16xf32>
      %mul3A_1176 = arith.mulf %add3A_1173, %mul3A_1175 : vector<16xf32>
      %swap3A_1177 = arith.constant 1 : i32
      %swap3A_1178 = arith.index_cast %swap3A_1177 : i32 to index
      %swap3A_1179 = arith.index_cast %scan3A_1102 : i32 to index
      %swap3A_1180 = arith.constant 16 : index
      %swap3A_1181 = tpu.vector_load %arg8[%swap3A_1178, %swap3A_1179, %swap3A_1180] {strides = array<i32>} : memref<2x32x256xf32, #tpu.memory_space<vmem>>, vector<16xf32>,
      tpu.vector_store %arg8[%swap3A_1178, %swap3A_1179, %swap3A_1180], %mul3A_1176 {strides = array<i32>} : memref<2x32x256xf32, #tpu.memory_space<vmem>>, vector<16xf32>,
      %get3A_1182 = arith.constant 0 : i32
      %get3A_1183 = arith.constant 0 : i32
      %get3A_1184 = arith.index_cast %get3A_1182 : i32 to index
      %get3A_1185 = arith.index_cast %get3A_1183 : i32 to index
      %get3A_1186 = arith.index_cast %scan3A_1102 : i32 to index
      %get3A_1187 = arith.constant 32 : index
      %get3A_1188 = tpu.vector_load %arg7[%get3A_1184, %get3A_1185, %get3A_1186, %get3A_1187] {strides = array<i32>} : memref<3x4x32x256xf32, #tpu.memory_space<vmem>>, vector<16xf32>,
      %get3A_1189 = arith.constant 0 : i32
      %get3A_1190 = arith.constant 1 : i32
      %get3A_1191 = arith.index_cast %get3A_1189 : i32 to index
      %get3A_1192 = arith.index_cast %get3A_1190 : i32 to index
      %get3A_1193 = arith.index_cast %scan3A_1102 : i32 to index
      %get3A_1194 = arith.constant 32 : index
      %get3A_1195 = tpu.vector_load %arg7[%get3A_1191, %get3A_1192, %get3A_1193, %get3A_1194] {strides = array<i32>} : memref<3x4x32x256xf32, #tpu.memory_space<vmem>>, vector<16xf32>,
      %add3A_1196 = arith.addf %get3A_1188, %get3A_1195 : vector<16xf32>
      %get3A_1197 = arith.constant 0 : i32
      %get3A_1198 = arith.constant 2 : i32
      %get3A_1199 = arith.index_cast %get3A_1197 : i32 to index
      %get3A_1200 = arith.index_cast %get3A_1198 : i32 to index
      %get3A_1201 = arith.index_cast %scan3A_1102 : i32 to index
      %get3A_1202 = arith.constant 32 : index
      %get3A_1203 = tpu.vector_load %arg7[%get3A_1199, %get3A_1200, %get3A_1201, %get3A_1202] {strides = array<i32>} : memref<3x4x32x256xf32, #tpu.memory_space<vmem>>, vector<16xf32>,
      %get3A_1204 = arith.constant 0 : i32
      %get3A_1205 = arith.constant 3 : i32
      %get3A_1206 = arith.index_cast %get3A_1204 : i32 to index
      %get3A_1207 = arith.index_cast %get3A_1205 : i32 to index
      %get3A_1208 = arith.index_cast %scan3A_1102 : i32 to index
      %get3A_1209 = arith.constant 32 : index
      %get3A_1210 = tpu.vector_load %arg7[%get3A_1206, %get3A_1207, %get3A_1208, %get3A_1209] {strides = array<i32>} : memref<3x4x32x256xf32, #tpu.memory_space<vmem>>, vector<16xf32>,
      %add3A_1211 = arith.addf %get3A_1203, %get3A_1210 : vector<16xf32>
      %add3A_1212 = arith.addf %add3A_1196, %add3A_1211 : vector<16xf32>
      %mul3A_1213 = arith.constant 2.500000e-01 : f32
      %mul3A_1214 = vector.broadcast %mul3A_1213 : f32 to vector<16xf32>
      %mul3A_1215 = arith.mulf %add3A_1212, %mul3A_1214 : vector<16xf32>
      %swap3A_1216 = arith.constant 1 : i32
      %swap3A_1217 = arith.index_cast %swap3A_1216 : i32 to index
      %swap3A_1218 = arith.index_cast %scan3A_1102 : i32 to index
      %swap3A_1219 = arith.constant 32 : index
      %swap3A_1220 = tpu.vector_load %arg8[%swap3A_1217, %swap3A_1218, %swap3A_1219] {strides = array<i32>} : memref<2x32x256xf32, #tpu.memory_space<vmem>>, vector<16xf32>,
      tpu.vector_store %arg8[%swap3A_1217, %swap3A_1218, %swap3A_1219], %mul3A_1215 {strides = array<i32>} : memref<2x32x256xf32, #tpu.memory_space<vmem>>, vector<16xf32>,
      %get3A_1221 = arith.constant 0 : i32
      %get3A_1222 = arith.constant 0 : i32
      %get3A_1223 = arith.index_cast %get3A_1221 : i32 to index
      %get3A_1224 = arith.index_cast %get3A_1222 : i32 to index
      %get3A_1225 = arith.index_cast %scan3A_1102 : i32 to index
      %get3A_1226 = arith.constant 48 : index
      %get3A_1227 = tpu.vector_load %arg7[%get3A_1223, %get3A_1224, %get3A_1225, %get3A_1226] {strides = array<i32>} : memref<3x4x32x256xf32, #tpu.memory_space<vmem>>, vector<16xf32>,
      %get3A_1228 = arith.constant 0 : i32
      %get3A_1229 = arith.constant 1 : i32
      %get3A_1230 = arith.index_cast %get3A_1228 : i32 to index
      %get3A_1231 = arith.index_cast %get3A_1229 : i32 to index
      %get3A_1232 = arith.index_cast %scan3A_1102 : i32 to index
      %get3A_1233 = arith.constant 48 : index
      %get3A_1234 = tpu.vector_load %arg7[%get3A_1230, %get3A_1231, %get3A_1232, %get3A_1233] {strides = array<i32>} : memref<3x4x32x256xf32, #tpu.memory_space<vmem>>, vector<16xf32>,
      %add3A_1235 = arith.addf %get3A_1227, %get3A_1234 : vector<16xf32>
      %get3A_1236 = arith.constant 0 : i32
      %get3A_1237 = arith.constant 2 : i32
      %get3A_1238 = arith.index_cast %get3A_1236 : i32 to index
      %get3A_1239 = arith.index_cast %get3A_1237 : i32 to index
      %get3A_1240 = arith.index_cast %scan3A_1102 : i32 to index
      %get3A_1241 = arith.constant 48 : index
      %get3A_1242 = tpu.vector_load %arg7[%get3A_1238, %get3A_1239, %get3A_1240, %get3A_1241] {strides = array<i32>} : memref<3x4x32x256xf32, #tpu.memory_space<vmem>>, vector<16xf32>,
      %get3A_1243 = arith.constant 0 : i32
      %get3A_1244 = arith.constant 3 : i32
      %get3A_1245 = arith.index_cast %get3A_1243 : i32 to index
      %get3A_1246 = arith.index_cast %get3A_1244 : i32 to index
      %get3A_1247 = arith.index_cast %scan3A_1102 : i32 to index
      %get3A_1248 = arith.constant 48 : index
      %get3A_1249 = tpu.vector_load %arg7[%get3A_1245, %get3A_1246, %get3A_1247, %get3A_1248] {strides = array<i32>} : memref<3x4x32x256xf32, #tpu.memory_space<vmem>>, vector<16xf32>,
      %add3A_1250 = arith.addf %get3A_1242, %get3A_1249 : vector<16xf32>
      %add3A_1251 = arith.addf %add3A_1235, %add3A_1250 : vector<16xf32>
      %mul3A_1252 = arith.constant 2.500000e-01 : f32
      %mul3A_1253 = vector.broadcast %mul3A_1252 : f32 to vector<16xf32>
      %mul3A_1254 = arith.mulf %add3A_1251, %mul3A_1253 : vector<16xf32>
      %swap3A_1255 = arith.constant 1 : i32
      %swap3A_1256 = arith.index_cast %swap3A_1255 : i32 to index
      %swap3A_1257 = arith.index_cast %scan3A_1102 : i32 to index
      %swap3A_1258 = arith.constant 48 : index
      %swap3A_1259 = tpu.vector_load %arg8[%swap3A_1256, %swap3A_1257, %swap3A_1258] {strides = array<i32>} : memref<2x32x256xf32, #tpu.memory_space<vmem>>, vector<16xf32>,
      tpu.vector_store %arg8[%swap3A_1256, %swap3A_1257, %swap3A_1258], %mul3A_1254 {strides = array<i32>} : memref<2x32x256xf32, #tpu.memory_space<vmem>>, vector<16xf32>,
      %get3A_1260 = arith.constant 0 : i32
      %get3A_1261 = arith.constant 0 : i32
      %get3A_1262 = arith.index_cast %get3A_1260 : i32 to index
      %get3A_1263 = arith.index_cast %get3A_1261 : i32 to index
      %get3A_1264 = arith.index_cast %scan3A_1102 : i32 to index
      %get3A_1265 = arith.constant 64 : index
      %get3A_1266 = tpu.vector_load %arg7[%get3A_1262, %get3A_1263, %get3A_1264, %get3A_1265] {strides = array<i32>} : memref<3x4x32x256xf32, #tpu.memory_space<vmem>>, vector<16xf32>,
      %get3A_1267 = arith.constant 0 : i32
      %get3A_1268 = arith.constant 1 : i32
      %get3A_1269 = arith.index_cast %get3A_1267 : i32 to index
      %get3A_1270 = arith.index_cast %get3A_1268 : i32 to index
      %get3A_1271 = arith.index_cast %scan3A_1102 : i32 to index
      %get3A_1272 = arith.constant 64 : index
      %get3A_1273 = tpu.vector_load %arg7[%get3A_1269, %get3A_1270, %get3A_1271, %get3A_1272] {strides = array<i32>} : memref<3x4x32x256xf32, #tpu.memory_space<vmem>>, vector<16xf32>,
      %add3A_1274 = arith.addf %get3A_1266, %get3A_1273 : vector<16xf32>
      %get3A_1275 = arith.constant 0 : i32
      %get3A_1276 = arith.constant 2 : i32
      %get3A_1277 = arith.index_cast %get3A_1275 : i32 to index
      %get3A_1278 = arith.index_cast %get3A_1276 : i32 to index
      %get3A_1279 = arith.index_cast %scan3A_1102 : i32 to index
      %get3A_1280 = arith.constant 64 : index
      %get3A_1281 = tpu.vector_load %arg7[%get3A_1277, %get3A_1278, %get3A_1279, %get3A_1280] {strides = array<i32>} : memref<3x4x32x256xf32, #tpu.memory_space<vmem>>, vector<16xf32>,
      %get3A_1282 = arith.constant 0 : i32
      %get3A_1283 = arith.constant 3 : i32
      %get3A_1284 = arith.index_cast %get3A_1282 : i32 to index
      %get3A_1285 = arith.index_cast %get3A_1283 : i32 to index
      %get3A_1286 = arith.index_cast %scan3A_1102 : i32 to index
      %get3A_1287 = arith.constant 64 : index
      %get3A_1288 = tpu.vector_load %arg7[%get3A_1284, %get3A_1285, %get3A_1286, %get3A_1287] {strides = array<i32>} : memref<3x4x32x256xf32, #tpu.memory_space<vmem>>, vector<16xf32>,
      %add3A_1289 = arith.addf %get3A_1281, %get3A_1288 : vector<16xf32>
      %add3A_1290 = arith.addf %add3A_1274, %add3A_1289 : vector<16xf32>
      %mul3A_1291 = arith.constant 2.500000e-01 : f32
      %mul3A_1292 = vector.broadcast %mul3A_1291 : f32 to vector<16xf32>
      %mul3A_1293 = arith.mulf %add3A_1290, %mul3A_1292 : vector<16xf32>
      %swap3A_1294 = arith.constant 1 : i32
      %swap3A_1295 = arith.index_cast %swap3A_1294 : i32 to index
      %swap3A_1296 = arith.index_cast %scan3A_1102 : i32 to index
      %swap3A_1297 = arith.constant 64 : index
      %swap3A_1298 = tpu.vector_load %arg8[%swap3A_1295, %swap3A_1296, %swap3A_1297] {strides = array<i32>} : memref<2x32x256xf32, #tpu.memory_space<vmem>>, vector<16xf32>,
      tpu.vector_store %arg8[%swap3A_1295, %swap3A_1296, %swap3A_1297], %mul3A_1293 {strides = array<i32>} : memref<2x32x256xf32, #tpu.memory_space<vmem>>, vector<16xf32>,
      %get3A_1299 = arith.constant 0 : i32
      %get3A_1300 = arith.constant 0 : i32
      %get3A_1301 = arith.index_cast %get3A_1299 : i32 to index
      %get3A_1302 = arith.index_cast %get3A_1300 : i32 to index
      %get3A_1303 = arith.index_cast %scan3A_1102 : i32 to index
      %get3A_1304 = arith.constant 80 : index
      %get3A_1305 = tpu.vector_load %arg7[%get3A_1301, %get3A_1302, %get3A_1303, %get3A_1304] {strides = array<i32>} : memref<3x4x32x256xf32, #tpu.memory_space<vmem>>, vector<16xf32>,
      %get3A_1306 = arith.constant 0 : i32
      %get3A_1307 = arith.constant 1 : i32
      %get3A_1308 = arith.index_cast %get3A_1306 : i32 to index
      %get3A_1309 = arith.index_cast %get3A_1307 : i32 to index
      %get3A_1310 = arith.index_cast %scan3A_1102 : i32 to index
      %get3A_1311 = arith.constant 80 : index
      %get3A_1312 = tpu.vector_load %arg7[%get3A_1308, %get3A_1309, %get3A_1310, %get3A_1311] {strides = array<i32>} : memref<3x4x32x256xf32, #tpu.memory_space<vmem>>, vector<16xf32>,
      %add3A_1313 = arith.addf %get3A_1305, %get3A_1312 : vector<16xf32>
      %get3A_1314 = arith.constant 0 : i32
      %get3A_1315 = arith.constant 2 : i32
      %get3A_1316 = arith.index_cast %get3A_1314 : i32 to index
      %get3A_1317 = arith.index_cast %get3A_1315 : i32 to index
      %get3A_1318 = arith.index_cast %scan3A_1102 : i32 to index
      %get3A_1319 = arith.constant 80 : index
      %get3A_1320 = tpu.vector_load %arg7[%get3A_1316, %get3A_1317, %get3A_1318, %get3A_1319] {strides = array<i32>} : memref<3x4x32x256xf32, #tpu.memory_space<vmem>>, vector<16xf32>,
      %get3A_1321 = arith.constant 0 : i32
      %get3A_1322 = arith.constant 3 : i32
      %get3A_1323 = arith.index_cast %get3A_1321 : i32 to index
      %get3A_1324 = arith.index_cast %get3A_1322 : i32 to index
      %get3A_1325 = arith.index_cast %scan3A_1102 : i32 to index
      %get3A_1326 = arith.constant 80 : index
      %get3A_1327 = tpu.vector_load %arg7[%get3A_1323, %get3A_1324, %get3A_1325, %get3A_1326] {strides = array<i32>} : memref<3x4x32x256xf32, #tpu.memory_space<vmem>>, vector<16xf32>,
      %add3A_1328 = arith.addf %get3A_1320, %get3A_1327 : vector<16xf32>
      %add3A_1329 = arith.addf %add3A_1313, %add3A_1328 : vector<16xf32>
      %mul3A_1330 = arith.constant 2.500000e-01 : f32
      %mul3A_1331 = vector.broadcast %mul3A_1330 : f32 to vector<16xf32>
      %mul3A_1332 = arith.mulf %add3A_1329, %mul3A_1331 : vector<16xf32>
      %swap3A_1333 = arith.constant 1 : i32
      %swap3A_1334 = arith.index_cast %swap3A_1333 : i32 to index
      %swap3A_1335 = arith.index_cast %scan3A_1102 : i32 to index
      %swap3A_1336 = arith.constant 80 : index
      %swap3A_1337 = tpu.vector_load %arg8[%swap3A_1334, %swap3A_1335, %swap3A_1336] {strides = array<i32>} : memref<2x32x256xf32, #tpu.memory_space<vmem>>, vector<16xf32>,
      tpu.vector_store %arg8[%swap3A_1334, %swap3A_1335, %swap3A_1336], %mul3A_1332 {strides = array<i32>} : memref<2x32x256xf32, #tpu.memory_space<vmem>>, vector<16xf32>,
      %get3A_1338 = arith.constant 0 : i32
      %get3A_1339 = arith.constant 0 : i32
      %get3A_1340 = arith.index_cast %get3A_1338 : i32 to index
      %get3A_1341 = arith.index_cast %get3A_1339 : i32 to index
      %get3A_1342 = arith.index_cast %scan3A_1102 : i32 to index
      %get3A_1343 = arith.constant 96 : index
      %get3A_1344 = tpu.vector_load %arg7[%get3A_1340, %get3A_1341, %get3A_1342, %get3A_1343] {strides = array<i32>} : memref<3x4x32x256xf32, #tpu.memory_space<vmem>>, vector<16xf32>,
      %get3A_1345 = arith.constant 0 : i32
      %get3A_1346 = arith.constant 1 : i32
      %get3A_1347 = arith.index_cast %get3A_1345 : i32 to index
      %get3A_1348 = arith.index_cast %get3A_1346 : i32 to index
      %get3A_1349 = arith.index_cast %scan3A_1102 : i32 to index
      %get3A_1350 = arith.constant 96 : index
      %get3A_1351 = tpu.vector_load %arg7[%get3A_1347, %get3A_1348, %get3A_1349, %get3A_1350] {strides = array<i32>} : memref<3x4x32x256xf32, #tpu.memory_space<vmem>>, vector<16xf32>,
      %add3A_1352 = arith.addf %get3A_1344, %get3A_1351 : vector<16xf32>
      %get3A_1353 = arith.constant 0 : i32
      %get3A_1354 = arith.constant 2 : i32
      %get3A_1355 = arith.index_cast %get3A_1353 : i32 to index
      %get3A_1356 = arith.index_cast %get3A_1354 : i32 to index
      %get3A_1357 = arith.index_cast %scan3A_1102 : i32 to index
      %get3A_1358 = arith.constant 96 : index
      %get3A_1359 = tpu.vector_load %arg7[%get3A_1355, %get3A_1356, %get3A_1357, %get3A_1358] {strides = array<i32>} : memref<3x4x32x256xf32, #tpu.memory_space<vmem>>, vector<16xf32>,
      %get3A_1360 = arith.constant 0 : i32
      %get3A_1361 = arith.constant 3 : i32
      %get3A_1362 = arith.index_cast %get3A_1360 : i32 to index
      %get3A_1363 = arith.index_cast %get3A_1361 : i32 to index
      %get3A_1364 = arith.index_cast %scan3A_1102 : i32 to index
      %get3A_1365 = arith.constant 96 : index
      %get3A_1366 = tpu.vector_load %arg7[%get3A_1362, %get3A_1363, %get3A_1364, %get3A_1365] {strides = array<i32>} : memref<3x4x32x256xf32, #tpu.memory_space<vmem>>, vector<16xf32>,
      %add3A_1367 = arith.addf %get3A_1359, %get3A_1366 : vector<16xf32>
      %add3A_1368 = arith.addf %add3A_1352, %add3A_1367 : vector<16xf32>
      %mul3A_1369 = arith.constant 2.500000e-01 : f32
      %mul3A_1370 = vector.broadcast %mul3A_1369 : f32 to vector<16xf32>
      %mul3A_1371 = arith.mulf %add3A_1368, %mul3A_1370 : vector<16xf32>
      %swap3A_1372 = arith.constant 1 : i32
      %swap3A_1373 = arith.index_cast %swap3A_1372 : i32 to index
      %swap3A_1374 = arith.index_cast %scan3A_1102 : i32 to index
      %swap3A_1375 = arith.constant 96 : index
      %swap3A_1376 = tpu.vector_load %arg8[%swap3A_1373, %swap3A_1374, %swap3A_1375] {strides = array<i32>} : memref<2x32x256xf32, #tpu.memory_space<vmem>>, vector<16xf32>,
      tpu.vector_store %arg8[%swap3A_1373, %swap3A_1374, %swap3A_1375], %mul3A_1371 {strides = array<i32>} : memref<2x32x256xf32, #tpu.memory_space<vmem>>, vector<16xf32>,
      %get3A_1377 = arith.constant 0 : i32
      %get3A_1378 = arith.constant 0 : i32
      %get3A_1379 = arith.index_cast %get3A_1377 : i32 to index
      %get3A_1380 = arith.index_cast %get3A_1378 : i32 to index
      %get3A_1381 = arith.index_cast %scan3A_1102 : i32 to index
      %get3A_1382 = arith.constant 112 : index
      %get3A_1383 = tpu.vector_load %arg7[%get3A_1379, %get3A_1380, %get3A_1381, %get3A_1382] {strides = array<i32>} : memref<3x4x32x256xf32, #tpu.memory_space<vmem>>, vector<16xf32>,
      %get3A_1384 = arith.constant 0 : i32
      %get3A_1385 = arith.constant 1 : i32
      %get3A_1386 = arith.index_cast %get3A_1384 : i32 to index
      %get3A_1387 = arith.index_cast %get3A_1385 : i32 to index
      %get3A_1388 = arith.index_cast %scan3A_1102 : i32 to index
      %get3A_1389 = arith.constant 112 : index
      %get3A_1390 = tpu.vector_load %arg7[%get3A_1386, %get3A_1387, %get3A_1388, %get3A_1389] {strides = array<i32>} : memref<3x4x32x256xf32, #tpu.memory_space<vmem>>, vector<16xf32>,
      %add3A_1391 = arith.addf %get3A_1383, %get3A_1390 : vector<16xf32>
      %get3A_1392 = arith.constant 0 : i32
      %get3A_1393 = arith.constant 2 : i32
      %get3A_1394 = arith.index_cast %get3A_1392 : i32 to index
      %get3A_1395 = arith.index_cast %get3A_1393 : i32 to index
      %get3A_1396 = arith.index_cast %scan3A_1102 : i32 to index
      %get3A_1397 = arith.constant 112 : index
      %get3A_1398 = tpu.vector_load %arg7[%get3A_1394, %get3A_1395, %get3A_1396, %get3A_1397] {strides = array<i32>} : memref<3x4x32x256xf32, #tpu.memory_space<vmem>>, vector<16xf32>,
      %get3A_1399 = arith.constant 0 : i32
      %get3A_1400 = arith.constant 3 : i32
      %get3A_1401 = arith.index_cast %get3A_1399 : i32 to index
      %get3A_1402 = arith.index_cast %get3A_1400 : i32 to index
      %get3A_1403 = arith.index_cast %scan3A_1102 : i32 to index
      %get3A_1404 = arith.constant 112 : index
      %get3A_1405 = tpu.vector_load %arg7[%get3A_1401, %get3A_1402, %get3A_1403, %get3A_1404] {strides = array<i32>} : memref<3x4x32x256xf32, #tpu.memory_space<vmem>>, vector<16xf32>,
      %add3A_1406 = arith.addf %get3A_1398, %get3A_1405 : vector<16xf32>
      %add3A_1407 = arith.addf %add3A_1391, %add3A_1406 : vector<16xf32>
      %mul3A_1408 = arith.constant 2.500000e-01 : f32
      %mul3A_1409 = vector.broadcast %mul3A_1408 : f32 to vector<16xf32>
      %mul3A_1410 = arith.mulf %add3A_1407, %mul3A_1409 : vector<16xf32>
      %swap3A_1411 = arith.constant 1 : i32
      %swap3A_1412 = arith.index_cast %swap3A_1411 : i32 to index
      %swap3A_1413 = arith.index_cast %scan3A_1102 : i32 to index
      %swap3A_1414 = arith.constant 112 : index
      %swap3A_1415 = tpu.vector_load %arg8[%swap3A_1412, %swap3A_1413, %swap3A_1414] {strides = array<i32>} : memref<2x32x256xf32, #tpu.memory_space<vmem>>, vector<16xf32>,
      tpu.vector_store %arg8[%swap3A_1412, %swap3A_1413, %swap3A_1414], %mul3A_1410 {strides = array<i32>} : memref<2x32x256xf32, #tpu.memory_space<vmem>>, vector<16xf32>,
      %get3A_1416 = arith.constant 0 : i32
      %get3A_1417 = arith.constant 0 : i32
      %get3A_1418 = arith.index_cast %get3A_1416 : i32 to index
      %get3A_1419 = arith.index_cast %get3A_1417 : i32 to index
      %get3A_1420 = arith.index_cast %scan3A_1102 : i32 to index
      %get3A_1421 = arith.constant 128 : index
      %get3A_1422 = tpu.vector_load %arg7[%get3A_1418, %get3A_1419, %get3A_1420, %get3A_1421] {strides = array<i32>} : memref<3x4x32x256xf32, #tpu.memory_space<vmem>>, vector<16xf32>,
      %get3A_1423 = arith.constant 0 : i32
      %get3A_1424 = arith.constant 1 : i32
      %get3A_1425 = arith.index_cast %get3A_1423 : i32 to index
      %get3A_1426 = arith.index_cast %get3A_1424 : i32 to index
      %get3A_1427 = arith.index_cast %scan3A_1102 : i32 to index
      %get3A_1428 = arith.constant 128 : index
      %get3A_1429 = tpu.vector_load %arg7[%get3A_1425, %get3A_1426, %get3A_1427, %get3A_1428] {strides = array<i32>} : memref<3x4x32x256xf32, #tpu.memory_space<vmem>>, vector<16xf32>,
      %add3A_1430 = arith.addf %get3A_1422, %get3A_1429 : vector<16xf32>
      %get3A_1431 = arith.constant 0 : i32
      %get3A_1432 = arith.constant 2 : i32
      %get3A_1433 = arith.index_cast %get3A_1431 : i32 to index
      %get3A_1434 = arith.index_cast %get3A_1432 : i32 to index
      %get3A_1435 = arith.index_cast %scan3A_1102 : i32 to index
      %get3A_1436 = arith.constant 128 : index
      %get3A_1437 = tpu.vector_load %arg7[%get3A_1433, %get3A_1434, %get3A_1435, %get3A_1436] {strides = array<i32>} : memref<3x4x32x256xf32, #tpu.memory_space<vmem>>, vector<16xf32>,
      %get3A_1438 = arith.constant 0 : i32
      %get3A_1439 = arith.constant 3 : i32
      %get3A_1440 = arith.index_cast %get3A_1438 : i32 to index
      %get3A_1441 = arith.index_cast %get3A_1439 : i32 to index
      %get3A_1442 = arith.index_cast %scan3A_1102 : i32 to index
      %get3A_1443 = arith.constant 128 : index
      %get3A_1444 = tpu.vector_load %arg7[%get3A_1440, %get3A_1441, %get3A_1442, %get3A_1443] {strides = array<i32>} : memref<3x4x32x256xf32, #tpu.memory_space<vmem>>, vector<16xf32>,
      %add3A_1445 = arith.addf %get3A_1437, %get3A_1444 : vector<16xf32>
      %add3A_1446 = arith.addf %add3A_1430, %add3A_1445 : vector<16xf32>
      %mul3A_1447 = arith.constant 2.500000e-01 : f32
      %mul3A_1448 = vector.broadcast %mul3A_1447 : f32 to vector<16xf32>
      %mul3A_1449 = arith.mulf %add3A_1446, %mul3A_1448 : vector<16xf32>
      %swap3A_1450 = arith.constant 1 : i32
      %swap3A_1451 = arith.index_cast %swap3A_1450 : i32 to index
      %swap3A_1452 = arith.index_cast %scan3A_1102 : i32 to index
      %swap3A_1453 = arith.constant 128 : index
      %swap3A_1454 = tpu.vector_load %arg8[%swap3A_1451, %swap3A_1452, %swap3A_1453] {strides = array<i32>} : memref<2x32x256xf32, #tpu.memory_space<vmem>>, vector<16xf32>,
      tpu.vector_store %arg8[%swap3A_1451, %swap3A_1452, %swap3A_1453], %mul3A_1449 {strides = array<i32>} : memref<2x32x256xf32, #tpu.memory_space<vmem>>, vector<16xf32>,
      %get3A_1455 = arith.constant 0 : i32
      %get3A_1456 = arith.constant 0 : i32
      %get3A_1457 = arith.index_cast %get3A_1455 : i32 to index
      %get3A_1458 = arith.index_cast %get3A_1456 : i32 to index
      %get3A_1459 = arith.index_cast %scan3A_1102 : i32 to index
      %get3A_1460 = arith.constant 144 : index
      %get3A_1461 = tpu.vector_load %arg7[%get3A_1457, %get3A_1458, %get3A_1459, %get3A_1460] {strides = array<i32>} : memref<3x4x32x256xf32, #tpu.memory_space<vmem>>, vector<16xf32>,
      %get3A_1462 = arith.constant 0 : i32
      %get3A_1463 = arith.constant 1 : i32
      %get3A_1464 = arith.index_cast %get3A_1462 : i32 to index
      %get3A_1465 = arith.index_cast %get3A_1463 : i32 to index
      %get3A_1466 = arith.index_cast %scan3A_1102 : i32 to index
      %get3A_1467 = arith.constant 144 : index
      %get3A_1468 = tpu.vector_load %arg7[%get3A_1464, %get3A_1465, %get3A_1466, %get3A_1467] {strides = array<i32>} : memref<3x4x32x256xf32, #tpu.memory_space<vmem>>, vector<16xf32>,
      %add3A_1469 = arith.addf %get3A_1461, %get3A_1468 : vector<16xf32>
      %get3A_1470 = arith.constant 0 : i32
      %get3A_1471 = arith.constant 2 : i32
      %get3A_1472 = arith.index_cast %get3A_1470 : i32 to index
      %get3A_1473 = arith.index_cast %get3A_1471 : i32 to index
      %get3A_1474 = arith.index_cast %scan3A_1102 : i32 to index
      %get3A_1475 = arith.constant 144 : index
      %get3A_1476 = tpu.vector_load %arg7[%get3A_1472, %get3A_1473, %get3A_1474, %get3A_1475] {strides = array<i32>} : memref<3x4x32x256xf32, #tpu.memory_space<vmem>>, vector<16xf32>,
      %get3A_1477 = arith.constant 0 : i32
      %get3A_1478 = arith.constant 3 : i32
      %get3A_1479 = arith.index_cast %get3A_1477 : i32 to index
      %get3A_1480 = arith.index_cast %get3A_1478 : i32 to index
      %get3A_1481 = arith.index_cast %scan3A_1102 : i32 to index
      %get3A_1482 = arith.constant 144 : index
      %get3A_1483 = tpu.vector_load %arg7[%get3A_1479, %get3A_1480, %get3A_1481, %get3A_1482] {strides = array<i32>} : memref<3x4x32x256xf32, #tpu.memory_space<vmem>>, vector<16xf32>,
      %add3A_1484 = arith.addf %get3A_1476, %get3A_1483 : vector<16xf32>
      %add3A_1485 = arith.addf %add3A_1469, %add3A_1484 : vector<16xf32>
      %mul3A_1486 = arith.constant 2.500000e-01 : f32
      %mul3A_1487 = vector.broadcast %mul3A_1486 : f32 to vector<16xf32>
      %mul3A_1488 = arith.mulf %add3A_1485, %mul3A_1487 : vector<16xf32>
      %swap3A_1489 = arith.constant 1 : i32
      %swap3A_1490 = arith.index_cast %swap3A_1489 : i32 to index
      %swap3A_1491 = arith.index_cast %scan3A_1102 : i32 to index
      %swap3A_1492 = arith.constant 144 : index
      %swap3A_1493 = tpu.vector_load %arg8[%swap3A_1490, %swap3A_1491, %swap3A_1492] {strides = array<i32>} : memref<2x32x256xf32, #tpu.memory_space<vmem>>, vector<16xf32>,
      tpu.vector_store %arg8[%swap3A_1490, %swap3A_1491, %swap3A_1492], %mul3A_1488 {strides = array<i32>} : memref<2x32x256xf32, #tpu.memory_space<vmem>>, vector<16xf32>,
      %get3A_1494 = arith.constant 0 : i32
      %get3A_1495 = arith.constant 0 : i32
      %get3A_1496 = arith.index_cast %get3A_1494 : i32 to index
      %get3A_1497 = arith.index_cast %get3A_1495 : i32 to index
      %get3A_1498 = arith.index_cast %scan3A_1102 : i32 to index
      %get3A_1499 = arith.constant 160 : index
      %get3A_1500 = tpu.vector_load %arg7[%get3A_1496, %get3A_1497, %get3A_1498, %get3A_1499] {strides = array<i32>} : memref<3x4x32x256xf32, #tpu.memory_space<vmem>>, vector<16xf32>,
      %get3A_1501 = arith.constant 0 : i32
      %get3A_1502 = arith.constant 1 : i32
      %get3A_1503 = arith.index_cast %get3A_1501 : i32 to index
      %get3A_1504 = arith.index_cast %get3A_1502 : i32 to index
      %get3A_1505 = arith.index_cast %scan3A_1102 : i32 to index
      %get3A_1506 = arith.constant 160 : index
      %get3A_1507 = tpu.vector_load %arg7[%get3A_1503, %get3A_1504, %get3A_1505, %get3A_1506] {strides = array<i32>} : memref<3x4x32x256xf32, #tpu.memory_space<vmem>>, vector<16xf32>,
      %add3A_1508 = arith.addf %get3A_1500, %get3A_1507 : vector<16xf32>
      %get3A_1509 = arith.constant 0 : i32
      %get3A_1510 = arith.constant 2 : i32
      %get3A_1511 = arith.index_cast %get3A_1509 : i32 to index
      %get3A_1512 = arith.index_cast %get3A_1510 : i32 to index
      %get3A_1513 = arith.index_cast %scan3A_1102 : i32 to index
      %get3A_1514 = arith.constant 160 : index
      %get3A_1515 = tpu.vector_load %arg7[%get3A_1511, %get3A_1512, %get3A_1513, %get3A_1514] {strides = array<i32>} : memref<3x4x32x256xf32, #tpu.memory_space<vmem>>, vector<16xf32>,
      %get3A_1516 = arith.constant 0 : i32
      %get3A_1517 = arith.constant 3 : i32
      %get3A_1518 = arith.index_cast %get3A_1516 : i32 to index
      %get3A_1519 = arith.index_cast %get3A_1517 : i32 to index
      %get3A_1520 = arith.index_cast %scan3A_1102 : i32 to index
      %get3A_1521 = arith.constant 160 : index
      %get3A_1522 = tpu.vector_load %arg7[%get3A_1518, %get3A_1519, %get3A_1520, %get3A_1521] {strides = array<i32>} : memref<3x4x32x256xf32, #tpu.memory_space<vmem>>, vector<16xf32>,
      %add3A_1523 = arith.addf %get3A_1515, %get3A_1522 : vector<16xf32>
      %add3A_1524 = arith.addf %add3A_1508, %add3A_1523 : vector<16xf32>
      %mul3A_1525 = arith.constant 2.500000e-01 : f32
      %mul3A_1526 = vector.broadcast %mul3A_1525 : f32 to vector<16xf32>
      %mul3A_1527 = arith.mulf %add3A_1524, %mul3A_1526 : vector<16xf32>
      %swap3A_1528 = arith.constant 1 : i32
      %swap3A_1529 = arith.index_cast %swap3A_1528 : i32 to index
      %swap3A_1530 = arith.index_cast %scan3A_1102 : i32 to index
      %swap3A_1531 = arith.constant 160 : index
      %swap3A_1532 = tpu.vector_load %arg8[%swap3A_1529, %swap3A_1530, %swap3A_1531] {strides = array<i32>} : memref<2x32x256xf32, #tpu.memory_space<vmem>>, vector<16xf32>,
      tpu.vector_store %arg8[%swap3A_1529, %swap3A_1530, %swap3A_1531], %mul3A_1527 {strides = array<i32>} : memref<2x32x256xf32, #tpu.memory_space<vmem>>, vector<16xf32>,
      %get3A_1533 = arith.constant 0 : i32
      %get3A_1534 = arith.constant 0 : i32
      %get3A_1535 = arith.index_cast %get3A_1533 : i32 to index
      %get3A_1536 = arith.index_cast %get3A_1534 : i32 to index
      %get3A_1537 = arith.index_cast %scan3A_1102 : i32 to index
      %get3A_1538 = arith.constant 176 : index
      %get3A_1539 = tpu.vector_load %arg7[%get3A_1535, %get3A_1536, %get3A_1537, %get3A_1538] {strides = array<i32>} : memref<3x4x32x256xf32, #tpu.memory_space<vmem>>, vector<16xf32>,
      %get3A_1540 = arith.constant 0 : i32
      %get3A_1541 = arith.constant 1 : i32
      %get3A_1542 = arith.index_cast %get3A_1540 : i32 to index
      %get3A_1543 = arith.index_cast %get3A_1541 : i32 to index
      %get3A_1544 = arith.index_cast %scan3A_1102 : i32 to index
      %get3A_1545 = arith.constant 176 : index
      %get3A_1546 = tpu.vector_load %arg7[%get3A_1542, %get3A_1543, %get3A_1544, %get3A_1545] {strides = array<i32>} : memref<3x4x32x256xf32, #tpu.memory_space<vmem>>, vector<16xf32>,
      %add3A_1547 = arith.addf %get3A_1539, %get3A_1546 : vector<16xf32>
      %get3A_1548 = arith.constant 0 : i32
      %get3A_1549 = arith.constant 2 : i32
      %get3A_1550 = arith.index_cast %get3A_1548 : i32 to index
      %get3A_1551 = arith.index_cast %get3A_1549 : i32 to index
      %get3A_1552 = arith.index_cast %scan3A_1102 : i32 to index
      %get3A_1553 = arith.constant 176 : index
      %get3A_1554 = tpu.vector_load %arg7[%get3A_1550, %get3A_1551, %get3A_1552, %get3A_1553] {strides = array<i32>} : memref<3x4x32x256xf32, #tpu.memory_space<vmem>>, vector<16xf32>,
      %get3A_1555 = arith.constant 0 : i32
      %get3A_1556 = arith.constant 3 : i32
      %get3A_1557 = arith.index_cast %get3A_1555 : i32 to index
      %get3A_1558 = arith.index_cast %get3A_1556 : i32 to index
      %get3A_1559 = arith.index_cast %scan3A_1102 : i32 to index
      %get3A_1560 = arith.constant 176 : index
      %get3A_1561 = tpu.vector_load %arg7[%get3A_1557, %get3A_1558, %get3A_1559, %get3A_1560] {strides = array<i32>} : memref<3x4x32x256xf32, #tpu.memory_space<vmem>>, vector<16xf32>,
      %add3A_1562 = arith.addf %get3A_1554, %get3A_1561 : vector<16xf32>
      %add3A_1563 = arith.addf %add3A_1547, %add3A_1562 : vector<16xf32>
      %mul3A_1564 = arith.constant 2.500000e-01 : f32
      %mul3A_1565 = vector.broadcast %mul3A_1564 : f32 to vector<16xf32>
      %mul3A_1566 = arith.mulf %add3A_1563, %mul3A_1565 : vector<16xf32>
      %swap3A_1567 = arith.constant 1 : i32
      %swap3A_1568 = arith.index_cast %swap3A_1567 : i32 to index
      %swap3A_1569 = arith.index_cast %scan3A_1102 : i32 to index
      %swap3A_1570 = arith.constant 176 : index
      %swap3A_1571 = tpu.vector_load %arg8[%swap3A_1568, %swap3A_1569, %swap3A_1570] {strides = array<i32>} : memref<2x32x256xf32, #tpu.memory_space<vmem>>, vector<16xf32>,
      tpu.vector_store %arg8[%swap3A_1568, %swap3A_1569, %swap3A_1570], %mul3A_1566 {strides = array<i32>} : memref<2x32x256xf32, #tpu.memory_space<vmem>>, vector<16xf32>,
      %get3A_1572 = arith.constant 0 : i32
      %get3A_1573 = arith.constant 0 : i32
      %get3A_1574 = arith.index_cast %get3A_1572 : i32 to index
      %get3A_1575 = arith.index_cast %get3A_1573 : i32 to index
      %get3A_1576 = arith.index_cast %scan3A_1102 : i32 to index
      %get3A_1577 = arith.constant 192 : index
      %get3A_1578 = tpu.vector_load %arg7[%get3A_1574, %get3A_1575, %get3A_1576, %get3A_1577] {strides = array<i32>} : memref<3x4x32x256xf32, #tpu.memory_space<vmem>>, vector<16xf32>,
      %get3A_1579 = arith.constant 0 : i32
      %get3A_1580 = arith.constant 1 : i32
      %get3A_1581 = arith.index_cast %get3A_1579 : i32 to index
      %get3A_1582 = arith.index_cast %get3A_1580 : i32 to index
      %get3A_1583 = arith.index_cast %scan3A_1102 : i32 to index
      %get3A_1584 = arith.constant 192 : index
      %get3A_1585 = tpu.vector_load %arg7[%get3A_1581, %get3A_1582, %get3A_1583, %get3A_1584] {strides = array<i32>} : memref<3x4x32x256xf32, #tpu.memory_space<vmem>>, vector<16xf32>,
      %add3A_1586 = arith.addf %get3A_1578, %get3A_1585 : vector<16xf32>
      %get3A_1587 = arith.constant 0 : i32
      %get3A_1588 = arith.constant 2 : i32
      %get3A_1589 = arith.index_cast %get3A_1587 : i32 to index
      %get3A_1590 = arith.index_cast %get3A_1588 : i32 to index
      %get3A_1591 = arith.index_cast %scan3A_1102 : i32 to index
      %get3A_1592 = arith.constant 192 : index
      %get3A_1593 = tpu.vector_load %arg7[%get3A_1589, %get3A_1590, %get3A_1591, %get3A_1592] {strides = array<i32>} : memref<3x4x32x256xf32, #tpu.memory_space<vmem>>, vector<16xf32>,
      %get3A_1594 = arith.constant 0 : i32
      %get3A_1595 = arith.constant 3 : i32
      %get3A_1596 = arith.index_cast %get3A_1594 : i32 to index
      %get3A_1597 = arith.index_cast %get3A_1595 : i32 to index
      %get3A_1598 = arith.index_cast %scan3A_1102 : i32 to index
      %get3A_1599 = arith.constant 192 : index
      %get3A_1600 = tpu.vector_load %arg7[%get3A_1596, %get3A_1597, %get3A_1598, %get3A_1599] {strides = array<i32>} : memref<3x4x32x256xf32, #tpu.memory_space<vmem>>, vector<16xf32>,
      %add3A_1601 = arith.addf %get3A_1593, %get3A_1600 : vector<16xf32>
      %add3A_1602 = arith.addf %add3A_1586, %add3A_1601 : vector<16xf32>
      %mul3A_1603 = arith.constant 2.500000e-01 : f32
      %mul3A_1604 = vector.broadcast %mul3A_1603 : f32 to vector<16xf32>
      %mul3A_1605 = arith.mulf %add3A_1602, %mul3A_1604 : vector<16xf32>
      %swap3A_1606 = arith.constant 1 : i32
      %swap3A_1607 = arith.index_cast %swap3A_1606 : i32 to index
      %swap3A_1608 = arith.index_cast %scan3A_1102 : i32 to index
      %swap3A_1609 = arith.constant 192 : index
      %swap3A_1610 = tpu.vector_load %arg8[%swap3A_1607, %swap3A_1608, %swap3A_1609] {strides = array<i32>} : memref<2x32x256xf32, #tpu.memory_space<vmem>>, vector<16xf32>,
      tpu.vector_store %arg8[%swap3A_1607, %swap3A_1608, %swap3A_1609], %mul3A_1605 {strides = array<i32>} : memref<2x32x256xf32, #tpu.memory_space<vmem>>, vector<16xf32>,
      %get3A_1611 = arith.constant 0 : i32
      %get3A_1612 = arith.constant 0 : i32
      %get3A_1613 = arith.index_cast %get3A_1611 : i32 to index
      %get3A_1614 = arith.index_cast %get3A_1612 : i32 to index
      %get3A_1615 = arith.index_cast %scan3A_1102 : i32 to index
      %get3A_1616 = arith.constant 208 : index
      %get3A_1617 = tpu.vector_load %arg7[%get3A_1613, %get3A_1614, %get3A_1615, %get3A_1616] {strides = array<i32>} : memref<3x4x32x256xf32, #tpu.memory_space<vmem>>, vector<16xf32>,
      %get3A_1618 = arith.constant 0 : i32
      %get3A_1619 = arith.constant 1 : i32
      %get3A_1620 = arith.index_cast %get3A_1618 : i32 to index
      %get3A_1621 = arith.index_cast %get3A_1619 : i32 to index
      %get3A_1622 = arith.index_cast %scan3A_1102 : i32 to index
      %get3A_1623 = arith.constant 208 : index
      %get3A_1624 = tpu.vector_load %arg7[%get3A_1620, %get3A_1621, %get3A_1622, %get3A_1623] {strides = array<i32>} : memref<3x4x32x256xf32, #tpu.memory_space<vmem>>, vector<16xf32>,
      %add3A_1625 = arith.addf %get3A_1617, %get3A_1624 : vector<16xf32>
      %get3A_1626 = arith.constant 0 : i32
      %get3A_1627 = arith.constant 2 : i32
      %get3A_1628 = arith.index_cast %get3A_1626 : i32 to index
      %get3A_1629 = arith.index_cast %get3A_1627 : i32 to index
      %get3A_1630 = arith.index_cast %scan3A_1102 : i32 to index
      %get3A_1631 = arith.constant 208 : index
      %get3A_1632 = tpu.vector_load %arg7[%get3A_1628, %get3A_1629, %get3A_1630, %get3A_1631] {strides = array<i32>} : memref<3x4x32x256xf32, #tpu.memory_space<vmem>>, vector<16xf32>,
      %get3A_1633 = arith.constant 0 : i32
      %get3A_1634 = arith.constant 3 : i32
      %get3A_1635 = arith.index_cast %get3A_1633 : i32 to index
      %get3A_1636 = arith.index_cast %get3A_1634 : i32 to index
      %get3A_1637 = arith.index_cast %scan3A_1102 : i32 to index
      %get3A_1638 = arith.constant 208 : index
      %get3A_1639 = tpu.vector_load %arg7[%get3A_1635, %get3A_1636, %get3A_1637, %get3A_1638] {strides = array<i32>} : memref<3x4x32x256xf32, #tpu.memory_space<vmem>>, vector<16xf32>,
      %add3A_1640 = arith.addf %get3A_1632, %get3A_1639 : vector<16xf32>
      %add3A_1641 = arith.addf %add3A_1625, %add3A_1640 : vector<16xf32>
      %mul3A_1642 = arith.constant 2.500000e-01 : f32
      %mul3A_1643 = vector.broadcast %mul3A_1642 : f32 to vector<16xf32>
      %mul3A_1644 = arith.mulf %add3A_1641, %mul3A_1643 : vector<16xf32>
      %swap3A_1645 = arith.constant 1 : i32
      %swap3A_1646 = arith.index_cast %swap3A_1645 : i32 to index
      %swap3A_1647 = arith.index_cast %scan3A_1102 : i32 to index
      %swap3A_1648 = arith.constant 208 : index
      %swap3A_1649 = tpu.vector_load %arg8[%swap3A_1646, %swap3A_1647, %swap3A_1648] {strides = array<i32>} : memref<2x32x256xf32, #tpu.memory_space<vmem>>, vector<16xf32>,
      tpu.vector_store %arg8[%swap3A_1646, %swap3A_1647, %swap3A_1648], %mul3A_1644 {strides = array<i32>} : memref<2x32x256xf32, #tpu.memory_space<vmem>>, vector<16xf32>,
      %get3A_1650 = arith.constant 0 : i32
      %get3A_1651 = arith.constant 0 : i32
      %get3A_1652 = arith.index_cast %get3A_1650 : i32 to index
      %get3A_1653 = arith.index_cast %get3A_1651 : i32 to index
      %get3A_1654 = arith.index_cast %scan3A_1102 : i32 to index
      %get3A_1655 = arith.constant 224 : index
      %get3A_1656 = tpu.vector_load %arg7[%get3A_1652, %get3A_1653, %get3A_1654, %get3A_1655] {strides = array<i32>} : memref<3x4x32x256xf32, #tpu.memory_space<vmem>>, vector<16xf32>,
      %get3A_1657 = arith.constant 0 : i32
      %get3A_1658 = arith.constant 1 : i32
      %get3A_1659 = arith.index_cast %get3A_1657 : i32 to index
      %get3A_1660 = arith.index_cast %get3A_1658 : i32 to index
      %get3A_1661 = arith.index_cast %scan3A_1102 : i32 to index
      %get3A_1662 = arith.constant 224 : index
      %get3A_1663 = tpu.vector_load %arg7[%get3A_1659, %get3A_1660, %get3A_1661, %get3A_1662] {strides = array<i32>} : memref<3x4x32x256xf32, #tpu.memory_space<vmem>>, vector<16xf32>,
      %add3A_1664 = arith.addf %get3A_1656, %get3A_1663 : vector<16xf32>
      %get3A_1665 = arith.constant 0 : i32
      %get3A_1666 = arith.constant 2 : i32
      %get3A_1667 = arith.index_cast %get3A_1665 : i32 to index
      %get3A_1668 = arith.index_cast %get3A_1666 : i32 to index
      %get3A_1669 = arith.index_cast %scan3A_1102 : i32 to index
      %get3A_1670 = arith.constant 224 : index
      %get3A_1671 = tpu.vector_load %arg7[%get3A_1667, %get3A_1668, %get3A_1669, %get3A_1670] {strides = array<i32>} : memref<3x4x32x256xf32, #tpu.memory_space<vmem>>, vector<16xf32>,
      %get3A_1672 = arith.constant 0 : i32
      %get3A_1673 = arith.constant 3 : i32
      %get3A_1674 = arith.index_cast %get3A_1672 : i32 to index
      %get3A_1675 = arith.index_cast %get3A_1673 : i32 to index
      %get3A_1676 = arith.index_cast %scan3A_1102 : i32 to index
      %get3A_1677 = arith.constant 224 : index
      %get3A_1678 = tpu.vector_load %arg7[%get3A_1674, %get3A_1675, %get3A_1676, %get3A_1677] {strides = array<i32>} : memref<3x4x32x256xf32, #tpu.memory_space<vmem>>, vector<16xf32>,
      %add3A_1679 = arith.addf %get3A_1671, %get3A_1678 : vector<16xf32>
      %add3A_1680 = arith.addf %add3A_1664, %add3A_1679 : vector<16xf32>
      %mul3A_1681 = arith.constant 2.500000e-01 : f32
      %mul3A_1682 = vector.broadcast %mul3A_1681 : f32 to vector<16xf32>
      %mul3A_1683 = arith.mulf %add3A_1680, %mul3A_1682 : vector<16xf32>
      %swap3A_1684 = arith.constant 1 : i32
      %swap3A_1685 = arith.index_cast %swap3A_1684 : i32 to index
      %swap3A_1686 = arith.index_cast %scan3A_1102 : i32 to index
      %swap3A_1687 = arith.constant 224 : index
      %swap3A_1688 = tpu.vector_load %arg8[%swap3A_1685, %swap3A_1686, %swap3A_1687] {strides = array<i32>} : memref<2x32x256xf32, #tpu.memory_space<vmem>>, vector<16xf32>,
      tpu.vector_store %arg8[%swap3A_1685, %swap3A_1686, %swap3A_1687], %mul3A_1683 {strides = array<i32>} : memref<2x32x256xf32, #tpu.memory_space<vmem>>, vector<16xf32>,
      %get3A_1689 = arith.constant 0 : i32
      %get3A_1690 = arith.constant 0 : i32
      %get3A_1691 = arith.index_cast %get3A_1689 : i32 to index
      %get3A_1692 = arith.index_cast %get3A_1690 : i32 to index
      %get3A_1693 = arith.index_cast %scan3A_1102 : i32 to index
      %get3A_1694 = arith.constant 240 : index
      %get3A_1695 = tpu.vector_load %arg7[%get3A_1691, %get3A_1692, %get3A_1693, %get3A_1694] {strides = array<i32>} : memref<3x4x32x256xf32, #tpu.memory_space<vmem>>, vector<16xf32>,
      %get3A_1696 = arith.constant 0 : i32
      %get3A_1697 = arith.constant 1 : i32
      %get3A_1698 = arith.index_cast %get3A_1696 : i32 to index
      %get3A_1699 = arith.index_cast %get3A_1697 : i32 to index
      %get3A_1700 = arith.index_cast %scan3A_1102 : i32 to index
      %get3A_1701 = arith.constant 240 : index
      %get3A_1702 = tpu.vector_load %arg7[%get3A_1698, %get3A_1699, %get3A_1700, %get3A_1701] {strides = array<i32>} : memref<3x4x32x256xf32, #tpu.memory_space<vmem>>, vector<16xf32>,
      %add3A_1703 = arith.addf %get3A_1695, %get3A_1702 : vector<16xf32>
      %get3A_1704 = arith.constant 0 : i32
      %get3A_1705 = arith.constant 2 : i32
      %get3A_1706 = arith.index_cast %get3A_1704 : i32 to index
      %get3A_1707 = arith.index_cast %get3A_1705 : i32 to index
      %get3A_1708 = arith.index_cast %scan3A_1102 : i32 to index
      %get3A_1709 = arith.constant 240 : index
      %get3A_1710 = tpu.vector_load %arg7[%get3A_1706, %get3A_1707, %get3A_1708, %get3A_1709] {strides = array<i32>} : memref<3x4x32x256xf32, #tpu.memory_space<vmem>>, vector<16xf32>,
      %get3A_1711 = arith.constant 0 : i32
      %get3A_1712 = arith.constant 3 : i32
      %get3A_1713 = arith.index_cast %get3A_1711 : i32 to index
      %get3A_1714 = arith.index_cast %get3A_1712 : i32 to index
      %get3A_1715 = arith.index_cast %scan3A_1102 : i32 to index
      %get3A_1716 = arith.constant 240 : index
      %get3A_1717 = tpu.vector_load %arg7[%get3A_1713, %get3A_1714, %get3A_1715, %get3A_1716] {strides = array<i32>} : memref<3x4x32x256xf32, #tpu.memory_space<vmem>>, vector<16xf32>,
      %add3A_1718 = arith.addf %get3A_1710, %get3A_1717 : vector<16xf32>
      %add3A_1719 = arith.addf %add3A_1703, %add3A_1718 : vector<16xf32>
      %mul3A_1720 = arith.constant 2.500000e-01 : f32
      %mul3A_1721 = vector.broadcast %mul3A_1720 : f32 to vector<16xf32>
      %mul3A_1722 = arith.mulf %add3A_1719, %mul3A_1721 : vector<16xf32>
      %swap3A_1723 = arith.constant 1 : i32
      %swap3A_1724 = arith.index_cast %swap3A_1723 : i32 to index
      %swap3A_1725 = arith.index_cast %scan3A_1102 : i32 to index
      %swap3A_1726 = arith.constant 240 : index
      %swap3A_1727 = tpu.vector_load %arg8[%swap3A_1724, %swap3A_1725, %swap3A_1726] {strides = array<i32>} : memref<2x32x256xf32, #tpu.memory_space<vmem>>, vector<16xf32>,
      tpu.vector_store %arg8[%swap3A_1724, %swap3A_1725, %swap3A_1726], %mul3A_1722 {strides = array<i32>} : memref<2x32x256xf32, #tpu.memory_space<vmem>>, vector<16xf32>,
      %scan3A_1728 = arith.constant 0 : i32
      scf.yield %scan3A_1728 : i32
    }
    %scan3A_1055 = arith.constant 32 : i32
    %mul3A_1056 = arith.constant 256 : i32
    %mul3A_1057 = arith.muli %select_n3A, %mul3A_1056 : i32
    %mul3A_1058 = arith.constant 128 : i32
    %mul3A_1059 = arith.muli %select_n3A_30, %mul3A_1058 : i32
    %add3A_1060 = arith.addi %mul3A_1057, %mul3A_1059 : i32
    %add3A_1061 = arith.constant 96 : i32
    %add3A_1062 = arith.addi %add3A_1060, %add3A_1061 : i32
    %dma_start3A_1063 = arith.constant 1 : i32
    %dma_start3A_1064 = arith.constant 0 : i32
    %dma_start3A_1065 = arith.constant 0 : i32
    %dma_start3A_1066 = tpu.memref_slice %arg8[%dma_start3A_1063, %dma_start3A_1064, %dma_start3A_1065] : memref<2x32x256xf32, #tpu.memory_space<vmem>> -> memref<1x32x256xf32, #tpu.memory_space<vmem>>
    %dma_start3A_1067 = tpu.memref_squeeze %dma_start3A_1066 : memref<1x32x256xf32, #tpu.memory_space<vmem>> -> memref<32x256xf32, #tpu.memory_space<vmem>>
    %dma_start3A_1068 = arith.constant 0 : i32
    %dma_start3A_1069 = tpu.memref_slice %arg4[%add3A_1062, %dma_start3A_1068] : memref<4096x256xf32, #tpu.memory_space<hbm>> -> memref<32x256xf32, #tpu.memory_space<hbm>>
    %dma_start3A_1070 = arith.constant 0 : i32
    %dma_start3A_1071 = tpu.memref_slice %arg4[%add3A_1062, %dma_start3A_1070] : memref<4096x256xf32, #tpu.memory_space<hbm>> -> memref<32x256xf32, #tpu.memory_space<hbm>>
    %dma_start3A_1072 = arith.constant 0 : i32
    %dma_start3A_1073 = arith.constant 0 : i32
    %dma_start3A_1074 = tpu.memref_slice %arg8[%dma_start3A_1063, %dma_start3A_1072, %dma_start3A_1073] : memref<2x32x256xf32, #tpu.memory_space<vmem>> -> memref<1x32x256xf32, #tpu.memory_space<vmem>>
    %dma_start3A_1075 = tpu.memref_squeeze %dma_start3A_1074 : memref<1x32x256xf32, #tpu.memory_space<vmem>> -> memref<32x256xf32, #tpu.memory_space<vmem>>
    tpu.enqueue_dma source(%dma_start3A_1075 : memref<32x256xf32, #tpu.memory_space<vmem>>) target(%dma_start3A_1071 : memref<32x256xf32, #tpu.memory_space<hbm>>) target_semaphore(%arg13 : memref<!tpu.dma_semaphore, #tpu.memory_space<semaphore_mem>>)
    %dma_wait3A_1076 = arith.constant 0 : i32
    %dma_wait3A_1077 = arith.constant 0 : i32
    %dma_wait3A_1078 = arith.constant 0 : i32
    %dma_wait3A_1079 = tpu.memref_slice %arg8[%dma_wait3A_1076, %dma_wait3A_1077, %dma_wait3A_1078] : memref<2x32x256xf32, #tpu.memory_space<vmem>> -> memref<1x32x256xf32, #tpu.memory_space<vmem>>
    %dma_wait3A_1080 = tpu.memref_squeeze %dma_wait3A_1079 : memref<1x32x256xf32, #tpu.memory_space<vmem>> -> memref<32x256xf32, #tpu.memory_space<vmem>>
    %dma_wait3A_1081 = arith.constant 0 : i32
    %dma_wait3A_1082 = tpu.memref_slice %arg4[%add3A_970, %dma_wait3A_1081] : memref<4096x256xf32, #tpu.memory_space<hbm>> -> memref<32x256xf32, #tpu.memory_space<hbm>>
    %dma_wait3A_1083 = arith.constant 0 : i32
    %dma_wait3A_1084 = tpu.memref_slice %arg4[%add3A_970, %dma_wait3A_1083] : memref<4096x256xf32, #tpu.memory_space<hbm>> -> memref<32x256xf32, #tpu.memory_space<hbm>>
    %dma_wait3A_1085 = arith.constant 0 : i32
    %dma_wait3A_1086 = arith.constant 0 : i32
    %dma_wait3A_1087 = tpu.memref_slice %arg8[%dma_wait3A_1076, %dma_wait3A_1085, %dma_wait3A_1086] : memref<2x32x256xf32, #tpu.memory_space<vmem>> -> memref<1x32x256xf32, #tpu.memory_space<vmem>>
    %dma_wait3A_1088 = tpu.memref_squeeze %dma_wait3A_1087 : memref<1x32x256xf32, #tpu.memory_space<vmem>> -> memref<32x256xf32, #tpu.memory_space<vmem>>
    tpu.wait_dma2 semaphore(%arg12 : memref<!tpu.dma_semaphore, #tpu.memory_space<semaphore_mem>>) src(%dma_wait3A_1088 : memref<32x256xf32, #tpu.memory_space<vmem>>) dst(%dma_wait3A_1084 : memref<32x256xf32, #tpu.memory_space<hbm>>)
    %dma_wait3A_1089 = arith.constant 1 : i32
    %dma_wait3A_1090 = arith.constant 0 : i32
    %dma_wait3A_1091 = arith.constant 0 : i32
    %dma_wait3A_1092 = tpu.memref_slice %arg8[%dma_wait3A_1089, %dma_wait3A_1090, %dma_wait3A_1091] : memref<2x32x256xf32, #tpu.memory_space<vmem>> -> memref<1x32x256xf32, #tpu.memory_space<vmem>>
    %dma_wait3A_1093 = tpu.memref_squeeze %dma_wait3A_1092 : memref<1x32x256xf32, #tpu.memory_space<vmem>> -> memref<32x256xf32, #tpu.memory_space<vmem>>
    %dma_wait3A_1094 = arith.constant 0 : i32
    %dma_wait3A_1095 = tpu.memref_slice %arg4[%add3A_1062, %dma_wait3A_1094] : memref<4096x256xf32, #tpu.memory_space<hbm>> -> memref<32x256xf32, #tpu.memory_space<hbm>>
    %dma_wait3A_1096 = arith.constant 0 : i32
    %dma_wait3A_1097 = tpu.memref_slice %arg4[%add3A_1062, %dma_wait3A_1096] : memref<4096x256xf32, #tpu.memory_space<hbm>> -> memref<32x256xf32, #tpu.memory_space<hbm>>
    %dma_wait3A_1098 = arith.constant 0 : i32
    %dma_wait3A_1099 = arith.constant 0 : i32
    %dma_wait3A_1100 = tpu.memref_slice %arg8[%dma_wait3A_1089, %dma_wait3A_1098, %dma_wait3A_1099] : memref<2x32x256xf32, #tpu.memory_space<vmem>> -> memref<1x32x256xf32, #tpu.memory_space<vmem>>
    %dma_wait3A_1101 = tpu.memref_squeeze %dma_wait3A_1100 : memref<1x32x256xf32, #tpu.memory_space<vmem>> -> memref<32x256xf32, #tpu.memory_space<vmem>>
    tpu.wait_dma2 semaphore(%arg13 : memref<!tpu.dma_semaphore, #tpu.memory_space<semaphore_mem>>) src(%dma_wait3A_1101 : memref<32x256xf32, #tpu.memory_space<vmem>>) dst(%dma_wait3A_1097 : memref<32x256xf32, #tpu.memory_space<hbm>>)
    return
  }
}

</mosaic_0001>

<sc_bundles>
// kernel: kernel.3.cloned.1.call-start
scs
__scs_entry_jumppad:
0x0: {  	(pc) =	sbr.rel $0x88, $3  }
0x1: {  	(tag) =	ssettag $0x0;
	lr =	simm.s32 $0x1  }
0x2: {  	[smem:$0x3F9F] =	sst lr;
	_ =	strace $0xD0000000  }
0x3: {  	_ = 	snop  }
0x4: {  	_ = 	snop  }
0x5: {  	_ = 	snop  }
0x6: {  	_ = 	snop  }
0x7: {  	_ = 	snop  }
__scs_overlays_trampoline_lowered:
0x8: {  	[smem:$0x3FAE] =	sst s0  }
0x9: {  	[smem:$0x3FAF] =	sst s1  }
0xa: {  	[smem:$0x3FB0] =	sst s2  }
0xb: {  	[smem:$0x3FB1] =	sst s3  }
0xc: {  	[smem:$0x3FB2] =	sst s4  }
0xd: {  	[smem:$0x3FB3] =	sst s5  }
0xe: {  	[smem:$0x3FB4] =	sst s6  }
0xf: {  	[smem:$0x3FB5] =	sst s7  }
0x10: {  	[smem:$0x3FB6] =	sst s8  }
0x11: {  	[smem:$0x3FB7] =	sst s9;
	s0 =	simm.s32 @!p0 $0x0  }
0x12: {  	s1 =	sld [smem:$0x3F9D];
	s0 =	simm.s32 @p0 $0x1  }
0x13: {  	[smem:$0x3FB8] =	sst s0;
	s0 =	simm.s32 @!p1 $0x0  }
0x14: {  	s2 =	sld [smem:$0x3F9C];
	s0 =	simm.s32 @p1 $0x1  }
0x15: {  	[smem:$0x3FB9] =	sst s0;
	s0 =	simm.s32 @!p2 $0x0  }
0x16: {  	s3 =	sld [smem:$0x3FDB];
	s0 =	simm.s32 @p2 $0x1  }
0x17: {  	s4 =	simm.s32 $0x1BF5;
	[smem:$0x3FBB] =	sst s0  }
0x18: {  	s0 =	sld [smem:$0x3F9E];
	_ =	swait.ge [sflag:s4], $0x0  }
0x19: {  	s7 =	sld [smem:$0x3F9F]  }
0x1a: {  	s8 =	sadd.s32 $0xFFFFE003, lr  }
0x1b: {  	s9 =	sadd.s32 $0xFFFFFEF7, lr;
	s5 =	simm.s32 $0xFFFFFFFF;
	p2 =	slt.u32 s8, $0xFFFFF086  }
0x1c: {  	p1 =	slt.u32 s9, $0xF7A;
	s5 =	simm.s32 @!p2 $0x0  }
0x1d: {  	s5 =	simm.s32 @p1 $0x1;
	p0 =	seq.s32 s7, s2  }
0x1e: {  	s7 =	smul.u32 @!p0 $0xF7A, s2;
	p2 =	seq.s32 @!p0 s5, $0x0  }
0x1f: {  	s9 =	smul.u32 $0xF7A, s1;
	s8 =	simm.s32 @!p0 $0x1BF5;
	p2 =	por !p2, p0  }
0x20: {  	[sflag:s8] =	ssyncset.s32 @!p0 $0xFFFFF086;
	s6 =	sadd.s32 @!p0 s3, s7;
	s7 =	simm.s32 @!p0 $0x108  }
0x21: {  	s3 =	sadd.s32 s3, s9;
	s6 =	sadd.s32 @!p0 $0x88, s6;
	s7 =	simm.s32 @p2 $0x1082  }
0x22: {  	[simem:s7], [sflag:s8] =	dma.local @!p0 [hbm:s6], $0xF7A  }
0x23: {  	s9 =	sor.u32 $0xD0000000, s2;
	s6 =	simm.s32 $0x108;
	_ =	swait.ge @!p0 [sflag:s8], $0x0  }
0x24: {  	s3 =	sadd.s32 $0x88, s3;
	s6 =	simm.s32 @!p1 $0x1082;
	[sflag:s4] =	ssyncset.s32 $0xFFFFF086  }
0x25: {  	[simem:s6], [sflag:s4] =	dma.local [hbm:s3], $0xF7A  }
0x26: {  	[smem:$0x3F9F] =	sst s1;
	(tag) =	ssettag s2;
	_ =	strace s9  }
0x27: {  	s1 =	sld [smem:$0x3FAF]  }
0x28: {  	s2 =	sld [smem:$0x3FB0]  }
0x29: {  	s4 =	sld [smem:$0x3FB2]  }
0x2a: {  	p0 =	seq.s32 s5, $0x0;
	s5 =	sld [smem:$0x3FB3]  }
0x2b: {  	s6 =	sld [smem:$0x3FB4]  }
0x2c: {  	s7 =	sld [smem:$0x3FB5]  }
0x2d: {  	s3 =	simm.s32 $0x108;
	s8 =	sld [smem:$0x3FB6]  }
0x2e: {  	s3 =	simm.s32 @!p0 $0x1082;
	s9 =	sld [smem:$0x3FB7]  }
0x2f: {  	lr =	sadd.s32 s0, s3;
	s0 =	sld [smem:$0x3FAE]  }
0x30: {  	s3 =	sld [smem:$0x3FB1]  }
0x31: {  	[smem:$0x3FBA] =	sst s10  }
0x32: {  	s10 =	sld [smem:$0x3FB8];
	_ =	sdelay $0x3  }
0x33: {  	p0 =	seq.s32 s10, $0x1;
	s10 =	sld [smem:$0x3FBA];
	_ =	sdelay $0x3  }
0x34: {  	[smem:$0x3FBA] =	sst s10  }
0x35: {  	s10 =	sld [smem:$0x3FB9];
	_ =	sdelay $0x3  }
0x36: {  	p1 =	seq.s32 s10, $0x1;
	s10 =	sld [smem:$0x3FBA];
	_ =	sdelay $0x3  }
0x37: {  	[smem:$0x3FBA] =	sst s10  }
0x38: {  	s10 =	sld [smem:$0x3FBB]  }
0x39: {  	_ = 	snop;
	(pc) =	sbr.ind lr, $3  }
0x3a: {  	_ = 	snop  }
0x3b: {  	_ = 	snop  }
0x3c: {  	p2 =	seq.s32 s10, $0x1;
	s10 =	sld [smem:$0x3FBA]  }
0x3d: {  	_ =	shalt  }
0x3e: {  	_ =	shalt  }
0x3f: {  	_ =	shalt  }
0x40: {  	_ =	shalt  }
0x41: {  	_ =	shalt  }
0x42: {  	_ =	shalt  }
0x43: {  	_ =	shalt  }
0x44: {  	_ =	shalt  }
0x45: {  	_ =	shalt  }
0x46: {  	_ =	shalt  }
0x47: {  	_ =	shalt  }
0x48: {  	_ =	shalt  }
0x49: {  	_ =	shalt  }
0x4a: {  	_ =	shalt  }
0x4b: {  	_ =	shalt  }
0x4c: {  	_ =	shalt  }
0x4d: {  	_ =	shalt  }
0x4e: {  	_ =	shalt  }
0x4f: {  	_ =	shalt  }
0x50: {  	_ =	shalt  }
0x51: {  	_ =	shalt  }
0x52: {  	_ =	shalt  }
0x53: {  	_ =	shalt  }
0x54: {  	_ =	shalt  }
0x55: {  	_ =	shalt  }
0x56: {  	_ =	shalt  }
0x57: {  	_ =	shalt  }
0x58: {  	_ =	shalt  }
0x59: {  	_ =	shalt  }
0x5a: {  	_ =	shalt  }
0x5b: {  	_ =	shalt  }
0x5c: {  	_ =	shalt  }
0x5d: {  	_ =	shalt  }
0x5e: {  	_ =	shalt  }
0x5f: {  	_ =	shalt  }
0x60: {  	_ =	shalt  }
0x61: {  	_ =	shalt  }
0x62: {  	_ =	shalt  }
0x63: {  	_ =	shalt  }
0x64: {  	_ =	shalt  }
0x65: {  	_ =	shalt  }
0x66: {  	_ =	shalt  }
0x67: {  	_ =	shalt  }
0x68: {  	_ =	shalt  }
0x69: {  	_ =	shalt  }
0x6a: {  	_ =	shalt  }
0x6b: {  	_ =	shalt  }
0x6c: {  	_ =	shalt  }
0x6d: {  	_ =	shalt  }
0x6e: {  	_ =	shalt  }
0x6f: {  	_ =	shalt  }
0x70: {  	_ =	shalt  }
0x71: {  	_ =	shalt  }
0x72: {  	_ =	shalt  }
0x73: {  	_ =	shalt  }
0x74: {  	_ =	shalt  }
0x75: {  	_ =	shalt  }
0x76: {  	_ =	shalt  }
0x77: {  	_ =	shalt  }
0x78: {  	_ =	shalt  }
0x79: {  	_ =	shalt  }
0x7a: {  	_ =	shalt  }
0x7b: {  	_ =	shalt  }
0x7c: {  	_ =	shalt  }
0x7d: {  	_ =	shalt  }
0x7e: {  	_ =	shalt  }
0x7f: {  	_ =	shalt  }
0x80: {  	_ =	shalt  }
0x81: {  	_ =	shalt  }
0x82: {  	_ =	shalt  }
0x83: {  	_ =	shalt  }
0x84: {  	_ =	shalt  }
0x85: {  	_ =	shalt  }
0x86: {  	_ =	shalt  }
0x87: {  	_ =	shalt  }
.Lfunc_end0:
.L_simem_size_0:
called_computation_lowered:
.L_overlay_start_0:
0x88: {  	s2 =	sld [smem:$0x3FD9]  }
0x89: {  	s3 =	sld [smem:$0x3FFE];
	_ =	sdelay $0x1  }
0x8a: {  	s1 =	srdreg.scid  }
0x8b: {  	s0 =	sand.u32 $0x1, s1  }
0x8c: {  	s17 =	sshll.u32 s0, $0xA;
	s2 =	sadd.s32 s3, s2  }
0x8d: {  	s2 =	sadd.s32 s2, s17  }
0x8e: {  	[smem:$0x3FC6] =	sst s2  }
0x8f: {  	_ = 	snop  }
0x90: {  	s2 =	sld [smem:$0x3FC8]  }
0x91: {  	s18 =	sld [smem:$0x3FD0];
	(tm) =	ssettm $0x1  }
0x92: {  	s4 =	sld [smem:$0x3FFB];
	_ =	sdelay $0x3  }
0x93: {  	_ =	strace s4  }
0x94: {  	s4 =	sld [smem:$0x3FFC];
	_ =	sdelay $0x3  }
0x95: {  	_ =	strace s4  }
0x96: {  	s4 =	sld [smem:$0x3FFD];
	_ =	sdelay $0x3  }
0x97: {  	_ =	strace s4  }
0x98: {  	_ =	strace $0x8FFFFFFF  }
0x99: {  	s19 =	sld [smem:$0x3FDB];
	_ =	sdelay $0x1  }
0x9a: {  	s5 =	simm.s32 $_scs_section_size  }
0x9b: {  	s6 =	simm.s32 $_size__tile_overlayer_lowered;
	s7 =	simm.s32 $_tile_overlayer_lowered  }
0x9c: {  	s22 =	simm.s32 $0x1BFF;
	s21 =	sshll.u32 s7, $0x1;
	s4 =	sadd.s32 s5, s19  }
0x9d: {  	s8 =	simm.s32 $0x0;
	s20 =	sshll.u32 s6, $0x1;
	s6 =	sadd.s32 s21, s4  }
0x9e: {  	[timem:s8], [sflag:s22] =	dma.local [hbm:s6], s20  }
0x9f: {  	_ =	swait.ge [sflag:s22], s20  }
0xa0: {  	s5 =	ssub.s32 $0x0, s20;
	[sflag:s22] =	ssyncset.done $0x0  }
0xa1: {  	[sflag:s22] =	ssyncadd.s32 s5;
	_ =	sdelay $0x1  }
0xa2: {  	s23 =	simm.s32 $0x1B8B  }
0xa3: {  	_ =	swait.ge [sflag:s23], $0x1  }
0xa4: {  	[sflag:s23] =	ssyncset.done $0x0  }
0xa5: {  	s25 =	simm.s32 $0x1B8E;
	s24 =	sld [smem:$0x3FFE];
	[sflag:s23] =	ssyncadd.s32 $0xFFFFFFFF  }
0xa6: {  	s26 =	simm.s32 $execute0_lowered;
	[smem:$0x3FD2] =	sst s25  }
0xa7: {  	s6 =	sshll.u32 s26, $0x1;
	_ =	strace $0x80000046;
	[dreg:$0x1] =	wrdreg $0xFFFFFFFF  }
0xa8: {  	s28 =	simm.s32 $_size_execute0_lowered;
	s4 =	sadd.s32 s4, s6;
	[dreg:$0x0] =	wrdreg $0x0  }
0xa9: {  	s6 =	sshll.u32 s28, $0x1;
	[dreg:$0x2] =	wrdreg s4  }
0xaa: {  	[dreg:$0x3] =	wrdreg s6  }
0xab: {  	[dreg:$0x4] =	wrdreg $0xC0  }
0xac: {  	_ =	task [dreg:s8], $0x5FFFF  }
0xad: {  	[dreg:$0x1] =	wrdreg $0xFFFFFFFF  }
0xae: {  	[dreg:$0x0] =	wrdreg $0x60  }
0xaf: {  	[dreg:$0x2] =	wrdreg s24  }
0xb0: {  	[dreg:$0x3] =	wrdreg s2  }
0xb1: {  	[dreg:$0x4] =	wrdreg s18  }
0xb2: {  	[dreg:$0x5] =	wrdreg $0x9  }
0xb3: {  	_ =	task.clear_ibuf [dreg:s8], $0x6FFFF;
	_ =	strace $0x90000046  }
0xb4: {  	s29 =	simm.s32 $0x9;
	_ =	strace $0x80000048  }
0xb5: {  	_ =	swait.ge [sflag:s29], $0x1  }
0xb6: {  	[sflag:s29] =	ssyncadd.s32 $0xFFFFFFFF  }
0xb7: {  	_ =	strace $0x90000048  }
0xb8: {  	_ =	sfence  }
0xb9: {  	s30 =	sld [smem:$0x0];
	_ =	sdelay $0x2  }
0xba: {  	s31 =	sshll.u32 s1, $0xD;
	s1 =	sshrl.u32 s1, $0x2  }
0xbb: {  	s3 =	sand.u32 $0x4000, s31;
	s1 =	sadd.s32 s1, s30  }
0xbc: {  	s0 =	sor.u32 s3, s0;
	s1 =	sshll.u32 s1, $0x11  }
0xbd: {  	s0 =	sor.u32 s1, s0  }
0xbe: {  	s0 =	sadd.s32 $0x8F2B, s0  }
0xbf: {  	[sflag:s0] =	ssyncadd.remote.s32 $0x1  }
0xc0: {  	_ =	sfence.sel $0xFFFF  }
0xc1: {  	[dreg:$0x0] =	wrdreg $0xFFFFFFFF;
	(pc) =	sbr.abs _section_cstart, $3  }
0xc2: {  	[dreg:$0x1] =	wrdreg $0xFFFFFFFF  }
0xc3: {  	_ =	task.clear_ibuf [dreg:s8], $0x2FFFF;
	_ =	strace $0x9FFFFFFF  }
0xc4: {  	(tm) =	ssettm $0x7FFFFFFF  }
0xc5: {  	_ =	shalt  }
tec
execute0_lowered:
.L_overlay_start_1:
0x0: {  	(tag) =	ssettag $0x1  }
0x1: {  	s5 =	rddreg [dreg:$0x0]  }
0x2: {  	s0 =	srdreg.scid;
	s2 =	rddreg [dreg:$0x1]  }
0x3: {  	s6 =	stileid.u32;
	s24 =	rddreg [dreg:$0x2];
	s4 =	simm.s32 $0x1  }
0x4: {  	s3 =	simm.s32 $0x0;
	s19 =	simm.s32 $0x4080;
	s20 =	simm.s32 $0x4880  }
0x5: {  	s21 =	simm.s32 $0x5080;
	s22 =	simm.s32 $0x5880;
	s23 =	simm.s32 $0x6080  }
0x6: {  	s28 =	simm.s32 $0x8080;
	s31 =	simm.s32 $0x18880;
	s0 =	sand.u32 $0x1, s0  }
0x7: {  	s29 =	simm.s32 $0x3;
	s30 =	simm.s32 $0x4;
	s1 =	sor.u32 s0, s6  }
0x8: {  	s12 =	simm.s32 $0x5;
	p1 =	seq.s32 s0, $0x1;
	p0 =	seq.s32 s1, $0x0  }
0x9: {  	s13 =	simm.s32 $0x0;
	[smem:$0x7FF] =	sst s3;
	p0 =	por !p0, !p1  }
0xa: {  	_ =	strace $0x80000047;
	s8 =	ssub.s32 $0x2, s0;
	p0 =	por !p0, !p0  }
0xb: {  	s10 =	sshll.u32 s0, $0xC;
	s9 =	sshrl.u32 s8, $0x1;
	s4 =	simm.s32 @!p0 $0x0  }
0xc: {  	s0 =	sshll.u32 s0, $0x7;
	s11 =	ssub.s32 s8, s9;
	s6 =	ssub.s32 s6, s4  }
0xd: {  	s4 =	simm.s32 $0x1;
	s7 =	sshll.u32 s6, $0x2;
	s6 =	sshll.u32 s6, $0xD  }
0xe: {  	v0 =	vlaneseq.u32;
	s7 =	sand.u32 $0x1FFFFFFC, s7;
	s25 =	sor.u32 s10, s6;
	s0 =	sor.u32 s0, s6  }
0xf: {  	vm0 =	vmmov $0xffff;
	v2 =	vmul.u32 $0xFFFFFFFF, v0;
	v3 =	vor.u32 $0x10, v0;
	s10 =	smax.u32 s11, $0x1;
	s11 =	simm.s32 $0x6;
	s5 =	sadd.s32 s7, s5  }
0x10: {  	v4 =	vor.u32 $0x20, v0;
	v5 =	vor.u32 $0x30, v0;
	v6 =	vor.u32 $0x40, v0;
	s26 =	sand.u32 $0x1FFFF000, s25;
	s6 =	sadd.s32 s24, s25;
	s25 =	simm.s32 $0x7080  }
0x11: {  	v7 =	vor.u32 $0x50, v0;
	v8 =	vor.u32 $0x60, v0;
	v1 =	vmov s0;
	s0 =	simm.s32 $0x1A880;
	s5 =	sadd.s32 $0x400, s5;
	s1 =	sadd.s32 s26, s24  }
0x12: {  	v9 =	vor.u32 $0x70, v0;
	v11 =	vshrl.u32 v0, $0x3;
	v10 =	vand.u32 $0x7, v0;
	s24 =	simm.s32 $0x6880;
	s26 =	simm.s32 $0x7880;
	s7 =	sadd.s32 $0x400, s1  }
0x13: {  	v12 =	vor.u32 $0x8, v0;
	v11 =	vmul.u32 $0x8, v11;
	v2 =	vadd.s32 $0xF, v2;
	s8 =	sadd.s32 $0x800, s1;
	s9 =	sadd.s32 $0xC00, s1;
	s1 =	simm.s32 $0x2  }
.LBB2_1:
0x14: {  	[tilespmem:s3], [sflag:$0x6] =	stream.linear.gather [hbm4b:s5+s3], $0x20, $0x38;
	[tilespmem:$0x1C880] =	vst v63  }
0x15: {  	_ =	swait.ge [sflag:s11], $0x20  }
0x16: {  	[sflag:s11] =	ssyncset.done $0x0  }
0x17: {  	[sflag:s11] =	ssyncadd.s32 $0xFFFFFFE0  }
0x18: {  	v13 =	vld [tilespmem:$0x0];
	_ =	sdelay $0x4  }
0x19: {  	(xrf0) =	vmax.scan.msk.f32 $0xffff, v13;
	_ =	sdelay $0x4  }
0x1a: {  	v14 =	vld [tilespmem:$0x10]  }
0x1b: {  	v15, _, _ =	vpop (xrf0)  }
0x1c: {  	v15 =	vperm.xlane v15, v2;
	_ =	sdelay $0x1  }
0x1d: {  	(xrf0) =	vmax.scan.msk.f32 $0xffff, v15  }
0x1e: {  	(xrf0) =	vmax.scan.msk.f32 $0xffff, v14;
	_ =	sdelay $0x4  }
0x1f: {  	v15, _, _ =	vpop (xrf0)  }
0x20: {  	v16, _, _ =	vpop (xrf0)  }
0x21: {  	v16 =	vperm.xlane v16, v2;
	_ =	sdelay $0x1  }
0x22: {  	(xrf0) =	vmax.scan.msk.f32 $0xffff, v16;
	_ =	sdelay $0x5  }
0x23: {  	v16, _, _ =	vpop (xrf0)  }
0x24: {  	v15 =	vmax.f32 v15, v16  }
0x25: {  	vm1 =	veq.f32 v13, v15;
	vm2 =	veq.f32 v14, v15  }
0x26: {  	v15 =	vmpcnt.ones.xlane vm1;
	v16 =	vmctz.xlane vm2  }
0x27: {  	v17 =	vmctz.xlane vm1  }
0x28: {  	vm1 =	vgt.s32 v15, $0x0;
	v15 =	vadd.s32 $0x10, v16  }
0x29: {  	v15 =	vsel vm1, v17, v15  }
0x2a: {  	vm2 =	veq.s32 v15, v0  }
0x2b: {  	vm1 =	vmand vm1, vm2  }
0x2c: {  	v13 =	vsel vm1, $0xFF800000, v13  }
0x2d: {  	(xrf0) =	vmax.scan.msk.f32 $0xffff, v13;
	_ =	sdelay $0x5  }
0x2e: {  	v16, _, _ =	vpop (xrf0)  }
0x2f: {  	v16 =	vperm.xlane v16, v2  }
0x30: {  	vm1 =	veq.s32 v15, v3  }
0x31: {  	v14 =	vsel vm1, $0xFF800000, v14;
	(xrf0) =	vmax.scan.msk.f32 $0xffff, v16  }
0x32: {  	(xrf0) =	vmax.scan.msk.f32 $0xffff, v14;
	_ =	sdelay $0x4  }
0x33: {  	v16, _, _ =	vpop (xrf0)  }
0x34: {  	v17, _, _ =	vpop (xrf0)  }
0x35: {  	v17 =	vperm.xlane v17, v2;
	_ =	sdelay $0x1  }
0x36: {  	(xrf0) =	vmax.scan.msk.f32 $0xffff, v17;
	_ =	sdelay $0x5  }
0x37: {  	v17, _, _ =	vpop (xrf0)  }
0x38: {  	v16 =	vmax.f32 v16, v17  }
0x39: {  	vm1 =	veq.f32 v13, v16;
	vm2 =	veq.f32 v14, v16  }
0x3a: {  	v16 =	vmpcnt.ones.xlane vm1;
	v17 =	vmctz.xlane vm2  }
0x3b: {  	v18 =	vmctz.xlane vm1  }
0x3c: {  	vm1 =	vgt.s32 v16, $0x0;
	v16 =	vadd.s32 $0x10, v17  }
0x3d: {  	v16 =	vsel vm1, v18, v16  }
0x3e: {  	vm2 =	veq.s32 v16, v0  }
0x3f: {  	vm1 =	vmand vm1, vm2  }
0x40: {  	v13 =	vsel vm1, $0xFF800000, v13  }
0x41: {  	(xrf0) =	vmax.scan.msk.f32 $0xffff, v13;
	_ =	sdelay $0x5  }
0x42: {  	v17, _, _ =	vpop (xrf0)  }
0x43: {  	v17 =	vperm.xlane v17, v2  }
0x44: {  	vm1 =	veq.s32 v16, v3  }
0x45: {  	v14 =	vsel vm1, $0xFF800000, v14;
	(xrf0) =	vmax.scan.msk.f32 $0xffff, v17  }
0x46: {  	(xrf0) =	vmax.scan.msk.f32 $0xffff, v14;
	_ =	sdelay $0x4  }
0x47: {  	v17, _, _ =	vpop (xrf0)  }
0x48: {  	v18, _, _ =	vpop (xrf0)  }
0x49: {  	v18 =	vperm.xlane v18, v2;
	_ =	sdelay $0x1  }
0x4a: {  	(xrf0) =	vmax.scan.msk.f32 $0xffff, v18;
	_ =	sdelay $0x5  }
0x4b: {  	v18, _, _ =	vpop (xrf0)  }
0x4c: {  	v17 =	vmax.f32 v17, v18  }
0x4d: {  	vm1 =	veq.f32 v13, v17;
	vm2 =	veq.f32 v14, v17  }
0x4e: {  	v17 =	vmpcnt.ones.xlane vm1;
	v18 =	vmctz.xlane vm2  }
0x4f: {  	v19 =	vmctz.xlane vm1  }
0x50: {  	vm1 =	vgt.s32 v17, $0x0;
	v17 =	vadd.s32 $0x10, v18  }
0x51: {  	v17 =	vsel vm1, v19, v17  }
0x52: {  	vm2 =	veq.s32 v17, v0  }
0x53: {  	vm1 =	vmand vm1, vm2  }
0x54: {  	v13 =	vsel vm1, $0xFF800000, v13  }
0x55: {  	(xrf0) =	vmax.scan.msk.f32 $0xffff, v13;
	_ =	sdelay $0x5  }
0x56: {  	v18, _, _ =	vpop (xrf0)  }
0x57: {  	v18 =	vperm.xlane v18, v2  }
0x58: {  	vm1 =	veq.s32 v17, v3  }
0x59: {  	v14 =	vsel vm1, $0xFF800000, v14;
	(xrf0) =	vmax.scan.msk.f32 $0xffff, v18  }
0x5a: {  	(xrf0) =	vmax.scan.msk.f32 $0xffff, v14;
	_ =	sdelay $0x4  }
0x5b: {  	v18, _, _ =	vpop (xrf0)  }
0x5c: {  	v19, _, _ =	vpop (xrf0)  }
0x5d: {  	v19 =	vperm.xlane v19, v2;
	_ =	sdelay $0x1  }
0x5e: {  	(xrf0) =	vmax.scan.msk.f32 $0xffff, v19;
	_ =	sdelay $0x5  }
0x5f: {  	v19, _, _ =	vpop (xrf0)  }
0x60: {  	v18 =	vmax.f32 v18, v19  }
0x61: {  	vm1 =	veq.f32 v13, v18  }
0x62: {  	v13 =	vmpcnt.ones.xlane vm1  }
0x63: {  	v15 =	vshll.u32 v15, $0x8;
	vm2 =	veq.f32 v14, v18  }
0x64: {  	v14 =	vmctz.xlane vm2;
	vm3 =	vgt.s32 v13, $0x0;
	v13 =	vadd.s32 v1, v15  }
0x65: {  	v16 =	vshll.u32 v16, $0x8;
	v18 =	vmctz.xlane vm1;
	v15 =	vor.u32 v0, v13  }
0x66: {  	v16 =	vadd.s32 v1, v16;
	v14 =	vadd.s32 $0x10, v14;
	v19 =	vor.u32 v3, v13;
	[tilespmem:$0x80] =	vst v15  }
0x67: {  	v17 =	vshll.u32 v17, $0x8;
	v14 =	vsel vm3, v18, v14;
	v18 =	vor.u32 v3, v16;
	[tilespmem:$0x90] =	vst v19  }
0x68: {  	v17 =	vadd.s32 v1, v17;
	v19 =	vor.u32 v0, v16;
	[tilespmem:$0x110] =	vst v18  }
0x69: {  	v18 =	vor.u32 v0, v17;
	v14 =	vshll.u32 v14, $0x8;
	[tilespmem:$0x100] =	vst v19  }
0x6a: {  	[tilespmem:$0x180] =	vst v18;
	v18 =	vor.u32 v3, v17;
	v14 =	vadd.s32 v1, v14  }
0x6b: {  	[tilespmem:$0x190] =	vst v18;
	v18 =	vor.u32 v0, v14  }
0x6c: {  	[tilespmem:$0x200] =	vst v18;
	v18 =	vor.u32 v3, v14  }
0x6d: {  	[tilespmem:$0x210] =	vst v18;
	v18 =	vor.u32 v4, v13  }
0x6e: {  	[tilespmem:$0x280] =	vst v18;
	v18 =	vor.u32 v5, v13  }
0x6f: {  	[tilespmem:$0x290] =	vst v18;
	v18 =	vor.u32 v4, v16  }
0x70: {  	[tilespmem:$0x300] =	vst v18;
	v18 =	vor.u32 v5, v16  }
0x71: {  	[tilespmem:$0x310] =	vst v18;
	v18 =	vor.u32 v4, v17  }
0x72: {  	[tilespmem:$0x380] =	vst v18;
	v18 =	vor.u32 v5, v17  }
0x73: {  	[tilespmem:$0x390] =	vst v18;
	v18 =	vor.u32 v4, v14  }
0x74: {  	[tilespmem:$0x400] =	vst v18;
	v18 =	vor.u32 v5, v14  }
0x75: {  	[tilespmem:$0x410] =	vst v18;
	v18 =	vor.u32 v6, v13  }
0x76: {  	[tilespmem:$0x480] =	vst v18;
	v18 =	vor.u32 v7, v13  }
0x77: {  	[tilespmem:$0x490] =	vst v18;
	v18 =	vor.u32 v6, v16  }
0x78: {  	[tilespmem:$0x500] =	vst v18;
	v18 =	vor.u32 v7, v16  }
0x79: {  	[tilespmem:$0x510] =	vst v18;
	v18 =	vor.u32 v6, v17  }
0x7a: {  	[tilespmem:$0x580] =	vst v18;
	v18 =	vor.u32 v7, v17  }
0x7b: {  	[tilespmem:$0x590] =	vst v18;
	v18 =	vor.u32 v6, v14  }
0x7c: {  	v15 =	vshll.u32 v15, $0x1;
	[tilespmem:$0x600] =	vst v18;
	v18 =	vor.u32 v7, v14  }
0x7d: {  	v15 =	vand.u32 $0xFFFFFFF0, v15;
	[tilespmem:$0x610] =	vst v18;
	v18 =	vor.u32 v8, v13  }
0x7e: {  	v15 =	vor.u32 v10, v15;
	v13 =	vor.u32 v9, v13;
	[tilespmem:$0x680] =	vst v18  }
0x7f: {  	[tilespmem:$0x690] =	vst v13;
	v13 =	vor.u32 v8, v16;
	v18 =	vperm.xlane v15, v10  }
0x80: {  	[tilespmem:$0x700] =	vst v13;
	v13 =	vor.u32 v9, v16  }
0x81: {  	v15 =	vperm.xlane v15, v12;
	[tilespmem:$0x710] =	vst v13;
	v13 =	vor.u32 v8, v17;
	v16 =	vadd.s32 v11, v18  }
0x82: {  	[tilespmem:$0x780] =	vst v13;
	v13 =	vor.u32 v9, v17  }
0x83: {  	v15 =	vadd.s32 v11, v15;
	[tilespmem:$0x790] =	vst v13;
	v13 =	vor.u32 v8, v14  }
0x84: {  	[tilespmem:$0x800] =	vst v13;
	v13 =	vor.u32 v9, v14  }
0x85: {  	s14 =	simm.s32 $0x880;
	[tilespmem:$0x810] =	vst v13  }
0x86: {  	[tilespmem:s14], [sflag:$0x1] =	stream.indirect_vreg.gather [hbm4b:s2+s3], $0x80, v16, vm0, $0xb8;
	[tilespmem:$0x1C880] =	vst v63  }
0x87: {  	s16 =	simm.s32 $0x1080  }
0x88: {  	[tilespmem:s16], [sflag:$0x1] =	stream.indirect_vreg.gather [hbm4b:s2+s3], $0x80, v15, vm0, $0xb8;
	[tilespmem:$0x1C880] =	vst v63  }
0x89: {  	v13 =	vld [tilespmem:$0x90];
	_ =	sdelay $0x4  }
0x8a: {  	v14 =	vshll.u32 v13, $0x1  }
0x8b: {  	v13 =	vand.u32 $0x7, v13;
	v14 =	vand.u32 $0xFFFFFFF0, v14  }
0x8c: {  	v13 =	vor.u32 v13, v14  }
0x8d: {  	v14 =	vperm.xlane v13, v10;
	_ =	sdelay $0x1  }
0x8e: {  	v13 =	vperm.xlane v13, v12;
	v14 =	vadd.s32 v11, v14;
	_ =	sdelay $0x1  }
0x8f: {  	v13 =	vadd.s32 v11, v13;
	_ =	sdelay $0x1  }
0x90: {  	s17 =	simm.s32 $0x1880  }
0x91: {  	[tilespmem:s17], [sflag:$0x1] =	stream.indirect_vreg.gather [hbm4b:s2+s3], $0x80, v14, vm0, $0xb8;
	[tilespmem:$0x1C880] =	vst v63  }
0x92: {  	s18 =	simm.s32 $0x2080  }
0x93: {  	[tilespmem:s18], [sflag:$0x1] =	stream.indirect_vreg.gather [hbm4b:s2+s3], $0x80, v13, vm0, $0xb8;
	[tilespmem:$0x1C880] =	vst v63  }
0x94: {  	v13 =	vld [tilespmem:$0x100];
	_ =	sdelay $0x4  }
0x95: {  	v14 =	vshll.u32 v13, $0x1  }
0x96: {  	v13 =	vand.u32 $0x7, v13;
	v14 =	vand.u32 $0xFFFFFFF0, v14  }
0x97: {  	v13 =	vor.u32 v13, v14  }
0x98: {  	v14 =	vperm.xlane v13, v10;
	_ =	sdelay $0x1  }
0x99: {  	v13 =	vperm.xlane v13, v12;
	v14 =	vadd.s32 v11, v14;
	_ =	sdelay $0x1  }
0x9a: {  	v13 =	vadd.s32 v11, v13;
	_ =	sdelay $0x1  }
0x9b: {  	s15 =	simm.s32 $0x2880  }
0x9c: {  	[tilespmem:s15], [sflag:$0x1] =	stream.indirect_vreg.gather [hbm4b:s2+s3], $0x80, v14, vm0, $0xb8;
	[tilespmem:$0x1C880] =	vst v63  }
0x9d: {  	s16 =	simm.s32 $0x3080  }
0x9e: {  	[tilespmem:s16], [sflag:$0x1] =	stream.indirect_vreg.gather [hbm4b:s2+s3], $0x80, v13, vm0, $0xb8;
	[tilespmem:$0x1C880] =	vst v63  }
0x9f: {  	v13 =	vld [tilespmem:$0x110];
	_ =	sdelay $0x4  }
0xa0: {  	v14 =	vshll.u32 v13, $0x1  }
0xa1: {  	v13 =	vand.u32 $0x7, v13;
	v14 =	vand.u32 $0xFFFFFFF0, v14  }
0xa2: {  	v13 =	vor.u32 v13, v14  }
0xa3: {  	v14 =	vperm.xlane v13, v10;
	_ =	sdelay $0x1  }
0xa4: {  	v13 =	vperm.xlane v13, v12;
	v14 =	vadd.s32 v11, v14;
	_ =	sdelay $0x1  }
0xa5: {  	v13 =	vadd.s32 v11, v13;
	_ =	sdelay $0x1  }
0xa6: {  	s17 =	simm.s32 $0x3880  }
0xa7: {  	[tilespmem:s17], [sflag:$0x1] =	stream.indirect_vreg.gather [hbm4b:s2+s3], $0x80, v14, vm0, $0xb8;
	[tilespmem:$0x1C880] =	vst v63  }
0xa8: {  	_ = 	snop  }
0xa9: {  	[tilespmem:s19], [sflag:$0x1] =	stream.indirect_vreg.gather [hbm4b:s2+s3], $0x80, v13, vm0, $0xb8;
	[tilespmem:$0x1C880] =	vst v63  }
0xaa: {  	v13 =	vld [tilespmem:$0x180];
	_ =	sdelay $0x4  }
0xab: {  	v14 =	vshll.u32 v13, $0x1  }
0xac: {  	v13 =	vand.u32 $0x7, v13;
	v14 =	vand.u32 $0xFFFFFFF0, v14  }
0xad: {  	v13 =	vor.u32 v13, v14  }
0xae: {  	v14 =	vperm.xlane v13, v10;
	_ =	sdelay $0x1  }
0xaf: {  	v13 =	vperm.xlane v13, v12;
	v14 =	vadd.s32 v11, v14;
	_ =	sdelay $0x1  }
0xb0: {  	v13 =	vadd.s32 v11, v13;
	_ =	sdelay $0x2  }
0xb1: {  	[tilespmem:s20], [sflag:$0x1] =	stream.indirect_vreg.gather [hbm4b:s2+s3], $0x80, v14, vm0, $0xb8;
	[tilespmem:$0x1C880] =	vst v63  }
0xb2: {  	_ = 	snop  }
0xb3: {  	[tilespmem:s21], [sflag:$0x1] =	stream.indirect_vreg.gather [hbm4b:s2+s3], $0x80, v13, vm0, $0xb8;
	[tilespmem:$0x1C880] =	vst v63  }
0xb4: {  	v13 =	vld [tilespmem:$0x190];
	_ =	sdelay $0x4  }
0xb5: {  	v14 =	vshll.u32 v13, $0x1  }
0xb6: {  	v13 =	vand.u32 $0x7, v13;
	v14 =	vand.u32 $0xFFFFFFF0, v14  }
0xb7: {  	v13 =	vor.u32 v13, v14  }
0xb8: {  	v14 =	vperm.xlane v13, v10;
	_ =	sdelay $0x1  }
0xb9: {  	v13 =	vperm.xlane v13, v12;
	v14 =	vadd.s32 v11, v14;
	_ =	sdelay $0x1  }
0xba: {  	v13 =	vadd.s32 v11, v13;
	_ =	sdelay $0x2  }
0xbb: {  	[tilespmem:s22], [sflag:$0x1] =	stream.indirect_vreg.gather [hbm4b:s2+s3], $0x80, v14, vm0, $0xb8;
	[tilespmem:$0x1C880] =	vst v63  }
0xbc: {  	_ = 	snop  }
0xbd: {  	[tilespmem:s23], [sflag:$0x1] =	stream.indirect_vreg.gather [hbm4b:s2+s3], $0x80, v13, vm0, $0xb8;
	[tilespmem:$0x1C880] =	vst v63  }
0xbe: {  	v13 =	vld [tilespmem:$0x200];
	_ =	sdelay $0x4  }
0xbf: {  	v14 =	vshll.u32 v13, $0x1  }
0xc0: {  	v13 =	vand.u32 $0x7, v13;
	v14 =	vand.u32 $0xFFFFFFF0, v14  }
0xc1: {  	v13 =	vor.u32 v13, v14  }
0xc2: {  	v14 =	vperm.xlane v13, v10;
	_ =	sdelay $0x1  }
0xc3: {  	v13 =	vperm.xlane v13, v12;
	v14 =	vadd.s32 v11, v14;
	_ =	sdelay $0x1  }
0xc4: {  	v13 =	vadd.s32 v11, v13;
	_ =	sdelay $0x2  }
0xc5: {  	[tilespmem:s24], [sflag:$0x1] =	stream.indirect_vreg.gather [hbm4b:s2+s3], $0x80, v14, vm0, $0xb8;
	[tilespmem:$0x1C880] =	vst v63  }
0xc6: {  	_ = 	snop  }
0xc7: {  	[tilespmem:s25], [sflag:$0x1] =	stream.indirect_vreg.gather [hbm4b:s2+s3], $0x80, v13, vm0, $0xb8;
	[tilespmem:$0x1C880] =	vst v63  }
0xc8: {  	v13 =	vld [tilespmem:$0x210];
	_ =	sdelay $0x4  }
0xc9: {  	v14 =	vshll.u32 v13, $0x1  }
0xca: {  	v13 =	vand.u32 $0x7, v13;
	v14 =	vand.u32 $0xFFFFFFF0, v14  }
0xcb: {  	v13 =	vor.u32 v13, v14  }
0xcc: {  	v14 =	vperm.xlane v13, v10;
	_ =	sdelay $0x1  }
0xcd: {  	v13 =	vperm.xlane v13, v12;
	v14 =	vadd.s32 v11, v14;
	_ =	sdelay $0x1  }
0xce: {  	v13 =	vadd.s32 v11, v13;
	_ =	sdelay $0x2  }
0xcf: {  	[tilespmem:s26], [sflag:$0x1] =	stream.indirect_vreg.gather [hbm4b:s2+s3], $0x80, v14, vm0, $0xb8;
	[tilespmem:$0x1C880] =	vst v63  }
0xd0: {  	_ = 	snop  }
0xd1: {  	[tilespmem:s28], [sflag:$0x1] =	stream.indirect_vreg.gather [hbm4b:s2+s3], $0x80, v13, vm0, $0xb8;
	[tilespmem:$0x1C880] =	vst v63  }
0xd2: {  	v13 =	vld [tilespmem:$0x280];
	_ =	sdelay $0x4  }
0xd3: {  	v14 =	vshll.u32 v13, $0x1  }
0xd4: {  	v13 =	vand.u32 $0x7, v13;
	v14 =	vand.u32 $0xFFFFFFF0, v14  }
0xd5: {  	v13 =	vor.u32 v13, v14  }
0xd6: {  	v14 =	vperm.xlane v13, v10;
	_ =	sdelay $0x1  }
0xd7: {  	v13 =	vperm.xlane v13, v12;
	v14 =	vadd.s32 v11, v14;
	_ =	sdelay $0x1  }
0xd8: {  	v13 =	vadd.s32 v11, v13;
	_ =	sdelay $0x1  }
0xd9: {  	s18 =	simm.s32 $0x8880  }
0xda: {  	[tilespmem:s18], [sflag:$0x2] =	stream.indirect_vreg.gather [hbm4b:s2+s3], $0x80, v14, vm0, $0xb8;
	[tilespmem:$0x1C880] =	vst v63  }
0xdb: {  	s15 =	simm.s32 $0x9080  }
0xdc: {  	[tilespmem:s15], [sflag:$0x2] =	stream.indirect_vreg.gather [hbm4b:s2+s3], $0x80, v13, vm0, $0xb8;
	[tilespmem:$0x1C880] =	vst v63  }
0xdd: {  	v13 =	vld [tilespmem:$0x290];
	_ =	sdelay $0x4  }
0xde: {  	v14 =	vshll.u32 v13, $0x1  }
0xdf: {  	v13 =	vand.u32 $0x7, v13;
	v14 =	vand.u32 $0xFFFFFFF0, v14  }
0xe0: {  	v13 =	vor.u32 v13, v14  }
0xe1: {  	v14 =	vperm.xlane v13, v10;
	_ =	sdelay $0x1  }
0xe2: {  	v13 =	vperm.xlane v13, v12;
	v14 =	vadd.s32 v11, v14;
	_ =	sdelay $0x1  }
0xe3: {  	v13 =	vadd.s32 v11, v13;
	_ =	sdelay $0x1  }
0xe4: {  	s16 =	simm.s32 $0x9880  }
0xe5: {  	[tilespmem:s16], [sflag:$0x2] =	stream.indirect_vreg.gather [hbm4b:s2+s3], $0x80, v14, vm0, $0xb8;
	[tilespmem:$0x1C880] =	vst v63  }
0xe6: {  	s17 =	simm.s32 $0xA080  }
0xe7: {  	[tilespmem:s17], [sflag:$0x2] =	stream.indirect_vreg.gather [hbm4b:s2+s3], $0x80, v13, vm0, $0xb8;
	[tilespmem:$0x1C880] =	vst v63  }
0xe8: {  	v13 =	vld [tilespmem:$0x300];
	_ =	sdelay $0x4  }
0xe9: {  	v14 =	vshll.u32 v13, $0x1  }
0xea: {  	v13 =	vand.u32 $0x7, v13;
	v14 =	vand.u32 $0xFFFFFFF0, v14  }
0xeb: {  	v13 =	vor.u32 v13, v14  }
0xec: {  	v14 =	vperm.xlane v13, v10;
	_ =	sdelay $0x1  }
0xed: {  	v13 =	vperm.xlane v13, v12;
	v14 =	vadd.s32 v11, v14;
	_ =	sdelay $0x1  }
0xee: {  	v13 =	vadd.s32 v11, v13;
	_ =	sdelay $0x1  }
0xef: {  	s18 =	simm.s32 $0xA880  }
0xf0: {  	[tilespmem:s18], [sflag:$0x2] =	stream.indirect_vreg.gather [hbm4b:s2+s3], $0x80, v14, vm0, $0xb8;
	[tilespmem:$0x1C880] =	vst v63  }
0xf1: {  	s15 =	simm.s32 $0xB080  }
0xf2: {  	[tilespmem:s15], [sflag:$0x2] =	stream.indirect_vreg.gather [hbm4b:s2+s3], $0x80, v13, vm0, $0xb8;
	[tilespmem:$0x1C880] =	vst v63  }
0xf3: {  	v13 =	vld [tilespmem:$0x310];
	_ =	sdelay $0x4  }
0xf4: {  	v14 =	vshll.u32 v13, $0x1  }
0xf5: {  	v13 =	vand.u32 $0x7, v13;
	v14 =	vand.u32 $0xFFFFFFF0, v14  }
0xf6: {  	v13 =	vor.u32 v13, v14  }
0xf7: {  	v14 =	vperm.xlane v13, v10;
	_ =	sdelay $0x1  }
0xf8: {  	v13 =	vperm.xlane v13, v12;
	v14 =	vadd.s32 v11, v14;
	_ =	sdelay $0x1  }
0xf9: {  	v13 =	vadd.s32 v11, v13;
	_ =	sdelay $0x1  }
0xfa: {  	s16 =	simm.s32 $0xB880  }
0xfb: {  	[tilespmem:s16], [sflag:$0x2] =	stream.indirect_vreg.gather [hbm4b:s2+s3], $0x80, v14, vm0, $0xb8;
	[tilespmem:$0x1C880] =	vst v63  }
0xfc: {  	s17 =	simm.s32 $0xC080  }
0xfd: {  	[tilespmem:s17], [sflag:$0x2] =	stream.indirect_vreg.gather [hbm4b:s2+s3], $0x80, v13, vm0, $0xb8;
	[tilespmem:$0x1C880] =	vst v63  }
0xfe: {  	v13 =	vld [tilespmem:$0x380];
	_ =	sdelay $0x4  }
0xff: {  	v14 =	vshll.u32 v13, $0x1  }
0x100: {  	v13 =	vand.u32 $0x7, v13;
	v14 =	vand.u32 $0xFFFFFFF0, v14  }
0x101: {  	v13 =	vor.u32 v13, v14  }
0x102: {  	v14 =	vperm.xlane v13, v10;
	_ =	sdelay $0x1  }
0x103: {  	v13 =	vperm.xlane v13, v12;
	v14 =	vadd.s32 v11, v14;
	_ =	sdelay $0x1  }
0x104: {  	v13 =	vadd.s32 v11, v13;
	_ =	sdelay $0x1  }
0x105: {  	s18 =	simm.s32 $0xC880  }
0x106: {  	[tilespmem:s18], [sflag:$0x2] =	stream.indirect_vreg.gather [hbm4b:s2+s3], $0x80, v14, vm0, $0xb8;
	[tilespmem:$0x1C880] =	vst v63  }
0x107: {  	s15 =	simm.s32 $0xD080  }
0x108: {  	[tilespmem:s15], [sflag:$0x2] =	stream.indirect_vreg.gather [hbm4b:s2+s3], $0x80, v13, vm0, $0xb8;
	[tilespmem:$0x1C880] =	vst v63  }
0x109: {  	v13 =	vld [tilespmem:$0x390];
	_ =	sdelay $0x4  }
0x10a: {  	v14 =	vshll.u32 v13, $0x1  }
0x10b: {  	v13 =	vand.u32 $0x7, v13;
	v14 =	vand.u32 $0xFFFFFFF0, v14  }
0x10c: {  	v13 =	vor.u32 v13, v14  }
0x10d: {  	v14 =	vperm.xlane v13, v10;
	_ =	sdelay $0x1  }
0x10e: {  	v13 =	vperm.xlane v13, v12;
	v14 =	vadd.s32 v11, v14;
	_ =	sdelay $0x1  }
0x10f: {  	v13 =	vadd.s32 v11, v13;
	_ =	sdelay $0x1  }
0x110: {  	s16 =	simm.s32 $0xD880  }
0x111: {  	[tilespmem:s16], [sflag:$0x2] =	stream.indirect_vreg.gather [hbm4b:s2+s3], $0x80, v14, vm0, $0xb8;
	[tilespmem:$0x1C880] =	vst v63  }
0x112: {  	s17 =	simm.s32 $0xE080  }
0x113: {  	[tilespmem:s17], [sflag:$0x2] =	stream.indirect_vreg.gather [hbm4b:s2+s3], $0x80, v13, vm0, $0xb8;
	[tilespmem:$0x1C880] =	vst v63  }
0x114: {  	v13 =	vld [tilespmem:$0x400];
	_ =	sdelay $0x4  }
0x115: {  	v14 =	vshll.u32 v13, $0x1  }
0x116: {  	v13 =	vand.u32 $0x7, v13;
	v14 =	vand.u32 $0xFFFFFFF0, v14  }
0x117: {  	v13 =	vor.u32 v13, v14  }
0x118: {  	v14 =	vperm.xlane v13, v10;
	_ =	sdelay $0x1  }
0x119: {  	v13 =	vperm.xlane v13, v12;
	v14 =	vadd.s32 v11, v14;
	_ =	sdelay $0x1  }
0x11a: {  	v13 =	vadd.s32 v11, v13;
	_ =	sdelay $0x1  }
0x11b: {  	s18 =	simm.s32 $0xE880  }
0x11c: {  	[tilespmem:s18], [sflag:$0x2] =	stream.indirect_vreg.gather [hbm4b:s2+s3], $0x80, v14, vm0, $0xb8;
	[tilespmem:$0x1C880] =	vst v63  }
0x11d: {  	s15 =	simm.s32 $0xF080  }
0x11e: {  	[tilespmem:s15], [sflag:$0x2] =	stream.indirect_vreg.gather [hbm4b:s2+s3], $0x80, v13, vm0, $0xb8;
	[tilespmem:$0x1C880] =	vst v63  }
0x11f: {  	v13 =	vld [tilespmem:$0x410];
	_ =	sdelay $0x4  }
0x120: {  	v14 =	vshll.u32 v13, $0x1  }
0x121: {  	v13 =	vand.u32 $0x7, v13;
	v14 =	vand.u32 $0xFFFFFFF0, v14  }
0x122: {  	v13 =	vor.u32 v13, v14  }
0x123: {  	v14 =	vperm.xlane v13, v10;
	_ =	sdelay $0x1  }
0x124: {  	v13 =	vperm.xlane v13, v12;
	v14 =	vadd.s32 v11, v14;
	_ =	sdelay $0x1  }
0x125: {  	v13 =	vadd.s32 v11, v13;
	_ =	sdelay $0x1  }
0x126: {  	s16 =	simm.s32 $0xF880  }
0x127: {  	[tilespmem:s16], [sflag:$0x2] =	stream.indirect_vreg.gather [hbm4b:s2+s3], $0x80, v14, vm0, $0xb8;
	[tilespmem:$0x1C880] =	vst v63  }
0x128: {  	s17 =	simm.s32 $0x10080  }
0x129: {  	[tilespmem:s17], [sflag:$0x2] =	stream.indirect_vreg.gather [hbm4b:s2+s3], $0x80, v13, vm0, $0xb8;
	[tilespmem:$0x1C880] =	vst v63  }
0x12a: {  	v13 =	vld [tilespmem:$0x480];
	_ =	sdelay $0x4  }
0x12b: {  	v14 =	vshll.u32 v13, $0x1  }
0x12c: {  	v13 =	vand.u32 $0x7, v13;
	v14 =	vand.u32 $0xFFFFFFF0, v14  }
0x12d: {  	v13 =	vor.u32 v13, v14  }
0x12e: {  	v14 =	vperm.xlane v13, v10;
	_ =	sdelay $0x1  }
0x12f: {  	v13 =	vperm.xlane v13, v12;
	v14 =	vadd.s32 v11, v14;
	_ =	sdelay $0x1  }
0x130: {  	v13 =	vadd.s32 v11, v13;
	_ =	sdelay $0x1  }
0x131: {  	s18 =	simm.s32 $0x10880  }
0x132: {  	[tilespmem:s18], [sflag:$0x3] =	stream.indirect_vreg.gather [hbm4b:s2+s3], $0x80, v14, vm0, $0xb8;
	[tilespmem:$0x1C880] =	vst v63  }
0x133: {  	s15 =	simm.s32 $0x11080  }
0x134: {  	[tilespmem:s15], [sflag:$0x3] =	stream.indirect_vreg.gather [hbm4b:s2+s3], $0x80, v13, vm0, $0xb8;
	[tilespmem:$0x1C880] =	vst v63  }
0x135: {  	v13 =	vld [tilespmem:$0x490];
	_ =	sdelay $0x4  }
0x136: {  	v14 =	vshll.u32 v13, $0x1  }
0x137: {  	v13 =	vand.u32 $0x7, v13;
	v14 =	vand.u32 $0xFFFFFFF0, v14  }
0x138: {  	v13 =	vor.u32 v13, v14  }
0x139: {  	v14 =	vperm.xlane v13, v10;
	_ =	sdelay $0x1  }
0x13a: {  	v13 =	vperm.xlane v13, v12;
	v14 =	vadd.s32 v11, v14;
	_ =	sdelay $0x1  }
0x13b: {  	v13 =	vadd.s32 v11, v13;
	_ =	sdelay $0x1  }
0x13c: {  	s16 =	simm.s32 $0x11880  }
0x13d: {  	[tilespmem:s16], [sflag:$0x3] =	stream.indirect_vreg.gather [hbm4b:s2+s3], $0x80, v14, vm0, $0xb8;
	[tilespmem:$0x1C880] =	vst v63  }
0x13e: {  	s17 =	simm.s32 $0x12080  }
0x13f: {  	[tilespmem:s17], [sflag:$0x3] =	stream.indirect_vreg.gather [hbm4b:s2+s3], $0x80, v13, vm0, $0xb8;
	[tilespmem:$0x1C880] =	vst v63  }
0x140: {  	v13 =	vld [tilespmem:$0x500];
	_ =	sdelay $0x4  }
0x141: {  	v14 =	vshll.u32 v13, $0x1  }
0x142: {  	v13 =	vand.u32 $0x7, v13;
	v14 =	vand.u32 $0xFFFFFFF0, v14  }
0x143: {  	v13 =	vor.u32 v13, v14  }
0x144: {  	v14 =	vperm.xlane v13, v10;
	_ =	sdelay $0x1  }
0x145: {  	v13 =	vperm.xlane v13, v12;
	v14 =	vadd.s32 v11, v14;
	_ =	sdelay $0x1  }
0x146: {  	v13 =	vadd.s32 v11, v13;
	_ =	sdelay $0x1  }
0x147: {  	s18 =	simm.s32 $0x12880  }
0x148: {  	[tilespmem:s18], [sflag:$0x3] =	stream.indirect_vreg.gather [hbm4b:s2+s3], $0x80, v14, vm0, $0xb8;
	[tilespmem:$0x1C880] =	vst v63  }
0x149: {  	s15 =	simm.s32 $0x13080  }
0x14a: {  	[tilespmem:s15], [sflag:$0x3] =	stream.indirect_vreg.gather [hbm4b:s2+s3], $0x80, v13, vm0, $0xb8;
	[tilespmem:$0x1C880] =	vst v63  }
0x14b: {  	v13 =	vld [tilespmem:$0x510];
	_ =	sdelay $0x4  }
0x14c: {  	v14 =	vshll.u32 v13, $0x1  }
0x14d: {  	v13 =	vand.u32 $0x7, v13;
	v14 =	vand.u32 $0xFFFFFFF0, v14  }
0x14e: {  	v13 =	vor.u32 v13, v14  }
0x14f: {  	v14 =	vperm.xlane v13, v10;
	_ =	sdelay $0x1  }
0x150: {  	v13 =	vperm.xlane v13, v12;
	v14 =	vadd.s32 v11, v14;
	_ =	sdelay $0x1  }
0x151: {  	v13 =	vadd.s32 v11, v13;
	_ =	sdelay $0x1  }
0x152: {  	s16 =	simm.s32 $0x13880  }
0x153: {  	[tilespmem:s16], [sflag:$0x3] =	stream.indirect_vreg.gather [hbm4b:s2+s3], $0x80, v14, vm0, $0xb8;
	[tilespmem:$0x1C880] =	vst v63  }
0x154: {  	s17 =	simm.s32 $0x14080  }
0x155: {  	[tilespmem:s17], [sflag:$0x3] =	stream.indirect_vreg.gather [hbm4b:s2+s3], $0x80, v13, vm0, $0xb8;
	[tilespmem:$0x1C880] =	vst v63  }
0x156: {  	v13 =	vld [tilespmem:$0x580];
	_ =	sdelay $0x4  }
0x157: {  	v14 =	vshll.u32 v13, $0x1  }
0x158: {  	v13 =	vand.u32 $0x7, v13;
	v14 =	vand.u32 $0xFFFFFFF0, v14  }
0x159: {  	v13 =	vor.u32 v13, v14  }
0x15a: {  	v14 =	vperm.xlane v13, v10;
	_ =	sdelay $0x1  }
0x15b: {  	v13 =	vperm.xlane v13, v12;
	v14 =	vadd.s32 v11, v14;
	_ =	sdelay $0x1  }
0x15c: {  	v13 =	vadd.s32 v11, v13;
	_ =	sdelay $0x1  }
0x15d: {  	s18 =	simm.s32 $0x14880  }
0x15e: {  	[tilespmem:s18], [sflag:$0x3] =	stream.indirect_vreg.gather [hbm4b:s2+s3], $0x80, v14, vm0, $0xb8;
	[tilespmem:$0x1C880] =	vst v63  }
0x15f: {  	s15 =	simm.s32 $0x15080  }
0x160: {  	[tilespmem:s15], [sflag:$0x3] =	stream.indirect_vreg.gather [hbm4b:s2+s3], $0x80, v13, vm0, $0xb8;
	[tilespmem:$0x1C880] =	vst v63  }
0x161: {  	v13 =	vld [tilespmem:$0x590];
	_ =	sdelay $0x4  }
0x162: {  	v14 =	vshll.u32 v13, $0x1  }
0x163: {  	v13 =	vand.u32 $0x7, v13;
	v14 =	vand.u32 $0xFFFFFFF0, v14  }
0x164: {  	v13 =	vor.u32 v13, v14  }
0x165: {  	v14 =	vperm.xlane v13, v10;
	_ =	sdelay $0x1  }
0x166: {  	v13 =	vperm.xlane v13, v12;
	v14 =	vadd.s32 v11, v14;
	_ =	sdelay $0x1  }
0x167: {  	v13 =	vadd.s32 v11, v13;
	_ =	sdelay $0x1  }
0x168: {  	s16 =	simm.s32 $0x15880  }
0x169: {  	[tilespmem:s16], [sflag:$0x3] =	stream.indirect_vreg.gather [hbm4b:s2+s3], $0x80, v14, vm0, $0xb8;
	[tilespmem:$0x1C880] =	vst v63  }
0x16a: {  	s17 =	simm.s32 $0x16080  }
0x16b: {  	[tilespmem:s17], [sflag:$0x3] =	stream.indirect_vreg.gather [hbm4b:s2+s3], $0x80, v13, vm0, $0xb8;
	[tilespmem:$0x1C880] =	vst v63  }
0x16c: {  	v13 =	vld [tilespmem:$0x600];
	_ =	sdelay $0x4  }
0x16d: {  	v14 =	vshll.u32 v13, $0x1  }
0x16e: {  	v13 =	vand.u32 $0x7, v13;
	v14 =	vand.u32 $0xFFFFFFF0, v14  }
0x16f: {  	v13 =	vor.u32 v13, v14  }
0x170: {  	v14 =	vperm.xlane v13, v10;
	_ =	sdelay $0x1  }
0x171: {  	v13 =	vperm.xlane v13, v12;
	v14 =	vadd.s32 v11, v14;
	_ =	sdelay $0x1  }
0x172: {  	v13 =	vadd.s32 v11, v13;
	_ =	sdelay $0x1  }
0x173: {  	s18 =	simm.s32 $0x16880  }
0x174: {  	[tilespmem:s18], [sflag:$0x3] =	stream.indirect_vreg.gather [hbm4b:s2+s3], $0x80, v14, vm0, $0xb8;
	[tilespmem:$0x1C880] =	vst v63  }
0x175: {  	s15 =	simm.s32 $0x17080  }
0x176: {  	[tilespmem:s15], [sflag:$0x3] =	stream.indirect_vreg.gather [hbm4b:s2+s3], $0x80, v13, vm0, $0xb8;
	[tilespmem:$0x1C880] =	vst v63  }
0x177: {  	v13 =	vld [tilespmem:$0x610];
	_ =	sdelay $0x4  }
0x178: {  	v14 =	vshll.u32 v13, $0x1  }
0x179: {  	v13 =	vand.u32 $0x7, v13;
	v14 =	vand.u32 $0xFFFFFFF0, v14  }
0x17a: {  	v13 =	vor.u32 v13, v14  }
0x17b: {  	v14 =	vperm.xlane v13, v10;
	_ =	sdelay $0x1  }
0x17c: {  	v13 =	vperm.xlane v13, v12;
	v14 =	vadd.s32 v11, v14;
	_ =	sdelay $0x1  }
0x17d: {  	v13 =	vadd.s32 v11, v13;
	_ =	sdelay $0x1  }
0x17e: {  	s16 =	simm.s32 $0x17880  }
0x17f: {  	[tilespmem:s16], [sflag:$0x3] =	stream.indirect_vreg.gather [hbm4b:s2+s3], $0x80, v14, vm0, $0xb8;
	[tilespmem:$0x1C880] =	vst v63  }
0x180: {  	s17 =	simm.s32 $0x18080  }
0x181: {  	[tilespmem:s17], [sflag:$0x3] =	stream.indirect_vreg.gather [hbm4b:s2+s3], $0x80, v13, vm0, $0xb8;
	[tilespmem:$0x1C880] =	vst v63  }
0x182: {  	_ =	swait.ge [sflag:s4], $0x2000  }
0x183: {  	[sflag:s4] =	ssyncset.done $0x0  }
0x184: {  	[sflag:s4] =	ssyncadd.s32 $0xFFFFE000  }
0x185: {  	_ =	swait.ge [sflag:s4], $0x2000  }
0x186: {  	[sflag:s4] =	ssyncset.done $0x0  }
0x187: {  	[sflag:s4] =	ssyncadd.s32 $0xFFFFE000  }
0x188: {  	_ =	swait.ge [sflag:s4], $0x2000  }
0x189: {  	[sflag:s4] =	ssyncset.done $0x0  }
0x18a: {  	[sflag:s4] =	ssyncadd.s32 $0xFFFFE000  }
0x18b: {  	_ =	swait.ge [sflag:s4], $0x2000  }
0x18c: {  	s18 =	sand.u32 $0x1800, s3;
	s15 =	sand.u32 $0x380, s3;
	[sflag:s4] =	ssyncset.done $0x0  }
0x18d: {  	s14 =	sor.u32 s15, s18;
	[sflag:s4] =	ssyncadd.s32 $0xFFFFE000  }
0x18e: {  	v13 =	vld [tilespmem:s14+$0xCF0]  }
0x18f: {  	v14 =	vld [tilespmem:s14+$0x2CF0]  }
0x190: {  	v15 =	vld [tilespmem:s14+$0x4CF0]  }
0x191: {  	v16 =	vld [tilespmem:s14+$0x6CF0]  }
0x192: {  	v17 =	vld [tilespmem:s14+$0x880]  }
0x193: {  	v18 =	vld [tilespmem:s14+$0x2880]  }
0x194: {  	v19 =	vld [tilespmem:s14+$0x4880]  }
0x195: {  	v20 =	vld [tilespmem:s14+$0x6880];
	_ =	sdelay $0x1  }
0x196: {  	v21 =	vld [tilespmem:s14+$0x890]  }
0x197: {  	v13 =	vadd.f32 v14, v13;
	v14 =	vadd.f32 v16, v15;
	v15 =	vld [tilespmem:s14+$0x2890]  }
0x198: {  	v16 =	vld [tilespmem:s14+$0x4890];
	v17 =	vadd.f32 v18, v17  }
0x199: {  	v18 =	vadd.f32 v20, v19;
	v13 =	vadd.f32 v14, v13;
	v14 =	vld [tilespmem:s14+$0x6890]  }
0x19a: {  	v22 =	vld [tilespmem:s14+$0x8A0]  }
0x19b: {  	v19 =	vld [tilespmem:s14+$0x28A0];
	v17 =	vadd.f32 v18, v17;
	v13 =	vmul.f32 $2.500000000e-01, v13  }
0x19c: {  	v20 =	vld [tilespmem:s14+$0x48A0]  }
0x19d: {  	v17 =	vmul.f32 $2.500000000e-01, v17;
	[tilespmem:s14+$0x18CF0] =	vst v13;
	v13 =	vld [tilespmem:s14+$0x68A0]  }
0x19e: {  	v18 =	vld [tilespmem:s14+$0x8B0];
	v15 =	vadd.f32 v15, v21;
	v14 =	vadd.f32 v14, v16  }
0x19f: {  	[tilespmem:s14+$0x18880] =	vst v17;
	v17 =	vld [tilespmem:s14+$0x68B0]  }
0x1a0: {  	v16 =	vld [tilespmem:s14+$0x28B0];
	v14 =	vadd.f32 v14, v15  }
0x1a1: {  	v15 =	vld [tilespmem:s14+$0x48B0]  }
0x1a2: {  	v21 =	vld [tilespmem:s14+$0x8C0];
	v19 =	vadd.f32 v19, v22;
	v14 =	vmul.f32 $2.500000000e-01, v14;
	v13 =	vadd.f32 v13, v20  }
0x1a3: {  	v20 =	vld [tilespmem:s14+$0x28C0]  }
0x1a4: {  	[tilespmem:s14+$0x18890] =	vst v14;
	v13 =	vadd.f32 v13, v19;
	v14 =	vld [tilespmem:s14+$0x48C0]  }
0x1a5: {  	v19 =	vld [tilespmem:s14+$0x68C0]  }
0x1a6: {  	v22 =	vld [tilespmem:s14+$0x8D0];
	v16 =	vadd.f32 v16, v18;
	v15 =	vadd.f32 v17, v15;
	v13 =	vmul.f32 $2.500000000e-01, v13  }
0x1a7: {  	v17 =	vld [tilespmem:s14+$0x28D0]  }
0x1a8: {  	[tilespmem:s14+$0x188A0] =	vst v13;
	v13 =	vadd.f32 v15, v16;
	v15 =	vld [tilespmem:s14+$0x48D0]  }
0x1a9: {  	v16 =	vld [tilespmem:s14+$0x68D0]  }
0x1aa: {  	v18 =	vld [tilespmem:s14+$0x8E0];
	v20 =	vadd.f32 v20, v21;
	v14 =	vadd.f32 v19, v14;
	v13 =	vmul.f32 $2.500000000e-01, v13  }
0x1ab: {  	v19 =	vld [tilespmem:s14+$0x28E0]  }
0x1ac: {  	[tilespmem:s14+$0x188B0] =	vst v13;
	v13 =	vadd.f32 v14, v20;
	v14 =	vld [tilespmem:s14+$0x48E0]  }
0x1ad: {  	v20 =	vld [tilespmem:s14+$0x68E0]  }
0x1ae: {  	v21 =	vld [tilespmem:s14+$0x8F0];
	v17 =	vadd.f32 v17, v22;
	v15 =	vadd.f32 v16, v15;
	v13 =	vmul.f32 $2.500000000e-01, v13  }
0x1af: {  	v16 =	vld [tilespmem:s14+$0x28F0]  }
0x1b0: {  	[tilespmem:s14+$0x188C0] =	vst v13;
	v13 =	vadd.f32 v15, v17;
	v15 =	vld [tilespmem:s14+$0x48F0]  }
0x1b1: {  	v17 =	vld [tilespmem:s14+$0x68F0]  }
0x1b2: {  	v22 =	vld [tilespmem:s14+$0xC80];
	v18 =	vadd.f32 v19, v18;
	v14 =	vadd.f32 v20, v14;
	v13 =	vmul.f32 $2.500000000e-01, v13  }
0x1b3: {  	v19 =	vld [tilespmem:s14+$0x2C80]  }
0x1b4: {  	[tilespmem:s14+$0x188D0] =	vst v13;
	v13 =	vadd.f32 v14, v18;
	v14 =	vld [tilespmem:s14+$0x4C80]  }
0x1b5: {  	v18 =	vld [tilespmem:s14+$0x6C80]  }
0x1b6: {  	v20 =	vld [tilespmem:s14+$0xC90];
	v16 =	vadd.f32 v16, v21;
	v15 =	vadd.f32 v17, v15;
	v13 =	vmul.f32 $2.500000000e-01, v13  }
0x1b7: {  	v17 =	vld [tilespmem:s14+$0x2C90]  }
0x1b8: {  	[tilespmem:s14+$0x188E0] =	vst v13;
	v13 =	vadd.f32 v15, v16;
	v15 =	vld [tilespmem:s14+$0x4C90]  }
0x1b9: {  	v16 =	vld [tilespmem:s14+$0x6C90]  }
0x1ba: {  	v21 =	vld [tilespmem:s14+$0xCA0];
	v19 =	vadd.f32 v19, v22;
	v14 =	vadd.f32 v18, v14;
	v13 =	vmul.f32 $2.500000000e-01, v13  }
0x1bb: {  	v18 =	vld [tilespmem:s14+$0x2CA0]  }
0x1bc: {  	[tilespmem:s14+$0x188F0] =	vst v13;
	v13 =	vadd.f32 v14, v19;
	v14 =	vld [tilespmem:s14+$0x4CA0]  }
0x1bd: {  	v19 =	vld [tilespmem:s14+$0x6CA0]  }
0x1be: {  	v22 =	vld [tilespmem:s14+$0xCB0];
	v17 =	vadd.f32 v17, v20;
	v15 =	vadd.f32 v16, v15;
	v13 =	vmul.f32 $2.500000000e-01, v13  }
0x1bf: {  	v20 =	vld [tilespmem:s14+$0xCC0]  }
0x1c0: {  	v16 =	vld [tilespmem:s14+$0x2CB0];
	[tilespmem:s14+$0x18C80] =	vst v13;
	v13 =	vadd.f32 v15, v17  }
0x1c1: {  	v15 =	vld [tilespmem:s14+$0x4CB0]  }
0x1c2: {  	v18 =	vadd.f32 v18, v21;
	v17 =	vld [tilespmem:s14+$0x6CB0];
	v14 =	vadd.f32 v19, v14;
	v13 =	vmul.f32 $2.500000000e-01, v13  }
0x1c3: {  	v19 =	vld [tilespmem:s14+$0x2CC0]  }
0x1c4: {  	[tilespmem:s14+$0x18C90] =	vst v13;
	v13 =	vadd.f32 v14, v18;
	v14 =	vld [tilespmem:s14+$0x4CC0]  }
0x1c5: {  	v18 =	vld [tilespmem:s14+$0x6CC0]  }
0x1c6: {  	v23 =	vld [tilespmem:s14+$0x6CD0]  }
0x1c7: {  	v21 =	vld [tilespmem:s14+$0xCD0];
	v16 =	vadd.f32 v16, v22;
	v15 =	vadd.f32 v17, v15;
	v13 =	vmul.f32 $2.500000000e-01, v13  }
0x1c8: {  	v22 =	vld [tilespmem:s14+$0x2CD0]  }
0x1c9: {  	[tilespmem:s14+$0x18CA0] =	vst v13;
	v13 =	vadd.f32 v15, v16;
	v16 =	vld [tilespmem:s14+$0x4CD0]  }
0x1ca: {  	v19 =	vadd.f32 v19, v20;
	v15 =	vld [tilespmem:s14+$0x2CE0];
	v14 =	vadd.f32 v18, v14  }
0x1cb: {  	s15 =	simm.s32 $0x80;
	s16 =	simm.s32 $0x100;
	v17 =	vmul.f32 $2.500000000e-01, v13;
	v13 =	vld [tilespmem:s14+$0xCE0]  }
0x1cc: {  	s16 =	sand.u32 $0x1800, s16;
	s17 =	sand.u32 $0x380, s15;
	v18 =	vld [tilespmem:s14+$0x6CE0];
	v20 =	vadd.f32 v14, v19  }
0x1cd: {  	s17 =	sor.u32 s17, s16;
	[tilespmem:s14+$0x18CB0] =	vst v17;
	v17 =	vld [tilespmem:s14+$0x4CE0]  }
0x1ce: {  	v19 =	vadd.f32 v22, v21;
	v14 =	vld [tilespmem:s17+$0xCF0];
	v20 =	vmul.f32 $2.500000000e-01, v20;
	v21 =	vadd.f32 v23, v16  }
0x1cf: {  	s16 =	simm.s32 $0x200;
	v16 =	vld [tilespmem:s17+$0x2CF0]  }
.LBB2_2:
0x1d0: {  	p0 =	sne.s32 s16, $0x1F00;
	v22 =	vld [tilespmem:s17+$0x4CF0];
	[tilespmem:s14+$0x18CC0] =	vst v20;
	v19 =	vadd.f32 v21, v19;
	v13 =	vadd.f32 v15, v13  }
0x1d1: {  	v15 =	vld [tilespmem:s17+$0x6CF0]  }
0x1d2: {  	v20 =	vld [tilespmem:s17+$0x880];
	v19 =	vmul.f32 $2.500000000e-01, v19;
	v17 =	vadd.f32 v18, v17  }
0x1d3: {  	v18 =	vld [tilespmem:s17+$0x2880]  }
0x1d4: {  	v21 =	vld [tilespmem:s17+$0x4880];
	[tilespmem:s14+$0x18CD0] =	vst v19;
	v13 =	vadd.f32 v17, v13  }
0x1d5: {  	v17 =	vld [tilespmem:s17+$0x6880]  }
0x1d6: {  	v14 =	vadd.f32 v16, v14;
	v19 =	vld [tilespmem:s17+$0x890];
	v15 =	vadd.f32 v15, v22;
	v13 =	vmul.f32 $2.500000000e-01, v13  }
0x1d7: {  	v16 =	vld [tilespmem:s17+$0x2890]  }
0x1d8: {  	v18 =	vadd.f32 v18, v20;
	v20 =	vld [tilespmem:s17+$0x4890];
	v14 =	vadd.f32 v15, v14;
	[tilespmem:s14+$0x18CE0] =	vst v13;
	s14 =	smov.u32 s17  }
0x1d9: {  	v13 =	vld [tilespmem:s14+$0x6890]  }
0x1da: {  	v15 =	vadd.f32 v17, v21;
	v17 =	vld [tilespmem:s14+$0x8A0];
	v14 =	vmul.f32 $2.500000000e-01, v14  }
0x1db: {  	v21 =	vld [tilespmem:s14+$0x28A0]  }
0x1dc: {  	v15 =	vadd.f32 v15, v18;
	v16 =	vadd.f32 v16, v19;
	v18 =	vld [tilespmem:s14+$0x48A0];
	[tilespmem:s14+$0x18CF0] =	vst v14  }
0x1dd: {  	v14 =	vld [tilespmem:s14+$0x68A0]  }
0x1de: {  	v15 =	vmul.f32 $2.500000000e-01, v15;
	v13 =	vadd.f32 v13, v20;
	v19 =	vld [tilespmem:s14+$0x8B0]  }
0x1df: {  	v20 =	vld [tilespmem:s14+$0x28B0]  }
0x1e0: {  	[tilespmem:s14+$0x18880] =	vst v15;
	v13 =	vadd.f32 v13, v16;
	v15 =	vadd.f32 v21, v17;
	v16 =	vld [tilespmem:s14+$0x48B0]  }
0x1e1: {  	v17 =	vld [tilespmem:s14+$0x68B0]  }
0x1e2: {  	v13 =	vmul.f32 $2.500000000e-01, v13;
	v14 =	vadd.f32 v14, v18;
	v18 =	vld [tilespmem:s14+$0x8C0]  }
0x1e3: {  	v21 =	vld [tilespmem:s14+$0x28C0]  }
0x1e4: {  	[tilespmem:s14+$0x18890] =	vst v13;
	v13 =	vadd.f32 v14, v15;
	v14 =	vadd.f32 v20, v19;
	v15 =	vld [tilespmem:s14+$0x48C0]  }
0x1e5: {  	v19 =	vld [tilespmem:s14+$0x68C0]  }
0x1e6: {  	v13 =	vmul.f32 $2.500000000e-01, v13;
	v16 =	vadd.f32 v17, v16;
	v17 =	vld [tilespmem:s14+$0x8D0]  }
0x1e7: {  	v20 =	vld [tilespmem:s14+$0x28D0]  }
0x1e8: {  	[tilespmem:s14+$0x188A0] =	vst v13;
	v13 =	vadd.f32 v16, v14;
	v14 =	vadd.f32 v21, v18;
	v16 =	vld [tilespmem:s14+$0x48D0]  }
0x1e9: {  	v18 =	vld [tilespmem:s14+$0x68D0]  }
0x1ea: {  	v13 =	vmul.f32 $2.500000000e-01, v13;
	v15 =	vadd.f32 v19, v15;
	v19 =	vld [tilespmem:s14+$0x8E0]  }
0x1eb: {  	v21 =	vld [tilespmem:s14+$0x28E0]  }
0x1ec: {  	[tilespmem:s14+$0x188B0] =	vst v13;
	v13 =	vadd.f32 v15, v14;
	v14 =	vadd.f32 v20, v17;
	v15 =	vld [tilespmem:s14+$0x48E0]  }
0x1ed: {  	v17 =	vld [tilespmem:s14+$0x68E0]  }
0x1ee: {  	v13 =	vmul.f32 $2.500000000e-01, v13;
	v16 =	vadd.f32 v18, v16;
	v18 =	vld [tilespmem:s14+$0x8F0]  }
0x1ef: {  	v20 =	vld [tilespmem:s14+$0x28F0]  }
0x1f0: {  	[tilespmem:s14+$0x188C0] =	vst v13;
	v13 =	vadd.f32 v16, v14;
	v14 =	vadd.f32 v21, v19;
	v16 =	vld [tilespmem:s14+$0x48F0]  }
0x1f1: {  	v19 =	vld [tilespmem:s14+$0x68F0]  }
0x1f2: {  	v13 =	vmul.f32 $2.500000000e-01, v13;
	v15 =	vadd.f32 v17, v15;
	v17 =	vld [tilespmem:s14+$0xC80]  }
0x1f3: {  	v21 =	vld [tilespmem:s14+$0x2C80]  }
0x1f4: {  	[tilespmem:s14+$0x188D0] =	vst v13;
	v13 =	vadd.f32 v15, v14;
	v14 =	vadd.f32 v20, v18;
	v15 =	vld [tilespmem:s14+$0x4C80]  }
0x1f5: {  	v18 =	vld [tilespmem:s14+$0x6C80]  }
0x1f6: {  	v13 =	vmul.f32 $2.500000000e-01, v13;
	v16 =	vadd.f32 v19, v16;
	v19 =	vld [tilespmem:s14+$0xC90]  }
0x1f7: {  	v20 =	vld [tilespmem:s14+$0x2C90]  }
0x1f8: {  	[tilespmem:s14+$0x188E0] =	vst v13;
	v13 =	vadd.f32 v16, v14;
	v14 =	vadd.f32 v21, v17;
	v16 =	vld [tilespmem:s14+$0x4C90]  }
0x1f9: {  	v17 =	vld [tilespmem:s14+$0x6C90]  }
0x1fa: {  	v13 =	vmul.f32 $2.500000000e-01, v13;
	v15 =	vadd.f32 v18, v15;
	v18 =	vld [tilespmem:s14+$0xCA0]  }
0x1fb: {  	v21 =	vld [tilespmem:s14+$0x2CA0]  }
0x1fc: {  	[tilespmem:s14+$0x188F0] =	vst v13;
	v13 =	vadd.f32 v15, v14;
	v14 =	vadd.f32 v20, v19;
	v15 =	vld [tilespmem:s14+$0x4CA0]  }
0x1fd: {  	v19 =	vld [tilespmem:s14+$0x6CA0]  }
0x1fe: {  	v13 =	vmul.f32 $2.500000000e-01, v13;
	v16 =	vadd.f32 v17, v16;
	v17 =	vld [tilespmem:s14+$0xCB0]  }
0x1ff: {  	v20 =	vld [tilespmem:s14+$0x2CB0]  }
0x200: {  	[tilespmem:s14+$0x18C80] =	vst v13;
	v13 =	vadd.f32 v16, v14;
	v14 =	vadd.f32 v21, v18;
	v16 =	vld [tilespmem:s14+$0x4CB0]  }
0x201: {  	v18 =	vld [tilespmem:s14+$0x6CB0]  }
0x202: {  	v13 =	vmul.f32 $2.500000000e-01, v13;
	v15 =	vadd.f32 v19, v15;
	v19 =	vld [tilespmem:s14+$0xCC0]  }
0x203: {  	v21 =	vld [tilespmem:s14+$0x2CC0]  }
0x204: {  	[tilespmem:s14+$0x18C90] =	vst v13;
	v13 =	vadd.f32 v15, v14;
	v14 =	vadd.f32 v20, v17;
	v15 =	vld [tilespmem:s14+$0x4CC0]  }
0x205: {  	v17 =	vld [tilespmem:s14+$0x6CC0]  }
0x206: {  	v13 =	vmul.f32 $2.500000000e-01, v13;
	v16 =	vadd.f32 v18, v16;
	v18 =	vld [tilespmem:s14+$0xCD0]  }
0x207: {  	v20 =	vld [tilespmem:s14+$0x2CD0]  }
0x208: {  	[tilespmem:s14+$0x18CA0] =	vst v13;
	v13 =	vadd.f32 v16, v14;
	v14 =	vadd.f32 v21, v19;
	v16 =	vld [tilespmem:s14+$0x4CD0]  }
0x209: {  	v21 =	vld [tilespmem:s14+$0x6CD0]  }
0x20a: {  	v19 =	vmul.f32 $2.500000000e-01, v13;
	v17 =	vadd.f32 v17, v15;
	v13 =	vld [tilespmem:s14+$0xCE0]  }
.Ltmp0:
0x20b: {  	s15 =	sadd.s32 $0x80, s15;
	v15 =	vld [tilespmem:s14+$0x2CE0];
	(pc) =	sbr.rel @p0 .LBB2_2-.Ltmp0, $4  }
0x20c: {  	s18 =	sand.u32 $0x380, s15;
	s17 =	sand.u32 $0x1800, s16;
	[tilespmem:s14+$0x18CB0] =	vst v19;
	v22 =	vadd.f32 v17, v14;
	v19 =	vadd.f32 v20, v18;
	v17 =	vld [tilespmem:s14+$0x4CE0]  }
0x20d: {  	s17 =	sor.u32 s18, s17;
	v18 =	vld [tilespmem:s14+$0x6CE0]  }
0x20e: {  	v14 =	vld [tilespmem:s17+$0xCF0];
	v20 =	vmul.f32 $2.500000000e-01, v22;
	v21 =	vadd.f32 v21, v16  }
0x20f: {  	s16 =	sadd.s32 $0x100, s16;
	v16 =	vld [tilespmem:s17+$0x2CF0]  }
0x210: {  	v22 =	vld [tilespmem:s17+$0x4CF0];
	[tilespmem:s14+$0x18CC0] =	vst v20;
	v19 =	vadd.f32 v21, v19  }
0x211: {  	v20 =	vld [tilespmem:s17+$0x6CF0]  }
0x212: {  	v13 =	vadd.f32 v15, v13;
	v21 =	vld [tilespmem:s17+$0x880];
	v19 =	vmul.f32 $2.500000000e-01, v19;
	v15 =	vadd.f32 v18, v17  }
0x213: {  	v23 =	vld [tilespmem:s17+$0x2880]  }
0x214: {  	v17 =	vld [tilespmem:s17+$0x4880];
	[tilespmem:s14+$0x18CD0] =	vst v19;
	v13 =	vadd.f32 v15, v13  }
0x215: {  	v15 =	vld [tilespmem:s17+$0x6880]  }
0x216: {  	v18 =	vld [tilespmem:s17+$0x890];
	v13 =	vmul.f32 $2.500000000e-01, v13  }
0x217: {  	v14 =	vadd.f32 v16, v14;
	v19 =	vld [tilespmem:s17+$0x2890];
	v16 =	vadd.f32 v20, v22  }
0x218: {  	v20 =	vld [tilespmem:s17+$0x4890];
	[tilespmem:s14+$0x18CE0] =	vst v13  }
0x219: {  	v13 =	vadd.f32 v16, v14;
	v14 =	vld [tilespmem:s17+$0x6890]  }
0x21a: {  	v16 =	vld [tilespmem:s17+$0x8A0]  }
0x21b: {  	v21 =	vadd.f32 v23, v21;
	v22 =	vld [tilespmem:s17+$0x48A0];
	v15 =	vadd.f32 v15, v17  }
0x21c: {  	v23 =	vld [tilespmem:s17+$0x2CE0];
	v13 =	vmul.f32 $2.500000000e-01, v13  }
0x21d: {  	v17 =	vld [tilespmem:s17+$0x28A0];
	v15 =	vadd.f32 v15, v21  }
0x21e: {  	[tilespmem:s17+$0x18CF0] =	vst v13;
	v13 =	vld [tilespmem:s17+$0x68A0]  }
0x21f: {  	v18 =	vadd.f32 v19, v18;
	v19 =	vld [tilespmem:s17+$0x28B0];
	v15 =	vmul.f32 $2.500000000e-01, v15  }
0x220: {  	v21 =	vld [tilespmem:s17+$0x8B0];
	v14 =	vadd.f32 v14, v20  }
0x221: {  	[tilespmem:s17+$0x18880] =	vst v15;
	v15 =	vld [tilespmem:s17+$0x48B0]  }
0x222: {  	v14 =	vadd.f32 v14, v18;
	v18 =	vld [tilespmem:s17+$0x68B0]  }
0x223: {  	v20 =	vld [tilespmem:s17+$0x8C0];
	v16 =	vadd.f32 v17, v16;
	v13 =	vadd.f32 v13, v22  }
0x224: {  	v17 =	vld [tilespmem:s17+$0x28C0];
	v14 =	vmul.f32 $2.500000000e-01, v14  }
0x225: {  	v13 =	vadd.f32 v13, v16;
	v16 =	vld [tilespmem:s17+$0x68C0]  }
0x226: {  	[tilespmem:s17+$0x18890] =	vst v14;
	v14 =	vld [tilespmem:s17+$0x48C0]  }
0x227: {  	v22 =	vld [tilespmem:s17+$0x8D0];
	v19 =	vadd.f32 v19, v21;
	v13 =	vmul.f32 $2.500000000e-01, v13;
	v15 =	vadd.f32 v18, v15  }
0x228: {  	v18 =	vld [tilespmem:s17+$0x28D0]  }
0x229: {  	[tilespmem:s17+$0x188A0] =	vst v13;
	v13 =	vadd.f32 v15, v19;
	v15 =	vld [tilespmem:s17+$0x48D0]  }
0x22a: {  	v19 =	vld [tilespmem:s17+$0x68D0]  }
0x22b: {  	v21 =	vld [tilespmem:s17+$0x8E0];
	v17 =	vadd.f32 v17, v20;
	v13 =	vmul.f32 $2.500000000e-01, v13;
	v14 =	vadd.f32 v16, v14  }
0x22c: {  	v16 =	vld [tilespmem:s17+$0x28E0]  }
0x22d: {  	[tilespmem:s17+$0x188B0] =	vst v13;
	v13 =	vadd.f32 v14, v17;
	v14 =	vld [tilespmem:s17+$0x48E0]  }
0x22e: {  	v17 =	vld [tilespmem:s17+$0x68E0]  }
0x22f: {  	v20 =	vld [tilespmem:s17+$0x8F0];
	v18 =	vadd.f32 v18, v22;
	v15 =	vadd.f32 v19, v15;
	v13 =	vmul.f32 $2.500000000e-01, v13  }
0x230: {  	v19 =	vld [tilespmem:s17+$0x28F0]  }
0x231: {  	[tilespmem:s17+$0x188C0] =	vst v13;
	v13 =	vadd.f32 v15, v18;
	v15 =	vld [tilespmem:s17+$0x48F0]  }
0x232: {  	v18 =	vld [tilespmem:s17+$0x68F0]  }
0x233: {  	v22 =	vld [tilespmem:s17+$0xC80];
	v16 =	vadd.f32 v16, v21;
	v14 =	vadd.f32 v17, v14;
	v13 =	vmul.f32 $2.500000000e-01, v13  }
0x234: {  	v17 =	vld [tilespmem:s17+$0x2C80]  }
0x235: {  	[tilespmem:s17+$0x188D0] =	vst v13;
	v13 =	vadd.f32 v14, v16;
	v14 =	vld [tilespmem:s17+$0x4C80]  }
0x236: {  	v16 =	vld [tilespmem:s17+$0x6C80]  }
0x237: {  	v21 =	vld [tilespmem:s17+$0xC90];
	v19 =	vadd.f32 v19, v20;
	v15 =	vadd.f32 v18, v15;
	v13 =	vmul.f32 $2.500000000e-01, v13  }
0x238: {  	v18 =	vld [tilespmem:s17+$0x2C90]  }
0x239: {  	[tilespmem:s17+$0x188E0] =	vst v13;
	v13 =	vadd.f32 v15, v19;
	v15 =	vld [tilespmem:s17+$0x4C90]  }
0x23a: {  	v19 =	vld [tilespmem:s17+$0x6C90]  }
0x23b: {  	v20 =	vld [tilespmem:s17+$0xCA0];
	v17 =	vadd.f32 v17, v22;
	v14 =	vadd.f32 v16, v14;
	v13 =	vmul.f32 $2.500000000e-01, v13  }
0x23c: {  	v16 =	vld [tilespmem:s17+$0x2CA0]  }
0x23d: {  	[tilespmem:s17+$0x188F0] =	vst v13;
	v13 =	vadd.f32 v14, v17;
	v14 =	vld [tilespmem:s17+$0x4CA0]  }
0x23e: {  	v17 =	vld [tilespmem:s17+$0x6CA0]  }
0x23f: {  	v22 =	vld [tilespmem:s17+$0xCB0];
	v18 =	vadd.f32 v18, v21;
	v15 =	vadd.f32 v19, v15;
	v13 =	vmul.f32 $2.500000000e-01, v13  }
0x240: {  	v19 =	vld [tilespmem:s17+$0x2CB0]  }
0x241: {  	[tilespmem:s17+$0x18C80] =	vst v13;
	v13 =	vadd.f32 v15, v18;
	v15 =	vld [tilespmem:s17+$0x4CB0]  }
0x242: {  	v18 =	vld [tilespmem:s17+$0x6CB0]  }
0x243: {  	v24 =	vld [tilespmem:s17+$0x6CE0];
	v16 =	vadd.f32 v16, v20;
	v14 =	vadd.f32 v17, v14;
	v13 =	vmul.f32 $2.500000000e-01, v13  }
0x244: {  	v21 =	vld [tilespmem:s17+$0xCC0]  }
0x245: {  	v20 =	vld [tilespmem:s17+$0xCD0];
	[tilespmem:s17+$0x18C90] =	vst v13;
	v13 =	vadd.f32 v14, v16  }
0x246: {  	v17 =	vld [tilespmem:s17+$0x2CC0]  }
0x247: {  	v19 =	vadd.f32 v19, v22;
	v22 =	vld [tilespmem:s17+$0xCE0];
	v15 =	vadd.f32 v18, v15;
	v13 =	vmul.f32 $2.500000000e-01, v13  }
0x248: {  	v14 =	vld [tilespmem:s17+$0x4CC0]  }
0x249: {  	v16 =	vld [tilespmem:s17+$0x6CC0];
	[tilespmem:s17+$0x18CA0] =	vst v13;
	v13 =	vadd.f32 v15, v19  }
0x24a: {  	v18 =	vld [tilespmem:s17+$0x2CD0]  }
0x24b: {  	v15 =	vld [tilespmem:s17+$0x4CD0];
	v13 =	vmul.f32 $2.500000000e-01, v13  }
0x24c: {  	v19 =	vld [tilespmem:s17+$0x6CD0]  }
0x24d: {  	[tilespmem:s17+$0x18CB0] =	vst v13;
	v13 =	vld [tilespmem:s17+$0x4CE0];
	_ =	sdelay $0x1  }
0x24e: {  	v17 =	vadd.f32 v17, v21;
	v14 =	vadd.f32 v16, v14  }
0x24f: {  	v16 =	vadd.f32 v18, v20  }
0x250: {  	v14 =	vadd.f32 v14, v17;
	v15 =	vadd.f32 v19, v15  }
0x251: {  	v17 =	vadd.f32 v23, v22;
	v13 =	vadd.f32 v24, v13  }
0x252: {  	v15 =	vadd.f32 v15, v16  }
0x253: {  	v14 =	vmul.f32 $2.500000000e-01, v14;
	v13 =	vadd.f32 v13, v17  }
0x254: {  	v15 =	vmul.f32 $2.500000000e-01, v15  }
0x255: {  	[tilespmem:s17+$0x18CC0] =	vst v14;
	v13 =	vmul.f32 $2.500000000e-01, v13  }
0x256: {  	[tilespmem:s17+$0x18CD0] =	vst v15  }
0x257: {  	[tilespmem:s17+$0x18CE0] =	vst v13  }
0x258: {  	v13 =	vld [tilespmem:$0x680];
	_ =	sdelay $0x4  }
0x259: {  	v14 =	vshll.u32 v13, $0x1  }
0x25a: {  	v13 =	vand.u32 $0x7, v13;
	v14 =	vand.u32 $0xFFFFFFF0, v14  }
0x25b: {  	v13 =	vor.u32 v13, v14  }
0x25c: {  	v14 =	vperm.xlane v13, v10;
	_ =	sdelay $0x1  }
0x25d: {  	v13 =	vperm.xlane v13, v12;
	v14 =	vadd.s32 v11, v14;
	_ =	sdelay $0x1  }
0x25e: {  	v13 =	vadd.s32 v11, v13;
	_ =	sdelay $0x1  }
0x25f: {  	s15 =	simm.s32 $0x880;
	s14 =	simm.s32 $0x0  }
0x260: {  	[tilespmem:s15], [sflag:$0x1] =	stream.indirect_vreg.gather [hbm4b:s2+s14], $0x80, v14, vm0, $0xb8;
	[tilespmem:$0x1C880] =	vst v63  }
0x261: {  	s17 =	simm.s32 $0x1080  }
0x262: {  	[tilespmem:s17], [sflag:$0x1] =	stream.indirect_vreg.gather [hbm4b:s2+s14], $0x80, v13, vm0, $0xb8;
	[tilespmem:$0x1C880] =	vst v63  }
0x263: {  	v13 =	vld [tilespmem:$0x690];
	_ =	sdelay $0x4  }
0x264: {  	v14 =	vshll.u32 v13, $0x1  }
0x265: {  	v13 =	vand.u32 $0x7, v13;
	v14 =	vand.u32 $0xFFFFFFF0, v14  }
0x266: {  	v13 =	vor.u32 v13, v14  }
0x267: {  	v14 =	vperm.xlane v13, v10;
	_ =	sdelay $0x1  }
0x268: {  	v13 =	vperm.xlane v13, v12;
	v14 =	vadd.s32 v11, v14;
	_ =	sdelay $0x1  }
0x269: {  	v13 =	vadd.s32 v11, v13;
	_ =	sdelay $0x1  }
0x26a: {  	s18 =	simm.s32 $0x1880  }
0x26b: {  	[tilespmem:s18], [sflag:$0x1] =	stream.indirect_vreg.gather [hbm4b:s2+s14], $0x80, v14, vm0, $0xb8;
	[tilespmem:$0x1C880] =	vst v63  }
0x26c: {  	s16 =	simm.s32 $0x2080  }
0x26d: {  	[tilespmem:s16], [sflag:$0x1] =	stream.indirect_vreg.gather [hbm4b:s2+s14], $0x80, v13, vm0, $0xb8;
	[tilespmem:$0x1C880] =	vst v63  }
0x26e: {  	v13 =	vld [tilespmem:$0x700];
	_ =	sdelay $0x4  }
0x26f: {  	v14 =	vshll.u32 v13, $0x1  }
0x270: {  	v13 =	vand.u32 $0x7, v13;
	v14 =	vand.u32 $0xFFFFFFF0, v14  }
0x271: {  	v13 =	vor.u32 v13, v14  }
0x272: {  	v14 =	vperm.xlane v13, v10;
	_ =	sdelay $0x1  }
0x273: {  	v13 =	vperm.xlane v13, v12;
	v14 =	vadd.s32 v11, v14;
	_ =	sdelay $0x1  }
0x274: {  	v13 =	vadd.s32 v11, v13;
	_ =	sdelay $0x1  }
0x275: {  	s17 =	simm.s32 $0x2880  }
0x276: {  	[tilespmem:s17], [sflag:$0x1] =	stream.indirect_vreg.gather [hbm4b:s2+s14], $0x80, v14, vm0, $0xb8;
	[tilespmem:$0x1C880] =	vst v63  }
0x277: {  	s18 =	simm.s32 $0x3080  }
0x278: {  	[tilespmem:s18], [sflag:$0x1] =	stream.indirect_vreg.gather [hbm4b:s2+s14], $0x80, v13, vm0, $0xb8;
	[tilespmem:$0x1C880] =	vst v63  }
0x279: {  	v13 =	vld [tilespmem:$0x710];
	_ =	sdelay $0x4  }
0x27a: {  	v14 =	vshll.u32 v13, $0x1  }
0x27b: {  	v13 =	vand.u32 $0x7, v13;
	v14 =	vand.u32 $0xFFFFFFF0, v14  }
0x27c: {  	v13 =	vor.u32 v13, v14  }
0x27d: {  	v14 =	vperm.xlane v13, v10;
	_ =	sdelay $0x1  }
0x27e: {  	v13 =	vperm.xlane v13, v12;
	v14 =	vadd.s32 v11, v14;
	_ =	sdelay $0x1  }
0x27f: {  	v13 =	vadd.s32 v11, v13;
	_ =	sdelay $0x1  }
0x280: {  	s16 =	simm.s32 $0x3880  }
0x281: {  	[tilespmem:s16], [sflag:$0x1] =	stream.indirect_vreg.gather [hbm4b:s2+s14], $0x80, v14, vm0, $0xb8;
	[tilespmem:$0x1C880] =	vst v63  }
0x282: {  	_ = 	snop  }
0x283: {  	[tilespmem:s19], [sflag:$0x1] =	stream.indirect_vreg.gather [hbm4b:s2+s14], $0x80, v13, vm0, $0xb8;
	[tilespmem:$0x1C880] =	vst v63  }
0x284: {  	v13 =	vld [tilespmem:$0x780];
	_ =	sdelay $0x4  }
0x285: {  	v14 =	vshll.u32 v13, $0x1  }
0x286: {  	v13 =	vand.u32 $0x7, v13;
	v14 =	vand.u32 $0xFFFFFFF0, v14  }
0x287: {  	v13 =	vor.u32 v13, v14  }
0x288: {  	v14 =	vperm.xlane v13, v10;
	_ =	sdelay $0x1  }
0x289: {  	v13 =	vperm.xlane v13, v12;
	v14 =	vadd.s32 v11, v14;
	_ =	sdelay $0x1  }
0x28a: {  	v13 =	vadd.s32 v11, v13;
	_ =	sdelay $0x2  }
0x28b: {  	[tilespmem:s20], [sflag:$0x1] =	stream.indirect_vreg.gather [hbm4b:s2+s14], $0x80, v14, vm0, $0xb8;
	[tilespmem:$0x1C880] =	vst v63  }
0x28c: {  	_ = 	snop  }
0x28d: {  	[tilespmem:s21], [sflag:$0x1] =	stream.indirect_vreg.gather [hbm4b:s2+s14], $0x80, v13, vm0, $0xb8;
	[tilespmem:$0x1C880] =	vst v63  }
0x28e: {  	v13 =	vld [tilespmem:$0x790];
	_ =	sdelay $0x4  }
0x28f: {  	v14 =	vshll.u32 v13, $0x1  }
0x290: {  	v13 =	vand.u32 $0x7, v13;
	v14 =	vand.u32 $0xFFFFFFF0, v14  }
0x291: {  	v13 =	vor.u32 v13, v14  }
0x292: {  	v14 =	vperm.xlane v13, v10;
	_ =	sdelay $0x1  }
0x293: {  	v13 =	vperm.xlane v13, v12;
	v14 =	vadd.s32 v11, v14;
	_ =	sdelay $0x1  }
0x294: {  	v13 =	vadd.s32 v11, v13;
	_ =	sdelay $0x2  }
0x295: {  	[tilespmem:s22], [sflag:$0x1] =	stream.indirect_vreg.gather [hbm4b:s2+s14], $0x80, v14, vm0, $0xb8;
	[tilespmem:$0x1C880] =	vst v63  }
0x296: {  	_ = 	snop  }
0x297: {  	[tilespmem:s23], [sflag:$0x1] =	stream.indirect_vreg.gather [hbm4b:s2+s14], $0x80, v13, vm0, $0xb8;
	[tilespmem:$0x1C880] =	vst v63  }
0x298: {  	v13 =	vld [tilespmem:$0x800];
	_ =	sdelay $0x4  }
0x299: {  	v14 =	vshll.u32 v13, $0x1  }
0x29a: {  	v13 =	vand.u32 $0x7, v13;
	v14 =	vand.u32 $0xFFFFFFF0, v14  }
0x29b: {  	v13 =	vor.u32 v13, v14  }
0x29c: {  	v14 =	vperm.xlane v13, v10;
	_ =	sdelay $0x1  }
0x29d: {  	v13 =	vperm.xlane v13, v12;
	v14 =	vadd.s32 v11, v14;
	_ =	sdelay $0x1  }
0x29e: {  	v13 =	vadd.s32 v11, v13;
	_ =	sdelay $0x2  }
0x29f: {  	[tilespmem:s24], [sflag:$0x1] =	stream.indirect_vreg.gather [hbm4b:s2+s14], $0x80, v14, vm0, $0xb8;
	[tilespmem:$0x1C880] =	vst v63  }
0x2a0: {  	_ = 	snop  }
0x2a1: {  	[tilespmem:s25], [sflag:$0x1] =	stream.indirect_vreg.gather [hbm4b:s2+s14], $0x80, v13, vm0, $0xb8;
	[tilespmem:$0x1C880] =	vst v63  }
0x2a2: {  	v13 =	vld [tilespmem:$0x810];
	_ =	sdelay $0x4  }
0x2a3: {  	v14 =	vshll.u32 v13, $0x1  }
0x2a4: {  	v13 =	vand.u32 $0x7, v13;
	v14 =	vand.u32 $0xFFFFFFF0, v14  }
0x2a5: {  	v13 =	vor.u32 v13, v14  }
0x2a6: {  	v14 =	vperm.xlane v13, v10;
	_ =	sdelay $0x1  }
0x2a7: {  	v13 =	vperm.xlane v13, v12;
	v14 =	vadd.s32 v11, v14;
	_ =	sdelay $0x1  }
0x2a8: {  	v13 =	vadd.s32 v11, v13;
	_ =	sdelay $0x2  }
0x2a9: {  	[tilespmem:s26], [sflag:$0x1] =	stream.indirect_vreg.gather [hbm4b:s2+s14], $0x80, v14, vm0, $0xb8;
	[tilespmem:$0x1C880] =	vst v63  }
0x2aa: {  	_ = 	snop  }
0x2ab: {  	[tilespmem:s28], [sflag:$0x1] =	stream.indirect_vreg.gather [hbm4b:s2+s14], $0x80, v13, vm0, $0xb8;
	[tilespmem:$0x1C880] =	vst v63  }
0x2ac: {  	_ = 	snop  }
0x2ad: {  	[hbm4b:s6+s14] =	stream.linear.scatter [tilespmem:s31], [sflag:$0x4], $0x2000, $0x38;
	[tilespmem:$0x1C880] =	vst v63  }
0x2ae: {  	_ =	swait.ge [sflag:s1], $0x2000  }
0x2af: {  	[sflag:s1] =	ssyncset.done $0x0  }
0x2b0: {  	[sflag:s1] =	ssyncadd.s32 $0xFFFFE000  }
0x2b1: {  	_ =	swait.ge [sflag:s1], $0x2000  }
0x2b2: {  	[sflag:s1] =	ssyncset.done $0x0  }
0x2b3: {  	[sflag:s1] =	ssyncadd.s32 $0xFFFFE000  }
0x2b4: {  	_ =	swait.ge [sflag:s1], $0x2000  }
0x2b5: {  	[sflag:s1] =	ssyncset.done $0x0  }
0x2b6: {  	[sflag:s1] =	ssyncadd.s32 $0xFFFFE000  }
0x2b7: {  	_ =	swait.ge [sflag:s1], $0x2000  }
0x2b8: {  	s17 =	sand.u32 $0x1800, s14;
	s14 =	sand.u32 $0x380, s14;
	[sflag:s1] =	ssyncset.done $0x0  }
0x2b9: {  	s14 =	sor.u32 s14, s17;
	[sflag:s1] =	ssyncadd.s32 $0xFFFFE000  }
0x2ba: {  	v13 =	vld [tilespmem:s14+$0x8CF0]  }
0x2bb: {  	v14 =	vld [tilespmem:s14+$0xACF0]  }
0x2bc: {  	v15 =	vld [tilespmem:s14+$0xCCF0]  }
0x2bd: {  	v16 =	vld [tilespmem:s14+$0xECF0]  }
0x2be: {  	v17 =	vld [tilespmem:s14+$0x8880]  }
0x2bf: {  	v18 =	vld [tilespmem:s14+$0xA880]  }
0x2c0: {  	v19 =	vld [tilespmem:s14+$0xC880]  }
0x2c1: {  	v20 =	vld [tilespmem:s14+$0xE880];
	_ =	sdelay $0x1  }
0x2c2: {  	v21 =	vld [tilespmem:s14+$0x8890]  }
0x2c3: {  	v13 =	vadd.f32 v14, v13;
	v14 =	vadd.f32 v16, v15;
	v15 =	vld [tilespmem:s14+$0xA890]  }
0x2c4: {  	v16 =	vld [tilespmem:s14+$0xC890];
	v17 =	vadd.f32 v18, v17  }
0x2c5: {  	v18 =	vadd.f32 v20, v19;
	v13 =	vadd.f32 v14, v13;
	v14 =	vld [tilespmem:s14+$0xE890]  }
0x2c6: {  	v22 =	vld [tilespmem:s14+$0x88A0]  }
0x2c7: {  	v19 =	vld [tilespmem:s14+$0xA8A0];
	v17 =	vadd.f32 v18, v17;
	v13 =	vmul.f32 $2.500000000e-01, v13  }
0x2c8: {  	v20 =	vld [tilespmem:s14+$0xC8A0]  }
0x2c9: {  	v17 =	vmul.f32 $2.500000000e-01, v17;
	[tilespmem:s14+$0x1ACF0] =	vst v13;
	v13 =	vld [tilespmem:s14+$0xE8A0]  }
0x2ca: {  	v18 =	vld [tilespmem:s14+$0x88B0];
	v15 =	vadd.f32 v15, v21;
	v14 =	vadd.f32 v14, v16  }
0x2cb: {  	[tilespmem:s14+$0x1A880] =	vst v17;
	v17 =	vld [tilespmem:s14+$0xE8B0]  }
0x2cc: {  	v16 =	vld [tilespmem:s14+$0xA8B0];
	v14 =	vadd.f32 v14, v15  }
0x2cd: {  	v15 =	vld [tilespmem:s14+$0xC8B0]  }
0x2ce: {  	v21 =	vld [tilespmem:s14+$0x88C0];
	v19 =	vadd.f32 v19, v22;
	v14 =	vmul.f32 $2.500000000e-01, v14;
	v13 =	vadd.f32 v13, v20  }
0x2cf: {  	v20 =	vld [tilespmem:s14+$0xA8C0]  }
0x2d0: {  	[tilespmem:s14+$0x1A890] =	vst v14;
	v13 =	vadd.f32 v13, v19;
	v14 =	vld [tilespmem:s14+$0xC8C0]  }
0x2d1: {  	v19 =	vld [tilespmem:s14+$0xE8C0]  }
0x2d2: {  	v22 =	vld [tilespmem:s14+$0x88D0];
	v16 =	vadd.f32 v16, v18;
	v15 =	vadd.f32 v17, v15;
	v13 =	vmul.f32 $2.500000000e-01, v13  }
0x2d3: {  	v17 =	vld [tilespmem:s14+$0xA8D0]  }
0x2d4: {  	[tilespmem:s14+$0x1A8A0] =	vst v13;
	v13 =	vadd.f32 v15, v16;
	v15 =	vld [tilespmem:s14+$0xC8D0]  }
0x2d5: {  	v16 =	vld [tilespmem:s14+$0xE8D0]  }
0x2d6: {  	v18 =	vld [tilespmem:s14+$0x88E0];
	v20 =	vadd.f32 v20, v21;
	v14 =	vadd.f32 v19, v14;
	v13 =	vmul.f32 $2.500000000e-01, v13  }
0x2d7: {  	v19 =	vld [tilespmem:s14+$0xA8E0]  }
0x2d8: {  	[tilespmem:s14+$0x1A8B0] =	vst v13;
	v13 =	vadd.f32 v14, v20;
	v14 =	vld [tilespmem:s14+$0xC8E0]  }
0x2d9: {  	v20 =	vld [tilespmem:s14+$0xE8E0]  }
0x2da: {  	v21 =	vld [tilespmem:s14+$0x88F0];
	v17 =	vadd.f32 v17, v22;
	v15 =	vadd.f32 v16, v15;
	v13 =	vmul.f32 $2.500000000e-01, v13  }
0x2db: {  	v16 =	vld [tilespmem:s14+$0xA8F0]  }
0x2dc: {  	[tilespmem:s14+$0x1A8C0] =	vst v13;
	v13 =	vadd.f32 v15, v17;
	v15 =	vld [tilespmem:s14+$0xC8F0]  }
0x2dd: {  	v17 =	vld [tilespmem:s14+$0xE8F0]  }
0x2de: {  	v22 =	vld [tilespmem:s14+$0x8C80];
	v18 =	vadd.f32 v19, v18;
	v14 =	vadd.f32 v20, v14;
	v13 =	vmul.f32 $2.500000000e-01, v13  }
0x2df: {  	v19 =	vld [tilespmem:s14+$0xAC80]  }
0x2e0: {  	[tilespmem:s14+$0x1A8D0] =	vst v13;
	v13 =	vadd.f32 v14, v18;
	v14 =	vld [tilespmem:s14+$0xCC80]  }
0x2e1: {  	v18 =	vld [tilespmem:s14+$0xEC80]  }
0x2e2: {  	v20 =	vld [tilespmem:s14+$0x8C90];
	v16 =	vadd.f32 v16, v21;
	v15 =	vadd.f32 v17, v15;
	v13 =	vmul.f32 $2.500000000e-01, v13  }
0x2e3: {  	v17 =	vld [tilespmem:s14+$0xAC90]  }
0x2e4: {  	[tilespmem:s14+$0x1A8E0] =	vst v13;
	v13 =	vadd.f32 v15, v16;
	v15 =	vld [tilespmem:s14+$0xCC90]  }
0x2e5: {  	v16 =	vld [tilespmem:s14+$0xEC90]  }
0x2e6: {  	v21 =	vld [tilespmem:s14+$0x8CA0];
	v19 =	vadd.f32 v19, v22;
	v14 =	vadd.f32 v18, v14;
	v13 =	vmul.f32 $2.500000000e-01, v13  }
0x2e7: {  	v18 =	vld [tilespmem:s14+$0xACA0]  }
0x2e8: {  	[tilespmem:s14+$0x1A8F0] =	vst v13;
	v13 =	vadd.f32 v14, v19;
	v14 =	vld [tilespmem:s14+$0xCCA0]  }
0x2e9: {  	v19 =	vld [tilespmem:s14+$0xECA0]  }
0x2ea: {  	v22 =	vld [tilespmem:s14+$0x8CB0];
	v17 =	vadd.f32 v17, v20;
	v15 =	vadd.f32 v16, v15;
	v13 =	vmul.f32 $2.500000000e-01, v13  }
0x2eb: {  	v20 =	vld [tilespmem:s14+$0x8CC0]  }
0x2ec: {  	v16 =	vld [tilespmem:s14+$0xACB0];
	[tilespmem:s14+$0x1AC80] =	vst v13;
	v13 =	vadd.f32 v15, v17  }
0x2ed: {  	v15 =	vld [tilespmem:s14+$0xCCB0]  }
0x2ee: {  	v18 =	vadd.f32 v18, v21;
	v17 =	vld [tilespmem:s14+$0xECB0];
	v14 =	vadd.f32 v19, v14;
	v13 =	vmul.f32 $2.500000000e-01, v13  }
0x2ef: {  	v19 =	vld [tilespmem:s14+$0xACC0]  }
0x2f0: {  	[tilespmem:s14+$0x1AC90] =	vst v13;
	v13 =	vadd.f32 v14, v18;
	v14 =	vld [tilespmem:s14+$0xCCC0]  }
0x2f1: {  	v18 =	vld [tilespmem:s14+$0xECC0]  }
0x2f2: {  	v23 =	vld [tilespmem:s14+$0xECD0]  }
0x2f3: {  	v21 =	vld [tilespmem:s14+$0x8CD0];
	v16 =	vadd.f32 v16, v22;
	v15 =	vadd.f32 v17, v15;
	v13 =	vmul.f32 $2.500000000e-01, v13  }
0x2f4: {  	v22 =	vld [tilespmem:s14+$0xACD0]  }
0x2f5: {  	[tilespmem:s14+$0x1ACA0] =	vst v13;
	v13 =	vadd.f32 v15, v16;
	v16 =	vld [tilespmem:s14+$0xCCD0]  }
0x2f6: {  	v19 =	vadd.f32 v19, v20;
	v15 =	vld [tilespmem:s14+$0xACE0];
	v14 =	vadd.f32 v18, v14  }
0x2f7: {  	s15 =	simm.s32 $0x80;
	s16 =	simm.s32 $0x100;
	v17 =	vmul.f32 $2.500000000e-01, v13;
	v13 =	vld [tilespmem:s14+$0x8CE0]  }
0x2f8: {  	s18 =	sand.u32 $0x380, s15;
	s16 =	sand.u32 $0x1800, s16;
	v18 =	vld [tilespmem:s14+$0xECE0];
	v20 =	vadd.f32 v14, v19  }
0x2f9: {  	s17 =	sor.u32 s18, s16;
	[tilespmem:s14+$0x1ACB0] =	vst v17;
	v17 =	vld [tilespmem:s14+$0xCCE0]  }
0x2fa: {  	v19 =	vadd.f32 v22, v21;
	v14 =	vld [tilespmem:s17+$0x8CF0];
	v20 =	vmul.f32 $2.500000000e-01, v20;
	v21 =	vadd.f32 v23, v16  }
0x2fb: {  	s16 =	simm.s32 $0x200;
	v16 =	vld [tilespmem:s17+$0xACF0]  }
.LBB2_4:
0x2fc: {  	p0 =	sne.s32 s16, $0x1F00;
	v22 =	vld [tilespmem:s17+$0xCCF0];
	[tilespmem:s14+$0x1ACC0] =	vst v20;
	v19 =	vadd.f32 v21, v19;
	v13 =	vadd.f32 v15, v13  }
0x2fd: {  	v15 =	vld [tilespmem:s17+$0xECF0]  }
0x2fe: {  	v20 =	vld [tilespmem:s17+$0x8880];
	v19 =	vmul.f32 $2.500000000e-01, v19;
	v17 =	vadd.f32 v18, v17  }
0x2ff: {  	v18 =	vld [tilespmem:s17+$0xA880]  }
0x300: {  	v21 =	vld [tilespmem:s17+$0xC880];
	[tilespmem:s14+$0x1ACD0] =	vst v19;
	v13 =	vadd.f32 v17, v13  }
0x301: {  	v17 =	vld [tilespmem:s17+$0xE880]  }
0x302: {  	v14 =	vadd.f32 v16, v14;
	v19 =	vld [tilespmem:s17+$0x8890];
	v15 =	vadd.f32 v15, v22;
	v13 =	vmul.f32 $2.500000000e-01, v13  }
0x303: {  	v16 =	vld [tilespmem:s17+$0xA890]  }
0x304: {  	v18 =	vadd.f32 v18, v20;
	v20 =	vld [tilespmem:s17+$0xC890];
	v14 =	vadd.f32 v15, v14;
	[tilespmem:s14+$0x1ACE0] =	vst v13;
	s14 =	smov.u32 s17  }
0x305: {  	v13 =	vld [tilespmem:s14+$0xE890]  }
0x306: {  	v15 =	vadd.f32 v17, v21;
	v17 =	vld [tilespmem:s14+$0x88A0];
	v14 =	vmul.f32 $2.500000000e-01, v14  }
0x307: {  	v21 =	vld [tilespmem:s14+$0xA8A0]  }
0x308: {  	v15 =	vadd.f32 v15, v18;
	v16 =	vadd.f32 v16, v19;
	v18 =	vld [tilespmem:s14+$0xC8A0];
	[tilespmem:s14+$0x1ACF0] =	vst v14  }
0x309: {  	v14 =	vld [tilespmem:s14+$0xE8A0]  }
0x30a: {  	v15 =	vmul.f32 $2.500000000e-01, v15;
	v13 =	vadd.f32 v13, v20;
	v19 =	vld [tilespmem:s14+$0x88B0]  }
0x30b: {  	v20 =	vld [tilespmem:s14+$0xA8B0]  }
0x30c: {  	[tilespmem:s14+$0x1A880] =	vst v15;
	v13 =	vadd.f32 v13, v16;
	v15 =	vadd.f32 v21, v17;
	v16 =	vld [tilespmem:s14+$0xC8B0]  }
0x30d: {  	v17 =	vld [tilespmem:s14+$0xE8B0]  }
0x30e: {  	v13 =	vmul.f32 $2.500000000e-01, v13;
	v14 =	vadd.f32 v14, v18;
	v18 =	vld [tilespmem:s14+$0x88C0]  }
0x30f: {  	v21 =	vld [tilespmem:s14+$0xA8C0]  }
0x310: {  	[tilespmem:s14+$0x1A890] =	vst v13;
	v13 =	vadd.f32 v14, v15;
	v14 =	vadd.f32 v20, v19;
	v15 =	vld [tilespmem:s14+$0xC8C0]  }
0x311: {  	v19 =	vld [tilespmem:s14+$0xE8C0]  }
0x312: {  	v13 =	vmul.f32 $2.500000000e-01, v13;
	v16 =	vadd.f32 v17, v16;
	v17 =	vld [tilespmem:s14+$0x88D0]  }
0x313: {  	v20 =	vld [tilespmem:s14+$0xA8D0]  }
0x314: {  	[tilespmem:s14+$0x1A8A0] =	vst v13;
	v13 =	vadd.f32 v16, v14;
	v14 =	vadd.f32 v21, v18;
	v16 =	vld [tilespmem:s14+$0xC8D0]  }
0x315: {  	v18 =	vld [tilespmem:s14+$0xE8D0]  }
0x316: {  	v13 =	vmul.f32 $2.500000000e-01, v13;
	v15 =	vadd.f32 v19, v15;
	v19 =	vld [tilespmem:s14+$0x88E0]  }
0x317: {  	v21 =	vld [tilespmem:s14+$0xA8E0]  }
0x318: {  	[tilespmem:s14+$0x1A8B0] =	vst v13;
	v13 =	vadd.f32 v15, v14;
	v14 =	vadd.f32 v20, v17;
	v15 =	vld [tilespmem:s14+$0xC8E0]  }
0x319: {  	v17 =	vld [tilespmem:s14+$0xE8E0]  }
0x31a: {  	v13 =	vmul.f32 $2.500000000e-01, v13;
	v16 =	vadd.f32 v18, v16;
	v18 =	vld [tilespmem:s14+$0x88F0]  }
0x31b: {  	v20 =	vld [tilespmem:s14+$0xA8F0]  }
0x31c: {  	[tilespmem:s14+$0x1A8C0] =	vst v13;
	v13 =	vadd.f32 v16, v14;
	v14 =	vadd.f32 v21, v19;
	v16 =	vld [tilespmem:s14+$0xC8F0]  }
0x31d: {  	v19 =	vld [tilespmem:s14+$0xE8F0]  }
0x31e: {  	v13 =	vmul.f32 $2.500000000e-01, v13;
	v15 =	vadd.f32 v17, v15;
	v17 =	vld [tilespmem:s14+$0x8C80]  }
0x31f: {  	v21 =	vld [tilespmem:s14+$0xAC80]  }
0x320: {  	[tilespmem:s14+$0x1A8D0] =	vst v13;
	v13 =	vadd.f32 v15, v14;
	v14 =	vadd.f32 v20, v18;
	v15 =	vld [tilespmem:s14+$0xCC80]  }
0x321: {  	v18 =	vld [tilespmem:s14+$0xEC80]  }
0x322: {  	v13 =	vmul.f32 $2.500000000e-01, v13;
	v16 =	vadd.f32 v19, v16;
	v19 =	vld [tilespmem:s14+$0x8C90]  }
0x323: {  	v20 =	vld [tilespmem:s14+$0xAC90]  }
0x324: {  	[tilespmem:s14+$0x1A8E0] =	vst v13;
	v13 =	vadd.f32 v16, v14;
	v14 =	vadd.f32 v21, v17;
	v16 =	vld [tilespmem:s14+$0xCC90]  }
0x325: {  	v17 =	vld [tilespmem:s14+$0xEC90]  }
0x326: {  	v13 =	vmul.f32 $2.500000000e-01, v13;
	v15 =	vadd.f32 v18, v15;
	v18 =	vld [tilespmem:s14+$0x8CA0]  }
0x327: {  	v21 =	vld [tilespmem:s14+$0xACA0]  }
0x328: {  	[tilespmem:s14+$0x1A8F0] =	vst v13;
	v13 =	vadd.f32 v15, v14;
	v14 =	vadd.f32 v20, v19;
	v15 =	vld [tilespmem:s14+$0xCCA0]  }
0x329: {  	v19 =	vld [tilespmem:s14+$0xECA0]  }
0x32a: {  	v13 =	vmul.f32 $2.500000000e-01, v13;
	v16 =	vadd.f32 v17, v16;
	v17 =	vld [tilespmem:s14+$0x8CB0]  }
0x32b: {  	v20 =	vld [tilespmem:s14+$0xACB0]  }
0x32c: {  	[tilespmem:s14+$0x1AC80] =	vst v13;
	v13 =	vadd.f32 v16, v14;
	v14 =	vadd.f32 v21, v18;
	v16 =	vld [tilespmem:s14+$0xCCB0]  }
0x32d: {  	v18 =	vld [tilespmem:s14+$0xECB0]  }
0x32e: {  	v13 =	vmul.f32 $2.500000000e-01, v13;
	v15 =	vadd.f32 v19, v15;
	v19 =	vld [tilespmem:s14+$0x8CC0]  }
0x32f: {  	v21 =	vld [tilespmem:s14+$0xACC0]  }
0x330: {  	[tilespmem:s14+$0x1AC90] =	vst v13;
	v13 =	vadd.f32 v15, v14;
	v14 =	vadd.f32 v20, v17;
	v15 =	vld [tilespmem:s14+$0xCCC0]  }
0x331: {  	v17 =	vld [tilespmem:s14+$0xECC0]  }
0x332: {  	v13 =	vmul.f32 $2.500000000e-01, v13;
	v16 =	vadd.f32 v18, v16;
	v18 =	vld [tilespmem:s14+$0x8CD0]  }
0x333: {  	v20 =	vld [tilespmem:s14+$0xACD0]  }
0x334: {  	[tilespmem:s14+$0x1ACA0] =	vst v13;
	v13 =	vadd.f32 v16, v14;
	v14 =	vadd.f32 v21, v19;
	v16 =	vld [tilespmem:s14+$0xCCD0]  }
0x335: {  	v21 =	vld [tilespmem:s14+$0xECD0]  }
0x336: {  	v19 =	vmul.f32 $2.500000000e-01, v13;
	v17 =	vadd.f32 v17, v15;
	v13 =	vld [tilespmem:s14+$0x8CE0]  }
.Ltmp1:
0x337: {  	s15 =	sadd.s32 $0x80, s15;
	v15 =	vld [tilespmem:s14+$0xACE0];
	(pc) =	sbr.rel @p0 .LBB2_4-.Ltmp1, $4  }
0x338: {  	s18 =	sand.u32 $0x380, s15;
	s17 =	sand.u32 $0x1800, s16;
	[tilespmem:s14+$0x1ACB0] =	vst v19;
	v22 =	vadd.f32 v17, v14;
	v19 =	vadd.f32 v20, v18;
	v17 =	vld [tilespmem:s14+$0xCCE0]  }
0x339: {  	s17 =	sor.u32 s18, s17;
	v18 =	vld [tilespmem:s14+$0xECE0]  }
0x33a: {  	v14 =	vld [tilespmem:s17+$0x8CF0];
	v20 =	vmul.f32 $2.500000000e-01, v22;
	v21 =	vadd.f32 v21, v16  }
0x33b: {  	s16 =	sadd.s32 $0x100, s16;
	v16 =	vld [tilespmem:s17+$0xACF0]  }
0x33c: {  	v22 =	vld [tilespmem:s17+$0xCCF0];
	[tilespmem:s14+$0x1ACC0] =	vst v20;
	v19 =	vadd.f32 v21, v19  }
0x33d: {  	v20 =	vld [tilespmem:s17+$0xECF0]  }
0x33e: {  	v13 =	vadd.f32 v15, v13;
	v21 =	vld [tilespmem:s17+$0x8880];
	v19 =	vmul.f32 $2.500000000e-01, v19;
	v15 =	vadd.f32 v18, v17  }
0x33f: {  	v23 =	vld [tilespmem:s17+$0xA880]  }
0x340: {  	v17 =	vld [tilespmem:s17+$0xC880];
	[tilespmem:s14+$0x1ACD0] =	vst v19;
	v13 =	vadd.f32 v15, v13  }
0x341: {  	v15 =	vld [tilespmem:s17+$0xE880]  }
0x342: {  	v18 =	vld [tilespmem:s17+$0x8890];
	v13 =	vmul.f32 $2.500000000e-01, v13  }
0x343: {  	v14 =	vadd.f32 v16, v14;
	v19 =	vld [tilespmem:s17+$0xA890];
	v16 =	vadd.f32 v20, v22  }
0x344: {  	v20 =	vld [tilespmem:s17+$0xC890];
	[tilespmem:s14+$0x1ACE0] =	vst v13  }
0x345: {  	v13 =	vadd.f32 v16, v14;
	v14 =	vld [tilespmem:s17+$0xE890]  }
0x346: {  	v16 =	vld [tilespmem:s17+$0x88A0]  }
0x347: {  	v21 =	vadd.f32 v23, v21;
	v22 =	vld [tilespmem:s17+$0xC8A0];
	v15 =	vadd.f32 v15, v17  }
0x348: {  	v23 =	vld [tilespmem:s17+$0xACE0];
	v13 =	vmul.f32 $2.500000000e-01, v13  }
0x349: {  	v17 =	vld [tilespmem:s17+$0xA8A0];
	v15 =	vadd.f32 v15, v21  }
0x34a: {  	[tilespmem:s17+$0x1ACF0] =	vst v13;
	v13 =	vld [tilespmem:s17+$0xE8A0]  }
0x34b: {  	v18 =	vadd.f32 v19, v18;
	v19 =	vld [tilespmem:s17+$0xA8B0];
	v15 =	vmul.f32 $2.500000000e-01, v15  }
0x34c: {  	v21 =	vld [tilespmem:s17+$0x88B0];
	v14 =	vadd.f32 v14, v20  }
0x34d: {  	[tilespmem:s17+$0x1A880] =	vst v15;
	v15 =	vld [tilespmem:s17+$0xC8B0]  }
0x34e: {  	v14 =	vadd.f32 v14, v18;
	v18 =	vld [tilespmem:s17+$0xE8B0]  }
0x34f: {  	v20 =	vld [tilespmem:s17+$0x88C0];
	v16 =	vadd.f32 v17, v16;
	v13 =	vadd.f32 v13, v22  }
0x350: {  	v17 =	vld [tilespmem:s17+$0xA8C0];
	v14 =	vmul.f32 $2.500000000e-01, v14  }
0x351: {  	v13 =	vadd.f32 v13, v16;
	v16 =	vld [tilespmem:s17+$0xE8C0]  }
0x352: {  	[tilespmem:s17+$0x1A890] =	vst v14;
	v14 =	vld [tilespmem:s17+$0xC8C0]  }
0x353: {  	v22 =	vld [tilespmem:s17+$0x88D0];
	v19 =	vadd.f32 v19, v21;
	v13 =	vmul.f32 $2.500000000e-01, v13;
	v15 =	vadd.f32 v18, v15  }
0x354: {  	v18 =	vld [tilespmem:s17+$0xA8D0]  }
0x355: {  	[tilespmem:s17+$0x1A8A0] =	vst v13;
	v13 =	vadd.f32 v15, v19;
	v15 =	vld [tilespmem:s17+$0xC8D0]  }
0x356: {  	v19 =	vld [tilespmem:s17+$0xE8D0]  }
0x357: {  	v21 =	vld [tilespmem:s17+$0x88E0];
	v17 =	vadd.f32 v17, v20;
	v13 =	vmul.f32 $2.500000000e-01, v13;
	v14 =	vadd.f32 v16, v14  }
0x358: {  	v16 =	vld [tilespmem:s17+$0xA8E0]  }
0x359: {  	[tilespmem:s17+$0x1A8B0] =	vst v13;
	v13 =	vadd.f32 v14, v17;
	v14 =	vld [tilespmem:s17+$0xC8E0]  }
0x35a: {  	v17 =	vld [tilespmem:s17+$0xE8E0]  }
0x35b: {  	v20 =	vld [tilespmem:s17+$0x88F0];
	v18 =	vadd.f32 v18, v22;
	v15 =	vadd.f32 v19, v15;
	v13 =	vmul.f32 $2.500000000e-01, v13  }
0x35c: {  	v19 =	vld [tilespmem:s17+$0xA8F0]  }
0x35d: {  	[tilespmem:s17+$0x1A8C0] =	vst v13;
	v13 =	vadd.f32 v15, v18;
	v15 =	vld [tilespmem:s17+$0xC8F0]  }
0x35e: {  	v18 =	vld [tilespmem:s17+$0xE8F0]  }
0x35f: {  	v22 =	vld [tilespmem:s17+$0x8C80];
	v16 =	vadd.f32 v16, v21;
	v14 =	vadd.f32 v17, v14;
	v13 =	vmul.f32 $2.500000000e-01, v13  }
0x360: {  	v17 =	vld [tilespmem:s17+$0xAC80]  }
0x361: {  	[tilespmem:s17+$0x1A8D0] =	vst v13;
	v13 =	vadd.f32 v14, v16;
	v14 =	vld [tilespmem:s17+$0xCC80]  }
0x362: {  	v16 =	vld [tilespmem:s17+$0xEC80]  }
0x363: {  	v21 =	vld [tilespmem:s17+$0x8C90];
	v19 =	vadd.f32 v19, v20;
	v15 =	vadd.f32 v18, v15;
	v13 =	vmul.f32 $2.500000000e-01, v13  }
0x364: {  	v18 =	vld [tilespmem:s17+$0xAC90]  }
0x365: {  	[tilespmem:s17+$0x1A8E0] =	vst v13;
	v13 =	vadd.f32 v15, v19;
	v15 =	vld [tilespmem:s17+$0xCC90]  }
0x366: {  	v19 =	vld [tilespmem:s17+$0xEC90]  }
0x367: {  	v20 =	vld [tilespmem:s17+$0x8CA0];
	v17 =	vadd.f32 v17, v22;
	v14 =	vadd.f32 v16, v14;
	v13 =	vmul.f32 $2.500000000e-01, v13  }
0x368: {  	v16 =	vld [tilespmem:s17+$0xACA0]  }
0x369: {  	[tilespmem:s17+$0x1A8F0] =	vst v13;
	v13 =	vadd.f32 v14, v17;
	v14 =	vld [tilespmem:s17+$0xCCA0]  }
0x36a: {  	v17 =	vld [tilespmem:s17+$0xECA0]  }
0x36b: {  	v22 =	vld [tilespmem:s17+$0x8CB0];
	v18 =	vadd.f32 v18, v21;
	v15 =	vadd.f32 v19, v15;
	v13 =	vmul.f32 $2.500000000e-01, v13  }
0x36c: {  	v19 =	vld [tilespmem:s17+$0xACB0]  }
0x36d: {  	[tilespmem:s17+$0x1AC80] =	vst v13;
	v13 =	vadd.f32 v15, v18;
	v15 =	vld [tilespmem:s17+$0xCCB0]  }
0x36e: {  	v18 =	vld [tilespmem:s17+$0xECB0]  }
0x36f: {  	v24 =	vld [tilespmem:s17+$0xECE0];
	v16 =	vadd.f32 v16, v20;
	v14 =	vadd.f32 v17, v14;
	v13 =	vmul.f32 $2.500000000e-01, v13  }
0x370: {  	v21 =	vld [tilespmem:s17+$0x8CC0]  }
0x371: {  	v20 =	vld [tilespmem:s17+$0x8CD0];
	[tilespmem:s17+$0x1AC90] =	vst v13;
	v13 =	vadd.f32 v14, v16  }
0x372: {  	v17 =	vld [tilespmem:s17+$0xACC0]  }
0x373: {  	v19 =	vadd.f32 v19, v22;
	v22 =	vld [tilespmem:s17+$0x8CE0];
	v15 =	vadd.f32 v18, v15;
	v13 =	vmul.f32 $2.500000000e-01, v13  }
0x374: {  	v14 =	vld [tilespmem:s17+$0xCCC0]  }
0x375: {  	v16 =	vld [tilespmem:s17+$0xECC0];
	[tilespmem:s17+$0x1ACA0] =	vst v13;
	v13 =	vadd.f32 v15, v19  }
0x376: {  	v18 =	vld [tilespmem:s17+$0xACD0]  }
0x377: {  	v15 =	vld [tilespmem:s17+$0xCCD0];
	v13 =	vmul.f32 $2.500000000e-01, v13  }
0x378: {  	v19 =	vld [tilespmem:s17+$0xECD0]  }
0x379: {  	[tilespmem:s17+$0x1ACB0] =	vst v13;
	v13 =	vld [tilespmem:s17+$0xCCE0];
	_ =	sdelay $0x1  }
0x37a: {  	v17 =	vadd.f32 v17, v21;
	v14 =	vadd.f32 v16, v14  }
0x37b: {  	v16 =	vadd.f32 v18, v20  }
0x37c: {  	v14 =	vadd.f32 v14, v17;
	v15 =	vadd.f32 v19, v15  }
0x37d: {  	v17 =	vadd.f32 v23, v22;
	v13 =	vadd.f32 v24, v13  }
0x37e: {  	v15 =	vadd.f32 v15, v16  }
0x37f: {  	v14 =	vmul.f32 $2.500000000e-01, v14;
	v13 =	vadd.f32 v13, v17  }
0x380: {  	v15 =	vmul.f32 $2.500000000e-01, v15  }
0x381: {  	[tilespmem:s17+$0x1ACC0] =	vst v14;
	v13 =	vmul.f32 $2.500000000e-01, v13  }
0x382: {  	[tilespmem:s17+$0x1ACD0] =	vst v15  }
0x383: {  	[tilespmem:s17+$0x1ACE0] =	vst v13;
	s17 =	simm.s32 $0x0  }
0x384: {  	[hbm4b:s7+s17] =	stream.linear.scatter [tilespmem:s0], [sflag:$0x5], $0x2000, $0x38;
	[tilespmem:$0x1C880] =	vst v63  }
0x385: {  	_ =	swait.ge [sflag:s29], $0x2000  }
0x386: {  	[sflag:s29] =	ssyncset.done $0x0  }
0x387: {  	[sflag:s29] =	ssyncadd.s32 $0xFFFFE000  }
0x388: {  	_ =	swait.ge [sflag:s29], $0x2000  }
0x389: {  	[sflag:s29] =	ssyncset.done $0x0  }
0x38a: {  	[sflag:s29] =	ssyncadd.s32 $0xFFFFE000  }
0x38b: {  	_ =	swait.ge [sflag:s29], $0x2000  }
0x38c: {  	[sflag:s29] =	ssyncset.done $0x0  }
0x38d: {  	[sflag:s29] =	ssyncadd.s32 $0xFFFFE000  }
0x38e: {  	_ =	swait.ge [sflag:s29], $0x2000  }
0x38f: {  	[sflag:s29] =	ssyncset.done $0x0  }
0x390: {  	[sflag:s29] =	ssyncadd.s32 $0xFFFFE000  }
0x391: {  	_ =	swait.ge [sflag:s30], $0x2000  }
0x392: {  	s15 =	sand.u32 $0x1800, s17;
	s14 =	sand.u32 $0x380, s17;
	[sflag:s30] =	ssyncset.done $0x0  }
0x393: {  	s14 =	sor.u32 s14, s15;
	[sflag:s30] =	ssyncadd.s32 $0xFFFFE000  }
0x394: {  	v13 =	vld [tilespmem:s14+$0x10CF0]  }
0x395: {  	v14 =	vld [tilespmem:s14+$0x12CF0]  }
0x396: {  	v15 =	vld [tilespmem:s14+$0x14CF0]  }
0x397: {  	v16 =	vld [tilespmem:s14+$0x16CF0]  }
0x398: {  	v17 =	vld [tilespmem:s14+$0x10880]  }
0x399: {  	v18 =	vld [tilespmem:s14+$0x12880]  }
0x39a: {  	v19 =	vld [tilespmem:s14+$0x14880]  }
0x39b: {  	v20 =	vld [tilespmem:s14+$0x16880];
	_ =	sdelay $0x1  }
0x39c: {  	v21 =	vld [tilespmem:s14+$0x10890]  }
0x39d: {  	v13 =	vadd.f32 v14, v13;
	v14 =	vadd.f32 v16, v15;
	v15 =	vld [tilespmem:s14+$0x12890]  }
0x39e: {  	v16 =	vld [tilespmem:s14+$0x14890];
	v17 =	vadd.f32 v18, v17  }
0x39f: {  	v18 =	vadd.f32 v20, v19;
	v13 =	vadd.f32 v14, v13;
	v14 =	vld [tilespmem:s14+$0x16890]  }
0x3a0: {  	v22 =	vld [tilespmem:s14+$0x108A0]  }
0x3a1: {  	v19 =	vld [tilespmem:s14+$0x128A0];
	v17 =	vadd.f32 v18, v17;
	v13 =	vmul.f32 $2.500000000e-01, v13  }
0x3a2: {  	v20 =	vld [tilespmem:s14+$0x148A0]  }
0x3a3: {  	v17 =	vmul.f32 $2.500000000e-01, v17;
	[tilespmem:s14+$0x18CF0] =	vst v13;
	v13 =	vld [tilespmem:s14+$0x168A0]  }
0x3a4: {  	v18 =	vld [tilespmem:s14+$0x108B0];
	v15 =	vadd.f32 v15, v21;
	v14 =	vadd.f32 v14, v16  }
0x3a5: {  	[tilespmem:s14+$0x18880] =	vst v17;
	v17 =	vld [tilespmem:s14+$0x168B0]  }
0x3a6: {  	v16 =	vld [tilespmem:s14+$0x128B0];
	v14 =	vadd.f32 v14, v15  }
0x3a7: {  	v15 =	vld [tilespmem:s14+$0x148B0]  }
0x3a8: {  	v21 =	vld [tilespmem:s14+$0x108C0];
	v19 =	vadd.f32 v19, v22;
	v14 =	vmul.f32 $2.500000000e-01, v14;
	v13 =	vadd.f32 v13, v20  }
0x3a9: {  	v20 =	vld [tilespmem:s14+$0x128C0]  }
0x3aa: {  	[tilespmem:s14+$0x18890] =	vst v14;
	v13 =	vadd.f32 v13, v19;
	v14 =	vld [tilespmem:s14+$0x148C0]  }
0x3ab: {  	v19 =	vld [tilespmem:s14+$0x168C0]  }
0x3ac: {  	v22 =	vld [tilespmem:s14+$0x108D0];
	v16 =	vadd.f32 v16, v18;
	v15 =	vadd.f32 v17, v15;
	v13 =	vmul.f32 $2.500000000e-01, v13  }
0x3ad: {  	v17 =	vld [tilespmem:s14+$0x128D0]  }
0x3ae: {  	[tilespmem:s14+$0x188A0] =	vst v13;
	v13 =	vadd.f32 v15, v16;
	v15 =	vld [tilespmem:s14+$0x148D0]  }
0x3af: {  	v16 =	vld [tilespmem:s14+$0x168D0]  }
0x3b0: {  	v18 =	vld [tilespmem:s14+$0x108E0];
	v20 =	vadd.f32 v20, v21;
	v14 =	vadd.f32 v19, v14;
	v13 =	vmul.f32 $2.500000000e-01, v13  }
0x3b1: {  	v19 =	vld [tilespmem:s14+$0x128E0]  }
0x3b2: {  	[tilespmem:s14+$0x188B0] =	vst v13;
	v13 =	vadd.f32 v14, v20;
	v14 =	vld [tilespmem:s14+$0x148E0]  }
0x3b3: {  	v20 =	vld [tilespmem:s14+$0x168E0]  }
0x3b4: {  	v21 =	vld [tilespmem:s14+$0x108F0];
	v17 =	vadd.f32 v17, v22;
	v15 =	vadd.f32 v16, v15;
	v13 =	vmul.f32 $2.500000000e-01, v13  }
0x3b5: {  	v16 =	vld [tilespmem:s14+$0x128F0]  }
0x3b6: {  	[tilespmem:s14+$0x188C0] =	vst v13;
	v13 =	vadd.f32 v15, v17;
	v15 =	vld [tilespmem:s14+$0x148F0]  }
0x3b7: {  	v17 =	vld [tilespmem:s14+$0x168F0]  }
0x3b8: {  	v22 =	vld [tilespmem:s14+$0x10C80];
	v18 =	vadd.f32 v19, v18;
	v14 =	vadd.f32 v20, v14;
	v13 =	vmul.f32 $2.500000000e-01, v13  }
0x3b9: {  	v19 =	vld [tilespmem:s14+$0x12C80]  }
0x3ba: {  	[tilespmem:s14+$0x188D0] =	vst v13;
	v13 =	vadd.f32 v14, v18;
	v14 =	vld [tilespmem:s14+$0x14C80]  }
0x3bb: {  	v18 =	vld [tilespmem:s14+$0x16C80]  }
0x3bc: {  	v20 =	vld [tilespmem:s14+$0x10C90];
	v16 =	vadd.f32 v16, v21;
	v15 =	vadd.f32 v17, v15;
	v13 =	vmul.f32 $2.500000000e-01, v13  }
0x3bd: {  	v17 =	vld [tilespmem:s14+$0x12C90]  }
0x3be: {  	[tilespmem:s14+$0x188E0] =	vst v13;
	v13 =	vadd.f32 v15, v16;
	v15 =	vld [tilespmem:s14+$0x14C90]  }
0x3bf: {  	v16 =	vld [tilespmem:s14+$0x16C90]  }
0x3c0: {  	v21 =	vld [tilespmem:s14+$0x10CA0];
	v19 =	vadd.f32 v19, v22;
	v14 =	vadd.f32 v18, v14;
	v13 =	vmul.f32 $2.500000000e-01, v13  }
0x3c1: {  	v18 =	vld [tilespmem:s14+$0x12CA0]  }
0x3c2: {  	[tilespmem:s14+$0x188F0] =	vst v13;
	v13 =	vadd.f32 v14, v19;
	v14 =	vld [tilespmem:s14+$0x14CA0]  }
0x3c3: {  	v19 =	vld [tilespmem:s14+$0x16CA0]  }
0x3c4: {  	v22 =	vld [tilespmem:s14+$0x10CB0];
	v17 =	vadd.f32 v17, v20;
	v15 =	vadd.f32 v16, v15;
	v13 =	vmul.f32 $2.500000000e-01, v13  }
0x3c5: {  	v20 =	vld [tilespmem:s14+$0x10CC0]  }
0x3c6: {  	v16 =	vld [tilespmem:s14+$0x12CB0];
	[tilespmem:s14+$0x18C80] =	vst v13;
	v13 =	vadd.f32 v15, v17  }
0x3c7: {  	v15 =	vld [tilespmem:s14+$0x14CB0]  }
0x3c8: {  	v18 =	vadd.f32 v18, v21;
	v17 =	vld [tilespmem:s14+$0x16CB0];
	v14 =	vadd.f32 v19, v14;
	v13 =	vmul.f32 $2.500000000e-01, v13  }
0x3c9: {  	v19 =	vld [tilespmem:s14+$0x12CC0]  }
0x3ca: {  	[tilespmem:s14+$0x18C90] =	vst v13;
	v13 =	vadd.f32 v14, v18;
	v14 =	vld [tilespmem:s14+$0x14CC0]  }
0x3cb: {  	v18 =	vld [tilespmem:s14+$0x16CC0]  }
0x3cc: {  	v23 =	vld [tilespmem:s14+$0x16CD0]  }
0x3cd: {  	v21 =	vld [tilespmem:s14+$0x10CD0];
	v16 =	vadd.f32 v16, v22;
	v15 =	vadd.f32 v17, v15;
	v13 =	vmul.f32 $2.500000000e-01, v13  }
0x3ce: {  	v22 =	vld [tilespmem:s14+$0x12CD0]  }
0x3cf: {  	[tilespmem:s14+$0x18CA0] =	vst v13;
	v13 =	vadd.f32 v15, v16;
	v16 =	vld [tilespmem:s14+$0x14CD0]  }
0x3d0: {  	v19 =	vadd.f32 v19, v20;
	v15 =	vld [tilespmem:s14+$0x12CE0];
	v14 =	vadd.f32 v18, v14  }
0x3d1: {  	s16 =	simm.s32 $0x100;
	s15 =	simm.s32 $0x80;
	v17 =	vmul.f32 $2.500000000e-01, v13;
	v13 =	vld [tilespmem:s14+$0x10CE0]  }
0x3d2: {  	s16 =	sand.u32 $0x1800, s16;
	s18 =	sand.u32 $0x380, s15;
	v18 =	vld [tilespmem:s14+$0x16CE0];
	v20 =	vadd.f32 v14, v19  }
0x3d3: {  	s17 =	sor.u32 s18, s16;
	[tilespmem:s14+$0x18CB0] =	vst v17;
	v17 =	vld [tilespmem:s14+$0x14CE0]  }
0x3d4: {  	v19 =	vadd.f32 v22, v21;
	v14 =	vld [tilespmem:s17+$0x10CF0];
	v20 =	vmul.f32 $2.500000000e-01, v20;
	v21 =	vadd.f32 v23, v16  }
0x3d5: {  	s16 =	simm.s32 $0x200;
	v16 =	vld [tilespmem:s17+$0x12CF0]  }
.LBB2_6:
0x3d6: {  	p0 =	sne.s32 s16, $0x1F00;
	v22 =	vld [tilespmem:s17+$0x14CF0];
	[tilespmem:s14+$0x18CC0] =	vst v20;
	v19 =	vadd.f32 v21, v19;
	v13 =	vadd.f32 v15, v13  }
0x3d7: {  	v15 =	vld [tilespmem:s17+$0x16CF0]  }
0x3d8: {  	v20 =	vld [tilespmem:s17+$0x10880];
	v19 =	vmul.f32 $2.500000000e-01, v19;
	v17 =	vadd.f32 v18, v17  }
0x3d9: {  	v18 =	vld [tilespmem:s17+$0x12880]  }
0x3da: {  	v21 =	vld [tilespmem:s17+$0x14880];
	[tilespmem:s14+$0x18CD0] =	vst v19;
	v13 =	vadd.f32 v17, v13  }
0x3db: {  	v17 =	vld [tilespmem:s17+$0x16880]  }
0x3dc: {  	v14 =	vadd.f32 v16, v14;
	v19 =	vld [tilespmem:s17+$0x10890];
	v15 =	vadd.f32 v15, v22;
	v13 =	vmul.f32 $2.500000000e-01, v13  }
0x3dd: {  	v16 =	vld [tilespmem:s17+$0x12890]  }
0x3de: {  	v18 =	vadd.f32 v18, v20;
	v20 =	vld [tilespmem:s17+$0x14890];
	v14 =	vadd.f32 v15, v14;
	[tilespmem:s14+$0x18CE0] =	vst v13;
	s14 =	smov.u32 s17  }
0x3df: {  	v13 =	vld [tilespmem:s14+$0x16890]  }
0x3e0: {  	v15 =	vadd.f32 v17, v21;
	v17 =	vld [tilespmem:s14+$0x108A0];
	v14 =	vmul.f32 $2.500000000e-01, v14  }
0x3e1: {  	v21 =	vld [tilespmem:s14+$0x128A0]  }
0x3e2: {  	v15 =	vadd.f32 v15, v18;
	v16 =	vadd.f32 v16, v19;
	v18 =	vld [tilespmem:s14+$0x148A0];
	[tilespmem:s14+$0x18CF0] =	vst v14  }
0x3e3: {  	v14 =	vld [tilespmem:s14+$0x168A0]  }
0x3e4: {  	v15 =	vmul.f32 $2.500000000e-01, v15;
	v13 =	vadd.f32 v13, v20;
	v19 =	vld [tilespmem:s14+$0x108B0]  }
0x3e5: {  	v20 =	vld [tilespmem:s14+$0x128B0]  }
0x3e6: {  	[tilespmem:s14+$0x18880] =	vst v15;
	v13 =	vadd.f32 v13, v16;
	v15 =	vadd.f32 v21, v17;
	v16 =	vld [tilespmem:s14+$0x148B0]  }
0x3e7: {  	v17 =	vld [tilespmem:s14+$0x168B0]  }
0x3e8: {  	v13 =	vmul.f32 $2.500000000e-01, v13;
	v14 =	vadd.f32 v14, v18;
	v18 =	vld [tilespmem:s14+$0x108C0]  }
0x3e9: {  	v21 =	vld [tilespmem:s14+$0x128C0]  }
0x3ea: {  	[tilespmem:s14+$0x18890] =	vst v13;
	v13 =	vadd.f32 v14, v15;
	v14 =	vadd.f32 v20, v19;
	v15 =	vld [tilespmem:s14+$0x148C0]  }
0x3eb: {  	v19 =	vld [tilespmem:s14+$0x168C0]  }
0x3ec: {  	v13 =	vmul.f32 $2.500000000e-01, v13;
	v16 =	vadd.f32 v17, v16;
	v17 =	vld [tilespmem:s14+$0x108D0]  }
0x3ed: {  	v20 =	vld [tilespmem:s14+$0x128D0]  }
0x3ee: {  	[tilespmem:s14+$0x188A0] =	vst v13;
	v13 =	vadd.f32 v16, v14;
	v14 =	vadd.f32 v21, v18;
	v16 =	vld [tilespmem:s14+$0x148D0]  }
0x3ef: {  	v18 =	vld [tilespmem:s14+$0x168D0]  }
0x3f0: {  	v13 =	vmul.f32 $2.500000000e-01, v13;
	v15 =	vadd.f32 v19, v15;
	v19 =	vld [tilespmem:s14+$0x108E0]  }
0x3f1: {  	v21 =	vld [tilespmem:s14+$0x128E0]  }
0x3f2: {  	[tilespmem:s14+$0x188B0] =	vst v13;
	v13 =	vadd.f32 v15, v14;
	v14 =	vadd.f32 v20, v17;
	v15 =	vld [tilespmem:s14+$0x148E0]  }
0x3f3: {  	v17 =	vld [tilespmem:s14+$0x168E0]  }
0x3f4: {  	v13 =	vmul.f32 $2.500000000e-01, v13;
	v16 =	vadd.f32 v18, v16;
	v18 =	vld [tilespmem:s14+$0x108F0]  }
0x3f5: {  	v20 =	vld [tilespmem:s14+$0x128F0]  }
0x3f6: {  	[tilespmem:s14+$0x188C0] =	vst v13;
	v13 =	vadd.f32 v16, v14;
	v14 =	vadd.f32 v21, v19;
	v16 =	vld [tilespmem:s14+$0x148F0]  }
0x3f7: {  	v19 =	vld [tilespmem:s14+$0x168F0]  }
0x3f8: {  	v13 =	vmul.f32 $2.500000000e-01, v13;
	v15 =	vadd.f32 v17, v15;
	v17 =	vld [tilespmem:s14+$0x10C80]  }
0x3f9: {  	v21 =	vld [tilespmem:s14+$0x12C80]  }
0x3fa: {  	[tilespmem:s14+$0x188D0] =	vst v13;
	v13 =	vadd.f32 v15, v14;
	v14 =	vadd.f32 v20, v18;
	v15 =	vld [tilespmem:s14+$0x14C80]  }
0x3fb: {  	v18 =	vld [tilespmem:s14+$0x16C80]  }
0x3fc: {  	v13 =	vmul.f32 $2.500000000e-01, v13;
	v16 =	vadd.f32 v19, v16;
	v19 =	vld [tilespmem:s14+$0x10C90]  }
0x3fd: {  	v20 =	vld [tilespmem:s14+$0x12C90]  }
0x3fe: {  	[tilespmem:s14+$0x188E0] =	vst v13;
	v13 =	vadd.f32 v16, v14;
	v14 =	vadd.f32 v21, v17;
	v16 =	vld [tilespmem:s14+$0x14C90]  }
0x3ff: {  	v17 =	vld [tilespmem:s14+$0x16C90]  }
0x400: {  	v13 =	vmul.f32 $2.500000000e-01, v13;
	v15 =	vadd.f32 v18, v15;
	v18 =	vld [tilespmem:s14+$0x10CA0]  }
0x401: {  	v21 =	vld [tilespmem:s14+$0x12CA0]  }
0x402: {  	[tilespmem:s14+$0x188F0] =	vst v13;
	v13 =	vadd.f32 v15, v14;
	v14 =	vadd.f32 v20, v19;
	v15 =	vld [tilespmem:s14+$0x14CA0]  }
0x403: {  	v19 =	vld [tilespmem:s14+$0x16CA0]  }
0x404: {  	v13 =	vmul.f32 $2.500000000e-01, v13;
	v16 =	vadd.f32 v17, v16;
	v17 =	vld [tilespmem:s14+$0x10CB0]  }
0x405: {  	v20 =	vld [tilespmem:s14+$0x12CB0]  }
0x406: {  	[tilespmem:s14+$0x18C80] =	vst v13;
	v13 =	vadd.f32 v16, v14;
	v14 =	vadd.f32 v21, v18;
	v16 =	vld [tilespmem:s14+$0x14CB0]  }
0x407: {  	v18 =	vld [tilespmem:s14+$0x16CB0]  }
0x408: {  	v13 =	vmul.f32 $2.500000000e-01, v13;
	v15 =	vadd.f32 v19, v15;
	v19 =	vld [tilespmem:s14+$0x10CC0]  }
0x409: {  	v21 =	vld [tilespmem:s14+$0x12CC0]  }
0x40a: {  	[tilespmem:s14+$0x18C90] =	vst v13;
	v13 =	vadd.f32 v15, v14;
	v14 =	vadd.f32 v20, v17;
	v15 =	vld [tilespmem:s14+$0x14CC0]  }
0x40b: {  	v17 =	vld [tilespmem:s14+$0x16CC0]  }
0x40c: {  	v13 =	vmul.f32 $2.500000000e-01, v13;
	v16 =	vadd.f32 v18, v16;
	v18 =	vld [tilespmem:s14+$0x10CD0]  }
0x40d: {  	v20 =	vld [tilespmem:s14+$0x12CD0]  }
0x40e: {  	[tilespmem:s14+$0x18CA0] =	vst v13;
	v13 =	vadd.f32 v16, v14;
	v14 =	vadd.f32 v21, v19;
	v16 =	vld [tilespmem:s14+$0x14CD0]  }
0x40f: {  	v21 =	vld [tilespmem:s14+$0x16CD0]  }
0x410: {  	v19 =	vmul.f32 $2.500000000e-01, v13;
	v17 =	vadd.f32 v17, v15;
	v13 =	vld [tilespmem:s14+$0x10CE0]  }
.Ltmp2:
0x411: {  	s15 =	sadd.s32 $0x80, s15;
	v15 =	vld [tilespmem:s14+$0x12CE0];
	(pc) =	sbr.rel @p0 .LBB2_6-.Ltmp2, $4  }
0x412: {  	s18 =	sand.u32 $0x380, s15;
	s17 =	sand.u32 $0x1800, s16;
	[tilespmem:s14+$0x18CB0] =	vst v19;
	v22 =	vadd.f32 v17, v14;
	v19 =	vadd.f32 v20, v18;
	v17 =	vld [tilespmem:s14+$0x14CE0]  }
0x413: {  	s17 =	sor.u32 s18, s17;
	v18 =	vld [tilespmem:s14+$0x16CE0]  }
0x414: {  	v14 =	vld [tilespmem:s17+$0x10CF0];
	v20 =	vmul.f32 $2.500000000e-01, v22;
	v21 =	vadd.f32 v21, v16  }
0x415: {  	s16 =	sadd.s32 $0x100, s16;
	v16 =	vld [tilespmem:s17+$0x12CF0]  }
0x416: {  	v22 =	vld [tilespmem:s17+$0x14CF0];
	[tilespmem:s14+$0x18CC0] =	vst v20;
	v19 =	vadd.f32 v21, v19  }
0x417: {  	v20 =	vld [tilespmem:s17+$0x16CF0]  }
0x418: {  	v13 =	vadd.f32 v15, v13;
	v21 =	vld [tilespmem:s17+$0x10880];
	v19 =	vmul.f32 $2.500000000e-01, v19;
	v15 =	vadd.f32 v18, v17  }
0x419: {  	v23 =	vld [tilespmem:s17+$0x12880]  }
0x41a: {  	v17 =	vld [tilespmem:s17+$0x14880];
	[tilespmem:s14+$0x18CD0] =	vst v19;
	v13 =	vadd.f32 v15, v13  }
0x41b: {  	v15 =	vld [tilespmem:s17+$0x16880]  }
0x41c: {  	v18 =	vld [tilespmem:s17+$0x10890];
	v13 =	vmul.f32 $2.500000000e-01, v13  }
0x41d: {  	v14 =	vadd.f32 v16, v14;
	v19 =	vld [tilespmem:s17+$0x12890];
	v16 =	vadd.f32 v20, v22  }
0x41e: {  	v20 =	vld [tilespmem:s17+$0x14890];
	[tilespmem:s14+$0x18CE0] =	vst v13  }
0x41f: {  	v13 =	vadd.f32 v16, v14;
	v14 =	vld [tilespmem:s17+$0x16890]  }
0x420: {  	v16 =	vld [tilespmem:s17+$0x108A0]  }
0x421: {  	v21 =	vadd.f32 v23, v21;
	v22 =	vld [tilespmem:s17+$0x148A0];
	v15 =	vadd.f32 v15, v17  }
0x422: {  	v23 =	vld [tilespmem:s17+$0x12CE0];
	v13 =	vmul.f32 $2.500000000e-01, v13  }
0x423: {  	v17 =	vld [tilespmem:s17+$0x128A0];
	v15 =	vadd.f32 v15, v21  }
0x424: {  	[tilespmem:s17+$0x18CF0] =	vst v13;
	v13 =	vld [tilespmem:s17+$0x168A0]  }
0x425: {  	v18 =	vadd.f32 v19, v18;
	v19 =	vld [tilespmem:s17+$0x128B0];
	v15 =	vmul.f32 $2.500000000e-01, v15  }
0x426: {  	v21 =	vld [tilespmem:s17+$0x108B0];
	v14 =	vadd.f32 v14, v20  }
0x427: {  	[tilespmem:s17+$0x18880] =	vst v15;
	v15 =	vld [tilespmem:s17+$0x148B0]  }
0x428: {  	v14 =	vadd.f32 v14, v18;
	v18 =	vld [tilespmem:s17+$0x168B0]  }
0x429: {  	v20 =	vld [tilespmem:s17+$0x108C0];
	v16 =	vadd.f32 v17, v16;
	v13 =	vadd.f32 v13, v22  }
0x42a: {  	v17 =	vld [tilespmem:s17+$0x128C0];
	v14 =	vmul.f32 $2.500000000e-01, v14  }
0x42b: {  	v13 =	vadd.f32 v13, v16;
	v16 =	vld [tilespmem:s17+$0x168C0]  }
0x42c: {  	[tilespmem:s17+$0x18890] =	vst v14;
	v14 =	vld [tilespmem:s17+$0x148C0]  }
0x42d: {  	v22 =	vld [tilespmem:s17+$0x108D0];
	v19 =	vadd.f32 v19, v21;
	v13 =	vmul.f32 $2.500000000e-01, v13;
	v15 =	vadd.f32 v18, v15  }
0x42e: {  	v18 =	vld [tilespmem:s17+$0x128D0]  }
0x42f: {  	[tilespmem:s17+$0x188A0] =	vst v13;
	v13 =	vadd.f32 v15, v19;
	v15 =	vld [tilespmem:s17+$0x148D0]  }
0x430: {  	v19 =	vld [tilespmem:s17+$0x168D0]  }
0x431: {  	v21 =	vld [tilespmem:s17+$0x108E0];
	v17 =	vadd.f32 v17, v20;
	v13 =	vmul.f32 $2.500000000e-01, v13;
	v14 =	vadd.f32 v16, v14  }
0x432: {  	v16 =	vld [tilespmem:s17+$0x128E0]  }
0x433: {  	[tilespmem:s17+$0x188B0] =	vst v13;
	v13 =	vadd.f32 v14, v17;
	v14 =	vld [tilespmem:s17+$0x148E0]  }
0x434: {  	v17 =	vld [tilespmem:s17+$0x168E0]  }
0x435: {  	v20 =	vld [tilespmem:s17+$0x108F0];
	v18 =	vadd.f32 v18, v22;
	v15 =	vadd.f32 v19, v15;
	v13 =	vmul.f32 $2.500000000e-01, v13  }
0x436: {  	v19 =	vld [tilespmem:s17+$0x128F0]  }
0x437: {  	[tilespmem:s17+$0x188C0] =	vst v13;
	v13 =	vadd.f32 v15, v18;
	v15 =	vld [tilespmem:s17+$0x148F0]  }
0x438: {  	v18 =	vld [tilespmem:s17+$0x168F0]  }
0x439: {  	v22 =	vld [tilespmem:s17+$0x10C80];
	v16 =	vadd.f32 v16, v21;
	v14 =	vadd.f32 v17, v14;
	v13 =	vmul.f32 $2.500000000e-01, v13  }
0x43a: {  	v17 =	vld [tilespmem:s17+$0x12C80]  }
0x43b: {  	[tilespmem:s17+$0x188D0] =	vst v13;
	v13 =	vadd.f32 v14, v16;
	v14 =	vld [tilespmem:s17+$0x14C80]  }
0x43c: {  	v16 =	vld [tilespmem:s17+$0x16C80]  }
0x43d: {  	v21 =	vld [tilespmem:s17+$0x10C90];
	v19 =	vadd.f32 v19, v20;
	v15 =	vadd.f32 v18, v15;
	v13 =	vmul.f32 $2.500000000e-01, v13  }
0x43e: {  	v18 =	vld [tilespmem:s17+$0x12C90]  }
0x43f: {  	[tilespmem:s17+$0x188E0] =	vst v13;
	v13 =	vadd.f32 v15, v19;
	v15 =	vld [tilespmem:s17+$0x14C90]  }
0x440: {  	v19 =	vld [tilespmem:s17+$0x16C90]  }
0x441: {  	v20 =	vld [tilespmem:s17+$0x10CA0];
	v17 =	vadd.f32 v17, v22;
	v14 =	vadd.f32 v16, v14;
	v13 =	vmul.f32 $2.500000000e-01, v13  }
0x442: {  	v16 =	vld [tilespmem:s17+$0x12CA0]  }
0x443: {  	[tilespmem:s17+$0x188F0] =	vst v13;
	v13 =	vadd.f32 v14, v17;
	v14 =	vld [tilespmem:s17+$0x14CA0]  }
0x444: {  	v17 =	vld [tilespmem:s17+$0x16CA0]  }
0x445: {  	v22 =	vld [tilespmem:s17+$0x10CB0];
	v18 =	vadd.f32 v18, v21;
	v15 =	vadd.f32 v19, v15;
	v13 =	vmul.f32 $2.500000000e-01, v13  }
0x446: {  	v19 =	vld [tilespmem:s17+$0x12CB0]  }
0x447: {  	[tilespmem:s17+$0x18C80] =	vst v13;
	v13 =	vadd.f32 v15, v18;
	v15 =	vld [tilespmem:s17+$0x14CB0]  }
0x448: {  	v18 =	vld [tilespmem:s17+$0x16CB0]  }
0x449: {  	v24 =	vld [tilespmem:s17+$0x16CE0];
	v16 =	vadd.f32 v16, v20;
	v14 =	vadd.f32 v17, v14;
	v13 =	vmul.f32 $2.500000000e-01, v13  }
0x44a: {  	v21 =	vld [tilespmem:s17+$0x10CC0]  }
0x44b: {  	v20 =	vld [tilespmem:s17+$0x10CD0];
	[tilespmem:s17+$0x18C90] =	vst v13;
	v13 =	vadd.f32 v14, v16  }
0x44c: {  	v17 =	vld [tilespmem:s17+$0x12CC0]  }
0x44d: {  	v19 =	vadd.f32 v19, v22;
	v22 =	vld [tilespmem:s17+$0x10CE0];
	v15 =	vadd.f32 v18, v15;
	v13 =	vmul.f32 $2.500000000e-01, v13  }
0x44e: {  	v14 =	vld [tilespmem:s17+$0x14CC0]  }
0x44f: {  	v16 =	vld [tilespmem:s17+$0x16CC0];
	[tilespmem:s17+$0x18CA0] =	vst v13;
	v13 =	vadd.f32 v15, v19  }
0x450: {  	v18 =	vld [tilespmem:s17+$0x12CD0]  }
0x451: {  	v15 =	vld [tilespmem:s17+$0x14CD0];
	v13 =	vmul.f32 $2.500000000e-01, v13  }
0x452: {  	v19 =	vld [tilespmem:s17+$0x16CD0]  }
0x453: {  	[tilespmem:s17+$0x18CB0] =	vst v13;
	v13 =	vld [tilespmem:s17+$0x14CE0];
	_ =	sdelay $0x1  }
0x454: {  	v17 =	vadd.f32 v17, v21;
	v14 =	vadd.f32 v16, v14  }
0x455: {  	v16 =	vadd.f32 v18, v20  }
0x456: {  	v14 =	vadd.f32 v14, v17;
	v15 =	vadd.f32 v19, v15  }
0x457: {  	v17 =	vadd.f32 v23, v22;
	v13 =	vadd.f32 v24, v13  }
0x458: {  	v15 =	vadd.f32 v15, v16  }
0x459: {  	v14 =	vmul.f32 $2.500000000e-01, v14;
	v13 =	vadd.f32 v13, v17  }
0x45a: {  	v15 =	vmul.f32 $2.500000000e-01, v15  }
0x45b: {  	[tilespmem:s17+$0x18CC0] =	vst v14;
	v13 =	vmul.f32 $2.500000000e-01, v13  }
0x45c: {  	[tilespmem:s17+$0x18CD0] =	vst v15  }
0x45d: {  	[tilespmem:s17+$0x18CE0] =	vst v13;
	s17 =	simm.s32 $0x0  }
0x45e: {  	[hbm4b:s8+s17] =	stream.linear.scatter [tilespmem:s31], [sflag:$0x4], $0x2000, $0x38;
	[tilespmem:$0x1C880] =	vst v63  }
0x45f: {  	_ =	swait.ge [sflag:s4], $0x2000  }
0x460: {  	[sflag:s4] =	ssyncset.done $0x0  }
0x461: {  	[sflag:s4] =	ssyncadd.s32 $0xFFFFE000  }
0x462: {  	_ =	swait.ge [sflag:s4], $0x2000  }
0x463: {  	[sflag:s4] =	ssyncset.done $0x0  }
0x464: {  	[sflag:s4] =	ssyncadd.s32 $0xFFFFE000  }
0x465: {  	_ =	swait.ge [sflag:s4], $0x2000  }
0x466: {  	[sflag:s4] =	ssyncset.done $0x0  }
0x467: {  	[sflag:s4] =	ssyncadd.s32 $0xFFFFE000  }
0x468: {  	_ =	swait.ge [sflag:s4], $0x2000  }
0x469: {  	[sflag:s4] =	ssyncset.done $0x0  }
0x46a: {  	[sflag:s4] =	ssyncadd.s32 $0xFFFFE000  }
0x46b: {  	_ =	swait.ge [sflag:s12], $0x2000  }
0x46c: {  	s15 =	sand.u32 $0x1800, s17;
	s14 =	sand.u32 $0x380, s17;
	[sflag:s12] =	ssyncset.done $0x0  }
0x46d: {  	s14 =	sor.u32 s14, s15;
	[sflag:s12] =	ssyncadd.s32 $0xFFFFE000  }
0x46e: {  	v13 =	vld [tilespmem:s14+$0xCF0]  }
0x46f: {  	v14 =	vld [tilespmem:s14+$0x2CF0]  }
0x470: {  	v15 =	vld [tilespmem:s14+$0x4CF0]  }
0x471: {  	v16 =	vld [tilespmem:s14+$0x6CF0]  }
0x472: {  	v17 =	vld [tilespmem:s14+$0x880]  }
0x473: {  	v18 =	vld [tilespmem:s14+$0x2880]  }
0x474: {  	v19 =	vld [tilespmem:s14+$0x4880]  }
0x475: {  	v20 =	vld [tilespmem:s14+$0x6880];
	_ =	sdelay $0x1  }
0x476: {  	v21 =	vld [tilespmem:s14+$0x890]  }
0x477: {  	v13 =	vadd.f32 v14, v13;
	v14 =	vadd.f32 v16, v15;
	v15 =	vld [tilespmem:s14+$0x2890]  }
0x478: {  	v16 =	vld [tilespmem:s14+$0x4890];
	v17 =	vadd.f32 v18, v17  }
0x479: {  	v18 =	vadd.f32 v20, v19;
	v13 =	vadd.f32 v14, v13;
	v14 =	vld [tilespmem:s14+$0x6890]  }
0x47a: {  	v22 =	vld [tilespmem:s14+$0x8A0]  }
0x47b: {  	v19 =	vld [tilespmem:s14+$0x28A0];
	v17 =	vadd.f32 v18, v17;
	v13 =	vmul.f32 $2.500000000e-01, v13  }
0x47c: {  	v20 =	vld [tilespmem:s14+$0x48A0]  }
0x47d: {  	v17 =	vmul.f32 $2.500000000e-01, v17;
	[tilespmem:s14+$0x1ACF0] =	vst v13;
	v13 =	vld [tilespmem:s14+$0x68A0]  }
0x47e: {  	v18 =	vld [tilespmem:s14+$0x8B0];
	v15 =	vadd.f32 v15, v21;
	v14 =	vadd.f32 v14, v16  }
0x47f: {  	[tilespmem:s14+$0x1A880] =	vst v17;
	v17 =	vld [tilespmem:s14+$0x68B0]  }
0x480: {  	v16 =	vld [tilespmem:s14+$0x28B0];
	v14 =	vadd.f32 v14, v15  }
0x481: {  	v15 =	vld [tilespmem:s14+$0x48B0]  }
0x482: {  	v21 =	vld [tilespmem:s14+$0x8C0];
	v19 =	vadd.f32 v19, v22;
	v14 =	vmul.f32 $2.500000000e-01, v14;
	v13 =	vadd.f32 v13, v20  }
0x483: {  	v20 =	vld [tilespmem:s14+$0x28C0]  }
0x484: {  	[tilespmem:s14+$0x1A890] =	vst v14;
	v13 =	vadd.f32 v13, v19;
	v14 =	vld [tilespmem:s14+$0x48C0]  }
0x485: {  	v19 =	vld [tilespmem:s14+$0x68C0]  }
0x486: {  	v22 =	vld [tilespmem:s14+$0x8D0];
	v16 =	vadd.f32 v16, v18;
	v15 =	vadd.f32 v17, v15;
	v13 =	vmul.f32 $2.500000000e-01, v13  }
0x487: {  	v17 =	vld [tilespmem:s14+$0x28D0]  }
0x488: {  	[tilespmem:s14+$0x1A8A0] =	vst v13;
	v13 =	vadd.f32 v15, v16;
	v15 =	vld [tilespmem:s14+$0x48D0]  }
0x489: {  	v16 =	vld [tilespmem:s14+$0x68D0]  }
0x48a: {  	v18 =	vld [tilespmem:s14+$0x8E0];
	v20 =	vadd.f32 v20, v21;
	v14 =	vadd.f32 v19, v14;
	v13 =	vmul.f32 $2.500000000e-01, v13  }
0x48b: {  	v19 =	vld [tilespmem:s14+$0x28E0]  }
0x48c: {  	[tilespmem:s14+$0x1A8B0] =	vst v13;
	v13 =	vadd.f32 v14, v20;
	v14 =	vld [tilespmem:s14+$0x48E0]  }
0x48d: {  	v20 =	vld [tilespmem:s14+$0x68E0]  }
0x48e: {  	v21 =	vld [tilespmem:s14+$0x8F0];
	v17 =	vadd.f32 v17, v22;
	v15 =	vadd.f32 v16, v15;
	v13 =	vmul.f32 $2.500000000e-01, v13  }
0x48f: {  	v16 =	vld [tilespmem:s14+$0x28F0]  }
0x490: {  	[tilespmem:s14+$0x1A8C0] =	vst v13;
	v13 =	vadd.f32 v15, v17;
	v15 =	vld [tilespmem:s14+$0x48F0]  }
0x491: {  	v17 =	vld [tilespmem:s14+$0x68F0]  }
0x492: {  	v22 =	vld [tilespmem:s14+$0xC80];
	v18 =	vadd.f32 v19, v18;
	v14 =	vadd.f32 v20, v14;
	v13 =	vmul.f32 $2.500000000e-01, v13  }
0x493: {  	v19 =	vld [tilespmem:s14+$0x2C80]  }
0x494: {  	[tilespmem:s14+$0x1A8D0] =	vst v13;
	v13 =	vadd.f32 v14, v18;
	v14 =	vld [tilespmem:s14+$0x4C80]  }
0x495: {  	v18 =	vld [tilespmem:s14+$0x6C80]  }
0x496: {  	v20 =	vld [tilespmem:s14+$0xC90];
	v16 =	vadd.f32 v16, v21;
	v15 =	vadd.f32 v17, v15;
	v13 =	vmul.f32 $2.500000000e-01, v13  }
0x497: {  	v17 =	vld [tilespmem:s14+$0x2C90]  }
0x498: {  	[tilespmem:s14+$0x1A8E0] =	vst v13;
	v13 =	vadd.f32 v15, v16;
	v15 =	vld [tilespmem:s14+$0x4C90]  }
0x499: {  	v16 =	vld [tilespmem:s14+$0x6C90]  }
0x49a: {  	v21 =	vld [tilespmem:s14+$0xCA0];
	v19 =	vadd.f32 v19, v22;
	v14 =	vadd.f32 v18, v14;
	v13 =	vmul.f32 $2.500000000e-01, v13  }
0x49b: {  	v18 =	vld [tilespmem:s14+$0x2CA0]  }
0x49c: {  	[tilespmem:s14+$0x1A8F0] =	vst v13;
	v13 =	vadd.f32 v14, v19;
	v14 =	vld [tilespmem:s14+$0x4CA0]  }
0x49d: {  	v19 =	vld [tilespmem:s14+$0x6CA0]  }
0x49e: {  	v22 =	vld [tilespmem:s14+$0xCB0];
	v17 =	vadd.f32 v17, v20;
	v15 =	vadd.f32 v16, v15;
	v13 =	vmul.f32 $2.500000000e-01, v13  }
0x49f: {  	v20 =	vld [tilespmem:s14+$0xCC0]  }
0x4a0: {  	v16 =	vld [tilespmem:s14+$0x2CB0];
	[tilespmem:s14+$0x1AC80] =	vst v13;
	v13 =	vadd.f32 v15, v17  }
0x4a1: {  	v15 =	vld [tilespmem:s14+$0x4CB0]  }
0x4a2: {  	v18 =	vadd.f32 v18, v21;
	v17 =	vld [tilespmem:s14+$0x6CB0];
	v14 =	vadd.f32 v19, v14;
	v13 =	vmul.f32 $2.500000000e-01, v13  }
0x4a3: {  	v19 =	vld [tilespmem:s14+$0x2CC0]  }
0x4a4: {  	[tilespmem:s14+$0x1AC90] =	vst v13;
	v13 =	vadd.f32 v14, v18;
	v14 =	vld [tilespmem:s14+$0x4CC0]  }
0x4a5: {  	v18 =	vld [tilespmem:s14+$0x6CC0]  }
0x4a6: {  	v23 =	vld [tilespmem:s14+$0x6CD0]  }
0x4a7: {  	v21 =	vld [tilespmem:s14+$0xCD0];
	v16 =	vadd.f32 v16, v22;
	v15 =	vadd.f32 v17, v15;
	v13 =	vmul.f32 $2.500000000e-01, v13  }
0x4a8: {  	v22 =	vld [tilespmem:s14+$0x2CD0]  }
0x4a9: {  	[tilespmem:s14+$0x1ACA0] =	vst v13;
	v13 =	vadd.f32 v15, v16;
	v16 =	vld [tilespmem:s14+$0x4CD0]  }
0x4aa: {  	v19 =	vadd.f32 v19, v20;
	v15 =	vld [tilespmem:s14+$0x2CE0];
	v14 =	vadd.f32 v18, v14  }
0x4ab: {  	s16 =	simm.s32 $0x100;
	s15 =	simm.s32 $0x80;
	v17 =	vmul.f32 $2.500000000e-01, v13;
	v13 =	vld [tilespmem:s14+$0xCE0]  }
0x4ac: {  	s16 =	sand.u32 $0x1800, s16;
	s18 =	sand.u32 $0x380, s15;
	v18 =	vld [tilespmem:s14+$0x6CE0];
	v20 =	vadd.f32 v14, v19  }
0x4ad: {  	s17 =	sor.u32 s18, s16;
	[tilespmem:s14+$0x1ACB0] =	vst v17;
	v17 =	vld [tilespmem:s14+$0x4CE0]  }
0x4ae: {  	v19 =	vadd.f32 v22, v21;
	v14 =	vld [tilespmem:s17+$0xCF0];
	v20 =	vmul.f32 $2.500000000e-01, v20;
	v21 =	vadd.f32 v23, v16  }
0x4af: {  	s16 =	simm.s32 $0x200;
	v16 =	vld [tilespmem:s17+$0x2CF0]  }
.LBB2_8:
0x4b0: {  	p0 =	sne.s32 s16, $0x1F00;
	v22 =	vld [tilespmem:s17+$0x4CF0];
	[tilespmem:s14+$0x1ACC0] =	vst v20;
	v19 =	vadd.f32 v21, v19;
	v13 =	vadd.f32 v15, v13  }
0x4b1: {  	v15 =	vld [tilespmem:s17+$0x6CF0]  }
0x4b2: {  	v20 =	vld [tilespmem:s17+$0x880];
	v19 =	vmul.f32 $2.500000000e-01, v19;
	v17 =	vadd.f32 v18, v17  }
0x4b3: {  	v18 =	vld [tilespmem:s17+$0x2880]  }
0x4b4: {  	v21 =	vld [tilespmem:s17+$0x4880];
	[tilespmem:s14+$0x1ACD0] =	vst v19;
	v13 =	vadd.f32 v17, v13  }
0x4b5: {  	v17 =	vld [tilespmem:s17+$0x6880]  }
0x4b6: {  	v14 =	vadd.f32 v16, v14;
	v19 =	vld [tilespmem:s17+$0x890];
	v15 =	vadd.f32 v15, v22;
	v13 =	vmul.f32 $2.500000000e-01, v13  }
0x4b7: {  	v16 =	vld [tilespmem:s17+$0x2890]  }
0x4b8: {  	v18 =	vadd.f32 v18, v20;
	v20 =	vld [tilespmem:s17+$0x4890];
	v14 =	vadd.f32 v15, v14;
	[tilespmem:s14+$0x1ACE0] =	vst v13;
	s14 =	smov.u32 s17  }
0x4b9: {  	v13 =	vld [tilespmem:s14+$0x6890]  }
0x4ba: {  	v15 =	vadd.f32 v17, v21;
	v17 =	vld [tilespmem:s14+$0x8A0];
	v14 =	vmul.f32 $2.500000000e-01, v14  }
0x4bb: {  	v21 =	vld [tilespmem:s14+$0x28A0]  }
0x4bc: {  	v15 =	vadd.f32 v15, v18;
	v16 =	vadd.f32 v16, v19;
	v18 =	vld [tilespmem:s14+$0x48A0];
	[tilespmem:s14+$0x1ACF0] =	vst v14  }
0x4bd: {  	v14 =	vld [tilespmem:s14+$0x68A0]  }
0x4be: {  	v15 =	vmul.f32 $2.500000000e-01, v15;
	v13 =	vadd.f32 v13, v20;
	v19 =	vld [tilespmem:s14+$0x8B0]  }
0x4bf: {  	v20 =	vld [tilespmem:s14+$0x28B0]  }
0x4c0: {  	[tilespmem:s14+$0x1A880] =	vst v15;
	v13 =	vadd.f32 v13, v16;
	v15 =	vadd.f32 v21, v17;
	v16 =	vld [tilespmem:s14+$0x48B0]  }
0x4c1: {  	v17 =	vld [tilespmem:s14+$0x68B0]  }
0x4c2: {  	v13 =	vmul.f32 $2.500000000e-01, v13;
	v14 =	vadd.f32 v14, v18;
	v18 =	vld [tilespmem:s14+$0x8C0]  }
0x4c3: {  	v21 =	vld [tilespmem:s14+$0x28C0]  }
0x4c4: {  	[tilespmem:s14+$0x1A890] =	vst v13;
	v13 =	vadd.f32 v14, v15;
	v14 =	vadd.f32 v20, v19;
	v15 =	vld [tilespmem:s14+$0x48C0]  }
0x4c5: {  	v19 =	vld [tilespmem:s14+$0x68C0]  }
0x4c6: {  	v13 =	vmul.f32 $2.500000000e-01, v13;
	v16 =	vadd.f32 v17, v16;
	v17 =	vld [tilespmem:s14+$0x8D0]  }
0x4c7: {  	v20 =	vld [tilespmem:s14+$0x28D0]  }
0x4c8: {  	[tilespmem:s14+$0x1A8A0] =	vst v13;
	v13 =	vadd.f32 v16, v14;
	v14 =	vadd.f32 v21, v18;
	v16 =	vld [tilespmem:s14+$0x48D0]  }
0x4c9: {  	v18 =	vld [tilespmem:s14+$0x68D0]  }
0x4ca: {  	v13 =	vmul.f32 $2.500000000e-01, v13;
	v15 =	vadd.f32 v19, v15;
	v19 =	vld [tilespmem:s14+$0x8E0]  }
0x4cb: {  	v21 =	vld [tilespmem:s14+$0x28E0]  }
0x4cc: {  	[tilespmem:s14+$0x1A8B0] =	vst v13;
	v13 =	vadd.f32 v15, v14;
	v14 =	vadd.f32 v20, v17;
	v15 =	vld [tilespmem:s14+$0x48E0]  }
0x4cd: {  	v17 =	vld [tilespmem:s14+$0x68E0]  }
0x4ce: {  	v13 =	vmul.f32 $2.500000000e-01, v13;
	v16 =	vadd.f32 v18, v16;
	v18 =	vld [tilespmem:s14+$0x8F0]  }
0x4cf: {  	v20 =	vld [tilespmem:s14+$0x28F0]  }
0x4d0: {  	[tilespmem:s14+$0x1A8C0] =	vst v13;
	v13 =	vadd.f32 v16, v14;
	v14 =	vadd.f32 v21, v19;
	v16 =	vld [tilespmem:s14+$0x48F0]  }
0x4d1: {  	v19 =	vld [tilespmem:s14+$0x68F0]  }
0x4d2: {  	v13 =	vmul.f32 $2.500000000e-01, v13;
	v15 =	vadd.f32 v17, v15;
	v17 =	vld [tilespmem:s14+$0xC80]  }
0x4d3: {  	v21 =	vld [tilespmem:s14+$0x2C80]  }
0x4d4: {  	[tilespmem:s14+$0x1A8D0] =	vst v13;
	v13 =	vadd.f32 v15, v14;
	v14 =	vadd.f32 v20, v18;
	v15 =	vld [tilespmem:s14+$0x4C80]  }
0x4d5: {  	v18 =	vld [tilespmem:s14+$0x6C80]  }
0x4d6: {  	v13 =	vmul.f32 $2.500000000e-01, v13;
	v16 =	vadd.f32 v19, v16;
	v19 =	vld [tilespmem:s14+$0xC90]  }
0x4d7: {  	v20 =	vld [tilespmem:s14+$0x2C90]  }
0x4d8: {  	[tilespmem:s14+$0x1A8E0] =	vst v13;
	v13 =	vadd.f32 v16, v14;
	v14 =	vadd.f32 v21, v17;
	v16 =	vld [tilespmem:s14+$0x4C90]  }
0x4d9: {  	v17 =	vld [tilespmem:s14+$0x6C90]  }
0x4da: {  	v13 =	vmul.f32 $2.500000000e-01, v13;
	v15 =	vadd.f32 v18, v15;
	v18 =	vld [tilespmem:s14+$0xCA0]  }
0x4db: {  	v21 =	vld [tilespmem:s14+$0x2CA0]  }
0x4dc: {  	[tilespmem:s14+$0x1A8F0] =	vst v13;
	v13 =	vadd.f32 v15, v14;
	v14 =	vadd.f32 v20, v19;
	v15 =	vld [tilespmem:s14+$0x4CA0]  }
0x4dd: {  	v19 =	vld [tilespmem:s14+$0x6CA0]  }
0x4de: {  	v13 =	vmul.f32 $2.500000000e-01, v13;
	v16 =	vadd.f32 v17, v16;
	v17 =	vld [tilespmem:s14+$0xCB0]  }
0x4df: {  	v20 =	vld [tilespmem:s14+$0x2CB0]  }
0x4e0: {  	[tilespmem:s14+$0x1AC80] =	vst v13;
	v13 =	vadd.f32 v16, v14;
	v14 =	vadd.f32 v21, v18;
	v16 =	vld [tilespmem:s14+$0x4CB0]  }
0x4e1: {  	v18 =	vld [tilespmem:s14+$0x6CB0]  }
0x4e2: {  	v13 =	vmul.f32 $2.500000000e-01, v13;
	v15 =	vadd.f32 v19, v15;
	v19 =	vld [tilespmem:s14+$0xCC0]  }
0x4e3: {  	v21 =	vld [tilespmem:s14+$0x2CC0]  }
0x4e4: {  	[tilespmem:s14+$0x1AC90] =	vst v13;
	v13 =	vadd.f32 v15, v14;
	v14 =	vadd.f32 v20, v17;
	v15 =	vld [tilespmem:s14+$0x4CC0]  }
0x4e5: {  	v17 =	vld [tilespmem:s14+$0x6CC0]  }
0x4e6: {  	v13 =	vmul.f32 $2.500000000e-01, v13;
	v16 =	vadd.f32 v18, v16;
	v18 =	vld [tilespmem:s14+$0xCD0]  }
0x4e7: {  	v20 =	vld [tilespmem:s14+$0x2CD0]  }
0x4e8: {  	[tilespmem:s14+$0x1ACA0] =	vst v13;
	v13 =	vadd.f32 v16, v14;
	v14 =	vadd.f32 v21, v19;
	v16 =	vld [tilespmem:s14+$0x4CD0]  }
0x4e9: {  	v21 =	vld [tilespmem:s14+$0x6CD0]  }
0x4ea: {  	v19 =	vmul.f32 $2.500000000e-01, v13;
	v17 =	vadd.f32 v17, v15;
	v13 =	vld [tilespmem:s14+$0xCE0]  }
.Ltmp3:
0x4eb: {  	s15 =	sadd.s32 $0x80, s15;
	v15 =	vld [tilespmem:s14+$0x2CE0];
	(pc) =	sbr.rel @p0 .LBB2_8-.Ltmp3, $4  }
0x4ec: {  	s18 =	sand.u32 $0x380, s15;
	s17 =	sand.u32 $0x1800, s16;
	[tilespmem:s14+$0x1ACB0] =	vst v19;
	v22 =	vadd.f32 v17, v14;
	v19 =	vadd.f32 v20, v18;
	v17 =	vld [tilespmem:s14+$0x4CE0]  }
0x4ed: {  	s17 =	sor.u32 s18, s17;
	v18 =	vld [tilespmem:s14+$0x6CE0]  }
0x4ee: {  	v14 =	vld [tilespmem:s17+$0xCF0];
	v20 =	vmul.f32 $2.500000000e-01, v22;
	v21 =	vadd.f32 v21, v16  }
0x4ef: {  	s16 =	sadd.s32 $0x100, s16;
	v16 =	vld [tilespmem:s17+$0x2CF0]  }
0x4f0: {  	v22 =	vld [tilespmem:s17+$0x4CF0];
	[tilespmem:s14+$0x1ACC0] =	vst v20;
	v19 =	vadd.f32 v21, v19  }
0x4f1: {  	v20 =	vld [tilespmem:s17+$0x6CF0]  }
0x4f2: {  	v13 =	vadd.f32 v15, v13;
	v59 =	vld [tilespmem:s17+$0x880];
	v19 =	vmul.f32 $2.500000000e-01, v19;
	v15 =	vadd.f32 v18, v17  }
0x4f3: {  	v23 =	vld [tilespmem:s17+$0x2880]  }
0x4f4: {  	v60 =	vld [tilespmem:s17+$0x4880];
	[tilespmem:s14+$0x1ACD0] =	vst v19;
	v13 =	vadd.f32 v15, v13  }
0x4f5: {  	v15 =	vld [tilespmem:s17+$0x6880]  }
0x4f6: {  	v61 =	vld [tilespmem:s17+$0x890];
	v13 =	vmul.f32 $2.500000000e-01, v13  }
0x4f7: {  	v14 =	vadd.f32 v16, v14;
	v19 =	vld [tilespmem:s17+$0x2890];
	v62 =	vadd.f32 v20, v22  }
0x4f8: {  	v63 =	vld [tilespmem:s17+$0x4890];
	[tilespmem:s14+$0x1ACE0] =	vst v13  }
0x4f9: {  	v13 =	vadd.f32 v62, v14;
	v14 =	vld [tilespmem:s17+$0x6890]  }
0x4fa: {  	v24 =	vld [tilespmem:s17+$0x8A0]  }
0x4fb: {  	v25 =	vld [tilespmem:s17+$0x28A0]  }
0x4fc: {  	v21 =	vadd.f32 v23, v59;
	v26 =	vld [tilespmem:s17+$0x48A0];
	v15 =	vadd.f32 v15, v60;
	v13 =	vmul.f32 $2.500000000e-01, v13  }
0x4fd: {  	v27 =	vld [tilespmem:s17+$0x8B0]  }
0x4fe: {  	v15 =	vadd.f32 v15, v21;
	[tilespmem:s17+$0x1ACF0] =	vst v13;
	v13 =	vld [tilespmem:s17+$0x68A0]  }
0x4ff: {  	v28 =	vld [tilespmem:s17+$0x28B0]  }
0x500: {  	v29 =	vld [tilespmem:s17+$0x68B0];
	v18 =	vadd.f32 v19, v61;
	v15 =	vmul.f32 $2.500000000e-01, v15;
	v14 =	vadd.f32 v14, v63  }
0x501: {  	v30 =	vld [tilespmem:s17+$0x8C0]  }
0x502: {  	[tilespmem:s17+$0x1A880] =	vst v15;
	v14 =	vadd.f32 v14, v18;
	v15 =	vld [tilespmem:s17+$0x48B0]  }
0x503: {  	v31 =	vld [tilespmem:s17+$0x28C0];
	v16 =	vadd.f32 v25, v24;
	v13 =	vadd.f32 v13, v26  }
0x504: {  	v32 =	vld [tilespmem:s17+$0x68C0];
	v14 =	vmul.f32 $2.500000000e-01, v14  }
0x505: {  	v33 =	vld [tilespmem:s17+$0x8D0];
	v13 =	vadd.f32 v13, v16  }
0x506: {  	[tilespmem:s17+$0x1A890] =	vst v14;
	v14 =	vld [tilespmem:s17+$0x48C0]  }
0x507: {  	v34 =	vld [tilespmem:s17+$0x28D0];
	v19 =	vadd.f32 v28, v27;
	v13 =	vmul.f32 $2.500000000e-01, v13;
	v15 =	vadd.f32 v29, v15  }
0x508: {  	v35 =	vld [tilespmem:s17+$0x68D0]  }
0x509: {  	v36 =	vld [tilespmem:s17+$0x8E0];
	[tilespmem:s17+$0x1A8A0] =	vst v13;
	v13 =	vadd.f32 v15, v19  }
0x50a: {  	v15 =	vld [tilespmem:s17+$0x48D0]  }
0x50b: {  	v37 =	vld [tilespmem:s17+$0x28E0];
	v17 =	vadd.f32 v31, v30;
	v13 =	vmul.f32 $2.500000000e-01, v13;
	v14 =	vadd.f32 v32, v14  }
0x50c: {  	v38 =	vld [tilespmem:s17+$0x68E0]  }
0x50d: {  	v39 =	vld [tilespmem:s17+$0x8F0];
	[tilespmem:s17+$0x1A8B0] =	vst v13;
	v13 =	vadd.f32 v14, v17  }
0x50e: {  	v14 =	vld [tilespmem:s17+$0x48E0]  }
0x50f: {  	v40 =	vld [tilespmem:s17+$0x28F0];
	v18 =	vadd.f32 v34, v33;
	v15 =	vadd.f32 v35, v15;
	v13 =	vmul.f32 $2.500000000e-01, v13  }
0x510: {  	v41 =	vld [tilespmem:s17+$0x68F0]  }
0x511: {  	v42 =	vld [tilespmem:s17+$0xC80];
	[tilespmem:s17+$0x1A8C0] =	vst v13;
	v13 =	vadd.f32 v15, v18  }
0x512: {  	v15 =	vld [tilespmem:s17+$0x48F0]  }
0x513: {  	v43 =	vld [tilespmem:s17+$0x2C80];
	v16 =	vadd.f32 v37, v36;
	v14 =	vadd.f32 v38, v14;
	v13 =	vmul.f32 $2.500000000e-01, v13  }
0x514: {  	v44 =	vld [tilespmem:s17+$0x6C80]  }
0x515: {  	v45 =	vld [tilespmem:s17+$0xC90];
	[tilespmem:s17+$0x1A8D0] =	vst v13;
	v13 =	vadd.f32 v14, v16  }
0x516: {  	v14 =	vld [tilespmem:s17+$0x4C80]  }
0x517: {  	v46 =	vld [tilespmem:s17+$0x2C90];
	v19 =	vadd.f32 v40, v39;
	v15 =	vadd.f32 v41, v15;
	v13 =	vmul.f32 $2.500000000e-01, v13  }
0x518: {  	v47 =	vld [tilespmem:s17+$0x6C90]  }
0x519: {  	v48 =	vld [tilespmem:s17+$0xCA0];
	[tilespmem:s17+$0x1A8E0] =	vst v13;
	v13 =	vadd.f32 v15, v19  }
0x51a: {  	v15 =	vld [tilespmem:s17+$0x4C90]  }
0x51b: {  	v49 =	vld [tilespmem:s17+$0x2CA0];
	v17 =	vadd.f32 v43, v42;
	v14 =	vadd.f32 v44, v14;
	v13 =	vmul.f32 $2.500000000e-01, v13  }
0x51c: {  	v50 =	vld [tilespmem:s17+$0x6CA0]  }
0x51d: {  	v51 =	vld [tilespmem:s17+$0xCB0];
	[tilespmem:s17+$0x1A8F0] =	vst v13;
	v13 =	vadd.f32 v14, v17  }
0x51e: {  	v14 =	vld [tilespmem:s17+$0x4CA0]  }
0x51f: {  	v52 =	vld [tilespmem:s17+$0x2CB0];
	v18 =	vadd.f32 v46, v45;
	v15 =	vadd.f32 v47, v15;
	v13 =	vmul.f32 $2.500000000e-01, v13  }
0x520: {  	v53 =	vld [tilespmem:s17+$0x6CB0]  }
0x521: {  	v54 =	vld [tilespmem:s17+$0xCC0];
	[tilespmem:s17+$0x1AC80] =	vst v13;
	v13 =	vadd.f32 v15, v18  }
0x522: {  	v15 =	vld [tilespmem:s17+$0x4CB0]  }
0x523: {  	v55 =	vld [tilespmem:s17+$0x2CC0];
	v16 =	vadd.f32 v49, v48;
	v14 =	vadd.f32 v50, v14;
	v13 =	vmul.f32 $2.500000000e-01, v13  }
0x524: {  	v56 =	vld [tilespmem:s17+$0x6CC0]  }
0x525: {  	v57 =	vld [tilespmem:s17+$0xCD0];
	[tilespmem:s17+$0x1AC90] =	vst v13;
	v13 =	vadd.f32 v14, v16  }
0x526: {  	v58 =	vld [tilespmem:s17+$0x2CD0]  }
0x527: {  	v59 =	vld [tilespmem:s17+$0x6CD0];
	v19 =	vadd.f32 v52, v51;
	v15 =	vadd.f32 v53, v15;
	v13 =	vmul.f32 $2.500000000e-01, v13  }
0x528: {  	v60 =	vld [tilespmem:s17+$0xCE0]  }
0x529: {  	v61 =	vld [tilespmem:s17+$0x2CE0];
	[tilespmem:s17+$0x1ACA0] =	vst v13;
	v13 =	vadd.f32 v15, v19  }
0x52a: {  	v24 =	vld [tilespmem:s17+$0x6CE0]  }
0x52b: {  	v14 =	vld [tilespmem:s17+$0x4CC0];
	v13 =	vmul.f32 $2.500000000e-01, v13  }
0x52c: {  	v15 =	vld [tilespmem:s17+$0x4CD0]  }
0x52d: {  	[tilespmem:s17+$0x1ACB0] =	vst v13;
	v13 =	vld [tilespmem:s17+$0x4CE0];
	_ =	sdelay $0x1  }
0x52e: {  	v62 =	vadd.f32 v58, v57  }
0x52f: {  	v17 =	vadd.f32 v55, v54;
	v14 =	vadd.f32 v56, v14  }
0x530: {  	v63 =	vadd.f32 v61, v60;
	v15 =	vadd.f32 v59, v15  }
0x531: {  	v14 =	vadd.f32 v14, v17;
	v13 =	vadd.f32 v24, v13  }
0x532: {  	v15 =	vadd.f32 v15, v62  }
0x533: {  	v14 =	vmul.f32 $2.500000000e-01, v14;
	v13 =	vadd.f32 v13, v63  }
0x534: {  	v15 =	vmul.f32 $2.500000000e-01, v15  }
0x535: {  	[tilespmem:s17+$0x1ACC0] =	vst v14;
	v13 =	vmul.f32 $2.500000000e-01, v13  }
0x536: {  	[tilespmem:s17+$0x1ACD0] =	vst v15  }
0x537: {  	s13 =	sadd.s32 $0x1, s13;
	[tilespmem:s17+$0x1ACE0] =	vst v13  }
0x538: {  	[hbm4b:s9+s3] =	stream.linear.scatter [tilespmem:s0], [sflag:$0x5], $0x2000, $0x38;
	[tilespmem:$0x1C880] =	vst v63  }
0x539: {  	p0 =	sne.s32 s13, s10;
	_ =	swait.ge [sflag:s30], $0x2000  }
.Ltmp4:
0x53a: {  	[sflag:s30] =	ssyncset.done $0x0;
	(pc) =	sbr.rel @p0 .LBB2_1-.Ltmp4, $4  }
0x53b: {  	[sflag:s30] =	ssyncadd.s32 $0xFFFFE000  }
0x53c: {  	_ =	swait.ge [sflag:s12], $0x2000  }
0x53d: {  	[sflag:s12] =	ssyncset.done $0x0  }
0x53e: {  	[sflag:s12] =	ssyncadd.s32 $0xFFFFE000  }
0x53f: {  	_ =	sfence.sel $0x180000  }
0x540: {  	[bflag:$0x0] =	sbarrier.arrive $0xFFFF  }
0x541: {  	_ =	strace $0x90000047  }
0x542: {  	s0 =	stileid.u32;
	[bflag:$0x2] =	sbarrier.arrive $0xFFFF  }
0x543: {  	p0 =	sne.s32 s0, $0x0;
	s0 =	rddreg [dreg:$0x3]  }
0x544: {  	s0 =	sadd.s32 @!p0 $0x100000, s0  }
0x545: {  	[sflag:s0] =	ssyncadd.tile.s32 @!p0 $0x1;
	_ =	shalt  }
.Lfunc_end2:
_tile_overlayer_lowered:
.L_overlay_start_2:
0x546: {  	(tag) =	ssettag $0x2  }
0x547: {  	s0 =	rddreg [dreg:$0x0];
	s2 =	stileid.u32  }
0x548: {  	s1 =	rddreg [dreg:$0x1];
	p0 =	sne.s32 s2, $0x0  }
0x549: {  	s3 =	rddreg [dreg:$0x2];
	[bflag:$0x3] =	sbarrier.arrive $0xFFFF;
	s2 =	simm.s32 @!p0 $0x1C06  }
0x54a: {  	[timem:s3], [sflag:s2] =	dma.local @!p0 [hbm:s0], s1  }
0x54b: {  	s0 =	simm.s32 @!p0 $0x6  }
0x54c: {  	_ =	swait.ge @!p0 [sflag:s0], s1  }
0x54d: {  	s1 =	ssub.s32 @!p0 $0x0, s1;
	[sflag:s0] =	ssyncset.done @!p0 $0x0  }
0x54e: {  	[sflag:s0] =	ssyncadd.s32 @!p0 s1  }
0x54f: {  	[bflag:$0x3] =	sbarrier.arrive $0xFFFF  }
0x550: {  	_ =	shalt  }

</sc_bundles>
